<compile_context>
chip_gen: v7x
topology: tpu7x:2x2x1
jax: 0.10.2.dev20260603
libtpu: 0.0.44.dev20260713+nightly
codegen_flags: <defaults>
</compile_context>

<pallas_src>
import functools

import jax
import jax.numpy as jnp
from jax.experimental import pallas as pl
from jax.experimental.pallas import tpu as pltpu
from jax.experimental.pallas import tpu_sc as plsc

_B = 4096
_NN = 16
_ET = 64
_HID = 128
_HEADS = 4
_NE = 3
_VOCAB = 1000
_FD = 32
_NF = 64
_NC = 16
_BB = 128


def _ln(x, g, b, eps=1e-5):
    d = x.shape[-1]
    ones_mat = jnp.full((d, d), 1.0 / d, jnp.float32)
    m = jnp.dot(x, ones_mat, preferred_element_type=jnp.float32)
    msq = jnp.dot(x * x, ones_mat, preferred_element_type=jnp.float32)
    v = msq - m * m
    return (x - m) * jax.lax.rsqrt(v + eps) * g + b


_G = 8

_SC_INNER = 3


def _sc_gather(tables_flat, idx_grid, nw):
    total = _NE * _B * _NN
    rpw = total // nw
    outer = rpw // (_SC_INNER * 128)
    info = plsc.get_sparse_core_info()
    nc = info.num_cores
    mesh = plsc.VectorSubcoreMesh(core_axis_name="c", subcore_axis_name="s")

    rows_per_batch = _SC_INNER * 128

    @functools.partial(
        pl.kernel, mesh=mesh,
        out_type=jax.ShapeDtypeStruct((total, 128), jnp.float32),
        scratch_types=[
            pltpu.VMEM((rpw // 128, 128), jnp.int32),
            pltpu.VMEM((rows_per_batch, 128), jnp.float32),
            pltpu.VMEM((rows_per_batch, 128), jnp.float32),
            pltpu.SemaphoreType.DMA,
            pltpu.SemaphoreType.DMA,
            pltpu.SemaphoreType.DMA,
            pltpu.SemaphoreType.DMA,
        ],
    )
    def k(idx_hbm, tab_hbm, out_hbm, idx_v, rows_a, rows_b,
          sga, sgb, swa, swb):
        wid = jax.lax.axis_index("s") * nc + jax.lax.axis_index("c")
        pltpu.sync_copy(idx_hbm.at[wid], idx_v)

        def fire(buf, sem, t):
            return [
                pltpu.async_copy(
                    tab_hbm.at[idx_v.at[t * _SC_INNER + jj]],
                    buf.at[pl.ds(jj * 128, 128)], sem)
                for jj in range(_SC_INNER)
            ]

        def wback(buf, sem, t):
            return pltpu.async_copy(
                buf, out_hbm.at[pl.ds(wid * rpw + t * rows_per_batch,
                                      rows_per_batch)], sem)

        def body(j, carry):
            ga = fire(rows_a, sga, 2 * j)
            for cp in ga:
                cp.wait()
            wa = wback(rows_a, swa, 2 * j)
            gb = fire(rows_b, sgb, 2 * j + 1)
            for cp in gb:
                cp.wait()
            wb = wback(rows_b, swb, 2 * j + 1)
            wa.wait()
            wb.wait()
            return carry

        jax.lax.fori_loop(0, outer // 2, body, 0)

    return k(idx_grid, tables_flat)


def _dense_gat(x, W, a_s, a_d, bias, heads, od, Crows_big, bb):
    n = bb * _NN
    ng = n // (_G * _NN)
    xp = jnp.dot(x, W, preferred_element_type=jnp.float32)
    ones_sum = jnp.ones((_G * _NN, _G * _NN), jnp.float32)
    tdims = (((1,), (1,)), ((), ()))

    head_outs = []
    for h in range(heads):
        xph = xp[:, h * od:(h + 1) * od]
        a_s_b = jnp.broadcast_to(a_s[h][None, :], (_G * _NN, od))
        a_d_b = jnp.broadcast_to(a_d[h][None, :], (_G * _NN, od))
        asn_big = jnp.concatenate([
            jax.lax.dot_general(a_s_b, xph[q * 128:(q + 1) * 128, :], tdims,
                                preferred_element_type=jnp.float32)
            for q in range(ng)], axis=0)
        adn_big = jax.lax.dot_general(xph, a_d_b, tdims,
                                      preferred_element_type=jnp.float32)
        L = asn_big + adn_big
        L = jnp.where(L > 0, L, 0.2 * L)
        E = Crows_big * jnp.exp(jnp.minimum(L, 60.0))
        z = jnp.dot(E, ones_sum,
                    preferred_element_type=jnp.float32)
        alpha = E * (1.0 / (z + 1e-16))
        gouts = [
            jnp.dot(alpha[q * 128:(q + 1) * 128, :],
                    xph[q * 128:(q + 1) * 128, :],
                    preferred_element_type=jnp.float32)
            for q in range(ng)
        ]
        head_outs.append(jnp.concatenate(gouts, axis=0) if ng > 1
                         else gouts[0])
    out = (head_outs[0] if heads == 1
           else jnp.concatenate(head_outs, axis=1))
    return out + bias[None]


def _body(emb_ref, et_ref, fs_ref, Wa_ref, ba_ref, lng_ref, lnb_ref,
          ml_ref, W1_ref, as1_ref, ad1_ref, b1_ref, W2_ref, as2_ref, ad2_ref,
          b2_ref, gng_ref, gnb_ref, fg_ref, flng_ref, flnb_ref, Wf1_ref,
          bf1_ref, Wf2_ref, bf2_ref, fog_ref, fob_ref, Wg1_ref, bg1_ref,
          Wg2_ref, bg2_ref, out_ref, *, bb):
    n = bb * _NN
    i0 = jax.lax.broadcasted_iota(jnp.int32, (n, _NN), 0)
    i1 = jax.lax.broadcasted_iota(jnp.int32, (n, _NN), 1)
    node_oh = ((i0 & (_NN - 1)) == i1).astype(jnp.float32)
    gi0 = jax.lax.broadcasted_iota(jnp.int32, (n, _G * _NN), 0)
    gi1 = jax.lax.broadcasted_iota(jnp.int32, (n, _G * _NN), 1)
    blk_mask = (((gi0 >> 4) & (_G - 1)) == (gi1 >> 4)).astype(jnp.float32)

    embs = []
    for e in range(_NE):
        al = jnp.dot(emb_ref[e], Wa_ref[e],
                     preferred_element_type=jnp.float32) + ba_ref[e][None]
        alx = _ln(al, lng_ref[e][None], lnb_ref[e][None])
        gate = jax.nn.sigmoid(ml_ref[e])
        gate_col = jnp.dot(node_oh, gate,
                           preferred_element_type=jnp.float32)
        x = alx * gate_col

        src = et_ref[e, 0:1, :]
        dst = et_ref[e, 1:2, :]
        nodes = jax.lax.broadcasted_iota(jnp.int32, (_NN, _ET), 0)
        srcohT = (src == nodes).astype(jnp.float32)
        dstohT = (dst == nodes).astype(jnp.float32)
        eye = (jax.lax.broadcasted_iota(jnp.int32, (_NN, _NN), 0) ==
               jax.lax.broadcasted_iota(jnp.int32, (_NN, _NN), 1)
               ).astype(jnp.float32)
        Ce = jax.lax.dot_general(dstohT, srcohT, (((1,), (1,)), ((), ())),
                                 preferred_element_type=jnp.float32) + eye
        Ce_big = jnp.concatenate([Ce] * _G, axis=1)
        Crows_big = jnp.dot(node_oh, Ce_big,
                            preferred_element_type=jnp.float32) * blk_mask

        x = _dense_gat(x, W1_ref[e], as1_ref[e], ad1_ref[e], b1_ref[e],
                       _HEADS, _HID, Crows_big, bb)
        x = jnp.where(x > 0, x, jnp.exp(jnp.minimum(x, 0.0)) - 1.0)
        x = _dense_gat(x, W2_ref[e], as2_ref[e], ad2_ref[e], b2_ref[e],
                       1, _HID, Crows_big, bb)
        pooled = x.reshape(bb, _NN, _HID).mean(axis=1)
        embs.append(pooled)

    g = _ln(jnp.concatenate(embs, axis=1), gng_ref[...], gnb_ref[...])
    fgate = jax.nn.sigmoid(fg_ref[...])
    h = _ln(fs_ref[...] * fgate, flng_ref[...], flnb_ref[...])
    h = jnp.dot(h, Wf1_ref[...],
                preferred_element_type=jnp.float32) + bf1_ref[...]
    h = jnp.where(h > 0, h, 0.01 * h)
    h = jnp.dot(h, Wf2_ref[...],
                preferred_element_type=jnp.float32) + bf2_ref[...]
    h = _ln(h, fog_ref[...], fob_ref[...])
    c = jnp.concatenate([g, h], axis=1)
    z = jnp.dot(c, Wg1_ref[...],
                preferred_element_type=jnp.float32) + bg1_ref[...]
    z = jnp.where(z > 0, z, 0.01 * z)
    out_ref[...] = jnp.dot(z, Wg2_ref[...],
                           preferred_element_type=jnp.float32) + bg2_ref[...]


def _full(shape):
    nd = len(shape)
    return pl.BlockSpec(shape, lambda i, _nd=nd: (0,) * _nd)


@jax.jit
def kernel(indices, edge_templates, flow_stats, tables, Wa, ba, lng, lnb,
           mask_logits, W1, as1, ad1, b1, W2, as2, ad2, b2, gng, gnb,
           flow_gate, flng, flnb, Wf1, bf1, Wf2, bf2, fog, fob,
           Wg1, bg1, Wg2, bg2):
    bb = _BB
    nblk = _B // bb
    nw = 32
    offs = (jnp.arange(_NE, dtype=jnp.int32) * _VOCAB)[:, None]
    idx_grid = (indices.reshape(_NE, _B * _NN) + offs).reshape(nw, -1, 128)
    tab_pad = jnp.concatenate(
        [tables.reshape(_NE * _VOCAB, _FD),
         jnp.zeros((_NE * _VOCAB, 128 - _FD), jnp.float32)], axis=1)
    emb_flat = _sc_gather(tab_pad, idx_grid, nw)
    emb = emb_flat.reshape(_NE, _B * _NN, 128)
    Wa_pad = jnp.concatenate(
        [Wa, jnp.zeros((_NE, 128 - _FD, _HID), jnp.float32)], axis=1)
    ml2 = mask_logits.reshape(_NE, _NN, 1)
    args = (emb, edge_templates, flow_stats, Wa_pad, ba, lng, lnb,
            ml2, W1, as1, ad1, b1, W2, as2, ad2, b2,
            gng.reshape(1, -1), gnb.reshape(1, -1), flow_gate.reshape(1, -1),
            flng.reshape(1, -1), flnb.reshape(1, -1), Wf1,
            bf1.reshape(1, -1), Wf2, bf2.reshape(1, -1),
            fog.reshape(1, -1), fob.reshape(1, -1), Wg1,
            bg1.reshape(1, -1), Wg2, bg2.reshape(1, -1))
    in_specs = [
        pl.BlockSpec((_NE, bb * _NN, 128), lambda i: (0, i, 0)),
        _full((_NE, 2, _ET)),
        pl.BlockSpec((bb, _NF), lambda i: (i, 0)),
    ] + [_full(a.shape) for a in args[3:]]
    return pl.pallas_call(
        functools.partial(_body, bb=bb),
        grid=(nblk,),
        in_specs=in_specs,
        out_specs=pl.BlockSpec((bb, _NC), lambda i: (i, 0)),
        out_shape=jax.ShapeDtypeStruct((_B, _NC), jnp.float32),
        compiler_params=pltpu.CompilerParams(
            dimension_semantics=("parallel",)),
    )(*args)

# --- scband reference (transcript-rebuilt; emitter-appended) ---
"""Pipeline reference for scband-hierarchical-mo-e-29523605192959 (READ-ONLY COPY).

The authoritative reference and input builder live on the scoring server;
editing this copy changes nothing except your own understanding.
"""

import jax, jax.numpy as jnp
import numpy as np

B = 4096; NN = 16; ET = 64; HID = 128; HEADS = 4; NE = 3; VOCAB = 1000; FD = 32; NF = 64; NC = 16

def _ln(x, g, b, eps=1e-5):
    m = x.mean(-1, keepdims=True)
    v = ((x - m) ** 2).mean(-1, keepdims=True)
    return (x - m) / jnp.sqrt(v + eps) * g + b

def _seg_softmax(s, seg, n):
    m = jax.ops.segment_max(s, seg, num_segments=n)
    m = jnp.where(jnp.isfinite(m), m, 0.0)
    e = jnp.exp(s - m[seg])
    z = jax.ops.segment_sum(e, seg, num_segments=n)
    return e / (z[seg] + 1e-16)

def _gat(x, src, dst, n, W, a_s, a_d, bias, heads, od, concat):
    xp = (x @ W).reshape(n, heads, od)
    asn = (xp * a_s[None]).sum(-1)
    adn = (xp * a_d[None]).sum(-1)
    loop = jnp.arange(n)
    s2 = jnp.concatenate([src, loop])
    d2 = jnp.concatenate([dst, loop])
    al = jax.nn.leaky_relu(asn[s2] + adn[d2], 0.2)
    al = _seg_softmax(al, d2, n)
    out = jax.ops.segment_sum(xp[s2] * al[:, :, None], d2, num_segments=n)
    out = out.reshape(n, heads * od) if concat else out.mean(1)
    return out + bias

def setup_inputs(seed: int = 0):
    key = jax.random.key(seed)
    ks = jax.random.split(key, 40)
    it = iter(range(40))
    def nrm(shape, s=0.05):
        return jax.random.normal(ks[next(it)], shape, dtype=jnp.float32) * s
    inp = {}
    inp['indices'] = jax.random.randint(ks[next(it)], (NE, B, NN), 0, VOCAB)
    inp['edge_templates'] = jax.random.randint(ks[next(it)], (NE, 2, ET), 0, NN)
    inp['flow_stats'] = jax.random.normal(ks[next(it)], (B, NF), dtype=jnp.float32)
    inp['tables'] = nrm((NE, VOCAB, FD), 0.02)
    inp['Wa'] = nrm((NE, FD, HID)); inp['ba'] = jnp.zeros((NE, HID))
    inp['lng'] = jnp.ones((NE, HID)); inp['lnb'] = jnp.zeros((NE, HID))
    inp['mask_logits'] = jnp.full((NE, NN), 2.2, dtype=jnp.float32)
    inp['W1'] = nrm((NE, HID, HEADS * HID)); inp['as1'] = nrm((NE, HEADS, HID)); inp['ad1'] = nrm((NE, HEADS, HID)); inp['b1'] = jnp.zeros((NE, HEADS * HID))
    inp['W2'] = nrm((NE, HEADS * HID, HID)); inp['as2'] = nrm((NE, 1, HID)); inp['ad2'] = nrm((NE, 1, HID)); inp['b2'] = jnp.zeros((NE, HID))
    inp['gng'] = jnp.ones((NE * HID,)); inp['gnb'] = jnp.zeros((NE * HID,))
    inp['flow_gate'] = jnp.full((NF,), 2.2, dtype=jnp.float32)
    inp['flng'] = jnp.ones((NF,)); inp['flnb'] = jnp.zeros((NF,))
    inp['Wf1'] = nrm((NF, 64)); inp['bf1'] = jnp.zeros((64,))
    inp['Wf2'] = nrm((64, HID // 2)); inp['bf2'] = jnp.zeros((HID // 2,))
    inp['fog'] = jnp.ones((HID // 2,)); inp['fob'] = jnp.zeros((HID // 2,))
    inp['Wg1'] = nrm((NE * HID + HID // 2, HID * 2)); inp['bg1'] = jnp.zeros((HID * 2,))
    inp['Wg2'] = nrm((HID * 2, NC)); inp['bg2'] = jnp.zeros((NC,))
    return inp

def _forward(p, indices, edge_templates):
    embs = []
    n = B * NN
    offs = jnp.arange(B) * NN
    batch_idx = jnp.repeat(jnp.arange(B), NN)
    for e in range(NE):
        emb = p['tables'][e][indices[e]]
        al = emb @ p['Wa'][e] + p['ba'][e]
        alx = _ln(al, p['lng'][e], p['lnb'][e])
        gate = jax.nn.sigmoid(p['mask_logits'][e])
        x = (alx * gate[None, :, None]).reshape(n, HID)
        src = (edge_templates[e, 0][None] + offs[:, None]).reshape(-1)
        dst = (edge_templates[e, 1][None] + offs[:, None]).reshape(-1)
        x = _gat(x, src, dst, n, p['W1'][e], p['as1'][e], p['ad1'][e], p['b1'][e], HEADS, HID, True)
        x = jax.nn.elu(x)
        x = _gat(x, src, dst, n, p['W2'][e], p['as2'][e], p['ad2'][e], p['b2'][e], 1, HID, False)
        embs.append(jax.ops.segment_sum(x, batch_idx, num_segments=B) / NN)
    g = _ln(jnp.concatenate(embs, axis=1), p['gng'], p['gnb'])
    fg = jax.nn.sigmoid(p['flow_gate'])[None]
    h = _ln(p['flow_stats'] * fg, p['flng'], p['flnb'])
    h = jax.nn.leaky_relu(h @ p['Wf1'] + p['bf1'], 0.01)
    h = h @ p['Wf2'] + p['bf2']
    h = _ln(h, p['fog'], p['fob'])
    c = jnp.concatenate([g, h], axis=1)
    z = jax.nn.leaky_relu(c @ p['Wg1'] + p['bg1'], 0.01)
    return z @ p['Wg2'] + p['bg2']

def reference(indices, edge_templates, flow_stats, tables, Wa, ba, lng, lnb,
              mask_logits, W1, as1, ad1, b1, W2, as2, ad2, b2, gng, gnb,
              flow_gate, flng, flnb, Wf1, bf1, Wf2, bf2, fog, fob,
              Wg1, bg1, Wg2, bg2):
    p = {
        'flow_stats': flow_stats, 'tables': tables, 'Wa': Wa, 'ba': ba,
        'lng': lng, 'lnb': lnb, 'mask_logits': mask_logits,
        'W1': W1, 'as1': as1, 'ad1': ad1, 'b1': b1,
        'W2': W2, 'as2': as2, 'ad2': ad2, 'b2': b2,
        'gng': gng, 'gnb': gnb, 'flow_gate': flow_gate,
        'flng': flng, 'flnb': flnb, 'Wf1': Wf1, 'bf1': bf1,
        'Wf2': Wf2, 'bf2': bf2, 'fog': fog, 'fob': fob,
        'Wg1': Wg1, 'bg1': bg1, 'Wg2': Wg2, 'bg2': bg2,
    }
    return _forward(p, indices, edge_templates)

if __name__ == "__main__":
    import jax
    _d = setup_inputs()
    print(jax.jit(kernel)(*tuple(_d.values())))

</pallas_src>

<mosaic_0001>
#map = affine_map<(d0, d1) -> (0, 0, 0)>
#map1 = affine_map<(d0, d1) -> (0, 0)>
module attributes {stable_mosaic.version = 14 : i64} {
  func.func @k(%arg0: i32, %arg1: i32, %arg2: memref<32x48x128xi32, #tpu.memory_space<hbm>>, %arg3: memref<3000x128xf32, #tpu.memory_space<hbm>>, %arg4: memref<196608x128xf32, #tpu.memory_space<hbm>>, %arg5: memref<48x128xi32, #tpu.memory_space<vmem>>, %arg6: memref<384x128xf32, #tpu.memory_space<vmem>>, %arg7: memref<384x128xf32, #tpu.memory_space<vmem>>, %arg8: memref<!tpu.dma_semaphore, #tpu.memory_space<semaphore_mem>>, %arg9: memref<!tpu.dma_semaphore, #tpu.memory_space<semaphore_mem>>, %arg10: memref<!tpu.dma_semaphore, #tpu.memory_space<semaphore_mem>>, %arg11: memref<!tpu.dma_semaphore, #tpu.memory_space<semaphore_mem>>) attributes {dimension_semantics = [#tpu.dimension_semantics<core_parallel>, #tpu.dimension_semantics<subcore_parallel>], iteration_bounds = array<i64: 2, 16>, scalar_prefetch = 0 : i64, scratch_operands = 7 : i64, tpu.core_type = #tpu.core_type<sc_vector_subcore>, window_params = [{transform_indices = #map}, {transform_indices = #map1}, {transform_indices = #map1}]} {
    %mul3A = arith.constant 2 : i32
    %mul3A_0 = arith.muli %arg1, %mul3A : i32
    %add3A = arith.addi %mul3A_0, %arg0 : i32
    "tpu.region"() ({
      %run_scoped3A = tpu.sem_alloc : memref<!tpu.dma_semaphore, #tpu.memory_space<semaphore_mem>>
      %dma_start3A = arith.constant 0 : i32
      %dma_start3A_6 = arith.constant 0 : i32
      %dma_start3A_7 = tpu.memref_slice %arg2[%add3A, %dma_start3A, %dma_start3A_6] : memref<32x48x128xi32, #tpu.memory_space<hbm>> -> memref<1x48x128xi32, #tpu.memory_space<hbm>>
      %dma_start3A_8 = tpu.memref_squeeze %dma_start3A_7 : memref<1x48x128xi32, #tpu.memory_space<hbm>> -> memref<48x128xi32, #tpu.memory_space<hbm>>
      %dma_start3A_9 = arith.constant 0 : i32
      %dma_start3A_10 = arith.constant 0 : i32
      %dma_start3A_11 = tpu.memref_slice %arg2[%add3A, %dma_start3A_9, %dma_start3A_10] : memref<32x48x128xi32, #tpu.memory_space<hbm>> -> memref<1x48x128xi32, #tpu.memory_space<hbm>>
      %dma_start3A_12 = tpu.memref_squeeze %dma_start3A_11 : memref<1x48x128xi32, #tpu.memory_space<hbm>> -> memref<48x128xi32, #tpu.memory_space<hbm>>
      tpu.enqueue_dma source(%dma_start3A_12 : memref<48x128xi32, #tpu.memory_space<hbm>>) target(%arg5 : memref<48x128xi32, #tpu.memory_space<vmem>>) target_semaphore(%run_scoped3A : memref<!tpu.dma_semaphore, #tpu.memory_space<semaphore_mem>>)
      %dma_wait3A = arith.constant 0 : i32
      %dma_wait3A_13 = arith.constant 0 : i32
      %dma_wait3A_14 = tpu.memref_slice %arg2[%add3A, %dma_wait3A, %dma_wait3A_13] : memref<32x48x128xi32, #tpu.memory_space<hbm>> -> memref<1x48x128xi32, #tpu.memory_space<hbm>>
      %dma_wait3A_15 = tpu.memref_squeeze %dma_wait3A_14 : memref<1x48x128xi32, #tpu.memory_space<hbm>> -> memref<48x128xi32, #tpu.memory_space<hbm>>
      %dma_wait3A_16 = arith.constant 0 : i32
      %dma_wait3A_17 = arith.constant 0 : i32
      %dma_wait3A_18 = tpu.memref_slice %arg2[%add3A, %dma_wait3A_16, %dma_wait3A_17] : memref<32x48x128xi32, #tpu.memory_space<hbm>> -> memref<1x48x128xi32, #tpu.memory_space<hbm>>
      %dma_wait3A_19 = tpu.memref_squeeze %dma_wait3A_18 : memref<1x48x128xi32, #tpu.memory_space<hbm>> -> memref<48x128xi32, #tpu.memory_space<hbm>>
      tpu.wait_dma2 semaphore(%run_scoped3A : memref<!tpu.dma_semaphore, #tpu.memory_space<semaphore_mem>>) src(%dma_wait3A_19 : memref<48x128xi32, #tpu.memory_space<hbm>>) dst(%arg5 : memref<48x128xi32, #tpu.memory_space<vmem>>)
      tpu.yield
    }) : () -> ()
    %scan3A = arith.constant 0 : i32
    %scan3A_1 = arith.constant 0 : i32
    %scan3A_2 = arith.constant 8 : i32
    %scan3A_3 = arith.addi %scan3A_1, %scan3A_2 : i32
    %scan3A_4 = arith.constant 1 : i32
    scf.for %scan3A_6 = %scan3A_1 to %scan3A_3 step %scan3A_4  : i32 {
      %mul3A_7 = arith.constant 2 : i32
      %mul3A_8 = arith.muli %mul3A_7, %scan3A_6 : i32
      %mul3A_9 = arith.constant 3 : i32
      %mul3A_10 = arith.muli %mul3A_8, %mul3A_9 : i32
      %add3A_11 = arith.constant 0 : i32
      %add3A_12 = arith.addi %mul3A_10, %add3A_11 : i32
      %dma_start3A = arith.constant 0 : i32
      %dma_start3A_13 = arith.constant 0 : i32
      %dma_start3A_14 = tpu.memref_slice %arg6[%dma_start3A, %dma_start3A_13] : memref<384x128xf32, #tpu.memory_space<vmem>> -> memref<128x128xf32, #tpu.memory_space<vmem>>
      %dma_start3A_15 = arith.constant 0 : i32
      %dma_start3A_16 = tpu.memref_slice %arg5[%add3A_12, %dma_start3A_15] : memref<48x128xi32, #tpu.memory_space<vmem>> -> memref<1x128xi32, #tpu.memory_space<vmem>>
      %dma_start3A_17 = tpu.memref_squeeze %dma_start3A_16 : memref<1x128xi32, #tpu.memory_space<vmem>> -> memref<128xi32, #tpu.memory_space<vmem>>
      %dma_start3A_18 = arith.constant 0 : i32
      %dma_start3A_19 = arith.constant 0 : i32
      %dma_start3A_20 = tpu.memref_slice %arg3[%dma_start3A_18, %dma_start3A_19] : memref<3000x128xf32, #tpu.memory_space<hbm>> -> memref<3000x128xf32, #tpu.memory_space<hbm>>
      tpu.enqueue_indirect_dma source(%dma_start3A_20 : memref<3000x128xf32, #tpu.memory_space<hbm>>) target(%dma_start3A_14 : memref<128x128xf32, #tpu.memory_space<vmem>>) offsets(%dma_start3A_17 : memref<128xi32, #tpu.memory_space<vmem>>) semaphore(%arg8 : memref<!tpu.dma_semaphore, #tpu.memory_space<semaphore_mem>>)
      %mul3A_21 = arith.constant 3 : i32
      %mul3A_22 = arith.muli %mul3A_8, %mul3A_21 : i32
      %add3A_23 = arith.constant 1 : i32
      %add3A_24 = arith.addi %mul3A_22, %add3A_23 : i32
      %dma_start3A_25 = arith.constant 128 : i32
      %dma_start3A_26 = arith.constant 0 : i32
      %dma_start3A_27 = tpu.memref_slice %arg6[%dma_start3A_25, %dma_start3A_26] : memref<384x128xf32, #tpu.memory_space<vmem>> -> memref<128x128xf32, #tpu.memory_space<vmem>>
      %dma_start3A_28 = arith.constant 0 : i32
      %dma_start3A_29 = tpu.memref_slice %arg5[%add3A_24, %dma_start3A_28] : memref<48x128xi32, #tpu.memory_space<vmem>> -> memref<1x128xi32, #tpu.memory_space<vmem>>
      %dma_start3A_30 = tpu.memref_squeeze %dma_start3A_29 : memref<1x128xi32, #tpu.memory_space<vmem>> -> memref<128xi32, #tpu.memory_space<vmem>>
      %dma_start3A_31 = arith.constant 0 : i32
      %dma_start3A_32 = arith.constant 0 : i32
      %dma_start3A_33 = tpu.memref_slice %arg3[%dma_start3A_31, %dma_start3A_32] : memref<3000x128xf32, #tpu.memory_space<hbm>> -> memref<3000x128xf32, #tpu.memory_space<hbm>>
      tpu.enqueue_indirect_dma source(%dma_start3A_33 : memref<3000x128xf32, #tpu.memory_space<hbm>>) target(%dma_start3A_27 : memref<128x128xf32, #tpu.memory_space<vmem>>) offsets(%dma_start3A_30 : memref<128xi32, #tpu.memory_space<vmem>>) semaphore(%arg8 : memref<!tpu.dma_semaphore, #tpu.memory_space<semaphore_mem>>)
      %mul3A_34 = arith.constant 3 : i32
      %mul3A_35 = arith.muli %mul3A_8, %mul3A_34 : i32
      %add3A_36 = arith.constant 2 : i32
      %add3A_37 = arith.addi %mul3A_35, %add3A_36 : i32
      %dma_start3A_38 = arith.constant 256 : i32
      %dma_start3A_39 = arith.constant 0 : i32
      %dma_start3A_40 = tpu.memref_slice %arg6[%dma_start3A_38, %dma_start3A_39] : memref<384x128xf32, #tpu.memory_space<vmem>> -> memref<128x128xf32, #tpu.memory_space<vmem>>
      %dma_start3A_41 = arith.constant 0 : i32
      %dma_start3A_42 = tpu.memref_slice %arg5[%add3A_37, %dma_start3A_41] : memref<48x128xi32, #tpu.memory_space<vmem>> -> memref<1x128xi32, #tpu.memory_space<vmem>>
      %dma_start3A_43 = tpu.memref_squeeze %dma_start3A_42 : memref<1x128xi32, #tpu.memory_space<vmem>> -> memref<128xi32, #tpu.memory_space<vmem>>
      %dma_start3A_44 = arith.constant 0 : i32
      %dma_start3A_45 = arith.constant 0 : i32
      %dma_start3A_46 = tpu.memref_slice %arg3[%dma_start3A_44, %dma_start3A_45] : memref<3000x128xf32, #tpu.memory_space<hbm>> -> memref<3000x128xf32, #tpu.memory_space<hbm>>
      tpu.enqueue_indirect_dma source(%dma_start3A_46 : memref<3000x128xf32, #tpu.memory_space<hbm>>) target(%dma_start3A_40 : memref<128x128xf32, #tpu.memory_space<vmem>>) offsets(%dma_start3A_43 : memref<128xi32, #tpu.memory_space<vmem>>) semaphore(%arg8 : memref<!tpu.dma_semaphore, #tpu.memory_space<semaphore_mem>>)
      %dma_wait3A = arith.constant 0 : i32
      %dma_wait3A_47 = arith.constant 0 : i32
      %dma_wait3A_48 = tpu.memref_slice %arg6[%dma_wait3A, %dma_wait3A_47] : memref<384x128xf32, #tpu.memory_space<vmem>> -> memref<128x128xf32, #tpu.memory_space<vmem>>
      %dma_wait3A_49 = arith.constant 0 : i32
      %dma_wait3A_50 = tpu.memref_slice %arg5[%add3A_12, %dma_wait3A_49] : memref<48x128xi32, #tpu.memory_space<vmem>> -> memref<1x128xi32, #tpu.memory_space<vmem>>
      %dma_wait3A_51 = tpu.memref_squeeze %dma_wait3A_50 : memref<1x128xi32, #tpu.memory_space<vmem>> -> memref<128xi32, #tpu.memory_space<vmem>>
      %dma_wait3A_52 = arith.constant 0 : i32
      %dma_wait3A_53 = arith.constant 0 : i32
      %dma_wait3A_54 = tpu.memref_slice %arg3[%dma_wait3A_52, %dma_wait3A_53] : memref<3000x128xf32, #tpu.memory_space<hbm>> -> memref<3000x128xf32, #tpu.memory_space<hbm>>
      tpu.wait_indirect_dma semaphore(%arg8 : memref<!tpu.dma_semaphore, #tpu.memory_space<semaphore_mem>>) src(%dma_wait3A_54 : memref<3000x128xf32, #tpu.memory_space<hbm>>) dst(%dma_wait3A_48 : memref<128x128xf32, #tpu.memory_space<vmem>>)
      %dma_wait3A_55 = arith.constant 128 : i32
      %dma_wait3A_56 = arith.constant 0 : i32
      %dma_wait3A_57 = tpu.memref_slice %arg6[%dma_wait3A_55, %dma_wait3A_56] : memref<384x128xf32, #tpu.memory_space<vmem>> -> memref<128x128xf32, #tpu.memory_space<vmem>>
      %dma_wait3A_58 = arith.constant 0 : i32
      %dma_wait3A_59 = tpu.memref_slice %arg5[%add3A_24, %dma_wait3A_58] : memref<48x128xi32, #tpu.memory_space<vmem>> -> memref<1x128xi32, #tpu.memory_space<vmem>>
      %dma_wait3A_60 = tpu.memref_squeeze %dma_wait3A_59 : memref<1x128xi32, #tpu.memory_space<vmem>> -> memref<128xi32, #tpu.memory_space<vmem>>
      %dma_wait3A_61 = arith.constant 0 : i32
      %dma_wait3A_62 = arith.constant 0 : i32
      %dma_wait3A_63 = tpu.memref_slice %arg3[%dma_wait3A_61, %dma_wait3A_62] : memref<3000x128xf32, #tpu.memory_space<hbm>> -> memref<3000x128xf32, #tpu.memory_space<hbm>>
      tpu.wait_indirect_dma semaphore(%arg8 : memref<!tpu.dma_semaphore, #tpu.memory_space<semaphore_mem>>) src(%dma_wait3A_63 : memref<3000x128xf32, #tpu.memory_space<hbm>>) dst(%dma_wait3A_57 : memref<128x128xf32, #tpu.memory_space<vmem>>)
      %dma_wait3A_64 = arith.constant 256 : i32
      %dma_wait3A_65 = arith.constant 0 : i32
      %dma_wait3A_66 = tpu.memref_slice %arg6[%dma_wait3A_64, %dma_wait3A_65] : memref<384x128xf32, #tpu.memory_space<vmem>> -> memref<128x128xf32, #tpu.memory_space<vmem>>
      %dma_wait3A_67 = arith.constant 0 : i32
      %dma_wait3A_68 = tpu.memref_slice %arg5[%add3A_37, %dma_wait3A_67] : memref<48x128xi32, #tpu.memory_space<vmem>> -> memref<1x128xi32, #tpu.memory_space<vmem>>
      %dma_wait3A_69 = tpu.memref_squeeze %dma_wait3A_68 : memref<1x128xi32, #tpu.memory_space<vmem>> -> memref<128xi32, #tpu.memory_space<vmem>>
      %dma_wait3A_70 = arith.constant 0 : i32
      %dma_wait3A_71 = arith.constant 0 : i32
      %dma_wait3A_72 = tpu.memref_slice %arg3[%dma_wait3A_70, %dma_wait3A_71] : memref<3000x128xf32, #tpu.memory_space<hbm>> -> memref<3000x128xf32, #tpu.memory_space<hbm>>
      tpu.wait_indirect_dma semaphore(%arg8 : memref<!tpu.dma_semaphore, #tpu.memory_space<semaphore_mem>>) src(%dma_wait3A_72 : memref<3000x128xf32, #tpu.memory_space<hbm>>) dst(%dma_wait3A_66 : memref<128x128xf32, #tpu.memory_space<vmem>>)
      %mul3A_73 = arith.constant 2 : i32
      %mul3A_74 = arith.muli %mul3A_73, %scan3A_6 : i32
      %mul3A_75 = arith.constant 6144 : i32
      %mul3A_76 = arith.muli %add3A, %mul3A_75 : i32
      %mul3A_77 = arith.constant 384 : i32
      %mul3A_78 = arith.muli %mul3A_74, %mul3A_77 : i32
      %add3A_79 = arith.addi %mul3A_76, %mul3A_78 : i32
      %dma_start3A_80 = arith.constant 0 : i32
      %dma_start3A_81 = tpu.memref_slice %arg4[%add3A_79, %dma_start3A_80] : memref<196608x128xf32, #tpu.memory_space<hbm>> -> memref<384x128xf32, #tpu.memory_space<hbm>>
      %dma_start3A_82 = arith.constant 0 : i32
      %dma_start3A_83 = tpu.memref_slice %arg4[%add3A_79, %dma_start3A_82] : memref<196608x128xf32, #tpu.memory_space<hbm>> -> memref<384x128xf32, #tpu.memory_space<hbm>>
      tpu.enqueue_dma source(%arg6 : memref<384x128xf32, #tpu.memory_space<vmem>>) target(%dma_start3A_83 : memref<384x128xf32, #tpu.memory_space<hbm>>) target_semaphore(%arg10 : memref<!tpu.dma_semaphore, #tpu.memory_space<semaphore_mem>>)
      %mul3A_84 = arith.constant 2 : i32
      %mul3A_85 = arith.muli %mul3A_84, %scan3A_6 : i32
      %add3A_86 = arith.constant 1 : i32
      %add3A_87 = arith.addi %mul3A_85, %add3A_86 : i32
      %mul3A_88 = arith.constant 3 : i32
      %mul3A_89 = arith.muli %add3A_87, %mul3A_88 : i32
      %add3A_90 = arith.constant 0 : i32
      %add3A_91 = arith.addi %mul3A_89, %add3A_90 : i32
      %dma_start3A_92 = arith.constant 0 : i32
      %dma_start3A_93 = arith.constant 0 : i32
      %dma_start3A_94 = tpu.memref_slice %arg7[%dma_start3A_92, %dma_start3A_93] : memref<384x128xf32, #tpu.memory_space<vmem>> -> memref<128x128xf32, #tpu.memory_space<vmem>>
      %dma_start3A_95 = arith.constant 0 : i32
      %dma_start3A_96 = tpu.memref_slice %arg5[%add3A_91, %dma_start3A_95] : memref<48x128xi32, #tpu.memory_space<vmem>> -> memref<1x128xi32, #tpu.memory_space<vmem>>
      %dma_start3A_97 = tpu.memref_squeeze %dma_start3A_96 : memref<1x128xi32, #tpu.memory_space<vmem>> -> memref<128xi32, #tpu.memory_space<vmem>>
      %dma_start3A_98 = arith.constant 0 : i32
      %dma_start3A_99 = arith.constant 0 : i32
      %dma_start3A_100 = tpu.memref_slice %arg3[%dma_start3A_98, %dma_start3A_99] : memref<3000x128xf32, #tpu.memory_space<hbm>> -> memref<3000x128xf32, #tpu.memory_space<hbm>>
      tpu.enqueue_indirect_dma source(%dma_start3A_100 : memref<3000x128xf32, #tpu.memory_space<hbm>>) target(%dma_start3A_94 : memref<128x128xf32, #tpu.memory_space<vmem>>) offsets(%dma_start3A_97 : memref<128xi32, #tpu.memory_space<vmem>>) semaphore(%arg9 : memref<!tpu.dma_semaphore, #tpu.memory_space<semaphore_mem>>)
      %mul3A_101 = arith.constant 3 : i32
      %mul3A_102 = arith.muli %add3A_87, %mul3A_101 : i32
      %add3A_103 = arith.constant 1 : i32
      %add3A_104 = arith.addi %mul3A_102, %add3A_103 : i32
      %dma_start3A_105 = arith.constant 128 : i32
      %dma_start3A_106 = arith.constant 0 : i32
      %dma_start3A_107 = tpu.memref_slice %arg7[%dma_start3A_105, %dma_start3A_106] : memref<384x128xf32, #tpu.memory_space<vmem>> -> memref<128x128xf32, #tpu.memory_space<vmem>>
      %dma_start3A_108 = arith.constant 0 : i32
      %dma_start3A_109 = tpu.memref_slice %arg5[%add3A_104, %dma_start3A_108] : memref<48x128xi32, #tpu.memory_space<vmem>> -> memref<1x128xi32, #tpu.memory_space<vmem>>
      %dma_start3A_110 = tpu.memref_squeeze %dma_start3A_109 : memref<1x128xi32, #tpu.memory_space<vmem>> -> memref<128xi32, #tpu.memory_space<vmem>>
      %dma_start3A_111 = arith.constant 0 : i32
      %dma_start3A_112 = arith.constant 0 : i32
      %dma_start3A_113 = tpu.memref_slice %arg3[%dma_start3A_111, %dma_start3A_112] : memref<3000x128xf32, #tpu.memory_space<hbm>> -> memref<3000x128xf32, #tpu.memory_space<hbm>>
      tpu.enqueue_indirect_dma source(%dma_start3A_113 : memref<3000x128xf32, #tpu.memory_space<hbm>>) target(%dma_start3A_107 : memref<128x128xf32, #tpu.memory_space<vmem>>) offsets(%dma_start3A_110 : memref<128xi32, #tpu.memory_space<vmem>>) semaphore(%arg9 : memref<!tpu.dma_semaphore, #tpu.memory_space<semaphore_mem>>)
      %mul3A_114 = arith.constant 3 : i32
      %mul3A_115 = arith.muli %add3A_87, %mul3A_114 : i32
      %add3A_116 = arith.constant 2 : i32
      %add3A_117 = arith.addi %mul3A_115, %add3A_116 : i32
      %dma_start3A_118 = arith.constant 256 : i32
      %dma_start3A_119 = arith.constant 0 : i32
      %dma_start3A_120 = tpu.memref_slice %arg7[%dma_start3A_118, %dma_start3A_119] : memref<384x128xf32, #tpu.memory_space<vmem>> -> memref<128x128xf32, #tpu.memory_space<vmem>>
      %dma_start3A_121 = arith.constant 0 : i32
      %dma_start3A_122 = tpu.memref_slice %arg5[%add3A_117, %dma_start3A_121] : memref<48x128xi32, #tpu.memory_space<vmem>> -> memref<1x128xi32, #tpu.memory_space<vmem>>
      %dma_start3A_123 = tpu.memref_squeeze %dma_start3A_122 : memref<1x128xi32, #tpu.memory_space<vmem>> -> memref<128xi32, #tpu.memory_space<vmem>>
      %dma_start3A_124 = arith.constant 0 : i32
      %dma_start3A_125 = arith.constant 0 : i32
      %dma_start3A_126 = tpu.memref_slice %arg3[%dma_start3A_124, %dma_start3A_125] : memref<3000x128xf32, #tpu.memory_space<hbm>> -> memref<3000x128xf32, #tpu.memory_space<hbm>>
      tpu.enqueue_indirect_dma source(%dma_start3A_126 : memref<3000x128xf32, #tpu.memory_space<hbm>>) target(%dma_start3A_120 : memref<128x128xf32, #tpu.memory_space<vmem>>) offsets(%dma_start3A_123 : memref<128xi32, #tpu.memory_space<vmem>>) semaphore(%arg9 : memref<!tpu.dma_semaphore, #tpu.memory_space<semaphore_mem>>)
      %dma_wait3A_127 = arith.constant 0 : i32
      %dma_wait3A_128 = arith.constant 0 : i32
      %dma_wait3A_129 = tpu.memref_slice %arg7[%dma_wait3A_127, %dma_wait3A_128] : memref<384x128xf32, #tpu.memory_space<vmem>> -> memref<128x128xf32, #tpu.memory_space<vmem>>
      %dma_wait3A_130 = arith.constant 0 : i32
      %dma_wait3A_131 = tpu.memref_slice %arg5[%add3A_91, %dma_wait3A_130] : memref<48x128xi32, #tpu.memory_space<vmem>> -> memref<1x128xi32, #tpu.memory_space<vmem>>
      %dma_wait3A_132 = tpu.memref_squeeze %dma_wait3A_131 : memref<1x128xi32, #tpu.memory_space<vmem>> -> memref<128xi32, #tpu.memory_space<vmem>>
      %dma_wait3A_133 = arith.constant 0 : i32
      %dma_wait3A_134 = arith.constant 0 : i32
      %dma_wait3A_135 = tpu.memref_slice %arg3[%dma_wait3A_133, %dma_wait3A_134] : memref<3000x128xf32, #tpu.memory_space<hbm>> -> memref<3000x128xf32, #tpu.memory_space<hbm>>
      tpu.wait_indirect_dma semaphore(%arg9 : memref<!tpu.dma_semaphore, #tpu.memory_space<semaphore_mem>>) src(%dma_wait3A_135 : memref<3000x128xf32, #tpu.memory_space<hbm>>) dst(%dma_wait3A_129 : memref<128x128xf32, #tpu.memory_space<vmem>>)
      %dma_wait3A_136 = arith.constant 128 : i32
      %dma_wait3A_137 = arith.constant 0 : i32
      %dma_wait3A_138 = tpu.memref_slice %arg7[%dma_wait3A_136, %dma_wait3A_137] : memref<384x128xf32, #tpu.memory_space<vmem>> -> memref<128x128xf32, #tpu.memory_space<vmem>>
      %dma_wait3A_139 = arith.constant 0 : i32
      %dma_wait3A_140 = tpu.memref_slice %arg5[%add3A_104, %dma_wait3A_139] : memref<48x128xi32, #tpu.memory_space<vmem>> -> memref<1x128xi32, #tpu.memory_space<vmem>>
      %dma_wait3A_141 = tpu.memref_squeeze %dma_wait3A_140 : memref<1x128xi32, #tpu.memory_space<vmem>> -> memref<128xi32, #tpu.memory_space<vmem>>
      %dma_wait3A_142 = arith.constant 0 : i32
      %dma_wait3A_143 = arith.constant 0 : i32
      %dma_wait3A_144 = tpu.memref_slice %arg3[%dma_wait3A_142, %dma_wait3A_143] : memref<3000x128xf32, #tpu.memory_space<hbm>> -> memref<3000x128xf32, #tpu.memory_space<hbm>>
      tpu.wait_indirect_dma semaphore(%arg9 : memref<!tpu.dma_semaphore, #tpu.memory_space<semaphore_mem>>) src(%dma_wait3A_144 : memref<3000x128xf32, #tpu.memory_space<hbm>>) dst(%dma_wait3A_138 : memref<128x128xf32, #tpu.memory_space<vmem>>)
      %dma_wait3A_145 = arith.constant 256 : i32
      %dma_wait3A_146 = arith.constant 0 : i32
      %dma_wait3A_147 = tpu.memref_slice %arg7[%dma_wait3A_145, %dma_wait3A_146] : memref<384x128xf32, #tpu.memory_space<vmem>> -> memref<128x128xf32, #tpu.memory_space<vmem>>
      %dma_wait3A_148 = arith.constant 0 : i32
      %dma_wait3A_149 = tpu.memref_slice %arg5[%add3A_117, %dma_wait3A_148] : memref<48x128xi32, #tpu.memory_space<vmem>> -> memref<1x128xi32, #tpu.memory_space<vmem>>
      %dma_wait3A_150 = tpu.memref_squeeze %dma_wait3A_149 : memref<1x128xi32, #tpu.memory_space<vmem>> -> memref<128xi32, #tpu.memory_space<vmem>>
      %dma_wait3A_151 = arith.constant 0 : i32
      %dma_wait3A_152 = arith.constant 0 : i32
      %dma_wait3A_153 = tpu.memref_slice %arg3[%dma_wait3A_151, %dma_wait3A_152] : memref<3000x128xf32, #tpu.memory_space<hbm>> -> memref<3000x128xf32, #tpu.memory_space<hbm>>
      tpu.wait_indirect_dma semaphore(%arg9 : memref<!tpu.dma_semaphore, #tpu.memory_space<semaphore_mem>>) src(%dma_wait3A_153 : memref<3000x128xf32, #tpu.memory_space<hbm>>) dst(%dma_wait3A_147 : memref<128x128xf32, #tpu.memory_space<vmem>>)
      %mul3A_154 = arith.constant 2 : i32
      %mul3A_155 = arith.muli %mul3A_154, %scan3A_6 : i32
      %add3A_156 = arith.constant 1 : i32
      %add3A_157 = arith.addi %mul3A_155, %add3A_156 : i32
      %mul3A_158 = arith.constant 6144 : i32
      %mul3A_159 = arith.muli %add3A, %mul3A_158 : i32
      %mul3A_160 = arith.constant 384 : i32
      %mul3A_161 = arith.muli %add3A_157, %mul3A_160 : i32
      %add3A_162 = arith.addi %mul3A_159, %mul3A_161 : i32
      %dma_start3A_163 = arith.constant 0 : i32
      %dma_start3A_164 = tpu.memref_slice %arg4[%add3A_162, %dma_start3A_163] : memref<196608x128xf32, #tpu.memory_space<hbm>> -> memref<384x128xf32, #tpu.memory_space<hbm>>
      %dma_start3A_165 = arith.constant 0 : i32
      %dma_start3A_166 = tpu.memref_slice %arg4[%add3A_162, %dma_start3A_165] : memref<196608x128xf32, #tpu.memory_space<hbm>> -> memref<384x128xf32, #tpu.memory_space<hbm>>
      tpu.enqueue_dma source(%arg7 : memref<384x128xf32, #tpu.memory_space<vmem>>) target(%dma_start3A_166 : memref<384x128xf32, #tpu.memory_space<hbm>>) target_semaphore(%arg11 : memref<!tpu.dma_semaphore, #tpu.memory_space<semaphore_mem>>)
      %dma_wait3A_167 = arith.constant 0 : i32
      %dma_wait3A_168 = tpu.memref_slice %arg4[%add3A_79, %dma_wait3A_167] : memref<196608x128xf32, #tpu.memory_space<hbm>> -> memref<384x128xf32, #tpu.memory_space<hbm>>
      %dma_wait3A_169 = arith.constant 0 : i32
      %dma_wait3A_170 = tpu.memref_slice %arg4[%add3A_79, %dma_wait3A_169] : memref<196608x128xf32, #tpu.memory_space<hbm>> -> memref<384x128xf32, #tpu.memory_space<hbm>>
      tpu.wait_dma2 semaphore(%arg10 : memref<!tpu.dma_semaphore, #tpu.memory_space<semaphore_mem>>) src(%arg6 : memref<384x128xf32, #tpu.memory_space<vmem>>) dst(%dma_wait3A_170 : memref<384x128xf32, #tpu.memory_space<hbm>>)
      %dma_wait3A_171 = arith.constant 0 : i32
      %dma_wait3A_172 = tpu.memref_slice %arg4[%add3A_162, %dma_wait3A_171] : memref<196608x128xf32, #tpu.memory_space<hbm>> -> memref<384x128xf32, #tpu.memory_space<hbm>>
      %dma_wait3A_173 = arith.constant 0 : i32
      %dma_wait3A_174 = tpu.memref_slice %arg4[%add3A_162, %dma_wait3A_173] : memref<196608x128xf32, #tpu.memory_space<hbm>> -> memref<384x128xf32, #tpu.memory_space<hbm>>
      tpu.wait_dma2 semaphore(%arg11 : memref<!tpu.dma_semaphore, #tpu.memory_space<semaphore_mem>>) src(%arg7 : memref<384x128xf32, #tpu.memory_space<vmem>>) dst(%dma_wait3A_174 : memref<384x128xf32, #tpu.memory_space<hbm>>)
    }
    %scan3A_5 = arith.constant 8 : i32
    return
  }
}

module attributes {stable_mosaic.version = 14 : i64} {
  func.func @_body(%arg0: i32, %arg1: memref<3x2048x128xf32, #tpu.memory_space<vmem>>, %arg2: memref<3x2x64xi32, #tpu.memory_space<vmem>>, %arg3: memref<128x64xf32, #tpu.memory_space<vmem>>, %arg4: memref<3x128x128xf32, #tpu.memory_space<vmem>>, %arg5: memref<3x128xf32, #tpu.memory_space<vmem>>, %arg6: memref<3x128xf32, #tpu.memory_space<vmem>>, %arg7: memref<3x128xf32, #tpu.memory_space<vmem>>, %arg8: memref<3x16x1xf32, #tpu.memory_space<vmem>>, %arg9: memref<3x128x512xf32, #tpu.memory_space<vmem>>, %arg10: memref<3x4x128xf32, #tpu.memory_space<vmem>>, %arg11: memref<3x4x128xf32, #tpu.memory_space<vmem>>, %arg12: memref<3x512xf32, #tpu.memory_space<vmem>>, %arg13: memref<3x512x128xf32, #tpu.memory_space<vmem>>, %arg14: memref<3x1x128xf32, #tpu.memory_space<vmem>>, %arg15: memref<3x1x128xf32, #tpu.memory_space<vmem>>, %arg16: memref<3x128xf32, #tpu.memory_space<vmem>>, %arg17: memref<1x384xf32, #tpu.memory_space<vmem>>, %arg18: memref<1x384xf32, #tpu.memory_space<vmem>>, %arg19: memref<1x64xf32, #tpu.memory_space<vmem>>, %arg20: memref<1x64xf32, #tpu.memory_space<vmem>>, %arg21: memref<1x64xf32, #tpu.memory_space<vmem>>, %arg22: memref<64x64xf32, #tpu.memory_space<vmem>>, %arg23: memref<1x64xf32, #tpu.memory_space<vmem>>, %arg24: memref<64x64xf32, #tpu.memory_space<vmem>>, %arg25: memref<1x64xf32, #tpu.memory_space<vmem>>, %arg26: memref<1x64xf32, #tpu.memory_space<vmem>>, %arg27: memref<1x64xf32, #tpu.memory_space<vmem>>, %arg28: memref<448x256xf32, #tpu.memory_space<vmem>>, %arg29: memref<1x256xf32, #tpu.memory_space<vmem>>, %arg30: memref<256x16xf32, #tpu.memory_space<vmem>>, %arg31: memref<1x16xf32, #tpu.memory_space<vmem>>, %arg32: memref<128x16xf32, #tpu.memory_space<vmem>>) attributes {dimension_semantics = [#tpu.dimension_semantics<parallel>], iteration_bounds = array<i64: 32>, scalar_prefetch = 0 : i64, scratch_operands = 0 : i64, tpu.core_type = #tpu.core_type<tc>, window_params = [{transform_indices = @transform_0, window_bounds = array<i64: 3, 2048, 128>}, {pipeline_mode = #tpu.pipeline_mode<synchronous>, transform_indices = @transform_1, window_bounds = array<i64: 3, 2, 64>}, {transform_indices = @transform_2, window_bounds = array<i64: 128, 64>}, {pipeline_mode = #tpu.pipeline_mode<synchronous>, transform_indices = @transform_3, window_bounds = array<i64: 3, 128, 128>}, {pipeline_mode = #tpu.pipeline_mode<synchronous>, transform_indices = @transform_4, window_bounds = array<i64: 3, 128>}, {pipeline_mode = #tpu.pipeline_mode<synchronous>, transform_indices = @transform_5, window_bounds = array<i64: 3, 128>}, {pipeline_mode = #tpu.pipeline_mode<synchronous>, transform_indices = @transform_6, window_bounds = array<i64: 3, 128>}, {pipeline_mode = #tpu.pipeline_mode<synchronous>, transform_indices = @transform_7, window_bounds = array<i64: 3, 16, 1>}, {pipeline_mode = #tpu.pipeline_mode<synchronous>, transform_indices = @transform_8, window_bounds = array<i64: 3, 128, 512>}, {pipeline_mode = #tpu.pipeline_mode<synchronous>, transform_indices = @transform_9, window_bounds = array<i64: 3, 4, 128>}, {pipeline_mode = #tpu.pipeline_mode<synchronous>, transform_indices = @transform_10, window_bounds = array<i64: 3, 4, 128>}, {pipeline_mode = #tpu.pipeline_mode<synchronous>, transform_indices = @transform_11, window_bounds = array<i64: 3, 512>}, {pipeline_mode = #tpu.pipeline_mode<synchronous>, transform_indices = @transform_12, window_bounds = array<i64: 3, 512, 128>}, {pipeline_mode = #tpu.pipeline_mode<synchronous>, transform_indices = @transform_13, window_bounds = array<i64: 3, 1, 128>}, {pipeline_mode = #tpu.pipeline_mode<synchronous>, transform_indices = @transform_14, window_bounds = array<i64: 3, 1, 128>}, {pipeline_mode = #tpu.pipeline_mode<synchronous>, transform_indices = @transform_15, window_bounds = array<i64: 3, 128>}, {pipeline_mode = #tpu.pipeline_mode<synchronous>, transform_indices = @transform_16, window_bounds = array<i64: 1, 384>}, {pipeline_mode = #tpu.pipeline_mode<synchronous>, transform_indices = @transform_17, window_bounds = array<i64: 1, 384>}, {pipeline_mode = #tpu.pipeline_mode<synchronous>, transform_indices = @transform_18, window_bounds = array<i64: 1, 64>}, {pipeline_mode = #tpu.pipeline_mode<synchronous>, transform_indices = @transform_19, window_bounds = array<i64: 1, 64>}, {pipeline_mode = #tpu.pipeline_mode<synchronous>, transform_indices = @transform_20, window_bounds = array<i64: 1, 64>}, {pipeline_mode = #tpu.pipeline_mode<synchronous>, transform_indices = @transform_21, window_bounds = array<i64: 64, 64>}, {pipeline_mode = #tpu.pipeline_mode<synchronous>, transform_indices = @transform_22, window_bounds = array<i64: 1, 64>}, {pipeline_mode = #tpu.pipeline_mode<synchronous>, transform_indices = @transform_23, window_bounds = array<i64: 64, 64>}, {pipeline_mode = #tpu.pipeline_mode<synchronous>, transform_indices = @transform_24, window_bounds = array<i64: 1, 64>}, {pipeline_mode = #tpu.pipeline_mode<synchronous>, transform_indices = @transform_25, window_bounds = array<i64: 1, 64>}, {pipeline_mode = #tpu.pipeline_mode<synchronous>, transform_indices = @transform_26, window_bounds = array<i64: 1, 64>}, {pipeline_mode = #tpu.pipeline_mode<synchronous>, transform_indices = @transform_27, window_bounds = array<i64: 448, 256>}, {pipeline_mode = #tpu.pipeline_mode<synchronous>, transform_indices = @transform_28, window_bounds = array<i64: 1, 256>}, {pipeline_mode = #tpu.pipeline_mode<synchronous>, transform_indices = @transform_29, window_bounds = array<i64: 256, 16>}, {pipeline_mode = #tpu.pipeline_mode<synchronous>, transform_indices = @transform_30, window_bounds = array<i64: 1, 16>}, {transform_indices = @transform_31, window_bounds = array<i64: 128, 16>}]} {
    %iota3A = tpu.iota {dimensions = array<i32: 0>} : vector<2048x16xi32>
    %iota3A_0 = tpu.iota {dimensions = array<i32: 1>} : vector<2048x16xi32>
    %and3A = arith.constant 15 : i32
    %and3A_1 = vector.broadcast %and3A : i32 to vector<2048x16xi32>
    %and3A_2 = arith.andi %iota3A, %and3A_1 : vector<2048x16xi32>
    %eq3A = arith.cmpi eq, %and3A_2, %iota3A_0 : vector<2048x16xi32>
    %convert_element_type3A = arith.extui %eq3A : vector<2048x16xi1> to vector<2048x16xi32>
    %convert_element_type3A_3 = arith.sitofp %convert_element_type3A : vector<2048x16xi32> to vector<2048x16xf32>
    %iota3A_4 = tpu.iota {dimensions = array<i32: 0>} : vector<2048x128xi32>
    %iota3A_5 = tpu.iota {dimensions = array<i32: 1>} : vector<2048x128xi32>
    %shift_right_arithmetic3A = arith.constant 4 : i32
    %shift_right_arithmetic3A_6 = vector.broadcast %shift_right_arithmetic3A : i32 to vector<2048x128xi32>
    %shift_right_arithmetic3A_7 = arith.shrsi %iota3A_4, %shift_right_arithmetic3A_6 : vector<2048x128xi32>
    %and3A_8 = arith.constant 7 : i32
    %and3A_9 = vector.broadcast %and3A_8 : i32 to vector<2048x128xi32>
    %and3A_10 = arith.andi %shift_right_arithmetic3A_7, %and3A_9 : vector<2048x128xi32>
    %shift_right_arithmetic3A_11 = arith.constant 4 : i32
    %shift_right_arithmetic3A_12 = vector.broadcast %shift_right_arithmetic3A_11 : i32 to vector<2048x128xi32>
    %shift_right_arithmetic3A_13 = arith.shrsi %iota3A_5, %shift_right_arithmetic3A_12 : vector<2048x128xi32>
    %eq3A_14 = arith.cmpi eq, %and3A_10, %shift_right_arithmetic3A_13 : vector<2048x128xi32>
    %convert_element_type3A_15 = arith.extui %eq3A_14 : vector<2048x128xi1> to vector<2048x128xi32>
    %convert_element_type3A_16 = arith.sitofp %convert_element_type3A_15 : vector<2048x128xi32> to vector<2048x128xf32>
    %get3A = arith.constant 0 : index
    %get3A_17 = arith.constant 0 : index
    %get3A_18 = arith.constant 0 : index
    %get3A_19 = vector.load %arg1[%get3A, %get3A_17, %get3A_18] : memref<3x2048x128xf32, #tpu.memory_space<vmem>>, vector<1x2048x128xf32>
    %get3A_20 = vector.shape_cast %get3A_19 : vector<1x2048x128xf32> to vector<2048x128xf32>
    %get3A_21 = arith.constant 0 : index
    %get3A_22 = arith.constant 0 : index
    %get3A_23 = arith.constant 0 : index
    %get3A_24 = vector.load %arg4[%get3A_21, %get3A_22, %get3A_23] : memref<3x128x128xf32, #tpu.memory_space<vmem>>, vector<1x128x128xf32>
    %get3A_25 = vector.shape_cast %get3A_24 : vector<1x128x128xf32> to vector<128x128xf32>
    %dot_general3A = arith.constant dense<0.000000e+00> : vector<2048x128xf32>
    %dot_general3A_26 = tpu.matmul %get3A_20, %get3A_25, %dot_general3A {dimension_numbers = #tpu.dot_dimension_numbers<[1], [0], [0], [1], [0, 0, 1, 1], [], []>, transpose_lhs_hint = false} : vector<2048x128xf32>, vector<128x128xf32>, vector<2048x128xf32> -> vector<2048x128xf32>
    %get3A_27 = arith.constant 0 : index
    %get3A_28 = arith.constant 0 : index
    %get3A_29 = vector.load %arg5[%get3A_27, %get3A_28] : memref<3x128xf32, #tpu.memory_space<vmem>>, vector<1x128xf32>
    %get3A_30 = vector.shape_cast %get3A_29 : vector<1x128xf32> to vector<128xf32>
    %broadcast_in_dim3A = vector.shape_cast %get3A_30 : vector<128xf32> to vector<1x128xf32>
    %add3A = vector.broadcast %broadcast_in_dim3A : vector<1x128xf32> to vector<2048x128xf32>
    %add3A_31 = arith.addf %dot_general3A_26, %add3A : vector<2048x128xf32>
    %get3A_32 = arith.constant 0 : index
    %get3A_33 = arith.constant 0 : index
    %get3A_34 = vector.load %arg6[%get3A_32, %get3A_33] : memref<3x128xf32, #tpu.memory_space<vmem>>, vector<1x128xf32>
    %get3A_35 = vector.shape_cast %get3A_34 : vector<1x128xf32> to vector<128xf32>
    %broadcast_in_dim3A_36 = vector.shape_cast %get3A_35 : vector<128xf32> to vector<1x128xf32>
    %get3A_37 = arith.constant 0 : index
    %get3A_38 = arith.constant 0 : index
    %get3A_39 = vector.load %arg7[%get3A_37, %get3A_38] : memref<3x128xf32, #tpu.memory_space<vmem>>, vector<1x128xf32>
    %get3A_40 = vector.shape_cast %get3A_39 : vector<1x128xf32> to vector<128xf32>
    %broadcast_in_dim3A_41 = vector.shape_cast %get3A_40 : vector<128xf32> to vector<1x128xf32>
    %reduce_sum3A = arith.constant dense<0.000000e+00> : vector<2048xf32>
    %reduce_sum3A_42 = vector.multi_reduction <add>, %add3A_31, %reduce_sum3A [1] : vector<2048x128xf32> to vector<2048xf32>
    %broadcast_in_dim3A_43 = vector.shape_cast %reduce_sum3A_42 : vector<2048xf32> to vector<2048x1xf32>
    %div3A = arith.constant 1.280000e+02 : f32
    %div3A_44 = vector.broadcast %div3A : f32 to vector<2048x1xf32>
    %div3A_45 = arith.divf %broadcast_in_dim3A_43, %div3A_44 : vector<2048x1xf32>
    %sub3A = vector.broadcast %div3A_45 : vector<2048x1xf32> to vector<2048x128xf32>
    %sub3A_46 = arith.subf %add3A_31, %sub3A : vector<2048x128xf32>
    %integer_pow3A = arith.mulf %sub3A_46, %sub3A_46 : vector<2048x128xf32>
    %reduce_sum3A_47 = arith.constant dense<0.000000e+00> : vector<2048xf32>
    %reduce_sum3A_48 = vector.multi_reduction <add>, %integer_pow3A, %reduce_sum3A_47 [1] : vector<2048x128xf32> to vector<2048xf32>
    %broadcast_in_dim3A_49 = vector.shape_cast %reduce_sum3A_48 : vector<2048xf32> to vector<2048x1xf32>
    %div3A_50 = arith.constant 1.280000e+02 : f32
    %div3A_51 = vector.broadcast %div3A_50 : f32 to vector<2048x1xf32>
    %div3A_52 = arith.divf %broadcast_in_dim3A_49, %div3A_51 : vector<2048x1xf32>
    %sub3A_53 = vector.broadcast %div3A_45 : vector<2048x1xf32> to vector<2048x128xf32>
    %sub3A_54 = arith.subf %add3A_31, %sub3A_53 : vector<2048x128xf32>
    %add3A_55 = arith.constant 9.99999974E-6 : f32
    %add3A_56 = vector.broadcast %add3A_55 : f32 to vector<2048x1xf32>
    %add3A_57 = arith.addf %div3A_52, %add3A_56 : vector<2048x1xf32>
    %sqrt3A = math.sqrt %add3A_57 : vector<2048x1xf32>
    %div3A_58 = vector.broadcast %sqrt3A : vector<2048x1xf32> to vector<2048x128xf32>
    %div3A_59 = arith.divf %sub3A_54, %div3A_58 : vector<2048x128xf32>
    %mul3A = vector.broadcast %broadcast_in_dim3A_36 : vector<1x128xf32> to vector<2048x128xf32>
    %mul3A_60 = arith.mulf %div3A_59, %mul3A : vector<2048x128xf32>
    %add3A_61 = vector.broadcast %broadcast_in_dim3A_41 : vector<1x128xf32> to vector<2048x128xf32>
    %add3A_62 = arith.addf %mul3A_60, %add3A_61 : vector<2048x128xf32>
    %get3A_63 = arith.constant 0 : index
    %get3A_64 = arith.constant 0 : index
    %get3A_65 = arith.constant 0 : index
    %get3A_66 = vector.load %arg8[%get3A_63, %get3A_64, %get3A_65] : memref<3x16x1xf32, #tpu.memory_space<vmem>>, vector<1x16x1xf32>
    %get3A_67 = vector.shape_cast %get3A_66 : vector<1x16x1xf32> to vector<16x1xf32>
    %logistic3A = arith.negf %get3A_67 : vector<16x1xf32>
    %logistic3A_68 = math.exp %logistic3A : vector<16x1xf32>
    %logistic3A_69 = arith.constant 1.000000e+00 : f32
    %logistic3A_70 = vector.broadcast %logistic3A_69 : f32 to vector<16x1xf32>
    %logistic3A_71 = arith.addf %logistic3A_70, %logistic3A_68 : vector<16x1xf32>
    %logistic3A_72 = arith.divf %logistic3A_70, %logistic3A_71 : vector<16x1xf32>
    %dot_general3A_73 = arith.constant dense<0.000000e+00> : vector<2048x1xf32>
    %dot_general3A_74 = tpu.matmul %convert_element_type3A_3, %logistic3A_72, %dot_general3A_73 {dimension_numbers = #tpu.dot_dimension_numbers<[1], [0], [0], [1], [0, 0, 1, 1], [], []>, transpose_lhs_hint = false} : vector<2048x16xf32>, vector<16x1xf32>, vector<2048x1xf32> -> vector<2048x1xf32>
    %mul3A_75 = vector.broadcast %dot_general3A_74 : vector<2048x1xf32> to vector<2048x128xf32>
    %mul3A_76 = arith.mulf %add3A_62, %mul3A_75 : vector<2048x128xf32>
    %get3A_77 = arith.constant 0 : index
    %get3A_78 = arith.constant 0 : index
    %get3A_79 = arith.constant 0 : index
    %get3A_80 = vector.load %arg2[%get3A_77, %get3A_78, %get3A_79] : memref<3x2x64xi32, #tpu.memory_space<vmem>>, vector<1x1x64xi32>
    %get3A_81 = vector.shape_cast %get3A_80 : vector<1x1x64xi32> to vector<1x64xi32>
    %get3A_82 = arith.constant 0 : index
    %get3A_83 = arith.constant 1 : index
    %get3A_84 = arith.constant 0 : index
    %get3A_85 = vector.load %arg2[%get3A_82, %get3A_83, %get3A_84] : memref<3x2x64xi32, #tpu.memory_space<vmem>>, vector<1x1x64xi32>
    %get3A_86 = vector.shape_cast %get3A_85 : vector<1x1x64xi32> to vector<1x64xi32>
    %iota3A_87 = tpu.iota {dimensions = array<i32: 0>} : vector<16x64xi32>
    %eq3A_88 = vector.broadcast %get3A_81 : vector<1x64xi32> to vector<16x64xi32>
    %eq3A_89 = arith.cmpi eq, %eq3A_88, %iota3A_87 : vector<16x64xi32>
    %convert_element_type3A_90 = arith.extui %eq3A_89 : vector<16x64xi1> to vector<16x64xi32>
    %convert_element_type3A_91 = arith.sitofp %convert_element_type3A_90 : vector<16x64xi32> to vector<16x64xf32>
    %eq3A_92 = vector.broadcast %get3A_86 : vector<1x64xi32> to vector<16x64xi32>
    %eq3A_93 = arith.cmpi eq, %eq3A_92, %iota3A_87 : vector<16x64xi32>
    %convert_element_type3A_94 = arith.extui %eq3A_93 : vector<16x64xi1> to vector<16x64xi32>
    %convert_element_type3A_95 = arith.sitofp %convert_element_type3A_94 : vector<16x64xi32> to vector<16x64xf32>
    %iota3A_96 = tpu.iota {dimensions = array<i32: 0>} : vector<16x16xi32>
    %iota3A_97 = tpu.iota {dimensions = array<i32: 1>} : vector<16x16xi32>
    %eq3A_98 = arith.cmpi eq, %iota3A_96, %iota3A_97 : vector<16x16xi32>
    %convert_element_type3A_99 = arith.extui %eq3A_98 : vector<16x16xi1> to vector<16x16xi32>
    %convert_element_type3A_100 = arith.sitofp %convert_element_type3A_99 : vector<16x16xi32> to vector<16x16xf32>
    %dot_general3A_101 = arith.constant dense<0.000000e+00> : vector<16x16xf32>
    %dot_general3A_102 = tpu.matmul %convert_element_type3A_95, %convert_element_type3A_91, %dot_general3A_101 {dimension_numbers = #tpu.dot_dimension_numbers<[1], [1], [0], [0], [0, 0, 1, 0], [], []>, transpose_lhs_hint = false} : vector<16x64xf32>, vector<16x64xf32>, vector<16x16xf32> -> vector<16x16xf32>
    %add3A_103 = arith.addf %dot_general3A_102, %convert_element_type3A_100 : vector<16x16xf32>
    %concatenate3A = tpu.concatenate %add3A_103, %add3A_103, %add3A_103, %add3A_103, %add3A_103, %add3A_103, %add3A_103, %add3A_103 in 1 : vector<16x16xf32>, vector<16x16xf32>, vector<16x16xf32>, vector<16x16xf32>, vector<16x16xf32>, vector<16x16xf32>, vector<16x16xf32>, vector<16x16xf32> -> vector<16x128xf32>
    %dot_general3A_104 = arith.constant dense<0.000000e+00> : vector<2048x128xf32>
    %dot_general3A_105 = tpu.matmul %convert_element_type3A_3, %concatenate3A, %dot_general3A_104 {dimension_numbers = #tpu.dot_dimension_numbers<[1], [0], [0], [1], [0, 0, 1, 1], [], []>, transpose_lhs_hint = false} : vector<2048x16xf32>, vector<16x128xf32>, vector<2048x128xf32> -> vector<2048x128xf32>
    %mul3A_106 = arith.mulf %dot_general3A_105, %convert_element_type3A_16 : vector<2048x128xf32>
    %get3A_107 = arith.constant 0 : index
    %get3A_108 = arith.constant 0 : index
    %get3A_109 = arith.constant 0 : index
    %get3A_110 = vector.load %arg9[%get3A_107, %get3A_108, %get3A_109] : memref<3x128x512xf32, #tpu.memory_space<vmem>>, vector<1x128x512xf32>
    %get3A_111 = vector.shape_cast %get3A_110 : vector<1x128x512xf32> to vector<128x512xf32>
    %get3A_112 = arith.constant 0 : index
    %get3A_113 = arith.constant 0 : index
    %get3A_114 = arith.constant 0 : index
    %get3A_115 = vector.load %arg10[%get3A_112, %get3A_113, %get3A_114] : memref<3x4x128xf32, #tpu.memory_space<vmem>>, vector<1x4x128xf32>
    %get3A_116 = vector.shape_cast %get3A_115 : vector<1x4x128xf32> to vector<4x128xf32>
    %get3A_117 = arith.constant 0 : index
    %get3A_118 = arith.constant 0 : index
    %get3A_119 = arith.constant 0 : index
    %get3A_120 = vector.load %arg11[%get3A_117, %get3A_118, %get3A_119] : memref<3x4x128xf32, #tpu.memory_space<vmem>>, vector<1x4x128xf32>
    %get3A_121 = vector.shape_cast %get3A_120 : vector<1x4x128xf32> to vector<4x128xf32>
    %get3A_122 = arith.constant 0 : index
    %get3A_123 = arith.constant 0 : index
    %get3A_124 = vector.load %arg12[%get3A_122, %get3A_123] : memref<3x512xf32, #tpu.memory_space<vmem>>, vector<1x512xf32>
    %get3A_125 = vector.shape_cast %get3A_124 : vector<1x512xf32> to vector<512xf32>
    %dot_general3A_126 = arith.constant dense<0.000000e+00> : vector<2048x512xf32>
    %dot_general3A_127 = tpu.matmul %mul3A_76, %get3A_111, %dot_general3A_126 {dimension_numbers = #tpu.dot_dimension_numbers<[1], [0], [0], [1], [0, 0, 1, 1], [], []>, transpose_lhs_hint = false} : vector<2048x128xf32>, vector<128x512xf32>, vector<2048x512xf32> -> vector<2048x512xf32>
    %broadcast_in_dim3A_128 = arith.constant 1.000000e+00 : f32
    %broadcast_in_dim3A_129 = vector.broadcast %broadcast_in_dim3A_128 : f32 to vector<128x128xf32>
    %slice3A = vector.extract_strided_slice %dot_general3A_127 {offsets = [0, 0], sizes = [2048, 128], strides = [1, 1]} : vector<2048x512xf32> to vector<2048x128xf32>
    %slice3A_130 = vector.extract_strided_slice %get3A_116 {offsets = [0, 0], sizes = [1, 128], strides = [1, 1]} : vector<4x128xf32> to vector<1x128xf32>
    %squeeze3A = vector.shape_cast %slice3A_130 : vector<1x128xf32> to vector<128xf32>
    %broadcast_in_dim3A_131 = vector.shape_cast %squeeze3A : vector<128xf32> to vector<1x128xf32>
    %broadcast_in_dim3A_132 = vector.shape_cast %broadcast_in_dim3A_131 : vector<1x128xf32> to vector<1x128xf32>
    %broadcast_in_dim3A_133 = vector.broadcast %broadcast_in_dim3A_132 : vector<1x128xf32> to vector<128x128xf32>
    %slice3A_134 = vector.extract_strided_slice %get3A_121 {offsets = [0, 0], sizes = [1, 128], strides = [1, 1]} : vector<4x128xf32> to vector<1x128xf32>
    %squeeze3A_135 = vector.shape_cast %slice3A_134 : vector<1x128xf32> to vector<128xf32>
    %broadcast_in_dim3A_136 = vector.shape_cast %squeeze3A_135 : vector<128xf32> to vector<1x128xf32>
    %broadcast_in_dim3A_137 = vector.shape_cast %broadcast_in_dim3A_136 : vector<1x128xf32> to vector<1x128xf32>
    %broadcast_in_dim3A_138 = vector.broadcast %broadcast_in_dim3A_137 : vector<1x128xf32> to vector<128x128xf32>
    %slice3A_139 = vector.extract_strided_slice %slice3A {offsets = [0, 0], sizes = [128, 128], strides = [1, 1]} : vector<2048x128xf32> to vector<128x128xf32>
    %dot_general3A_140 = arith.constant dense<0.000000e+00> : vector<128x128xf32>
    %dot_general3A_141 = tpu.matmul %broadcast_in_dim3A_133, %slice3A_139, %dot_general3A_140 {dimension_numbers = #tpu.dot_dimension_numbers<[1], [1], [0], [0], [0, 0, 1, 0], [], []>, transpose_lhs_hint = false} : vector<128x128xf32>, vector<128x128xf32>, vector<128x128xf32> -> vector<128x128xf32>
    %slice3A_142 = vector.extract_strided_slice %slice3A {offsets = [128, 0], sizes = [128, 128], strides = [1, 1]} : vector<2048x128xf32> to vector<128x128xf32>
    %dot_general3A_143 = arith.constant dense<0.000000e+00> : vector<128x128xf32>
    %dot_general3A_144 = tpu.matmul %broadcast_in_dim3A_133, %slice3A_142, %dot_general3A_143 {dimension_numbers = #tpu.dot_dimension_numbers<[1], [1], [0], [0], [0, 0, 1, 0], [], []>, transpose_lhs_hint = false} : vector<128x128xf32>, vector<128x128xf32>, vector<128x128xf32> -> vector<128x128xf32>
    %slice3A_145 = vector.extract_strided_slice %slice3A {offsets = [256, 0], sizes = [128, 128], strides = [1, 1]} : vector<2048x128xf32> to vector<128x128xf32>
    %dot_general3A_146 = arith.constant dense<0.000000e+00> : vector<128x128xf32>
    %dot_general3A_147 = tpu.matmul %broadcast_in_dim3A_133, %slice3A_145, %dot_general3A_146 {dimension_numbers = #tpu.dot_dimension_numbers<[1], [1], [0], [0], [0, 0, 1, 0], [], []>, transpose_lhs_hint = false} : vector<128x128xf32>, vector<128x128xf32>, vector<128x128xf32> -> vector<128x128xf32>
    %slice3A_148 = vector.extract_strided_slice %slice3A {offsets = [384, 0], sizes = [128, 128], strides = [1, 1]} : vector<2048x128xf32> to vector<128x128xf32>
    %dot_general3A_149 = arith.constant dense<0.000000e+00> : vector<128x128xf32>
    %dot_general3A_150 = tpu.matmul %broadcast_in_dim3A_133, %slice3A_148, %dot_general3A_149 {dimension_numbers = #tpu.dot_dimension_numbers<[1], [1], [0], [0], [0, 0, 1, 0], [], []>, transpose_lhs_hint = false} : vector<128x128xf32>, vector<128x128xf32>, vector<128x128xf32> -> vector<128x128xf32>
    %slice3A_151 = vector.extract_strided_slice %slice3A {offsets = [512, 0], sizes = [128, 128], strides = [1, 1]} : vector<2048x128xf32> to vector<128x128xf32>
    %dot_general3A_152 = arith.constant dense<0.000000e+00> : vector<128x128xf32>
    %dot_general3A_153 = tpu.matmul %broadcast_in_dim3A_133, %slice3A_151, %dot_general3A_152 {dimension_numbers = #tpu.dot_dimension_numbers<[1], [1], [0], [0], [0, 0, 1, 0], [], []>, transpose_lhs_hint = false} : vector<128x128xf32>, vector<128x128xf32>, vector<128x128xf32> -> vector<128x128xf32>
    %slice3A_154 = vector.extract_strided_slice %slice3A {offsets = [640, 0], sizes = [128, 128], strides = [1, 1]} : vector<2048x128xf32> to vector<128x128xf32>
    %dot_general3A_155 = arith.constant dense<0.000000e+00> : vector<128x128xf32>
    %dot_general3A_156 = tpu.matmul %broadcast_in_dim3A_133, %slice3A_154, %dot_general3A_155 {dimension_numbers = #tpu.dot_dimension_numbers<[1], [1], [0], [0], [0, 0, 1, 0], [], []>, transpose_lhs_hint = false} : vector<128x128xf32>, vector<128x128xf32>, vector<128x128xf32> -> vector<128x128xf32>
    %slice3A_157 = vector.extract_strided_slice %slice3A {offsets = [768, 0], sizes = [128, 128], strides = [1, 1]} : vector<2048x128xf32> to vector<128x128xf32>
    %dot_general3A_158 = arith.constant dense<0.000000e+00> : vector<128x128xf32>
    %dot_general3A_159 = tpu.matmul %broadcast_in_dim3A_133, %slice3A_157, %dot_general3A_158 {dimension_numbers = #tpu.dot_dimension_numbers<[1], [1], [0], [0], [0, 0, 1, 0], [], []>, transpose_lhs_hint = false} : vector<128x128xf32>, vector<128x128xf32>, vector<128x128xf32> -> vector<128x128xf32>
    %slice3A_160 = vector.extract_strided_slice %slice3A {offsets = [896, 0], sizes = [128, 128], strides = [1, 1]} : vector<2048x128xf32> to vector<128x128xf32>
    %dot_general3A_161 = arith.constant dense<0.000000e+00> : vector<128x128xf32>
    %dot_general3A_162 = tpu.matmul %broadcast_in_dim3A_133, %slice3A_160, %dot_general3A_161 {dimension_numbers = #tpu.dot_dimension_numbers<[1], [1], [0], [0], [0, 0, 1, 0], [], []>, transpose_lhs_hint = false} : vector<128x128xf32>, vector<128x128xf32>, vector<128x128xf32> -> vector<128x128xf32>
    %slice3A_163 = vector.extract_strided_slice %slice3A {offsets = [1024, 0], sizes = [128, 128], strides = [1, 1]} : vector<2048x128xf32> to vector<128x128xf32>
    %dot_general3A_164 = arith.constant dense<0.000000e+00> : vector<128x128xf32>
    %dot_general3A_165 = tpu.matmul %broadcast_in_dim3A_133, %slice3A_163, %dot_general3A_164 {dimension_numbers = #tpu.dot_dimension_numbers<[1], [1], [0], [0], [0, 0, 1, 0], [], []>, transpose_lhs_hint = false} : vector<128x128xf32>, vector<128x128xf32>, vector<128x128xf32> -> vector<128x128xf32>
    %slice3A_166 = vector.extract_strided_slice %slice3A {offsets = [1152, 0], sizes = [128, 128], strides = [1, 1]} : vector<2048x128xf32> to vector<128x128xf32>
    %dot_general3A_167 = arith.constant dense<0.000000e+00> : vector<128x128xf32>
    %dot_general3A_168 = tpu.matmul %broadcast_in_dim3A_133, %slice3A_166, %dot_general3A_167 {dimension_numbers = #tpu.dot_dimension_numbers<[1], [1], [0], [0], [0, 0, 1, 0], [], []>, transpose_lhs_hint = false} : vector<128x128xf32>, vector<128x128xf32>, vector<128x128xf32> -> vector<128x128xf32>
    %slice3A_169 = vector.extract_strided_slice %slice3A {offsets = [1280, 0], sizes = [128, 128], strides = [1, 1]} : vector<2048x128xf32> to vector<128x128xf32>
    %dot_general3A_170 = arith.constant dense<0.000000e+00> : vector<128x128xf32>
    %dot_general3A_171 = tpu.matmul %broadcast_in_dim3A_133, %slice3A_169, %dot_general3A_170 {dimension_numbers = #tpu.dot_dimension_numbers<[1], [1], [0], [0], [0, 0, 1, 0], [], []>, transpose_lhs_hint = false} : vector<128x128xf32>, vector<128x128xf32>, vector<128x128xf32> -> vector<128x128xf32>
    %slice3A_172 = vector.extract_strided_slice %slice3A {offsets = [1408, 0], sizes = [128, 128], strides = [1, 1]} : vector<2048x128xf32> to vector<128x128xf32>
    %dot_general3A_173 = arith.constant dense<0.000000e+00> : vector<128x128xf32>
    %dot_general3A_174 = tpu.matmul %broadcast_in_dim3A_133, %slice3A_172, %dot_general3A_173 {dimension_numbers = #tpu.dot_dimension_numbers<[1], [1], [0], [0], [0, 0, 1, 0], [], []>, transpose_lhs_hint = false} : vector<128x128xf32>, vector<128x128xf32>, vector<128x128xf32> -> vector<128x128xf32>
    %slice3A_175 = vector.extract_strided_slice %slice3A {offsets = [1536, 0], sizes = [128, 128], strides = [1, 1]} : vector<2048x128xf32> to vector<128x128xf32>
    %dot_general3A_176 = arith.constant dense<0.000000e+00> : vector<128x128xf32>
    %dot_general3A_177 = tpu.matmul %broadcast_in_dim3A_133, %slice3A_175, %dot_general3A_176 {dimension_numbers = #tpu.dot_dimension_numbers<[1], [1], [0], [0], [0, 0, 1, 0], [], []>, transpose_lhs_hint = false} : vector<128x128xf32>, vector<128x128xf32>, vector<128x128xf32> -> vector<128x128xf32>
    %slice3A_178 = vector.extract_strided_slice %slice3A {offsets = [1664, 0], sizes = [128, 128], strides = [1, 1]} : vector<2048x128xf32> to vector<128x128xf32>
    %dot_general3A_179 = arith.constant dense<0.000000e+00> : vector<128x128xf32>
    %dot_general3A_180 = tpu.matmul %broadcast_in_dim3A_133, %slice3A_178, %dot_general3A_179 {dimension_numbers = #tpu.dot_dimension_numbers<[1], [1], [0], [0], [0, 0, 1, 0], [], []>, transpose_lhs_hint = false} : vector<128x128xf32>, vector<128x128xf32>, vector<128x128xf32> -> vector<128x128xf32>
    %slice3A_181 = vector.extract_strided_slice %slice3A {offsets = [1792, 0], sizes = [128, 128], strides = [1, 1]} : vector<2048x128xf32> to vector<128x128xf32>
    %dot_general3A_182 = arith.constant dense<0.000000e+00> : vector<128x128xf32>
    %dot_general3A_183 = tpu.matmul %broadcast_in_dim3A_133, %slice3A_181, %dot_general3A_182 {dimension_numbers = #tpu.dot_dimension_numbers<[1], [1], [0], [0], [0, 0, 1, 0], [], []>, transpose_lhs_hint = false} : vector<128x128xf32>, vector<128x128xf32>, vector<128x128xf32> -> vector<128x128xf32>
    %slice3A_184 = vector.extract_strided_slice %slice3A {offsets = [1920, 0], sizes = [128, 128], strides = [1, 1]} : vector<2048x128xf32> to vector<128x128xf32>
    %dot_general3A_185 = arith.constant dense<0.000000e+00> : vector<128x128xf32>
    %dot_general3A_186 = tpu.matmul %broadcast_in_dim3A_133, %slice3A_184, %dot_general3A_185 {dimension_numbers = #tpu.dot_dimension_numbers<[1], [1], [0], [0], [0, 0, 1, 0], [], []>, transpose_lhs_hint = false} : vector<128x128xf32>, vector<128x128xf32>, vector<128x128xf32> -> vector<128x128xf32>
    %concatenate3A_187 = tpu.concatenate %dot_general3A_141, %dot_general3A_144, %dot_general3A_147, %dot_general3A_150, %dot_general3A_153, %dot_general3A_156, %dot_general3A_159, %dot_general3A_162, %dot_general3A_165, %dot_general3A_168, %dot_general3A_171, %dot_general3A_174, %dot_general3A_177, %dot_general3A_180, %dot_general3A_183, %dot_general3A_186 in 0 : vector<128x128xf32>, vector<128x128xf32>, vector<128x128xf32>, vector<128x128xf32>, vector<128x128xf32>, vector<128x128xf32>, vector<128x128xf32>, vector<128x128xf32>, vector<128x128xf32>, vector<128x128xf32>, vector<128x128xf32>, vector<128x128xf32>, vector<128x128xf32>, vector<128x128xf32>, vector<128x128xf32>, vector<128x128xf32> -> vector<2048x128xf32>
    %dot_general3A_188 = arith.constant dense<0.000000e+00> : vector<2048x128xf32>
    %dot_general3A_189 = tpu.matmul %slice3A, %broadcast_in_dim3A_138, %dot_general3A_188 {dimension_numbers = #tpu.dot_dimension_numbers<[1], [1], [0], [0], [0, 0, 1, 0], [], []>, transpose_lhs_hint = false} : vector<2048x128xf32>, vector<128x128xf32>, vector<2048x128xf32> -> vector<2048x128xf32>
    %add3A_190 = arith.addf %concatenate3A_187, %dot_general3A_189 : vector<2048x128xf32>
    %gt3A = arith.constant 0.000000e+00 : f32
    %gt3A_191 = vector.broadcast %gt3A : f32 to vector<2048x128xf32>
    %gt3A_192 = arith.cmpf ogt, %add3A_190, %gt3A_191 : vector<2048x128xf32>
    %mul3A_193 = arith.constant 2.000000e-01 : f32
    %mul3A_194 = vector.broadcast %mul3A_193 : f32 to vector<2048x128xf32>
    %mul3A_195 = arith.mulf %mul3A_194, %add3A_190 : vector<2048x128xf32>
    %select_n3A = arith.select %gt3A_192, %add3A_190, %mul3A_195 : vector<2048x128xi1>, vector<2048x128xf32>
    %min3A = arith.constant 6.000000e+01 : f32
    %min3A_196 = vector.broadcast %min3A : f32 to vector<2048x128xf32>
    %min3A_197 = arith.minimumf %select_n3A, %min3A_196 : vector<2048x128xf32>
    %exp3A = math.exp %min3A_197 : vector<2048x128xf32>
    %mul3A_198 = arith.mulf %mul3A_106, %exp3A : vector<2048x128xf32>
    %dot_general3A_199 = arith.constant dense<0.000000e+00> : vector<2048x128xf32>
    %dot_general3A_200 = tpu.matmul %mul3A_198, %broadcast_in_dim3A_129, %dot_general3A_199 {dimension_numbers = #tpu.dot_dimension_numbers<[1], [0], [0], [1], [0, 0, 1, 1], [], []>, transpose_lhs_hint = false} : vector<2048x128xf32>, vector<128x128xf32>, vector<2048x128xf32> -> vector<2048x128xf32>
    %add3A_201 = arith.constant 1.000000e-16 : f32
    %add3A_202 = vector.broadcast %add3A_201 : f32 to vector<2048x128xf32>
    %add3A_203 = arith.addf %dot_general3A_200, %add3A_202 : vector<2048x128xf32>
    %div3A_204 = arith.constant 1.000000e+00 : f32
    %div3A_205 = vector.broadcast %div3A_204 : f32 to vector<2048x128xf32>
    %div3A_206 = arith.divf %div3A_205, %add3A_203 : vector<2048x128xf32>
    %mul3A_207 = arith.mulf %mul3A_198, %div3A_206 : vector<2048x128xf32>
    %slice3A_208 = vector.extract_strided_slice %mul3A_207 {offsets = [0, 0], sizes = [128, 128], strides = [1, 1]} : vector<2048x128xf32> to vector<128x128xf32>
    %slice3A_209 = vector.extract_strided_slice %slice3A {offsets = [0, 0], sizes = [128, 128], strides = [1, 1]} : vector<2048x128xf32> to vector<128x128xf32>
    %dot_general3A_210 = arith.constant dense<0.000000e+00> : vector<128x128xf32>
    %dot_general3A_211 = tpu.matmul %slice3A_208, %slice3A_209, %dot_general3A_210 {dimension_numbers = #tpu.dot_dimension_numbers<[1], [0], [0], [1], [0, 0, 1, 1], [], []>, transpose_lhs_hint = false} : vector<128x128xf32>, vector<128x128xf32>, vector<128x128xf32> -> vector<128x128xf32>
    %slice3A_212 = vector.extract_strided_slice %mul3A_207 {offsets = [128, 0], sizes = [128, 128], strides = [1, 1]} : vector<2048x128xf32> to vector<128x128xf32>
    %slice3A_213 = vector.extract_strided_slice %slice3A {offsets = [128, 0], sizes = [128, 128], strides = [1, 1]} : vector<2048x128xf32> to vector<128x128xf32>
    %dot_general3A_214 = arith.constant dense<0.000000e+00> : vector<128x128xf32>
    %dot_general3A_215 = tpu.matmul %slice3A_212, %slice3A_213, %dot_general3A_214 {dimension_numbers = #tpu.dot_dimension_numbers<[1], [0], [0], [1], [0, 0, 1, 1], [], []>, transpose_lhs_hint = false} : vector<128x128xf32>, vector<128x128xf32>, vector<128x128xf32> -> vector<128x128xf32>
    %slice3A_216 = vector.extract_strided_slice %mul3A_207 {offsets = [256, 0], sizes = [128, 128], strides = [1, 1]} : vector<2048x128xf32> to vector<128x128xf32>
    %slice3A_217 = vector.extract_strided_slice %slice3A {offsets = [256, 0], sizes = [128, 128], strides = [1, 1]} : vector<2048x128xf32> to vector<128x128xf32>
    %dot_general3A_218 = arith.constant dense<0.000000e+00> : vector<128x128xf32>
    %dot_general3A_219 = tpu.matmul %slice3A_216, %slice3A_217, %dot_general3A_218 {dimension_numbers = #tpu.dot_dimension_numbers<[1], [0], [0], [1], [0, 0, 1, 1], [], []>, transpose_lhs_hint = false} : vector<128x128xf32>, vector<128x128xf32>, vector<128x128xf32> -> vector<128x128xf32>
    %slice3A_220 = vector.extract_strided_slice %mul3A_207 {offsets = [384, 0], sizes = [128, 128], strides = [1, 1]} : vector<2048x128xf32> to vector<128x128xf32>
    %slice3A_221 = vector.extract_strided_slice %slice3A {offsets = [384, 0], sizes = [128, 128], strides = [1, 1]} : vector<2048x128xf32> to vector<128x128xf32>
    %dot_general3A_222 = arith.constant dense<0.000000e+00> : vector<128x128xf32>
    %dot_general3A_223 = tpu.matmul %slice3A_220, %slice3A_221, %dot_general3A_222 {dimension_numbers = #tpu.dot_dimension_numbers<[1], [0], [0], [1], [0, 0, 1, 1], [], []>, transpose_lhs_hint = false} : vector<128x128xf32>, vector<128x128xf32>, vector<128x128xf32> -> vector<128x128xf32>
    %slice3A_224 = vector.extract_strided_slice %mul3A_207 {offsets = [512, 0], sizes = [128, 128], strides = [1, 1]} : vector<2048x128xf32> to vector<128x128xf32>
    %slice3A_225 = vector.extract_strided_slice %slice3A {offsets = [512, 0], sizes = [128, 128], strides = [1, 1]} : vector<2048x128xf32> to vector<128x128xf32>
    %dot_general3A_226 = arith.constant dense<0.000000e+00> : vector<128x128xf32>
    %dot_general3A_227 = tpu.matmul %slice3A_224, %slice3A_225, %dot_general3A_226 {dimension_numbers = #tpu.dot_dimension_numbers<[1], [0], [0], [1], [0, 0, 1, 1], [], []>, transpose_lhs_hint = false} : vector<128x128xf32>, vector<128x128xf32>, vector<128x128xf32> -> vector<128x128xf32>
    %slice3A_228 = vector.extract_strided_slice %mul3A_207 {offsets = [640, 0], sizes = [128, 128], strides = [1, 1]} : vector<2048x128xf32> to vector<128x128xf32>
    %slice3A_229 = vector.extract_strided_slice %slice3A {offsets = [640, 0], sizes = [128, 128], strides = [1, 1]} : vector<2048x128xf32> to vector<128x128xf32>
    %dot_general3A_230 = arith.constant dense<0.000000e+00> : vector<128x128xf32>
    %dot_general3A_231 = tpu.matmul %slice3A_228, %slice3A_229, %dot_general3A_230 {dimension_numbers = #tpu.dot_dimension_numbers<[1], [0], [0], [1], [0, 0, 1, 1], [], []>, transpose_lhs_hint = false} : vector<128x128xf32>, vector<128x128xf32>, vector<128x128xf32> -> vector<128x128xf32>
    %slice3A_232 = vector.extract_strided_slice %mul3A_207 {offsets = [768, 0], sizes = [128, 128], strides = [1, 1]} : vector<2048x128xf32> to vector<128x128xf32>
    %slice3A_233 = vector.extract_strided_slice %slice3A {offsets = [768, 0], sizes = [128, 128], strides = [1, 1]} : vector<2048x128xf32> to vector<128x128xf32>
    %dot_general3A_234 = arith.constant dense<0.000000e+00> : vector<128x128xf32>
    %dot_general3A_235 = tpu.matmul %slice3A_232, %slice3A_233, %dot_general3A_234 {dimension_numbers = #tpu.dot_dimension_numbers<[1], [0], [0], [1], [0, 0, 1, 1], [], []>, transpose_lhs_hint = false} : vector<128x128xf32>, vector<128x128xf32>, vector<128x128xf32> -> vector<128x128xf32>
    %slice3A_236 = vector.extract_strided_slice %mul3A_207 {offsets = [896, 0], sizes = [128, 128], strides = [1, 1]} : vector<2048x128xf32> to vector<128x128xf32>
    %slice3A_237 = vector.extract_strided_slice %slice3A {offsets = [896, 0], sizes = [128, 128], strides = [1, 1]} : vector<2048x128xf32> to vector<128x128xf32>
    %dot_general3A_238 = arith.constant dense<0.000000e+00> : vector<128x128xf32>
    %dot_general3A_239 = tpu.matmul %slice3A_236, %slice3A_237, %dot_general3A_238 {dimension_numbers = #tpu.dot_dimension_numbers<[1], [0], [0], [1], [0, 0, 1, 1], [], []>, transpose_lhs_hint = false} : vector<128x128xf32>, vector<128x128xf32>, vector<128x128xf32> -> vector<128x128xf32>
    %slice3A_240 = vector.extract_strided_slice %mul3A_207 {offsets = [1024, 0], sizes = [128, 128], strides = [1, 1]} : vector<2048x128xf32> to vector<128x128xf32>
    %slice3A_241 = vector.extract_strided_slice %slice3A {offsets = [1024, 0], sizes = [128, 128], strides = [1, 1]} : vector<2048x128xf32> to vector<128x128xf32>
    %dot_general3A_242 = arith.constant dense<0.000000e+00> : vector<128x128xf32>
    %dot_general3A_243 = tpu.matmul %slice3A_240, %slice3A_241, %dot_general3A_242 {dimension_numbers = #tpu.dot_dimension_numbers<[1], [0], [0], [1], [0, 0, 1, 1], [], []>, transpose_lhs_hint = false} : vector<128x128xf32>, vector<128x128xf32>, vector<128x128xf32> -> vector<128x128xf32>
    %slice3A_244 = vector.extract_strided_slice %mul3A_207 {offsets = [1152, 0], sizes = [128, 128], strides = [1, 1]} : vector<2048x128xf32> to vector<128x128xf32>
    %slice3A_245 = vector.extract_strided_slice %slice3A {offsets = [1152, 0], sizes = [128, 128], strides = [1, 1]} : vector<2048x128xf32> to vector<128x128xf32>
    %dot_general3A_246 = arith.constant dense<0.000000e+00> : vector<128x128xf32>
    %dot_general3A_247 = tpu.matmul %slice3A_244, %slice3A_245, %dot_general3A_246 {dimension_numbers = #tpu.dot_dimension_numbers<[1], [0], [0], [1], [0, 0, 1, 1], [], []>, transpose_lhs_hint = false} : vector<128x128xf32>, vector<128x128xf32>, vector<128x128xf32> -> vector<128x128xf32>
    %slice3A_248 = vector.extract_strided_slice %mul3A_207 {offsets = [1280, 0], sizes = [128, 128], strides = [1, 1]} : vector<2048x128xf32> to vector<128x128xf32>
    %slice3A_249 = vector.extract_strided_slice %slice3A {offsets = [1280, 0], sizes = [128, 128], strides = [1, 1]} : vector<2048x128xf32> to vector<128x128xf32>
    %dot_general3A_250 = arith.constant dense<0.000000e+00> : vector<128x128xf32>
    %dot_general3A_251 = tpu.matmul %slice3A_248, %slice3A_249, %dot_general3A_250 {dimension_numbers = #tpu.dot_dimension_numbers<[1], [0], [0], [1], [0, 0, 1, 1], [], []>, transpose_lhs_hint = false} : vector<128x128xf32>, vector<128x128xf32>, vector<128x128xf32> -> vector<128x128xf32>
    %slice3A_252 = vector.extract_strided_slice %mul3A_207 {offsets = [1408, 0], sizes = [128, 128], strides = [1, 1]} : vector<2048x128xf32> to vector<128x128xf32>
    %slice3A_253 = vector.extract_strided_slice %slice3A {offsets = [1408, 0], sizes = [128, 128], strides = [1, 1]} : vector<2048x128xf32> to vector<128x128xf32>
    %dot_general3A_254 = arith.constant dense<0.000000e+00> : vector<128x128xf32>
    %dot_general3A_255 = tpu.matmul %slice3A_252, %slice3A_253, %dot_general3A_254 {dimension_numbers = #tpu.dot_dimension_numbers<[1], [0], [0], [1], [0, 0, 1, 1], [], []>, transpose_lhs_hint = false} : vector<128x128xf32>, vector<128x128xf32>, vector<128x128xf32> -> vector<128x128xf32>
    %slice3A_256 = vector.extract_strided_slice %mul3A_207 {offsets = [1536, 0], sizes = [128, 128], strides = [1, 1]} : vector<2048x128xf32> to vector<128x128xf32>
    %slice3A_257 = vector.extract_strided_slice %slice3A {offsets = [1536, 0], sizes = [128, 128], strides = [1, 1]} : vector<2048x128xf32> to vector<128x128xf32>
    %dot_general3A_258 = arith.constant dense<0.000000e+00> : vector<128x128xf32>
    %dot_general3A_259 = tpu.matmul %slice3A_256, %slice3A_257, %dot_general3A_258 {dimension_numbers = #tpu.dot_dimension_numbers<[1], [0], [0], [1], [0, 0, 1, 1], [], []>, transpose_lhs_hint = false} : vector<128x128xf32>, vector<128x128xf32>, vector<128x128xf32> -> vector<128x128xf32>
    %slice3A_260 = vector.extract_strided_slice %mul3A_207 {offsets = [1664, 0], sizes = [128, 128], strides = [1, 1]} : vector<2048x128xf32> to vector<128x128xf32>
    %slice3A_261 = vector.extract_strided_slice %slice3A {offsets = [1664, 0], sizes = [128, 128], strides = [1, 1]} : vector<2048x128xf32> to vector<128x128xf32>
    %dot_general3A_262 = arith.constant dense<0.000000e+00> : vector<128x128xf32>
    %dot_general3A_263 = tpu.matmul %slice3A_260, %slice3A_261, %dot_general3A_262 {dimension_numbers = #tpu.dot_dimension_numbers<[1], [0], [0], [1], [0, 0, 1, 1], [], []>, transpose_lhs_hint = false} : vector<128x128xf32>, vector<128x128xf32>, vector<128x128xf32> -> vector<128x128xf32>
    %slice3A_264 = vector.extract_strided_slice %mul3A_207 {offsets = [1792, 0], sizes = [128, 128], strides = [1, 1]} : vector<2048x128xf32> to vector<128x128xf32>
    %slice3A_265 = vector.extract_strided_slice %slice3A {offsets = [1792, 0], sizes = [128, 128], strides = [1, 1]} : vector<2048x128xf32> to vector<128x128xf32>
    %dot_general3A_266 = arith.constant dense<0.000000e+00> : vector<128x128xf32>
    %dot_general3A_267 = tpu.matmul %slice3A_264, %slice3A_265, %dot_general3A_266 {dimension_numbers = #tpu.dot_dimension_numbers<[1], [0], [0], [1], [0, 0, 1, 1], [], []>, transpose_lhs_hint = false} : vector<128x128xf32>, vector<128x128xf32>, vector<128x128xf32> -> vector<128x128xf32>
    %slice3A_268 = vector.extract_strided_slice %mul3A_207 {offsets = [1920, 0], sizes = [128, 128], strides = [1, 1]} : vector<2048x128xf32> to vector<128x128xf32>
    %slice3A_269 = vector.extract_strided_slice %slice3A {offsets = [1920, 0], sizes = [128, 128], strides = [1, 1]} : vector<2048x128xf32> to vector<128x128xf32>
    %dot_general3A_270 = arith.constant dense<0.000000e+00> : vector<128x128xf32>
    %dot_general3A_271 = tpu.matmul %slice3A_268, %slice3A_269, %dot_general3A_270 {dimension_numbers = #tpu.dot_dimension_numbers<[1], [0], [0], [1], [0, 0, 1, 1], [], []>, transpose_lhs_hint = false} : vector<128x128xf32>, vector<128x128xf32>, vector<128x128xf32> -> vector<128x128xf32>
    %concatenate3A_272 = tpu.concatenate %dot_general3A_211, %dot_general3A_215, %dot_general3A_219, %dot_general3A_223, %dot_general3A_227, %dot_general3A_231, %dot_general3A_235, %dot_general3A_239, %dot_general3A_243, %dot_general3A_247, %dot_general3A_251, %dot_general3A_255, %dot_general3A_259, %dot_general3A_263, %dot_general3A_267, %dot_general3A_271 in 0 : vector<128x128xf32>, vector<128x128xf32>, vector<128x128xf32>, vector<128x128xf32>, vector<128x128xf32>, vector<128x128xf32>, vector<128x128xf32>, vector<128x128xf32>, vector<128x128xf32>, vector<128x128xf32>, vector<128x128xf32>, vector<128x128xf32>, vector<128x128xf32>, vector<128x128xf32>, vector<128x128xf32>, vector<128x128xf32> -> vector<2048x128xf32>
    %slice3A_273 = vector.extract_strided_slice %dot_general3A_127 {offsets = [0, 128], sizes = [2048, 128], strides = [1, 1]} : vector<2048x512xf32> to vector<2048x128xf32>
    %slice3A_274 = vector.extract_strided_slice %get3A_116 {offsets = [1, 0], sizes = [1, 128], strides = [1, 1]} : vector<4x128xf32> to vector<1x128xf32>
    %squeeze3A_275 = vector.shape_cast %slice3A_274 : vector<1x128xf32> to vector<128xf32>
    %broadcast_in_dim3A_276 = vector.shape_cast %squeeze3A_275 : vector<128xf32> to vector<1x128xf32>
    %broadcast_in_dim3A_277 = vector.shape_cast %broadcast_in_dim3A_276 : vector<1x128xf32> to vector<1x128xf32>
    %broadcast_in_dim3A_278 = vector.broadcast %broadcast_in_dim3A_277 : vector<1x128xf32> to vector<128x128xf32>
    %slice3A_279 = vector.extract_strided_slice %get3A_121 {offsets = [1, 0], sizes = [1, 128], strides = [1, 1]} : vector<4x128xf32> to vector<1x128xf32>
    %squeeze3A_280 = vector.shape_cast %slice3A_279 : vector<1x128xf32> to vector<128xf32>
    %broadcast_in_dim3A_281 = vector.shape_cast %squeeze3A_280 : vector<128xf32> to vector<1x128xf32>
    %broadcast_in_dim3A_282 = vector.shape_cast %broadcast_in_dim3A_281 : vector<1x128xf32> to vector<1x128xf32>
    %broadcast_in_dim3A_283 = vector.broadcast %broadcast_in_dim3A_282 : vector<1x128xf32> to vector<128x128xf32>
    %slice3A_284 = vector.extract_strided_slice %slice3A_273 {offsets = [0, 0], sizes = [128, 128], strides = [1, 1]} : vector<2048x128xf32> to vector<128x128xf32>
    %dot_general3A_285 = arith.constant dense<0.000000e+00> : vector<128x128xf32>
    %dot_general3A_286 = tpu.matmul %broadcast_in_dim3A_278, %slice3A_284, %dot_general3A_285 {dimension_numbers = #tpu.dot_dimension_numbers<[1], [1], [0], [0], [0, 0, 1, 0], [], []>, transpose_lhs_hint = false} : vector<128x128xf32>, vector<128x128xf32>, vector<128x128xf32> -> vector<128x128xf32>
    %slice3A_287 = vector.extract_strided_slice %slice3A_273 {offsets = [128, 0], sizes = [128, 128], strides = [1, 1]} : vector<2048x128xf32> to vector<128x128xf32>
    %dot_general3A_288 = arith.constant dense<0.000000e+00> : vector<128x128xf32>
    %dot_general3A_289 = tpu.matmul %broadcast_in_dim3A_278, %slice3A_287, %dot_general3A_288 {dimension_numbers = #tpu.dot_dimension_numbers<[1], [1], [0], [0], [0, 0, 1, 0], [], []>, transpose_lhs_hint = false} : vector<128x128xf32>, vector<128x128xf32>, vector<128x128xf32> -> vector<128x128xf32>
    %slice3A_290 = vector.extract_strided_slice %slice3A_273 {offsets = [256, 0], sizes = [128, 128], strides = [1, 1]} : vector<2048x128xf32> to vector<128x128xf32>
    %dot_general3A_291 = arith.constant dense<0.000000e+00> : vector<128x128xf32>
    %dot_general3A_292 = tpu.matmul %broadcast_in_dim3A_278, %slice3A_290, %dot_general3A_291 {dimension_numbers = #tpu.dot_dimension_numbers<[1], [1], [0], [0], [0, 0, 1, 0], [], []>, transpose_lhs_hint = false} : vector<128x128xf32>, vector<128x128xf32>, vector<128x128xf32> -> vector<128x128xf32>
    %slice3A_293 = vector.extract_strided_slice %slice3A_273 {offsets = [384, 0], sizes = [128, 128], strides = [1, 1]} : vector<2048x128xf32> to vector<128x128xf32>
    %dot_general3A_294 = arith.constant dense<0.000000e+00> : vector<128x128xf32>
    %dot_general3A_295 = tpu.matmul %broadcast_in_dim3A_278, %slice3A_293, %dot_general3A_294 {dimension_numbers = #tpu.dot_dimension_numbers<[1], [1], [0], [0], [0, 0, 1, 0], [], []>, transpose_lhs_hint = false} : vector<128x128xf32>, vector<128x128xf32>, vector<128x128xf32> -> vector<128x128xf32>
    %slice3A_296 = vector.extract_strided_slice %slice3A_273 {offsets = [512, 0], sizes = [128, 128], strides = [1, 1]} : vector<2048x128xf32> to vector<128x128xf32>
    %dot_general3A_297 = arith.constant dense<0.000000e+00> : vector<128x128xf32>
    %dot_general3A_298 = tpu.matmul %broadcast_in_dim3A_278, %slice3A_296, %dot_general3A_297 {dimension_numbers = #tpu.dot_dimension_numbers<[1], [1], [0], [0], [0, 0, 1, 0], [], []>, transpose_lhs_hint = false} : vector<128x128xf32>, vector<128x128xf32>, vector<128x128xf32> -> vector<128x128xf32>
    %slice3A_299 = vector.extract_strided_slice %slice3A_273 {offsets = [640, 0], sizes = [128, 128], strides = [1, 1]} : vector<2048x128xf32> to vector<128x128xf32>
    %dot_general3A_300 = arith.constant dense<0.000000e+00> : vector<128x128xf32>
    %dot_general3A_301 = tpu.matmul %broadcast_in_dim3A_278, %slice3A_299, %dot_general3A_300 {dimension_numbers = #tpu.dot_dimension_numbers<[1], [1], [0], [0], [0, 0, 1, 0], [], []>, transpose_lhs_hint = false} : vector<128x128xf32>, vector<128x128xf32>, vector<128x128xf32> -> vector<128x128xf32>
    %slice3A_302 = vector.extract_strided_slice %slice3A_273 {offsets = [768, 0], sizes = [128, 128], strides = [1, 1]} : vector<2048x128xf32> to vector<128x128xf32>
    %dot_general3A_303 = arith.constant dense<0.000000e+00> : vector<128x128xf32>
    %dot_general3A_304 = tpu.matmul %broadcast_in_dim3A_278, %slice3A_302, %dot_general3A_303 {dimension_numbers = #tpu.dot_dimension_numbers<[1], [1], [0], [0], [0, 0, 1, 0], [], []>, transpose_lhs_hint = false} : vector<128x128xf32>, vector<128x128xf32>, vector<128x128xf32> -> vector<128x128xf32>
    %slice3A_305 = vector.extract_strided_slice %slice3A_273 {offsets = [896, 0], sizes = [128, 128], strides = [1, 1]} : vector<2048x128xf32> to vector<128x128xf32>
    %dot_general3A_306 = arith.constant dense<0.000000e+00> : vector<128x128xf32>
    %dot_general3A_307 = tpu.matmul %broadcast_in_dim3A_278, %slice3A_305, %dot_general3A_306 {dimension_numbers = #tpu.dot_dimension_numbers<[1], [1], [0], [0], [0, 0, 1, 0], [], []>, transpose_lhs_hint = false} : vector<128x128xf32>, vector<128x128xf32>, vector<128x128xf32> -> vector<128x128xf32>
    %slice3A_308 = vector.extract_strided_slice %slice3A_273 {offsets = [1024, 0], sizes = [128, 128], strides = [1, 1]} : vector<2048x128xf32> to vector<128x128xf32>
    %dot_general3A_309 = arith.constant dense<0.000000e+00> : vector<128x128xf32>
    %dot_general3A_310 = tpu.matmul %broadcast_in_dim3A_278, %slice3A_308, %dot_general3A_309 {dimension_numbers = #tpu.dot_dimension_numbers<[1], [1], [0], [0], [0, 0, 1, 0], [], []>, transpose_lhs_hint = false} : vector<128x128xf32>, vector<128x128xf32>, vector<128x128xf32> -> vector<128x128xf32>
    %slice3A_311 = vector.extract_strided_slice %slice3A_273 {offsets = [1152, 0], sizes = [128, 128], strides = [1, 1]} : vector<2048x128xf32> to vector<128x128xf32>
    %dot_general3A_312 = arith.constant dense<0.000000e+00> : vector<128x128xf32>
    %dot_general3A_313 = tpu.matmul %broadcast_in_dim3A_278, %slice3A_311, %dot_general3A_312 {dimension_numbers = #tpu.dot_dimension_numbers<[1], [1], [0], [0], [0, 0, 1, 0], [], []>, transpose_lhs_hint = false} : vector<128x128xf32>, vector<128x128xf32>, vector<128x128xf32> -> vector<128x128xf32>
    %slice3A_314 = vector.extract_strided_slice %slice3A_273 {offsets = [1280, 0], sizes = [128, 128], strides = [1, 1]} : vector<2048x128xf32> to vector<128x128xf32>
    %dot_general3A_315 = arith.constant dense<0.000000e+00> : vector<128x128xf32>
    %dot_general3A_316 = tpu.matmul %broadcast_in_dim3A_278, %slice3A_314, %dot_general3A_315 {dimension_numbers = #tpu.dot_dimension_numbers<[1], [1], [0], [0], [0, 0, 1, 0], [], []>, transpose_lhs_hint = false} : vector<128x128xf32>, vector<128x128xf32>, vector<128x128xf32> -> vector<128x128xf32>
    %slice3A_317 = vector.extract_strided_slice %slice3A_273 {offsets = [1408, 0], sizes = [128, 128], strides = [1, 1]} : vector<2048x128xf32> to vector<128x128xf32>
    %dot_general3A_318 = arith.constant dense<0.000000e+00> : vector<128x128xf32>
    %dot_general3A_319 = tpu.matmul %broadcast_in_dim3A_278, %slice3A_317, %dot_general3A_318 {dimension_numbers = #tpu.dot_dimension_numbers<[1], [1], [0], [0], [0, 0, 1, 0], [], []>, transpose_lhs_hint = false} : vector<128x128xf32>, vector<128x128xf32>, vector<128x128xf32> -> vector<128x128xf32>
    %slice3A_320 = vector.extract_strided_slice %slice3A_273 {offsets = [1536, 0], sizes = [128, 128], strides = [1, 1]} : vector<2048x128xf32> to vector<128x128xf32>
    %dot_general3A_321 = arith.constant dense<0.000000e+00> : vector<128x128xf32>
    %dot_general3A_322 = tpu.matmul %broadcast_in_dim3A_278, %slice3A_320, %dot_general3A_321 {dimension_numbers = #tpu.dot_dimension_numbers<[1], [1], [0], [0], [0, 0, 1, 0], [], []>, transpose_lhs_hint = false} : vector<128x128xf32>, vector<128x128xf32>, vector<128x128xf32> -> vector<128x128xf32>
    %slice3A_323 = vector.extract_strided_slice %slice3A_273 {offsets = [1664, 0], sizes = [128, 128], strides = [1, 1]} : vector<2048x128xf32> to vector<128x128xf32>
    %dot_general3A_324 = arith.constant dense<0.000000e+00> : vector<128x128xf32>
    %dot_general3A_325 = tpu.matmul %broadcast_in_dim3A_278, %slice3A_323, %dot_general3A_324 {dimension_numbers = #tpu.dot_dimension_numbers<[1], [1], [0], [0], [0, 0, 1, 0], [], []>, transpose_lhs_hint = false} : vector<128x128xf32>, vector<128x128xf32>, vector<128x128xf32> -> vector<128x128xf32>
    %slice3A_326 = vector.extract_strided_slice %slice3A_273 {offsets = [1792, 0], sizes = [128, 128], strides = [1, 1]} : vector<2048x128xf32> to vector<128x128xf32>
    %dot_general3A_327 = arith.constant dense<0.000000e+00> : vector<128x128xf32>
    %dot_general3A_328 = tpu.matmul %broadcast_in_dim3A_278, %slice3A_326, %dot_general3A_327 {dimension_numbers = #tpu.dot_dimension_numbers<[1], [1], [0], [0], [0, 0, 1, 0], [], []>, transpose_lhs_hint = false} : vector<128x128xf32>, vector<128x128xf32>, vector<128x128xf32> -> vector<128x128xf32>
    %slice3A_329 = vector.extract_strided_slice %slice3A_273 {offsets = [1920, 0], sizes = [128, 128], strides = [1, 1]} : vector<2048x128xf32> to vector<128x128xf32>
    %dot_general3A_330 = arith.constant dense<0.000000e+00> : vector<128x128xf32>
    %dot_general3A_331 = tpu.matmul %broadcast_in_dim3A_278, %slice3A_329, %dot_general3A_330 {dimension_numbers = #tpu.dot_dimension_numbers<[1], [1], [0], [0], [0, 0, 1, 0], [], []>, transpose_lhs_hint = false} : vector<128x128xf32>, vector<128x128xf32>, vector<128x128xf32> -> vector<128x128xf32>
    %concatenate3A_332 = tpu.concatenate %dot_general3A_286, %dot_general3A_289, %dot_general3A_292, %dot_general3A_295, %dot_general3A_298, %dot_general3A_301, %dot_general3A_304, %dot_general3A_307, %dot_general3A_310, %dot_general3A_313, %dot_general3A_316, %dot_general3A_319, %dot_general3A_322, %dot_general3A_325, %dot_general3A_328, %dot_general3A_331 in 0 : vector<128x128xf32>, vector<128x128xf32>, vector<128x128xf32>, vector<128x128xf32>, vector<128x128xf32>, vector<128x128xf32>, vector<128x128xf32>, vector<128x128xf32>, vector<128x128xf32>, vector<128x128xf32>, vector<128x128xf32>, vector<128x128xf32>, vector<128x128xf32>, vector<128x128xf32>, vector<128x128xf32>, vector<128x128xf32> -> vector<2048x128xf32>
    %dot_general3A_333 = arith.constant dense<0.000000e+00> : vector<2048x128xf32>
    %dot_general3A_334 = tpu.matmul %slice3A_273, %broadcast_in_dim3A_283, %dot_general3A_333 {dimension_numbers = #tpu.dot_dimension_numbers<[1], [1], [0], [0], [0, 0, 1, 0], [], []>, transpose_lhs_hint = false} : vector<2048x128xf32>, vector<128x128xf32>, vector<2048x128xf32> -> vector<2048x128xf32>
    %add3A_335 = arith.addf %concatenate3A_332, %dot_general3A_334 : vector<2048x128xf32>
    %gt3A_336 = arith.constant 0.000000e+00 : f32
    %gt3A_337 = vector.broadcast %gt3A_336 : f32 to vector<2048x128xf32>
    %gt3A_338 = arith.cmpf ogt, %add3A_335, %gt3A_337 : vector<2048x128xf32>
    %mul3A_339 = arith.constant 2.000000e-01 : f32
    %mul3A_340 = vector.broadcast %mul3A_339 : f32 to vector<2048x128xf32>
    %mul3A_341 = arith.mulf %mul3A_340, %add3A_335 : vector<2048x128xf32>
    %select_n3A_342 = arith.select %gt3A_338, %add3A_335, %mul3A_341 : vector<2048x128xi1>, vector<2048x128xf32>
    %min3A_343 = arith.constant 6.000000e+01 : f32
    %min3A_344 = vector.broadcast %min3A_343 : f32 to vector<2048x128xf32>
    %min3A_345 = arith.minimumf %select_n3A_342, %min3A_344 : vector<2048x128xf32>
    %exp3A_346 = math.exp %min3A_345 : vector<2048x128xf32>
    %mul3A_347 = arith.mulf %mul3A_106, %exp3A_346 : vector<2048x128xf32>
    %dot_general3A_348 = arith.constant dense<0.000000e+00> : vector<2048x128xf32>
    %dot_general3A_349 = tpu.matmul %mul3A_347, %broadcast_in_dim3A_129, %dot_general3A_348 {dimension_numbers = #tpu.dot_dimension_numbers<[1], [0], [0], [1], [0, 0, 1, 1], [], []>, transpose_lhs_hint = false} : vector<2048x128xf32>, vector<128x128xf32>, vector<2048x128xf32> -> vector<2048x128xf32>
    %add3A_350 = arith.constant 1.000000e-16 : f32
    %add3A_351 = vector.broadcast %add3A_350 : f32 to vector<2048x128xf32>
    %add3A_352 = arith.addf %dot_general3A_349, %add3A_351 : vector<2048x128xf32>
    %div3A_353 = arith.constant 1.000000e+00 : f32
    %div3A_354 = vector.broadcast %div3A_353 : f32 to vector<2048x128xf32>
    %div3A_355 = arith.divf %div3A_354, %add3A_352 : vector<2048x128xf32>
    %mul3A_356 = arith.mulf %mul3A_347, %div3A_355 : vector<2048x128xf32>
    %slice3A_357 = vector.extract_strided_slice %mul3A_356 {offsets = [0, 0], sizes = [128, 128], strides = [1, 1]} : vector<2048x128xf32> to vector<128x128xf32>
    %slice3A_358 = vector.extract_strided_slice %slice3A_273 {offsets = [0, 0], sizes = [128, 128], strides = [1, 1]} : vector<2048x128xf32> to vector<128x128xf32>
    %dot_general3A_359 = arith.constant dense<0.000000e+00> : vector<128x128xf32>
    %dot_general3A_360 = tpu.matmul %slice3A_357, %slice3A_358, %dot_general3A_359 {dimension_numbers = #tpu.dot_dimension_numbers<[1], [0], [0], [1], [0, 0, 1, 1], [], []>, transpose_lhs_hint = false} : vector<128x128xf32>, vector<128x128xf32>, vector<128x128xf32> -> vector<128x128xf32>
    %slice3A_361 = vector.extract_strided_slice %mul3A_356 {offsets = [128, 0], sizes = [128, 128], strides = [1, 1]} : vector<2048x128xf32> to vector<128x128xf32>
    %slice3A_362 = vector.extract_strided_slice %slice3A_273 {offsets = [128, 0], sizes = [128, 128], strides = [1, 1]} : vector<2048x128xf32> to vector<128x128xf32>
    %dot_general3A_363 = arith.constant dense<0.000000e+00> : vector<128x128xf32>
    %dot_general3A_364 = tpu.matmul %slice3A_361, %slice3A_362, %dot_general3A_363 {dimension_numbers = #tpu.dot_dimension_numbers<[1], [0], [0], [1], [0, 0, 1, 1], [], []>, transpose_lhs_hint = false} : vector<128x128xf32>, vector<128x128xf32>, vector<128x128xf32> -> vector<128x128xf32>
    %slice3A_365 = vector.extract_strided_slice %mul3A_356 {offsets = [256, 0], sizes = [128, 128], strides = [1, 1]} : vector<2048x128xf32> to vector<128x128xf32>
    %slice3A_366 = vector.extract_strided_slice %slice3A_273 {offsets = [256, 0], sizes = [128, 128], strides = [1, 1]} : vector<2048x128xf32> to vector<128x128xf32>
    %dot_general3A_367 = arith.constant dense<0.000000e+00> : vector<128x128xf32>
    %dot_general3A_368 = tpu.matmul %slice3A_365, %slice3A_366, %dot_general3A_367 {dimension_numbers = #tpu.dot_dimension_numbers<[1], [0], [0], [1], [0, 0, 1, 1], [], []>, transpose_lhs_hint = false} : vector<128x128xf32>, vector<128x128xf32>, vector<128x128xf32> -> vector<128x128xf32>
    %slice3A_369 = vector.extract_strided_slice %mul3A_356 {offsets = [384, 0], sizes = [128, 128], strides = [1, 1]} : vector<2048x128xf32> to vector<128x128xf32>
    %slice3A_370 = vector.extract_strided_slice %slice3A_273 {offsets = [384, 0], sizes = [128, 128], strides = [1, 1]} : vector<2048x128xf32> to vector<128x128xf32>
    %dot_general3A_371 = arith.constant dense<0.000000e+00> : vector<128x128xf32>
    %dot_general3A_372 = tpu.matmul %slice3A_369, %slice3A_370, %dot_general3A_371 {dimension_numbers = #tpu.dot_dimension_numbers<[1], [0], [0], [1], [0, 0, 1, 1], [], []>, transpose_lhs_hint = false} : vector<128x128xf32>, vector<128x128xf32>, vector<128x128xf32> -> vector<128x128xf32>
    %slice3A_373 = vector.extract_strided_slice %mul3A_356 {offsets = [512, 0], sizes = [128, 128], strides = [1, 1]} : vector<2048x128xf32> to vector<128x128xf32>
    %slice3A_374 = vector.extract_strided_slice %slice3A_273 {offsets = [512, 0], sizes = [128, 128], strides = [1, 1]} : vector<2048x128xf32> to vector<128x128xf32>
    %dot_general3A_375 = arith.constant dense<0.000000e+00> : vector<128x128xf32>
    %dot_general3A_376 = tpu.matmul %slice3A_373, %slice3A_374, %dot_general3A_375 {dimension_numbers = #tpu.dot_dimension_numbers<[1], [0], [0], [1], [0, 0, 1, 1], [], []>, transpose_lhs_hint = false} : vector<128x128xf32>, vector<128x128xf32>, vector<128x128xf32> -> vector<128x128xf32>
    %slice3A_377 = vector.extract_strided_slice %mul3A_356 {offsets = [640, 0], sizes = [128, 128], strides = [1, 1]} : vector<2048x128xf32> to vector<128x128xf32>
    %slice3A_378 = vector.extract_strided_slice %slice3A_273 {offsets = [640, 0], sizes = [128, 128], strides = [1, 1]} : vector<2048x128xf32> to vector<128x128xf32>
    %dot_general3A_379 = arith.constant dense<0.000000e+00> : vector<128x128xf32>
    %dot_general3A_380 = tpu.matmul %slice3A_377, %slice3A_378, %dot_general3A_379 {dimension_numbers = #tpu.dot_dimension_numbers<[1], [0], [0], [1], [0, 0, 1, 1], [], []>, transpose_lhs_hint = false} : vector<128x128xf32>, vector<128x128xf32>, vector<128x128xf32> -> vector<128x128xf32>
    %slice3A_381 = vector.extract_strided_slice %mul3A_356 {offsets = [768, 0], sizes = [128, 128], strides = [1, 1]} : vector<2048x128xf32> to vector<128x128xf32>
    %slice3A_382 = vector.extract_strided_slice %slice3A_273 {offsets = [768, 0], sizes = [128, 128], strides = [1, 1]} : vector<2048x128xf32> to vector<128x128xf32>
    %dot_general3A_383 = arith.constant dense<0.000000e+00> : vector<128x128xf32>
    %dot_general3A_384 = tpu.matmul %slice3A_381, %slice3A_382, %dot_general3A_383 {dimension_numbers = #tpu.dot_dimension_numbers<[1], [0], [0], [1], [0, 0, 1, 1], [], []>, transpose_lhs_hint = false} : vector<128x128xf32>, vector<128x128xf32>, vector<128x128xf32> -> vector<128x128xf32>
    %slice3A_385 = vector.extract_strided_slice %mul3A_356 {offsets = [896, 0], sizes = [128, 128], strides = [1, 1]} : vector<2048x128xf32> to vector<128x128xf32>
    %slice3A_386 = vector.extract_strided_slice %slice3A_273 {offsets = [896, 0], sizes = [128, 128], strides = [1, 1]} : vector<2048x128xf32> to vector<128x128xf32>
    %dot_general3A_387 = arith.constant dense<0.000000e+00> : vector<128x128xf32>
    %dot_general3A_388 = tpu.matmul %slice3A_385, %slice3A_386, %dot_general3A_387 {dimension_numbers = #tpu.dot_dimension_numbers<[1], [0], [0], [1], [0, 0, 1, 1], [], []>, transpose_lhs_hint = false} : vector<128x128xf32>, vector<128x128xf32>, vector<128x128xf32> -> vector<128x128xf32>
    %slice3A_389 = vector.extract_strided_slice %mul3A_356 {offsets = [1024, 0], sizes = [128, 128], strides = [1, 1]} : vector<2048x128xf32> to vector<128x128xf32>
    %slice3A_390 = vector.extract_strided_slice %slice3A_273 {offsets = [1024, 0], sizes = [128, 128], strides = [1, 1]} : vector<2048x128xf32> to vector<128x128xf32>
    %dot_general3A_391 = arith.constant dense<0.000000e+00> : vector<128x128xf32>
    %dot_general3A_392 = tpu.matmul %slice3A_389, %slice3A_390, %dot_general3A_391 {dimension_numbers = #tpu.dot_dimension_numbers<[1], [0], [0], [1], [0, 0, 1, 1], [], []>, transpose_lhs_hint = false} : vector<128x128xf32>, vector<128x128xf32>, vector<128x128xf32> -> vector<128x128xf32>
    %slice3A_393 = vector.extract_strided_slice %mul3A_356 {offsets = [1152, 0], sizes = [128, 128], strides = [1, 1]} : vector<2048x128xf32> to vector<128x128xf32>
    %slice3A_394 = vector.extract_strided_slice %slice3A_273 {offsets = [1152, 0], sizes = [128, 128], strides = [1, 1]} : vector<2048x128xf32> to vector<128x128xf32>
    %dot_general3A_395 = arith.constant dense<0.000000e+00> : vector<128x128xf32>
    %dot_general3A_396 = tpu.matmul %slice3A_393, %slice3A_394, %dot_general3A_395 {dimension_numbers = #tpu.dot_dimension_numbers<[1], [0], [0], [1], [0, 0, 1, 1], [], []>, transpose_lhs_hint = false} : vector<128x128xf32>, vector<128x128xf32>, vector<128x128xf32> -> vector<128x128xf32>
    %slice3A_397 = vector.extract_strided_slice %mul3A_356 {offsets = [1280, 0], sizes = [128, 128], strides = [1, 1]} : vector<2048x128xf32> to vector<128x128xf32>
    %slice3A_398 = vector.extract_strided_slice %slice3A_273 {offsets = [1280, 0], sizes = [128, 128], strides = [1, 1]} : vector<2048x128xf32> to vector<128x128xf32>
    %dot_general3A_399 = arith.constant dense<0.000000e+00> : vector<128x128xf32>
    %dot_general3A_400 = tpu.matmul %slice3A_397, %slice3A_398, %dot_general3A_399 {dimension_numbers = #tpu.dot_dimension_numbers<[1], [0], [0], [1], [0, 0, 1, 1], [], []>, transpose_lhs_hint = false} : vector<128x128xf32>, vector<128x128xf32>, vector<128x128xf32> -> vector<128x128xf32>
    %slice3A_401 = vector.extract_strided_slice %mul3A_356 {offsets = [1408, 0], sizes = [128, 128], strides = [1, 1]} : vector<2048x128xf32> to vector<128x128xf32>
    %slice3A_402 = vector.extract_strided_slice %slice3A_273 {offsets = [1408, 0], sizes = [128, 128], strides = [1, 1]} : vector<2048x128xf32> to vector<128x128xf32>
    %dot_general3A_403 = arith.constant dense<0.000000e+00> : vector<128x128xf32>
    %dot_general3A_404 = tpu.matmul %slice3A_401, %slice3A_402, %dot_general3A_403 {dimension_numbers = #tpu.dot_dimension_numbers<[1], [0], [0], [1], [0, 0, 1, 1], [], []>, transpose_lhs_hint = false} : vector<128x128xf32>, vector<128x128xf32>, vector<128x128xf32> -> vector<128x128xf32>
    %slice3A_405 = vector.extract_strided_slice %mul3A_356 {offsets = [1536, 0], sizes = [128, 128], strides = [1, 1]} : vector<2048x128xf32> to vector<128x128xf32>
    %slice3A_406 = vector.extract_strided_slice %slice3A_273 {offsets = [1536, 0], sizes = [128, 128], strides = [1, 1]} : vector<2048x128xf32> to vector<128x128xf32>
    %dot_general3A_407 = arith.constant dense<0.000000e+00> : vector<128x128xf32>
    %dot_general3A_408 = tpu.matmul %slice3A_405, %slice3A_406, %dot_general3A_407 {dimension_numbers = #tpu.dot_dimension_numbers<[1], [0], [0], [1], [0, 0, 1, 1], [], []>, transpose_lhs_hint = false} : vector<128x128xf32>, vector<128x128xf32>, vector<128x128xf32> -> vector<128x128xf32>
    %slice3A_409 = vector.extract_strided_slice %mul3A_356 {offsets = [1664, 0], sizes = [128, 128], strides = [1, 1]} : vector<2048x128xf32> to vector<128x128xf32>
    %slice3A_410 = vector.extract_strided_slice %slice3A_273 {offsets = [1664, 0], sizes = [128, 128], strides = [1, 1]} : vector<2048x128xf32> to vector<128x128xf32>
    %dot_general3A_411 = arith.constant dense<0.000000e+00> : vector<128x128xf32>
    %dot_general3A_412 = tpu.matmul %slice3A_409, %slice3A_410, %dot_general3A_411 {dimension_numbers = #tpu.dot_dimension_numbers<[1], [0], [0], [1], [0, 0, 1, 1], [], []>, transpose_lhs_hint = false} : vector<128x128xf32>, vector<128x128xf32>, vector<128x128xf32> -> vector<128x128xf32>
    %slice3A_413 = vector.extract_strided_slice %mul3A_356 {offsets = [1792, 0], sizes = [128, 128], strides = [1, 1]} : vector<2048x128xf32> to vector<128x128xf32>
    %slice3A_414 = vector.extract_strided_slice %slice3A_273 {offsets = [1792, 0], sizes = [128, 128], strides = [1, 1]} : vector<2048x128xf32> to vector<128x128xf32>
    %dot_general3A_415 = arith.constant dense<0.000000e+00> : vector<128x128xf32>
    %dot_general3A_416 = tpu.matmul %slice3A_413, %slice3A_414, %dot_general3A_415 {dimension_numbers = #tpu.dot_dimension_numbers<[1], [0], [0], [1], [0, 0, 1, 1], [], []>, transpose_lhs_hint = false} : vector<128x128xf32>, vector<128x128xf32>, vector<128x128xf32> -> vector<128x128xf32>
    %slice3A_417 = vector.extract_strided_slice %mul3A_356 {offsets = [1920, 0], sizes = [128, 128], strides = [1, 1]} : vector<2048x128xf32> to vector<128x128xf32>
    %slice3A_418 = vector.extract_strided_slice %slice3A_273 {offsets = [1920, 0], sizes = [128, 128], strides = [1, 1]} : vector<2048x128xf32> to vector<128x128xf32>
    %dot_general3A_419 = arith.constant dense<0.000000e+00> : vector<128x128xf32>
    %dot_general3A_420 = tpu.matmul %slice3A_417, %slice3A_418, %dot_general3A_419 {dimension_numbers = #tpu.dot_dimension_numbers<[1], [0], [0], [1], [0, 0, 1, 1], [], []>, transpose_lhs_hint = false} : vector<128x128xf32>, vector<128x128xf32>, vector<128x128xf32> -> vector<128x128xf32>
    %concatenate3A_421 = tpu.concatenate %dot_general3A_360, %dot_general3A_364, %dot_general3A_368, %dot_general3A_372, %dot_general3A_376, %dot_general3A_380, %dot_general3A_384, %dot_general3A_388, %dot_general3A_392, %dot_general3A_396, %dot_general3A_400, %dot_general3A_404, %dot_general3A_408, %dot_general3A_412, %dot_general3A_416, %dot_general3A_420 in 0 : vector<128x128xf32>, vector<128x128xf32>, vector<128x128xf32>, vector<128x128xf32>, vector<128x128xf32>, vector<128x128xf32>, vector<128x128xf32>, vector<128x128xf32>, vector<128x128xf32>, vector<128x128xf32>, vector<128x128xf32>, vector<128x128xf32>, vector<128x128xf32>, vector<128x128xf32>, vector<128x128xf32>, vector<128x128xf32> -> vector<2048x128xf32>
    %slice3A_422 = vector.extract_strided_slice %dot_general3A_127 {offsets = [0, 256], sizes = [2048, 128], strides = [1, 1]} : vector<2048x512xf32> to vector<2048x128xf32>
    %slice3A_423 = vector.extract_strided_slice %get3A_116 {offsets = [2, 0], sizes = [1, 128], strides = [1, 1]} : vector<4x128xf32> to vector<1x128xf32>
    %squeeze3A_424 = vector.shape_cast %slice3A_423 : vector<1x128xf32> to vector<128xf32>
    %broadcast_in_dim3A_425 = vector.shape_cast %squeeze3A_424 : vector<128xf32> to vector<1x128xf32>
    %broadcast_in_dim3A_426 = vector.shape_cast %broadcast_in_dim3A_425 : vector<1x128xf32> to vector<1x128xf32>
    %broadcast_in_dim3A_427 = vector.broadcast %broadcast_in_dim3A_426 : vector<1x128xf32> to vector<128x128xf32>
    %slice3A_428 = vector.extract_strided_slice %get3A_121 {offsets = [2, 0], sizes = [1, 128], strides = [1, 1]} : vector<4x128xf32> to vector<1x128xf32>
    %squeeze3A_429 = vector.shape_cast %slice3A_428 : vector<1x128xf32> to vector<128xf32>
    %broadcast_in_dim3A_430 = vector.shape_cast %squeeze3A_429 : vector<128xf32> to vector<1x128xf32>
    %broadcast_in_dim3A_431 = vector.shape_cast %broadcast_in_dim3A_430 : vector<1x128xf32> to vector<1x128xf32>
    %broadcast_in_dim3A_432 = vector.broadcast %broadcast_in_dim3A_431 : vector<1x128xf32> to vector<128x128xf32>
    %slice3A_433 = vector.extract_strided_slice %slice3A_422 {offsets = [0, 0], sizes = [128, 128], strides = [1, 1]} : vector<2048x128xf32> to vector<128x128xf32>
    %dot_general3A_434 = arith.constant dense<0.000000e+00> : vector<128x128xf32>
    %dot_general3A_435 = tpu.matmul %broadcast_in_dim3A_427, %slice3A_433, %dot_general3A_434 {dimension_numbers = #tpu.dot_dimension_numbers<[1], [1], [0], [0], [0, 0, 1, 0], [], []>, transpose_lhs_hint = false} : vector<128x128xf32>, vector<128x128xf32>, vector<128x128xf32> -> vector<128x128xf32>
    %slice3A_436 = vector.extract_strided_slice %slice3A_422 {offsets = [128, 0], sizes = [128, 128], strides = [1, 1]} : vector<2048x128xf32> to vector<128x128xf32>
    %dot_general3A_437 = arith.constant dense<0.000000e+00> : vector<128x128xf32>
    %dot_general3A_438 = tpu.matmul %broadcast_in_dim3A_427, %slice3A_436, %dot_general3A_437 {dimension_numbers = #tpu.dot_dimension_numbers<[1], [1], [0], [0], [0, 0, 1, 0], [], []>, transpose_lhs_hint = false} : vector<128x128xf32>, vector<128x128xf32>, vector<128x128xf32> -> vector<128x128xf32>
    %slice3A_439 = vector.extract_strided_slice %slice3A_422 {offsets = [256, 0], sizes = [128, 128], strides = [1, 1]} : vector<2048x128xf32> to vector<128x128xf32>
    %dot_general3A_440 = arith.constant dense<0.000000e+00> : vector<128x128xf32>
    %dot_general3A_441 = tpu.matmul %broadcast_in_dim3A_427, %slice3A_439, %dot_general3A_440 {dimension_numbers = #tpu.dot_dimension_numbers<[1], [1], [0], [0], [0, 0, 1, 0], [], []>, transpose_lhs_hint = false} : vector<128x128xf32>, vector<128x128xf32>, vector<128x128xf32> -> vector<128x128xf32>
    %slice3A_442 = vector.extract_strided_slice %slice3A_422 {offsets = [384, 0], sizes = [128, 128], strides = [1, 1]} : vector<2048x128xf32> to vector<128x128xf32>
    %dot_general3A_443 = arith.constant dense<0.000000e+00> : vector<128x128xf32>
    %dot_general3A_444 = tpu.matmul %broadcast_in_dim3A_427, %slice3A_442, %dot_general3A_443 {dimension_numbers = #tpu.dot_dimension_numbers<[1], [1], [0], [0], [0, 0, 1, 0], [], []>, transpose_lhs_hint = false} : vector<128x128xf32>, vector<128x128xf32>, vector<128x128xf32> -> vector<128x128xf32>
    %slice3A_445 = vector.extract_strided_slice %slice3A_422 {offsets = [512, 0], sizes = [128, 128], strides = [1, 1]} : vector<2048x128xf32> to vector<128x128xf32>
    %dot_general3A_446 = arith.constant dense<0.000000e+00> : vector<128x128xf32>
    %dot_general3A_447 = tpu.matmul %broadcast_in_dim3A_427, %slice3A_445, %dot_general3A_446 {dimension_numbers = #tpu.dot_dimension_numbers<[1], [1], [0], [0], [0, 0, 1, 0], [], []>, transpose_lhs_hint = false} : vector<128x128xf32>, vector<128x128xf32>, vector<128x128xf32> -> vector<128x128xf32>
    %slice3A_448 = vector.extract_strided_slice %slice3A_422 {offsets = [640, 0], sizes = [128, 128], strides = [1, 1]} : vector<2048x128xf32> to vector<128x128xf32>
    %dot_general3A_449 = arith.constant dense<0.000000e+00> : vector<128x128xf32>
    %dot_general3A_450 = tpu.matmul %broadcast_in_dim3A_427, %slice3A_448, %dot_general3A_449 {dimension_numbers = #tpu.dot_dimension_numbers<[1], [1], [0], [0], [0, 0, 1, 0], [], []>, transpose_lhs_hint = false} : vector<128x128xf32>, vector<128x128xf32>, vector<128x128xf32> -> vector<128x128xf32>
    %slice3A_451 = vector.extract_strided_slice %slice3A_422 {offsets = [768, 0], sizes = [128, 128], strides = [1, 1]} : vector<2048x128xf32> to vector<128x128xf32>
    %dot_general3A_452 = arith.constant dense<0.000000e+00> : vector<128x128xf32>
    %dot_general3A_453 = tpu.matmul %broadcast_in_dim3A_427, %slice3A_451, %dot_general3A_452 {dimension_numbers = #tpu.dot_dimension_numbers<[1], [1], [0], [0], [0, 0, 1, 0], [], []>, transpose_lhs_hint = false} : vector<128x128xf32>, vector<128x128xf32>, vector<128x128xf32> -> vector<128x128xf32>
    %slice3A_454 = vector.extract_strided_slice %slice3A_422 {offsets = [896, 0], sizes = [128, 128], strides = [1, 1]} : vector<2048x128xf32> to vector<128x128xf32>
    %dot_general3A_455 = arith.constant dense<0.000000e+00> : vector<128x128xf32>
    %dot_general3A_456 = tpu.matmul %broadcast_in_dim3A_427, %slice3A_454, %dot_general3A_455 {dimension_numbers = #tpu.dot_dimension_numbers<[1], [1], [0], [0], [0, 0, 1, 0], [], []>, transpose_lhs_hint = false} : vector<128x128xf32>, vector<128x128xf32>, vector<128x128xf32> -> vector<128x128xf32>
    %slice3A_457 = vector.extract_strided_slice %slice3A_422 {offsets = [1024, 0], sizes = [128, 128], strides = [1, 1]} : vector<2048x128xf32> to vector<128x128xf32>
    %dot_general3A_458 = arith.constant dense<0.000000e+00> : vector<128x128xf32>
    %dot_general3A_459 = tpu.matmul %broadcast_in_dim3A_427, %slice3A_457, %dot_general3A_458 {dimension_numbers = #tpu.dot_dimension_numbers<[1], [1], [0], [0], [0, 0, 1, 0], [], []>, transpose_lhs_hint = false} : vector<128x128xf32>, vector<128x128xf32>, vector<128x128xf32> -> vector<128x128xf32>
    %slice3A_460 = vector.extract_strided_slice %slice3A_422 {offsets = [1152, 0], sizes = [128, 128], strides = [1, 1]} : vector<2048x128xf32> to vector<128x128xf32>
    %dot_general3A_461 = arith.constant dense<0.000000e+00> : vector<128x128xf32>
    %dot_general3A_462 = tpu.matmul %broadcast_in_dim3A_427, %slice3A_460, %dot_general3A_461 {dimension_numbers = #tpu.dot_dimension_numbers<[1], [1], [0], [0], [0, 0, 1, 0], [], []>, transpose_lhs_hint = false} : vector<128x128xf32>, vector<128x128xf32>, vector<128x128xf32> -> vector<128x128xf32>
    %slice3A_463 = vector.extract_strided_slice %slice3A_422 {offsets = [1280, 0], sizes = [128, 128], strides = [1, 1]} : vector<2048x128xf32> to vector<128x128xf32>
    %dot_general3A_464 = arith.constant dense<0.000000e+00> : vector<128x128xf32>
    %dot_general3A_465 = tpu.matmul %broadcast_in_dim3A_427, %slice3A_463, %dot_general3A_464 {dimension_numbers = #tpu.dot_dimension_numbers<[1], [1], [0], [0], [0, 0, 1, 0], [], []>, transpose_lhs_hint = false} : vector<128x128xf32>, vector<128x128xf32>, vector<128x128xf32> -> vector<128x128xf32>
    %slice3A_466 = vector.extract_strided_slice %slice3A_422 {offsets = [1408, 0], sizes = [128, 128], strides = [1, 1]} : vector<2048x128xf32> to vector<128x128xf32>
    %dot_general3A_467 = arith.constant dense<0.000000e+00> : vector<128x128xf32>
    %dot_general3A_468 = tpu.matmul %broadcast_in_dim3A_427, %slice3A_466, %dot_general3A_467 {dimension_numbers = #tpu.dot_dimension_numbers<[1], [1], [0], [0], [0, 0, 1, 0], [], []>, transpose_lhs_hint = false} : vector<128x128xf32>, vector<128x128xf32>, vector<128x128xf32> -> vector<128x128xf32>
    %slice3A_469 = vector.extract_strided_slice %slice3A_422 {offsets = [1536, 0], sizes = [128, 128], strides = [1, 1]} : vector<2048x128xf32> to vector<128x128xf32>
    %dot_general3A_470 = arith.constant dense<0.000000e+00> : vector<128x128xf32>
    %dot_general3A_471 = tpu.matmul %broadcast_in_dim3A_427, %slice3A_469, %dot_general3A_470 {dimension_numbers = #tpu.dot_dimension_numbers<[1], [1], [0], [0], [0, 0, 1, 0], [], []>, transpose_lhs_hint = false} : vector<128x128xf32>, vector<128x128xf32>, vector<128x128xf32> -> vector<128x128xf32>
    %slice3A_472 = vector.extract_strided_slice %slice3A_422 {offsets = [1664, 0], sizes = [128, 128], strides = [1, 1]} : vector<2048x128xf32> to vector<128x128xf32>
    %dot_general3A_473 = arith.constant dense<0.000000e+00> : vector<128x128xf32>
    %dot_general3A_474 = tpu.matmul %broadcast_in_dim3A_427, %slice3A_472, %dot_general3A_473 {dimension_numbers = #tpu.dot_dimension_numbers<[1], [1], [0], [0], [0, 0, 1, 0], [], []>, transpose_lhs_hint = false} : vector<128x128xf32>, vector<128x128xf32>, vector<128x128xf32> -> vector<128x128xf32>
    %slice3A_475 = vector.extract_strided_slice %slice3A_422 {offsets = [1792, 0], sizes = [128, 128], strides = [1, 1]} : vector<2048x128xf32> to vector<128x128xf32>
    %dot_general3A_476 = arith.constant dense<0.000000e+00> : vector<128x128xf32>
    %dot_general3A_477 = tpu.matmul %broadcast_in_dim3A_427, %slice3A_475, %dot_general3A_476 {dimension_numbers = #tpu.dot_dimension_numbers<[1], [1], [0], [0], [0, 0, 1, 0], [], []>, transpose_lhs_hint = false} : vector<128x128xf32>, vector<128x128xf32>, vector<128x128xf32> -> vector<128x128xf32>
    %slice3A_478 = vector.extract_strided_slice %slice3A_422 {offsets = [1920, 0], sizes = [128, 128], strides = [1, 1]} : vector<2048x128xf32> to vector<128x128xf32>
    %dot_general3A_479 = arith.constant dense<0.000000e+00> : vector<128x128xf32>
    %dot_general3A_480 = tpu.matmul %broadcast_in_dim3A_427, %slice3A_478, %dot_general3A_479 {dimension_numbers = #tpu.dot_dimension_numbers<[1], [1], [0], [0], [0, 0, 1, 0], [], []>, transpose_lhs_hint = false} : vector<128x128xf32>, vector<128x128xf32>, vector<128x128xf32> -> vector<128x128xf32>
    %concatenate3A_481 = tpu.concatenate %dot_general3A_435, %dot_general3A_438, %dot_general3A_441, %dot_general3A_444, %dot_general3A_447, %dot_general3A_450, %dot_general3A_453, %dot_general3A_456, %dot_general3A_459, %dot_general3A_462, %dot_general3A_465, %dot_general3A_468, %dot_general3A_471, %dot_general3A_474, %dot_general3A_477, %dot_general3A_480 in 0 : vector<128x128xf32>, vector<128x128xf32>, vector<128x128xf32>, vector<128x128xf32>, vector<128x128xf32>, vector<128x128xf32>, vector<128x128xf32>, vector<128x128xf32>, vector<128x128xf32>, vector<128x128xf32>, vector<128x128xf32>, vector<128x128xf32>, vector<128x128xf32>, vector<128x128xf32>, vector<128x128xf32>, vector<128x128xf32> -> vector<2048x128xf32>
    %dot_general3A_482 = arith.constant dense<0.000000e+00> : vector<2048x128xf32>
    %dot_general3A_483 = tpu.matmul %slice3A_422, %broadcast_in_dim3A_432, %dot_general3A_482 {dimension_numbers = #tpu.dot_dimension_numbers<[1], [1], [0], [0], [0, 0, 1, 0], [], []>, transpose_lhs_hint = false} : vector<2048x128xf32>, vector<128x128xf32>, vector<2048x128xf32> -> vector<2048x128xf32>
    %add3A_484 = arith.addf %concatenate3A_481, %dot_general3A_483 : vector<2048x128xf32>
    %gt3A_485 = arith.constant 0.000000e+00 : f32
    %gt3A_486 = vector.broadcast %gt3A_485 : f32 to vector<2048x128xf32>
    %gt3A_487 = arith.cmpf ogt, %add3A_484, %gt3A_486 : vector<2048x128xf32>
    %mul3A_488 = arith.constant 2.000000e-01 : f32
    %mul3A_489 = vector.broadcast %mul3A_488 : f32 to vector<2048x128xf32>
    %mul3A_490 = arith.mulf %mul3A_489, %add3A_484 : vector<2048x128xf32>
    %select_n3A_491 = arith.select %gt3A_487, %add3A_484, %mul3A_490 : vector<2048x128xi1>, vector<2048x128xf32>
    %min3A_492 = arith.constant 6.000000e+01 : f32
    %min3A_493 = vector.broadcast %min3A_492 : f32 to vector<2048x128xf32>
    %min3A_494 = arith.minimumf %select_n3A_491, %min3A_493 : vector<2048x128xf32>
    %exp3A_495 = math.exp %min3A_494 : vector<2048x128xf32>
    %mul3A_496 = arith.mulf %mul3A_106, %exp3A_495 : vector<2048x128xf32>
    %dot_general3A_497 = arith.constant dense<0.000000e+00> : vector<2048x128xf32>
    %dot_general3A_498 = tpu.matmul %mul3A_496, %broadcast_in_dim3A_129, %dot_general3A_497 {dimension_numbers = #tpu.dot_dimension_numbers<[1], [0], [0], [1], [0, 0, 1, 1], [], []>, transpose_lhs_hint = false} : vector<2048x128xf32>, vector<128x128xf32>, vector<2048x128xf32> -> vector<2048x128xf32>
    %add3A_499 = arith.constant 1.000000e-16 : f32
    %add3A_500 = vector.broadcast %add3A_499 : f32 to vector<2048x128xf32>
    %add3A_501 = arith.addf %dot_general3A_498, %add3A_500 : vector<2048x128xf32>
    %div3A_502 = arith.constant 1.000000e+00 : f32
    %div3A_503 = vector.broadcast %div3A_502 : f32 to vector<2048x128xf32>
    %div3A_504 = arith.divf %div3A_503, %add3A_501 : vector<2048x128xf32>
    %mul3A_505 = arith.mulf %mul3A_496, %div3A_504 : vector<2048x128xf32>
    %slice3A_506 = vector.extract_strided_slice %mul3A_505 {offsets = [0, 0], sizes = [128, 128], strides = [1, 1]} : vector<2048x128xf32> to vector<128x128xf32>
    %slice3A_507 = vector.extract_strided_slice %slice3A_422 {offsets = [0, 0], sizes = [128, 128], strides = [1, 1]} : vector<2048x128xf32> to vector<128x128xf32>
    %dot_general3A_508 = arith.constant dense<0.000000e+00> : vector<128x128xf32>
    %dot_general3A_509 = tpu.matmul %slice3A_506, %slice3A_507, %dot_general3A_508 {dimension_numbers = #tpu.dot_dimension_numbers<[1], [0], [0], [1], [0, 0, 1, 1], [], []>, transpose_lhs_hint = false} : vector<128x128xf32>, vector<128x128xf32>, vector<128x128xf32> -> vector<128x128xf32>
    %slice3A_510 = vector.extract_strided_slice %mul3A_505 {offsets = [128, 0], sizes = [128, 128], strides = [1, 1]} : vector<2048x128xf32> to vector<128x128xf32>
    %slice3A_511 = vector.extract_strided_slice %slice3A_422 {offsets = [128, 0], sizes = [128, 128], strides = [1, 1]} : vector<2048x128xf32> to vector<128x128xf32>
    %dot_general3A_512 = arith.constant dense<0.000000e+00> : vector<128x128xf32>
    %dot_general3A_513 = tpu.matmul %slice3A_510, %slice3A_511, %dot_general3A_512 {dimension_numbers = #tpu.dot_dimension_numbers<[1], [0], [0], [1], [0, 0, 1, 1], [], []>, transpose_lhs_hint = false} : vector<128x128xf32>, vector<128x128xf32>, vector<128x128xf32> -> vector<128x128xf32>
    %slice3A_514 = vector.extract_strided_slice %mul3A_505 {offsets = [256, 0], sizes = [128, 128], strides = [1, 1]} : vector<2048x128xf32> to vector<128x128xf32>
    %slice3A_515 = vector.extract_strided_slice %slice3A_422 {offsets = [256, 0], sizes = [128, 128], strides = [1, 1]} : vector<2048x128xf32> to vector<128x128xf32>
    %dot_general3A_516 = arith.constant dense<0.000000e+00> : vector<128x128xf32>
    %dot_general3A_517 = tpu.matmul %slice3A_514, %slice3A_515, %dot_general3A_516 {dimension_numbers = #tpu.dot_dimension_numbers<[1], [0], [0], [1], [0, 0, 1, 1], [], []>, transpose_lhs_hint = false} : vector<128x128xf32>, vector<128x128xf32>, vector<128x128xf32> -> vector<128x128xf32>
    %slice3A_518 = vector.extract_strided_slice %mul3A_505 {offsets = [384, 0], sizes = [128, 128], strides = [1, 1]} : vector<2048x128xf32> to vector<128x128xf32>
    %slice3A_519 = vector.extract_strided_slice %slice3A_422 {offsets = [384, 0], sizes = [128, 128], strides = [1, 1]} : vector<2048x128xf32> to vector<128x128xf32>
    %dot_general3A_520 = arith.constant dense<0.000000e+00> : vector<128x128xf32>
    %dot_general3A_521 = tpu.matmul %slice3A_518, %slice3A_519, %dot_general3A_520 {dimension_numbers = #tpu.dot_dimension_numbers<[1], [0], [0], [1], [0, 0, 1, 1], [], []>, transpose_lhs_hint = false} : vector<128x128xf32>, vector<128x128xf32>, vector<128x128xf32> -> vector<128x128xf32>
    %slice3A_522 = vector.extract_strided_slice %mul3A_505 {offsets = [512, 0], sizes = [128, 128], strides = [1, 1]} : vector<2048x128xf32> to vector<128x128xf32>
    %slice3A_523 = vector.extract_strided_slice %slice3A_422 {offsets = [512, 0], sizes = [128, 128], strides = [1, 1]} : vector<2048x128xf32> to vector<128x128xf32>
    %dot_general3A_524 = arith.constant dense<0.000000e+00> : vector<128x128xf32>
    %dot_general3A_525 = tpu.matmul %slice3A_522, %slice3A_523, %dot_general3A_524 {dimension_numbers = #tpu.dot_dimension_numbers<[1], [0], [0], [1], [0, 0, 1, 1], [], []>, transpose_lhs_hint = false} : vector<128x128xf32>, vector<128x128xf32>, vector<128x128xf32> -> vector<128x128xf32>
    %slice3A_526 = vector.extract_strided_slice %mul3A_505 {offsets = [640, 0], sizes = [128, 128], strides = [1, 1]} : vector<2048x128xf32> to vector<128x128xf32>
    %slice3A_527 = vector.extract_strided_slice %slice3A_422 {offsets = [640, 0], sizes = [128, 128], strides = [1, 1]} : vector<2048x128xf32> to vector<128x128xf32>
    %dot_general3A_528 = arith.constant dense<0.000000e+00> : vector<128x128xf32>
    %dot_general3A_529 = tpu.matmul %slice3A_526, %slice3A_527, %dot_general3A_528 {dimension_numbers = #tpu.dot_dimension_numbers<[1], [0], [0], [1], [0, 0, 1, 1], [], []>, transpose_lhs_hint = false} : vector<128x128xf32>, vector<128x128xf32>, vector<128x128xf32> -> vector<128x128xf32>
    %slice3A_530 = vector.extract_strided_slice %mul3A_505 {offsets = [768, 0], sizes = [128, 128], strides = [1, 1]} : vector<2048x128xf32> to vector<128x128xf32>
    %slice3A_531 = vector.extract_strided_slice %slice3A_422 {offsets = [768, 0], sizes = [128, 128], strides = [1, 1]} : vector<2048x128xf32> to vector<128x128xf32>
    %dot_general3A_532 = arith.constant dense<0.000000e+00> : vector<128x128xf32>
    %dot_general3A_533 = tpu.matmul %slice3A_530, %slice3A_531, %dot_general3A_532 {dimension_numbers = #tpu.dot_dimension_numbers<[1], [0], [0], [1], [0, 0, 1, 1], [], []>, transpose_lhs_hint = false} : vector<128x128xf32>, vector<128x128xf32>, vector<128x128xf32> -> vector<128x128xf32>
    %slice3A_534 = vector.extract_strided_slice %mul3A_505 {offsets = [896, 0], sizes = [128, 128], strides = [1, 1]} : vector<2048x128xf32> to vector<128x128xf32>
    %slice3A_535 = vector.extract_strided_slice %slice3A_422 {offsets = [896, 0], sizes = [128, 128], strides = [1, 1]} : vector<2048x128xf32> to vector<128x128xf32>
    %dot_general3A_536 = arith.constant dense<0.000000e+00> : vector<128x128xf32>
    %dot_general3A_537 = tpu.matmul %slice3A_534, %slice3A_535, %dot_general3A_536 {dimension_numbers = #tpu.dot_dimension_numbers<[1], [0], [0], [1], [0, 0, 1, 1], [], []>, transpose_lhs_hint = false} : vector<128x128xf32>, vector<128x128xf32>, vector<128x128xf32> -> vector<128x128xf32>
    %slice3A_538 = vector.extract_strided_slice %mul3A_505 {offsets = [1024, 0], sizes = [128, 128], strides = [1, 1]} : vector<2048x128xf32> to vector<128x128xf32>
    %slice3A_539 = vector.extract_strided_slice %slice3A_422 {offsets = [1024, 0], sizes = [128, 128], strides = [1, 1]} : vector<2048x128xf32> to vector<128x128xf32>
    %dot_general3A_540 = arith.constant dense<0.000000e+00> : vector<128x128xf32>
    %dot_general3A_541 = tpu.matmul %slice3A_538, %slice3A_539, %dot_general3A_540 {dimension_numbers = #tpu.dot_dimension_numbers<[1], [0], [0], [1], [0, 0, 1, 1], [], []>, transpose_lhs_hint = false} : vector<128x128xf32>, vector<128x128xf32>, vector<128x128xf32> -> vector<128x128xf32>
    %slice3A_542 = vector.extract_strided_slice %mul3A_505 {offsets = [1152, 0], sizes = [128, 128], strides = [1, 1]} : vector<2048x128xf32> to vector<128x128xf32>
    %slice3A_543 = vector.extract_strided_slice %slice3A_422 {offsets = [1152, 0], sizes = [128, 128], strides = [1, 1]} : vector<2048x128xf32> to vector<128x128xf32>
    %dot_general3A_544 = arith.constant dense<0.000000e+00> : vector<128x128xf32>
    %dot_general3A_545 = tpu.matmul %slice3A_542, %slice3A_543, %dot_general3A_544 {dimension_numbers = #tpu.dot_dimension_numbers<[1], [0], [0], [1], [0, 0, 1, 1], [], []>, transpose_lhs_hint = false} : vector<128x128xf32>, vector<128x128xf32>, vector<128x128xf32> -> vector<128x128xf32>
    %slice3A_546 = vector.extract_strided_slice %mul3A_505 {offsets = [1280, 0], sizes = [128, 128], strides = [1, 1]} : vector<2048x128xf32> to vector<128x128xf32>
    %slice3A_547 = vector.extract_strided_slice %slice3A_422 {offsets = [1280, 0], sizes = [128, 128], strides = [1, 1]} : vector<2048x128xf32> to vector<128x128xf32>
    %dot_general3A_548 = arith.constant dense<0.000000e+00> : vector<128x128xf32>
    %dot_general3A_549 = tpu.matmul %slice3A_546, %slice3A_547, %dot_general3A_548 {dimension_numbers = #tpu.dot_dimension_numbers<[1], [0], [0], [1], [0, 0, 1, 1], [], []>, transpose_lhs_hint = false} : vector<128x128xf32>, vector<128x128xf32>, vector<128x128xf32> -> vector<128x128xf32>
    %slice3A_550 = vector.extract_strided_slice %mul3A_505 {offsets = [1408, 0], sizes = [128, 128], strides = [1, 1]} : vector<2048x128xf32> to vector<128x128xf32>
    %slice3A_551 = vector.extract_strided_slice %slice3A_422 {offsets = [1408, 0], sizes = [128, 128], strides = [1, 1]} : vector<2048x128xf32> to vector<128x128xf32>
    %dot_general3A_552 = arith.constant dense<0.000000e+00> : vector<128x128xf32>
    %dot_general3A_553 = tpu.matmul %slice3A_550, %slice3A_551, %dot_general3A_552 {dimension_numbers = #tpu.dot_dimension_numbers<[1], [0], [0], [1], [0, 0, 1, 1], [], []>, transpose_lhs_hint = false} : vector<128x128xf32>, vector<128x128xf32>, vector<128x128xf32> -> vector<128x128xf32>
    %slice3A_554 = vector.extract_strided_slice %mul3A_505 {offsets = [1536, 0], sizes = [128, 128], strides = [1, 1]} : vector<2048x128xf32> to vector<128x128xf32>
    %slice3A_555 = vector.extract_strided_slice %slice3A_422 {offsets = [1536, 0], sizes = [128, 128], strides = [1, 1]} : vector<2048x128xf32> to vector<128x128xf32>
    %dot_general3A_556 = arith.constant dense<0.000000e+00> : vector<128x128xf32>
    %dot_general3A_557 = tpu.matmul %slice3A_554, %slice3A_555, %dot_general3A_556 {dimension_numbers = #tpu.dot_dimension_numbers<[1], [0], [0], [1], [0, 0, 1, 1], [], []>, transpose_lhs_hint = false} : vector<128x128xf32>, vector<128x128xf32>, vector<128x128xf32> -> vector<128x128xf32>
    %slice3A_558 = vector.extract_strided_slice %mul3A_505 {offsets = [1664, 0], sizes = [128, 128], strides = [1, 1]} : vector<2048x128xf32> to vector<128x128xf32>
    %slice3A_559 = vector.extract_strided_slice %slice3A_422 {offsets = [1664, 0], sizes = [128, 128], strides = [1, 1]} : vector<2048x128xf32> to vector<128x128xf32>
    %dot_general3A_560 = arith.constant dense<0.000000e+00> : vector<128x128xf32>
    %dot_general3A_561 = tpu.matmul %slice3A_558, %slice3A_559, %dot_general3A_560 {dimension_numbers = #tpu.dot_dimension_numbers<[1], [0], [0], [1], [0, 0, 1, 1], [], []>, transpose_lhs_hint = false} : vector<128x128xf32>, vector<128x128xf32>, vector<128x128xf32> -> vector<128x128xf32>
    %slice3A_562 = vector.extract_strided_slice %mul3A_505 {offsets = [1792, 0], sizes = [128, 128], strides = [1, 1]} : vector<2048x128xf32> to vector<128x128xf32>
    %slice3A_563 = vector.extract_strided_slice %slice3A_422 {offsets = [1792, 0], sizes = [128, 128], strides = [1, 1]} : vector<2048x128xf32> to vector<128x128xf32>
    %dot_general3A_564 = arith.constant dense<0.000000e+00> : vector<128x128xf32>
    %dot_general3A_565 = tpu.matmul %slice3A_562, %slice3A_563, %dot_general3A_564 {dimension_numbers = #tpu.dot_dimension_numbers<[1], [0], [0], [1], [0, 0, 1, 1], [], []>, transpose_lhs_hint = false} : vector<128x128xf32>, vector<128x128xf32>, vector<128x128xf32> -> vector<128x128xf32>
    %slice3A_566 = vector.extract_strided_slice %mul3A_505 {offsets = [1920, 0], sizes = [128, 128], strides = [1, 1]} : vector<2048x128xf32> to vector<128x128xf32>
    %slice3A_567 = vector.extract_strided_slice %slice3A_422 {offsets = [1920, 0], sizes = [128, 128], strides = [1, 1]} : vector<2048x128xf32> to vector<128x128xf32>
    %dot_general3A_568 = arith.constant dense<0.000000e+00> : vector<128x128xf32>
    %dot_general3A_569 = tpu.matmul %slice3A_566, %slice3A_567, %dot_general3A_568 {dimension_numbers = #tpu.dot_dimension_numbers<[1], [0], [0], [1], [0, 0, 1, 1], [], []>, transpose_lhs_hint = false} : vector<128x128xf32>, vector<128x128xf32>, vector<128x128xf32> -> vector<128x128xf32>
    %concatenate3A_570 = tpu.concatenate %dot_general3A_509, %dot_general3A_513, %dot_general3A_517, %dot_general3A_521, %dot_general3A_525, %dot_general3A_529, %dot_general3A_533, %dot_general3A_537, %dot_general3A_541, %dot_general3A_545, %dot_general3A_549, %dot_general3A_553, %dot_general3A_557, %dot_general3A_561, %dot_general3A_565, %dot_general3A_569 in 0 : vector<128x128xf32>, vector<128x128xf32>, vector<128x128xf32>, vector<128x128xf32>, vector<128x128xf32>, vector<128x128xf32>, vector<128x128xf32>, vector<128x128xf32>, vector<128x128xf32>, vector<128x128xf32>, vector<128x128xf32>, vector<128x128xf32>, vector<128x128xf32>, vector<128x128xf32>, vector<128x128xf32>, vector<128x128xf32> -> vector<2048x128xf32>
    %slice3A_571 = vector.extract_strided_slice %dot_general3A_127 {offsets = [0, 384], sizes = [2048, 128], strides = [1, 1]} : vector<2048x512xf32> to vector<2048x128xf32>
    %slice3A_572 = vector.extract_strided_slice %get3A_116 {offsets = [3, 0], sizes = [1, 128], strides = [1, 1]} : vector<4x128xf32> to vector<1x128xf32>
    %squeeze3A_573 = vector.shape_cast %slice3A_572 : vector<1x128xf32> to vector<128xf32>
    %broadcast_in_dim3A_574 = vector.shape_cast %squeeze3A_573 : vector<128xf32> to vector<1x128xf32>
    %broadcast_in_dim3A_575 = vector.shape_cast %broadcast_in_dim3A_574 : vector<1x128xf32> to vector<1x128xf32>
    %broadcast_in_dim3A_576 = vector.broadcast %broadcast_in_dim3A_575 : vector<1x128xf32> to vector<128x128xf32>
    %slice3A_577 = vector.extract_strided_slice %get3A_121 {offsets = [3, 0], sizes = [1, 128], strides = [1, 1]} : vector<4x128xf32> to vector<1x128xf32>
    %squeeze3A_578 = vector.shape_cast %slice3A_577 : vector<1x128xf32> to vector<128xf32>
    %broadcast_in_dim3A_579 = vector.shape_cast %squeeze3A_578 : vector<128xf32> to vector<1x128xf32>
    %broadcast_in_dim3A_580 = vector.shape_cast %broadcast_in_dim3A_579 : vector<1x128xf32> to vector<1x128xf32>
    %broadcast_in_dim3A_581 = vector.broadcast %broadcast_in_dim3A_580 : vector<1x128xf32> to vector<128x128xf32>
    %slice3A_582 = vector.extract_strided_slice %slice3A_571 {offsets = [0, 0], sizes = [128, 128], strides = [1, 1]} : vector<2048x128xf32> to vector<128x128xf32>
    %dot_general3A_583 = arith.constant dense<0.000000e+00> : vector<128x128xf32>
    %dot_general3A_584 = tpu.matmul %broadcast_in_dim3A_576, %slice3A_582, %dot_general3A_583 {dimension_numbers = #tpu.dot_dimension_numbers<[1], [1], [0], [0], [0, 0, 1, 0], [], []>, transpose_lhs_hint = false} : vector<128x128xf32>, vector<128x128xf32>, vector<128x128xf32> -> vector<128x128xf32>
    %slice3A_585 = vector.extract_strided_slice %slice3A_571 {offsets = [128, 0], sizes = [128, 128], strides = [1, 1]} : vector<2048x128xf32> to vector<128x128xf32>
    %dot_general3A_586 = arith.constant dense<0.000000e+00> : vector<128x128xf32>
    %dot_general3A_587 = tpu.matmul %broadcast_in_dim3A_576, %slice3A_585, %dot_general3A_586 {dimension_numbers = #tpu.dot_dimension_numbers<[1], [1], [0], [0], [0, 0, 1, 0], [], []>, transpose_lhs_hint = false} : vector<128x128xf32>, vector<128x128xf32>, vector<128x128xf32> -> vector<128x128xf32>
    %slice3A_588 = vector.extract_strided_slice %slice3A_571 {offsets = [256, 0], sizes = [128, 128], strides = [1, 1]} : vector<2048x128xf32> to vector<128x128xf32>
    %dot_general3A_589 = arith.constant dense<0.000000e+00> : vector<128x128xf32>
    %dot_general3A_590 = tpu.matmul %broadcast_in_dim3A_576, %slice3A_588, %dot_general3A_589 {dimension_numbers = #tpu.dot_dimension_numbers<[1], [1], [0], [0], [0, 0, 1, 0], [], []>, transpose_lhs_hint = false} : vector<128x128xf32>, vector<128x128xf32>, vector<128x128xf32> -> vector<128x128xf32>
    %slice3A_591 = vector.extract_strided_slice %slice3A_571 {offsets = [384, 0], sizes = [128, 128], strides = [1, 1]} : vector<2048x128xf32> to vector<128x128xf32>
    %dot_general3A_592 = arith.constant dense<0.000000e+00> : vector<128x128xf32>
    %dot_general3A_593 = tpu.matmul %broadcast_in_dim3A_576, %slice3A_591, %dot_general3A_592 {dimension_numbers = #tpu.dot_dimension_numbers<[1], [1], [0], [0], [0, 0, 1, 0], [], []>, transpose_lhs_hint = false} : vector<128x128xf32>, vector<128x128xf32>, vector<128x128xf32> -> vector<128x128xf32>
    %slice3A_594 = vector.extract_strided_slice %slice3A_571 {offsets = [512, 0], sizes = [128, 128], strides = [1, 1]} : vector<2048x128xf32> to vector<128x128xf32>
    %dot_general3A_595 = arith.constant dense<0.000000e+00> : vector<128x128xf32>
    %dot_general3A_596 = tpu.matmul %broadcast_in_dim3A_576, %slice3A_594, %dot_general3A_595 {dimension_numbers = #tpu.dot_dimension_numbers<[1], [1], [0], [0], [0, 0, 1, 0], [], []>, transpose_lhs_hint = false} : vector<128x128xf32>, vector<128x128xf32>, vector<128x128xf32> -> vector<128x128xf32>
    %slice3A_597 = vector.extract_strided_slice %slice3A_571 {offsets = [640, 0], sizes = [128, 128], strides = [1, 1]} : vector<2048x128xf32> to vector<128x128xf32>
    %dot_general3A_598 = arith.constant dense<0.000000e+00> : vector<128x128xf32>
    %dot_general3A_599 = tpu.matmul %broadcast_in_dim3A_576, %slice3A_597, %dot_general3A_598 {dimension_numbers = #tpu.dot_dimension_numbers<[1], [1], [0], [0], [0, 0, 1, 0], [], []>, transpose_lhs_hint = false} : vector<128x128xf32>, vector<128x128xf32>, vector<128x128xf32> -> vector<128x128xf32>
    %slice3A_600 = vector.extract_strided_slice %slice3A_571 {offsets = [768, 0], sizes = [128, 128], strides = [1, 1]} : vector<2048x128xf32> to vector<128x128xf32>
    %dot_general3A_601 = arith.constant dense<0.000000e+00> : vector<128x128xf32>
    %dot_general3A_602 = tpu.matmul %broadcast_in_dim3A_576, %slice3A_600, %dot_general3A_601 {dimension_numbers = #tpu.dot_dimension_numbers<[1], [1], [0], [0], [0, 0, 1, 0], [], []>, transpose_lhs_hint = false} : vector<128x128xf32>, vector<128x128xf32>, vector<128x128xf32> -> vector<128x128xf32>
    %slice3A_603 = vector.extract_strided_slice %slice3A_571 {offsets = [896, 0], sizes = [128, 128], strides = [1, 1]} : vector<2048x128xf32> to vector<128x128xf32>
    %dot_general3A_604 = arith.constant dense<0.000000e+00> : vector<128x128xf32>
    %dot_general3A_605 = tpu.matmul %broadcast_in_dim3A_576, %slice3A_603, %dot_general3A_604 {dimension_numbers = #tpu.dot_dimension_numbers<[1], [1], [0], [0], [0, 0, 1, 0], [], []>, transpose_lhs_hint = false} : vector<128x128xf32>, vector<128x128xf32>, vector<128x128xf32> -> vector<128x128xf32>
    %slice3A_606 = vector.extract_strided_slice %slice3A_571 {offsets = [1024, 0], sizes = [128, 128], strides = [1, 1]} : vector<2048x128xf32> to vector<128x128xf32>
    %dot_general3A_607 = arith.constant dense<0.000000e+00> : vector<128x128xf32>
    %dot_general3A_608 = tpu.matmul %broadcast_in_dim3A_576, %slice3A_606, %dot_general3A_607 {dimension_numbers = #tpu.dot_dimension_numbers<[1], [1], [0], [0], [0, 0, 1, 0], [], []>, transpose_lhs_hint = false} : vector<128x128xf32>, vector<128x128xf32>, vector<128x128xf32> -> vector<128x128xf32>
    %slice3A_609 = vector.extract_strided_slice %slice3A_571 {offsets = [1152, 0], sizes = [128, 128], strides = [1, 1]} : vector<2048x128xf32> to vector<128x128xf32>
    %dot_general3A_610 = arith.constant dense<0.000000e+00> : vector<128x128xf32>
    %dot_general3A_611 = tpu.matmul %broadcast_in_dim3A_576, %slice3A_609, %dot_general3A_610 {dimension_numbers = #tpu.dot_dimension_numbers<[1], [1], [0], [0], [0, 0, 1, 0], [], []>, transpose_lhs_hint = false} : vector<128x128xf32>, vector<128x128xf32>, vector<128x128xf32> -> vector<128x128xf32>
    %slice3A_612 = vector.extract_strided_slice %slice3A_571 {offsets = [1280, 0], sizes = [128, 128], strides = [1, 1]} : vector<2048x128xf32> to vector<128x128xf32>
    %dot_general3A_613 = arith.constant dense<0.000000e+00> : vector<128x128xf32>
    %dot_general3A_614 = tpu.matmul %broadcast_in_dim3A_576, %slice3A_612, %dot_general3A_613 {dimension_numbers = #tpu.dot_dimension_numbers<[1], [1], [0], [0], [0, 0, 1, 0], [], []>, transpose_lhs_hint = false} : vector<128x128xf32>, vector<128x128xf32>, vector<128x128xf32> -> vector<128x128xf32>
    %slice3A_615 = vector.extract_strided_slice %slice3A_571 {offsets = [1408, 0], sizes = [128, 128], strides = [1, 1]} : vector<2048x128xf32> to vector<128x128xf32>
    %dot_general3A_616 = arith.constant dense<0.000000e+00> : vector<128x128xf32>
    %dot_general3A_617 = tpu.matmul %broadcast_in_dim3A_576, %slice3A_615, %dot_general3A_616 {dimension_numbers = #tpu.dot_dimension_numbers<[1], [1], [0], [0], [0, 0, 1, 0], [], []>, transpose_lhs_hint = false} : vector<128x128xf32>, vector<128x128xf32>, vector<128x128xf32> -> vector<128x128xf32>
    %slice3A_618 = vector.extract_strided_slice %slice3A_571 {offsets = [1536, 0], sizes = [128, 128], strides = [1, 1]} : vector<2048x128xf32> to vector<128x128xf32>
    %dot_general3A_619 = arith.constant dense<0.000000e+00> : vector<128x128xf32>
    %dot_general3A_620 = tpu.matmul %broadcast_in_dim3A_576, %slice3A_618, %dot_general3A_619 {dimension_numbers = #tpu.dot_dimension_numbers<[1], [1], [0], [0], [0, 0, 1, 0], [], []>, transpose_lhs_hint = false} : vector<128x128xf32>, vector<128x128xf32>, vector<128x128xf32> -> vector<128x128xf32>
    %slice3A_621 = vector.extract_strided_slice %slice3A_571 {offsets = [1664, 0], sizes = [128, 128], strides = [1, 1]} : vector<2048x128xf32> to vector<128x128xf32>
    %dot_general3A_622 = arith.constant dense<0.000000e+00> : vector<128x128xf32>
    %dot_general3A_623 = tpu.matmul %broadcast_in_dim3A_576, %slice3A_621, %dot_general3A_622 {dimension_numbers = #tpu.dot_dimension_numbers<[1], [1], [0], [0], [0, 0, 1, 0], [], []>, transpose_lhs_hint = false} : vector<128x128xf32>, vector<128x128xf32>, vector<128x128xf32> -> vector<128x128xf32>
    %slice3A_624 = vector.extract_strided_slice %slice3A_571 {offsets = [1792, 0], sizes = [128, 128], strides = [1, 1]} : vector<2048x128xf32> to vector<128x128xf32>
    %dot_general3A_625 = arith.constant dense<0.000000e+00> : vector<128x128xf32>
    %dot_general3A_626 = tpu.matmul %broadcast_in_dim3A_576, %slice3A_624, %dot_general3A_625 {dimension_numbers = #tpu.dot_dimension_numbers<[1], [1], [0], [0], [0, 0, 1, 0], [], []>, transpose_lhs_hint = false} : vector<128x128xf32>, vector<128x128xf32>, vector<128x128xf32> -> vector<128x128xf32>
    %slice3A_627 = vector.extract_strided_slice %slice3A_571 {offsets = [1920, 0], sizes = [128, 128], strides = [1, 1]} : vector<2048x128xf32> to vector<128x128xf32>
    %dot_general3A_628 = arith.constant dense<0.000000e+00> : vector<128x128xf32>
    %dot_general3A_629 = tpu.matmul %broadcast_in_dim3A_576, %slice3A_627, %dot_general3A_628 {dimension_numbers = #tpu.dot_dimension_numbers<[1], [1], [0], [0], [0, 0, 1, 0], [], []>, transpose_lhs_hint = false} : vector<128x128xf32>, vector<128x128xf32>, vector<128x128xf32> -> vector<128x128xf32>
    %concatenate3A_630 = tpu.concatenate %dot_general3A_584, %dot_general3A_587, %dot_general3A_590, %dot_general3A_593, %dot_general3A_596, %dot_general3A_599, %dot_general3A_602, %dot_general3A_605, %dot_general3A_608, %dot_general3A_611, %dot_general3A_614, %dot_general3A_617, %dot_general3A_620, %dot_general3A_623, %dot_general3A_626, %dot_general3A_629 in 0 : vector<128x128xf32>, vector<128x128xf32>, vector<128x128xf32>, vector<128x128xf32>, vector<128x128xf32>, vector<128x128xf32>, vector<128x128xf32>, vector<128x128xf32>, vector<128x128xf32>, vector<128x128xf32>, vector<128x128xf32>, vector<128x128xf32>, vector<128x128xf32>, vector<128x128xf32>, vector<128x128xf32>, vector<128x128xf32> -> vector<2048x128xf32>
    %dot_general3A_631 = arith.constant dense<0.000000e+00> : vector<2048x128xf32>
    %dot_general3A_632 = tpu.matmul %slice3A_571, %broadcast_in_dim3A_581, %dot_general3A_631 {dimension_numbers = #tpu.dot_dimension_numbers<[1], [1], [0], [0], [0, 0, 1, 0], [], []>, transpose_lhs_hint = false} : vector<2048x128xf32>, vector<128x128xf32>, vector<2048x128xf32> -> vector<2048x128xf32>
    %add3A_633 = arith.addf %concatenate3A_630, %dot_general3A_632 : vector<2048x128xf32>
    %gt3A_634 = arith.constant 0.000000e+00 : f32
    %gt3A_635 = vector.broadcast %gt3A_634 : f32 to vector<2048x128xf32>
    %gt3A_636 = arith.cmpf ogt, %add3A_633, %gt3A_635 : vector<2048x128xf32>
    %mul3A_637 = arith.constant 2.000000e-01 : f32
    %mul3A_638 = vector.broadcast %mul3A_637 : f32 to vector<2048x128xf32>
    %mul3A_639 = arith.mulf %mul3A_638, %add3A_633 : vector<2048x128xf32>
    %select_n3A_640 = arith.select %gt3A_636, %add3A_633, %mul3A_639 : vector<2048x128xi1>, vector<2048x128xf32>
    %min3A_641 = arith.constant 6.000000e+01 : f32
    %min3A_642 = vector.broadcast %min3A_641 : f32 to vector<2048x128xf32>
    %min3A_643 = arith.minimumf %select_n3A_640, %min3A_642 : vector<2048x128xf32>
    %exp3A_644 = math.exp %min3A_643 : vector<2048x128xf32>
    %mul3A_645 = arith.mulf %mul3A_106, %exp3A_644 : vector<2048x128xf32>
    %dot_general3A_646 = arith.constant dense<0.000000e+00> : vector<2048x128xf32>
    %dot_general3A_647 = tpu.matmul %mul3A_645, %broadcast_in_dim3A_129, %dot_general3A_646 {dimension_numbers = #tpu.dot_dimension_numbers<[1], [0], [0], [1], [0, 0, 1, 1], [], []>, transpose_lhs_hint = false} : vector<2048x128xf32>, vector<128x128xf32>, vector<2048x128xf32> -> vector<2048x128xf32>
    %add3A_648 = arith.constant 1.000000e-16 : f32
    %add3A_649 = vector.broadcast %add3A_648 : f32 to vector<2048x128xf32>
    %add3A_650 = arith.addf %dot_general3A_647, %add3A_649 : vector<2048x128xf32>
    %div3A_651 = arith.constant 1.000000e+00 : f32
    %div3A_652 = vector.broadcast %div3A_651 : f32 to vector<2048x128xf32>
    %div3A_653 = arith.divf %div3A_652, %add3A_650 : vector<2048x128xf32>
    %mul3A_654 = arith.mulf %mul3A_645, %div3A_653 : vector<2048x128xf32>
    %slice3A_655 = vector.extract_strided_slice %mul3A_654 {offsets = [0, 0], sizes = [128, 128], strides = [1, 1]} : vector<2048x128xf32> to vector<128x128xf32>
    %slice3A_656 = vector.extract_strided_slice %slice3A_571 {offsets = [0, 0], sizes = [128, 128], strides = [1, 1]} : vector<2048x128xf32> to vector<128x128xf32>
    %dot_general3A_657 = arith.constant dense<0.000000e+00> : vector<128x128xf32>
    %dot_general3A_658 = tpu.matmul %slice3A_655, %slice3A_656, %dot_general3A_657 {dimension_numbers = #tpu.dot_dimension_numbers<[1], [0], [0], [1], [0, 0, 1, 1], [], []>, transpose_lhs_hint = false} : vector<128x128xf32>, vector<128x128xf32>, vector<128x128xf32> -> vector<128x128xf32>
    %slice3A_659 = vector.extract_strided_slice %mul3A_654 {offsets = [128, 0], sizes = [128, 128], strides = [1, 1]} : vector<2048x128xf32> to vector<128x128xf32>
    %slice3A_660 = vector.extract_strided_slice %slice3A_571 {offsets = [128, 0], sizes = [128, 128], strides = [1, 1]} : vector<2048x128xf32> to vector<128x128xf32>
    %dot_general3A_661 = arith.constant dense<0.000000e+00> : vector<128x128xf32>
    %dot_general3A_662 = tpu.matmul %slice3A_659, %slice3A_660, %dot_general3A_661 {dimension_numbers = #tpu.dot_dimension_numbers<[1], [0], [0], [1], [0, 0, 1, 1], [], []>, transpose_lhs_hint = false} : vector<128x128xf32>, vector<128x128xf32>, vector<128x128xf32> -> vector<128x128xf32>
    %slice3A_663 = vector.extract_strided_slice %mul3A_654 {offsets = [256, 0], sizes = [128, 128], strides = [1, 1]} : vector<2048x128xf32> to vector<128x128xf32>
    %slice3A_664 = vector.extract_strided_slice %slice3A_571 {offsets = [256, 0], sizes = [128, 128], strides = [1, 1]} : vector<2048x128xf32> to vector<128x128xf32>
    %dot_general3A_665 = arith.constant dense<0.000000e+00> : vector<128x128xf32>
    %dot_general3A_666 = tpu.matmul %slice3A_663, %slice3A_664, %dot_general3A_665 {dimension_numbers = #tpu.dot_dimension_numbers<[1], [0], [0], [1], [0, 0, 1, 1], [], []>, transpose_lhs_hint = false} : vector<128x128xf32>, vector<128x128xf32>, vector<128x128xf32> -> vector<128x128xf32>
    %slice3A_667 = vector.extract_strided_slice %mul3A_654 {offsets = [384, 0], sizes = [128, 128], strides = [1, 1]} : vector<2048x128xf32> to vector<128x128xf32>
    %slice3A_668 = vector.extract_strided_slice %slice3A_571 {offsets = [384, 0], sizes = [128, 128], strides = [1, 1]} : vector<2048x128xf32> to vector<128x128xf32>
    %dot_general3A_669 = arith.constant dense<0.000000e+00> : vector<128x128xf32>
    %dot_general3A_670 = tpu.matmul %slice3A_667, %slice3A_668, %dot_general3A_669 {dimension_numbers = #tpu.dot_dimension_numbers<[1], [0], [0], [1], [0, 0, 1, 1], [], []>, transpose_lhs_hint = false} : vector<128x128xf32>, vector<128x128xf32>, vector<128x128xf32> -> vector<128x128xf32>
    %slice3A_671 = vector.extract_strided_slice %mul3A_654 {offsets = [512, 0], sizes = [128, 128], strides = [1, 1]} : vector<2048x128xf32> to vector<128x128xf32>
    %slice3A_672 = vector.extract_strided_slice %slice3A_571 {offsets = [512, 0], sizes = [128, 128], strides = [1, 1]} : vector<2048x128xf32> to vector<128x128xf32>
    %dot_general3A_673 = arith.constant dense<0.000000e+00> : vector<128x128xf32>
    %dot_general3A_674 = tpu.matmul %slice3A_671, %slice3A_672, %dot_general3A_673 {dimension_numbers = #tpu.dot_dimension_numbers<[1], [0], [0], [1], [0, 0, 1, 1], [], []>, transpose_lhs_hint = false} : vector<128x128xf32>, vector<128x128xf32>, vector<128x128xf32> -> vector<128x128xf32>
    %slice3A_675 = vector.extract_strided_slice %mul3A_654 {offsets = [640, 0], sizes = [128, 128], strides = [1, 1]} : vector<2048x128xf32> to vector<128x128xf32>
    %slice3A_676 = vector.extract_strided_slice %slice3A_571 {offsets = [640, 0], sizes = [128, 128], strides = [1, 1]} : vector<2048x128xf32> to vector<128x128xf32>
    %dot_general3A_677 = arith.constant dense<0.000000e+00> : vector<128x128xf32>
    %dot_general3A_678 = tpu.matmul %slice3A_675, %slice3A_676, %dot_general3A_677 {dimension_numbers = #tpu.dot_dimension_numbers<[1], [0], [0], [1], [0, 0, 1, 1], [], []>, transpose_lhs_hint = false} : vector<128x128xf32>, vector<128x128xf32>, vector<128x128xf32> -> vector<128x128xf32>
    %slice3A_679 = vector.extract_strided_slice %mul3A_654 {offsets = [768, 0], sizes = [128, 128], strides = [1, 1]} : vector<2048x128xf32> to vector<128x128xf32>
    %slice3A_680 = vector.extract_strided_slice %slice3A_571 {offsets = [768, 0], sizes = [128, 128], strides = [1, 1]} : vector<2048x128xf32> to vector<128x128xf32>
    %dot_general3A_681 = arith.constant dense<0.000000e+00> : vector<128x128xf32>
    %dot_general3A_682 = tpu.matmul %slice3A_679, %slice3A_680, %dot_general3A_681 {dimension_numbers = #tpu.dot_dimension_numbers<[1], [0], [0], [1], [0, 0, 1, 1], [], []>, transpose_lhs_hint = false} : vector<128x128xf32>, vector<128x128xf32>, vector<128x128xf32> -> vector<128x128xf32>
    %slice3A_683 = vector.extract_strided_slice %mul3A_654 {offsets = [896, 0], sizes = [128, 128], strides = [1, 1]} : vector<2048x128xf32> to vector<128x128xf32>
    %slice3A_684 = vector.extract_strided_slice %slice3A_571 {offsets = [896, 0], sizes = [128, 128], strides = [1, 1]} : vector<2048x128xf32> to vector<128x128xf32>
    %dot_general3A_685 = arith.constant dense<0.000000e+00> : vector<128x128xf32>
    %dot_general3A_686 = tpu.matmul %slice3A_683, %slice3A_684, %dot_general3A_685 {dimension_numbers = #tpu.dot_dimension_numbers<[1], [0], [0], [1], [0, 0, 1, 1], [], []>, transpose_lhs_hint = false} : vector<128x128xf32>, vector<128x128xf32>, vector<128x128xf32> -> vector<128x128xf32>
    %slice3A_687 = vector.extract_strided_slice %mul3A_654 {offsets = [1024, 0], sizes = [128, 128], strides = [1, 1]} : vector<2048x128xf32> to vector<128x128xf32>
    %slice3A_688 = vector.extract_strided_slice %slice3A_571 {offsets = [1024, 0], sizes = [128, 128], strides = [1, 1]} : vector<2048x128xf32> to vector<128x128xf32>
    %dot_general3A_689 = arith.constant dense<0.000000e+00> : vector<128x128xf32>
    %dot_general3A_690 = tpu.matmul %slice3A_687, %slice3A_688, %dot_general3A_689 {dimension_numbers = #tpu.dot_dimension_numbers<[1], [0], [0], [1], [0, 0, 1, 1], [], []>, transpose_lhs_hint = false} : vector<128x128xf32>, vector<128x128xf32>, vector<128x128xf32> -> vector<128x128xf32>
    %slice3A_691 = vector.extract_strided_slice %mul3A_654 {offsets = [1152, 0], sizes = [128, 128], strides = [1, 1]} : vector<2048x128xf32> to vector<128x128xf32>
    %slice3A_692 = vector.extract_strided_slice %slice3A_571 {offsets = [1152, 0], sizes = [128, 128], strides = [1, 1]} : vector<2048x128xf32> to vector<128x128xf32>
    %dot_general3A_693 = arith.constant dense<0.000000e+00> : vector<128x128xf32>
    %dot_general3A_694 = tpu.matmul %slice3A_691, %slice3A_692, %dot_general3A_693 {dimension_numbers = #tpu.dot_dimension_numbers<[1], [0], [0], [1], [0, 0, 1, 1], [], []>, transpose_lhs_hint = false} : vector<128x128xf32>, vector<128x128xf32>, vector<128x128xf32> -> vector<128x128xf32>
    %slice3A_695 = vector.extract_strided_slice %mul3A_654 {offsets = [1280, 0], sizes = [128, 128], strides = [1, 1]} : vector<2048x128xf32> to vector<128x128xf32>
    %slice3A_696 = vector.extract_strided_slice %slice3A_571 {offsets = [1280, 0], sizes = [128, 128], strides = [1, 1]} : vector<2048x128xf32> to vector<128x128xf32>
    %dot_general3A_697 = arith.constant dense<0.000000e+00> : vector<128x128xf32>
    %dot_general3A_698 = tpu.matmul %slice3A_695, %slice3A_696, %dot_general3A_697 {dimension_numbers = #tpu.dot_dimension_numbers<[1], [0], [0], [1], [0, 0, 1, 1], [], []>, transpose_lhs_hint = false} : vector<128x128xf32>, vector<128x128xf32>, vector<128x128xf32> -> vector<128x128xf32>
    %slice3A_699 = vector.extract_strided_slice %mul3A_654 {offsets = [1408, 0], sizes = [128, 128], strides = [1, 1]} : vector<2048x128xf32> to vector<128x128xf32>
    %slice3A_700 = vector.extract_strided_slice %slice3A_571 {offsets = [1408, 0], sizes = [128, 128], strides = [1, 1]} : vector<2048x128xf32> to vector<128x128xf32>
    %dot_general3A_701 = arith.constant dense<0.000000e+00> : vector<128x128xf32>
    %dot_general3A_702 = tpu.matmul %slice3A_699, %slice3A_700, %dot_general3A_701 {dimension_numbers = #tpu.dot_dimension_numbers<[1], [0], [0], [1], [0, 0, 1, 1], [], []>, transpose_lhs_hint = false} : vector<128x128xf32>, vector<128x128xf32>, vector<128x128xf32> -> vector<128x128xf32>
    %slice3A_703 = vector.extract_strided_slice %mul3A_654 {offsets = [1536, 0], sizes = [128, 128], strides = [1, 1]} : vector<2048x128xf32> to vector<128x128xf32>
    %slice3A_704 = vector.extract_strided_slice %slice3A_571 {offsets = [1536, 0], sizes = [128, 128], strides = [1, 1]} : vector<2048x128xf32> to vector<128x128xf32>
    %dot_general3A_705 = arith.constant dense<0.000000e+00> : vector<128x128xf32>
    %dot_general3A_706 = tpu.matmul %slice3A_703, %slice3A_704, %dot_general3A_705 {dimension_numbers = #tpu.dot_dimension_numbers<[1], [0], [0], [1], [0, 0, 1, 1], [], []>, transpose_lhs_hint = false} : vector<128x128xf32>, vector<128x128xf32>, vector<128x128xf32> -> vector<128x128xf32>
    %slice3A_707 = vector.extract_strided_slice %mul3A_654 {offsets = [1664, 0], sizes = [128, 128], strides = [1, 1]} : vector<2048x128xf32> to vector<128x128xf32>
    %slice3A_708 = vector.extract_strided_slice %slice3A_571 {offsets = [1664, 0], sizes = [128, 128], strides = [1, 1]} : vector<2048x128xf32> to vector<128x128xf32>
    %dot_general3A_709 = arith.constant dense<0.000000e+00> : vector<128x128xf32>
    %dot_general3A_710 = tpu.matmul %slice3A_707, %slice3A_708, %dot_general3A_709 {dimension_numbers = #tpu.dot_dimension_numbers<[1], [0], [0], [1], [0, 0, 1, 1], [], []>, transpose_lhs_hint = false} : vector<128x128xf32>, vector<128x128xf32>, vector<128x128xf32> -> vector<128x128xf32>
    %slice3A_711 = vector.extract_strided_slice %mul3A_654 {offsets = [1792, 0], sizes = [128, 128], strides = [1, 1]} : vector<2048x128xf32> to vector<128x128xf32>
    %slice3A_712 = vector.extract_strided_slice %slice3A_571 {offsets = [1792, 0], sizes = [128, 128], strides = [1, 1]} : vector<2048x128xf32> to vector<128x128xf32>
    %dot_general3A_713 = arith.constant dense<0.000000e+00> : vector<128x128xf32>
    %dot_general3A_714 = tpu.matmul %slice3A_711, %slice3A_712, %dot_general3A_713 {dimension_numbers = #tpu.dot_dimension_numbers<[1], [0], [0], [1], [0, 0, 1, 1], [], []>, transpose_lhs_hint = false} : vector<128x128xf32>, vector<128x128xf32>, vector<128x128xf32> -> vector<128x128xf32>
    %slice3A_715 = vector.extract_strided_slice %mul3A_654 {offsets = [1920, 0], sizes = [128, 128], strides = [1, 1]} : vector<2048x128xf32> to vector<128x128xf32>
    %slice3A_716 = vector.extract_strided_slice %slice3A_571 {offsets = [1920, 0], sizes = [128, 128], strides = [1, 1]} : vector<2048x128xf32> to vector<128x128xf32>
    %dot_general3A_717 = arith.constant dense<0.000000e+00> : vector<128x128xf32>
    %dot_general3A_718 = tpu.matmul %slice3A_715, %slice3A_716, %dot_general3A_717 {dimension_numbers = #tpu.dot_dimension_numbers<[1], [0], [0], [1], [0, 0, 1, 1], [], []>, transpose_lhs_hint = false} : vector<128x128xf32>, vector<128x128xf32>, vector<128x128xf32> -> vector<128x128xf32>
    %concatenate3A_719 = tpu.concatenate %dot_general3A_658, %dot_general3A_662, %dot_general3A_666, %dot_general3A_670, %dot_general3A_674, %dot_general3A_678, %dot_general3A_682, %dot_general3A_686, %dot_general3A_690, %dot_general3A_694, %dot_general3A_698, %dot_general3A_702, %dot_general3A_706, %dot_general3A_710, %dot_general3A_714, %dot_general3A_718 in 0 : vector<128x128xf32>, vector<128x128xf32>, vector<128x128xf32>, vector<128x128xf32>, vector<128x128xf32>, vector<128x128xf32>, vector<128x128xf32>, vector<128x128xf32>, vector<128x128xf32>, vector<128x128xf32>, vector<128x128xf32>, vector<128x128xf32>, vector<128x128xf32>, vector<128x128xf32>, vector<128x128xf32>, vector<128x128xf32> -> vector<2048x128xf32>
    %concatenate3A_720 = tpu.concatenate %concatenate3A_272, %concatenate3A_421, %concatenate3A_570, %concatenate3A_719 in 1 : vector<2048x128xf32>, vector<2048x128xf32>, vector<2048x128xf32>, vector<2048x128xf32> -> vector<2048x512xf32>
    %broadcast_in_dim3A_721 = vector.shape_cast %get3A_125 : vector<512xf32> to vector<1x512xf32>
    %add3A_722 = vector.broadcast %broadcast_in_dim3A_721 : vector<1x512xf32> to vector<2048x512xf32>
    %add3A_723 = arith.addf %concatenate3A_720, %add3A_722 : vector<2048x512xf32>
    %gt3A_724 = arith.constant 0.000000e+00 : f32
    %gt3A_725 = vector.broadcast %gt3A_724 : f32 to vector<2048x512xf32>
    %gt3A_726 = arith.cmpf ogt, %add3A_723, %gt3A_725 : vector<2048x512xf32>
    %min3A_727 = arith.constant 0.000000e+00 : f32
    %min3A_728 = vector.broadcast %min3A_727 : f32 to vector<2048x512xf32>
    %min3A_729 = arith.minimumf %add3A_723, %min3A_728 : vector<2048x512xf32>
    %exp3A_730 = math.exp %min3A_729 : vector<2048x512xf32>
    %sub3A_731 = arith.constant 1.000000e+00 : f32
    %sub3A_732 = vector.broadcast %sub3A_731 : f32 to vector<2048x512xf32>
    %sub3A_733 = arith.subf %exp3A_730, %sub3A_732 : vector<2048x512xf32>
    %select_n3A_734 = arith.select %gt3A_726, %add3A_723, %sub3A_733 : vector<2048x512xi1>, vector<2048x512xf32>
    %get3A_735 = arith.constant 0 : index
    %get3A_736 = arith.constant 0 : index
    %get3A_737 = arith.constant 0 : index
    %get3A_738 = vector.load %arg13[%get3A_735, %get3A_736, %get3A_737] : memref<3x512x128xf32, #tpu.memory_space<vmem>>, vector<1x512x128xf32>
    %get3A_739 = vector.shape_cast %get3A_738 : vector<1x512x128xf32> to vector<512x128xf32>
    %get3A_740 = arith.constant 0 : index
    %get3A_741 = arith.constant 0 : index
    %get3A_742 = arith.constant 0 : index
    %get3A_743 = vector.load %arg14[%get3A_740, %get3A_741, %get3A_742] : memref<3x1x128xf32, #tpu.memory_space<vmem>>, vector<1x1x128xf32>
    %get3A_744 = vector.shape_cast %get3A_743 : vector<1x1x128xf32> to vector<1x128xf32>
    %get3A_745 = arith.constant 0 : index
    %get3A_746 = arith.constant 0 : index
    %get3A_747 = arith.constant 0 : index
    %get3A_748 = vector.load %arg15[%get3A_745, %get3A_746, %get3A_747] : memref<3x1x128xf32, #tpu.memory_space<vmem>>, vector<1x1x128xf32>
    %get3A_749 = vector.shape_cast %get3A_748 : vector<1x1x128xf32> to vector<1x128xf32>
    %get3A_750 = arith.constant 0 : index
    %get3A_751 = arith.constant 0 : index
    %get3A_752 = vector.load %arg16[%get3A_750, %get3A_751] : memref<3x128xf32, #tpu.memory_space<vmem>>, vector<1x128xf32>
    %get3A_753 = vector.shape_cast %get3A_752 : vector<1x128xf32> to vector<128xf32>
    %dot_general3A_754 = arith.constant dense<0.000000e+00> : vector<2048x128xf32>
    %dot_general3A_755 = tpu.matmul %select_n3A_734, %get3A_739, %dot_general3A_754 {dimension_numbers = #tpu.dot_dimension_numbers<[1], [0], [0], [1], [0, 0, 1, 1], [], []>, transpose_lhs_hint = false} : vector<2048x512xf32>, vector<512x128xf32>, vector<2048x128xf32> -> vector<2048x128xf32>
    %broadcast_in_dim3A_756 = arith.constant 1.000000e+00 : f32
    %broadcast_in_dim3A_757 = vector.broadcast %broadcast_in_dim3A_756 : f32 to vector<128x128xf32>
    %squeeze3A_758 = vector.shape_cast %get3A_744 : vector<1x128xf32> to vector<128xf32>
    %broadcast_in_dim3A_759 = vector.shape_cast %squeeze3A_758 : vector<128xf32> to vector<1x128xf32>
    %broadcast_in_dim3A_760 = vector.shape_cast %broadcast_in_dim3A_759 : vector<1x128xf32> to vector<1x128xf32>
    %broadcast_in_dim3A_761 = vector.broadcast %broadcast_in_dim3A_760 : vector<1x128xf32> to vector<128x128xf32>
    %squeeze3A_762 = vector.shape_cast %get3A_749 : vector<1x128xf32> to vector<128xf32>
    %broadcast_in_dim3A_763 = vector.shape_cast %squeeze3A_762 : vector<128xf32> to vector<1x128xf32>
    %broadcast_in_dim3A_764 = vector.shape_cast %broadcast_in_dim3A_763 : vector<1x128xf32> to vector<1x128xf32>
    %broadcast_in_dim3A_765 = vector.broadcast %broadcast_in_dim3A_764 : vector<1x128xf32> to vector<128x128xf32>
    %slice3A_766 = vector.extract_strided_slice %dot_general3A_755 {offsets = [0, 0], sizes = [128, 128], strides = [1, 1]} : vector<2048x128xf32> to vector<128x128xf32>
    %dot_general3A_767 = arith.constant dense<0.000000e+00> : vector<128x128xf32>
    %dot_general3A_768 = tpu.matmul %broadcast_in_dim3A_761, %slice3A_766, %dot_general3A_767 {dimension_numbers = #tpu.dot_dimension_numbers<[1], [1], [0], [0], [0, 0, 1, 0], [], []>, transpose_lhs_hint = false} : vector<128x128xf32>, vector<128x128xf32>, vector<128x128xf32> -> vector<128x128xf32>
    %slice3A_769 = vector.extract_strided_slice %dot_general3A_755 {offsets = [128, 0], sizes = [128, 128], strides = [1, 1]} : vector<2048x128xf32> to vector<128x128xf32>
    %dot_general3A_770 = arith.constant dense<0.000000e+00> : vector<128x128xf32>
    %dot_general3A_771 = tpu.matmul %broadcast_in_dim3A_761, %slice3A_769, %dot_general3A_770 {dimension_numbers = #tpu.dot_dimension_numbers<[1], [1], [0], [0], [0, 0, 1, 0], [], []>, transpose_lhs_hint = false} : vector<128x128xf32>, vector<128x128xf32>, vector<128x128xf32> -> vector<128x128xf32>
    %slice3A_772 = vector.extract_strided_slice %dot_general3A_755 {offsets = [256, 0], sizes = [128, 128], strides = [1, 1]} : vector<2048x128xf32> to vector<128x128xf32>
    %dot_general3A_773 = arith.constant dense<0.000000e+00> : vector<128x128xf32>
    %dot_general3A_774 = tpu.matmul %broadcast_in_dim3A_761, %slice3A_772, %dot_general3A_773 {dimension_numbers = #tpu.dot_dimension_numbers<[1], [1], [0], [0], [0, 0, 1, 0], [], []>, transpose_lhs_hint = false} : vector<128x128xf32>, vector<128x128xf32>, vector<128x128xf32> -> vector<128x128xf32>
    %slice3A_775 = vector.extract_strided_slice %dot_general3A_755 {offsets = [384, 0], sizes = [128, 128], strides = [1, 1]} : vector<2048x128xf32> to vector<128x128xf32>
    %dot_general3A_776 = arith.constant dense<0.000000e+00> : vector<128x128xf32>
    %dot_general3A_777 = tpu.matmul %broadcast_in_dim3A_761, %slice3A_775, %dot_general3A_776 {dimension_numbers = #tpu.dot_dimension_numbers<[1], [1], [0], [0], [0, 0, 1, 0], [], []>, transpose_lhs_hint = false} : vector<128x128xf32>, vector<128x128xf32>, vector<128x128xf32> -> vector<128x128xf32>
    %slice3A_778 = vector.extract_strided_slice %dot_general3A_755 {offsets = [512, 0], sizes = [128, 128], strides = [1, 1]} : vector<2048x128xf32> to vector<128x128xf32>
    %dot_general3A_779 = arith.constant dense<0.000000e+00> : vector<128x128xf32>
    %dot_general3A_780 = tpu.matmul %broadcast_in_dim3A_761, %slice3A_778, %dot_general3A_779 {dimension_numbers = #tpu.dot_dimension_numbers<[1], [1], [0], [0], [0, 0, 1, 0], [], []>, transpose_lhs_hint = false} : vector<128x128xf32>, vector<128x128xf32>, vector<128x128xf32> -> vector<128x128xf32>
    %slice3A_781 = vector.extract_strided_slice %dot_general3A_755 {offsets = [640, 0], sizes = [128, 128], strides = [1, 1]} : vector<2048x128xf32> to vector<128x128xf32>
    %dot_general3A_782 = arith.constant dense<0.000000e+00> : vector<128x128xf32>
    %dot_general3A_783 = tpu.matmul %broadcast_in_dim3A_761, %slice3A_781, %dot_general3A_782 {dimension_numbers = #tpu.dot_dimension_numbers<[1], [1], [0], [0], [0, 0, 1, 0], [], []>, transpose_lhs_hint = false} : vector<128x128xf32>, vector<128x128xf32>, vector<128x128xf32> -> vector<128x128xf32>
    %slice3A_784 = vector.extract_strided_slice %dot_general3A_755 {offsets = [768, 0], sizes = [128, 128], strides = [1, 1]} : vector<2048x128xf32> to vector<128x128xf32>
    %dot_general3A_785 = arith.constant dense<0.000000e+00> : vector<128x128xf32>
    %dot_general3A_786 = tpu.matmul %broadcast_in_dim3A_761, %slice3A_784, %dot_general3A_785 {dimension_numbers = #tpu.dot_dimension_numbers<[1], [1], [0], [0], [0, 0, 1, 0], [], []>, transpose_lhs_hint = false} : vector<128x128xf32>, vector<128x128xf32>, vector<128x128xf32> -> vector<128x128xf32>
    %slice3A_787 = vector.extract_strided_slice %dot_general3A_755 {offsets = [896, 0], sizes = [128, 128], strides = [1, 1]} : vector<2048x128xf32> to vector<128x128xf32>
    %dot_general3A_788 = arith.constant dense<0.000000e+00> : vector<128x128xf32>
    %dot_general3A_789 = tpu.matmul %broadcast_in_dim3A_761, %slice3A_787, %dot_general3A_788 {dimension_numbers = #tpu.dot_dimension_numbers<[1], [1], [0], [0], [0, 0, 1, 0], [], []>, transpose_lhs_hint = false} : vector<128x128xf32>, vector<128x128xf32>, vector<128x128xf32> -> vector<128x128xf32>
    %slice3A_790 = vector.extract_strided_slice %dot_general3A_755 {offsets = [1024, 0], sizes = [128, 128], strides = [1, 1]} : vector<2048x128xf32> to vector<128x128xf32>
    %dot_general3A_791 = arith.constant dense<0.000000e+00> : vector<128x128xf32>
    %dot_general3A_792 = tpu.matmul %broadcast_in_dim3A_761, %slice3A_790, %dot_general3A_791 {dimension_numbers = #tpu.dot_dimension_numbers<[1], [1], [0], [0], [0, 0, 1, 0], [], []>, transpose_lhs_hint = false} : vector<128x128xf32>, vector<128x128xf32>, vector<128x128xf32> -> vector<128x128xf32>
    %slice3A_793 = vector.extract_strided_slice %dot_general3A_755 {offsets = [1152, 0], sizes = [128, 128], strides = [1, 1]} : vector<2048x128xf32> to vector<128x128xf32>
    %dot_general3A_794 = arith.constant dense<0.000000e+00> : vector<128x128xf32>
    %dot_general3A_795 = tpu.matmul %broadcast_in_dim3A_761, %slice3A_793, %dot_general3A_794 {dimension_numbers = #tpu.dot_dimension_numbers<[1], [1], [0], [0], [0, 0, 1, 0], [], []>, transpose_lhs_hint = false} : vector<128x128xf32>, vector<128x128xf32>, vector<128x128xf32> -> vector<128x128xf32>
    %slice3A_796 = vector.extract_strided_slice %dot_general3A_755 {offsets = [1280, 0], sizes = [128, 128], strides = [1, 1]} : vector<2048x128xf32> to vector<128x128xf32>
    %dot_general3A_797 = arith.constant dense<0.000000e+00> : vector<128x128xf32>
    %dot_general3A_798 = tpu.matmul %broadcast_in_dim3A_761, %slice3A_796, %dot_general3A_797 {dimension_numbers = #tpu.dot_dimension_numbers<[1], [1], [0], [0], [0, 0, 1, 0], [], []>, transpose_lhs_hint = false} : vector<128x128xf32>, vector<128x128xf32>, vector<128x128xf32> -> vector<128x128xf32>
    %slice3A_799 = vector.extract_strided_slice %dot_general3A_755 {offsets = [1408, 0], sizes = [128, 128], strides = [1, 1]} : vector<2048x128xf32> to vector<128x128xf32>
    %dot_general3A_800 = arith.constant dense<0.000000e+00> : vector<128x128xf32>
    %dot_general3A_801 = tpu.matmul %broadcast_in_dim3A_761, %slice3A_799, %dot_general3A_800 {dimension_numbers = #tpu.dot_dimension_numbers<[1], [1], [0], [0], [0, 0, 1, 0], [], []>, transpose_lhs_hint = false} : vector<128x128xf32>, vector<128x128xf32>, vector<128x128xf32> -> vector<128x128xf32>
    %slice3A_802 = vector.extract_strided_slice %dot_general3A_755 {offsets = [1536, 0], sizes = [128, 128], strides = [1, 1]} : vector<2048x128xf32> to vector<128x128xf32>
    %dot_general3A_803 = arith.constant dense<0.000000e+00> : vector<128x128xf32>
    %dot_general3A_804 = tpu.matmul %broadcast_in_dim3A_761, %slice3A_802, %dot_general3A_803 {dimension_numbers = #tpu.dot_dimension_numbers<[1], [1], [0], [0], [0, 0, 1, 0], [], []>, transpose_lhs_hint = false} : vector<128x128xf32>, vector<128x128xf32>, vector<128x128xf32> -> vector<128x128xf32>
    %slice3A_805 = vector.extract_strided_slice %dot_general3A_755 {offsets = [1664, 0], sizes = [128, 128], strides = [1, 1]} : vector<2048x128xf32> to vector<128x128xf32>
    %dot_general3A_806 = arith.constant dense<0.000000e+00> : vector<128x128xf32>
    %dot_general3A_807 = tpu.matmul %broadcast_in_dim3A_761, %slice3A_805, %dot_general3A_806 {dimension_numbers = #tpu.dot_dimension_numbers<[1], [1], [0], [0], [0, 0, 1, 0], [], []>, transpose_lhs_hint = false} : vector<128x128xf32>, vector<128x128xf32>, vector<128x128xf32> -> vector<128x128xf32>
    %slice3A_808 = vector.extract_strided_slice %dot_general3A_755 {offsets = [1792, 0], sizes = [128, 128], strides = [1, 1]} : vector<2048x128xf32> to vector<128x128xf32>
    %dot_general3A_809 = arith.constant dense<0.000000e+00> : vector<128x128xf32>
    %dot_general3A_810 = tpu.matmul %broadcast_in_dim3A_761, %slice3A_808, %dot_general3A_809 {dimension_numbers = #tpu.dot_dimension_numbers<[1], [1], [0], [0], [0, 0, 1, 0], [], []>, transpose_lhs_hint = false} : vector<128x128xf32>, vector<128x128xf32>, vector<128x128xf32> -> vector<128x128xf32>
    %slice3A_811 = vector.extract_strided_slice %dot_general3A_755 {offsets = [1920, 0], sizes = [128, 128], strides = [1, 1]} : vector<2048x128xf32> to vector<128x128xf32>
    %dot_general3A_812 = arith.constant dense<0.000000e+00> : vector<128x128xf32>
    %dot_general3A_813 = tpu.matmul %broadcast_in_dim3A_761, %slice3A_811, %dot_general3A_812 {dimension_numbers = #tpu.dot_dimension_numbers<[1], [1], [0], [0], [0, 0, 1, 0], [], []>, transpose_lhs_hint = false} : vector<128x128xf32>, vector<128x128xf32>, vector<128x128xf32> -> vector<128x128xf32>
    %concatenate3A_814 = tpu.concatenate %dot_general3A_768, %dot_general3A_771, %dot_general3A_774, %dot_general3A_777, %dot_general3A_780, %dot_general3A_783, %dot_general3A_786, %dot_general3A_789, %dot_general3A_792, %dot_general3A_795, %dot_general3A_798, %dot_general3A_801, %dot_general3A_804, %dot_general3A_807, %dot_general3A_810, %dot_general3A_813 in 0 : vector<128x128xf32>, vector<128x128xf32>, vector<128x128xf32>, vector<128x128xf32>, vector<128x128xf32>, vector<128x128xf32>, vector<128x128xf32>, vector<128x128xf32>, vector<128x128xf32>, vector<128x128xf32>, vector<128x128xf32>, vector<128x128xf32>, vector<128x128xf32>, vector<128x128xf32>, vector<128x128xf32>, vector<128x128xf32> -> vector<2048x128xf32>
    %dot_general3A_815 = arith.constant dense<0.000000e+00> : vector<2048x128xf32>
    %dot_general3A_816 = tpu.matmul %dot_general3A_755, %broadcast_in_dim3A_765, %dot_general3A_815 {dimension_numbers = #tpu.dot_dimension_numbers<[1], [1], [0], [0], [0, 0, 1, 0], [], []>, transpose_lhs_hint = false} : vector<2048x128xf32>, vector<128x128xf32>, vector<2048x128xf32> -> vector<2048x128xf32>
    %add3A_817 = arith.addf %concatenate3A_814, %dot_general3A_816 : vector<2048x128xf32>
    %gt3A_818 = arith.constant 0.000000e+00 : f32
    %gt3A_819 = vector.broadcast %gt3A_818 : f32 to vector<2048x128xf32>
    %gt3A_820 = arith.cmpf ogt, %add3A_817, %gt3A_819 : vector<2048x128xf32>
    %mul3A_821 = arith.constant 2.000000e-01 : f32
    %mul3A_822 = vector.broadcast %mul3A_821 : f32 to vector<2048x128xf32>
    %mul3A_823 = arith.mulf %mul3A_822, %add3A_817 : vector<2048x128xf32>
    %select_n3A_824 = arith.select %gt3A_820, %add3A_817, %mul3A_823 : vector<2048x128xi1>, vector<2048x128xf32>
    %min3A_825 = arith.constant 6.000000e+01 : f32
    %min3A_826 = vector.broadcast %min3A_825 : f32 to vector<2048x128xf32>
    %min3A_827 = arith.minimumf %select_n3A_824, %min3A_826 : vector<2048x128xf32>
    %exp3A_828 = math.exp %min3A_827 : vector<2048x128xf32>
    %mul3A_829 = arith.mulf %mul3A_106, %exp3A_828 : vector<2048x128xf32>
    %dot_general3A_830 = arith.constant dense<0.000000e+00> : vector<2048x128xf32>
    %dot_general3A_831 = tpu.matmul %mul3A_829, %broadcast_in_dim3A_757, %dot_general3A_830 {dimension_numbers = #tpu.dot_dimension_numbers<[1], [0], [0], [1], [0, 0, 1, 1], [], []>, transpose_lhs_hint = false} : vector<2048x128xf32>, vector<128x128xf32>, vector<2048x128xf32> -> vector<2048x128xf32>
    %add3A_832 = arith.constant 1.000000e-16 : f32
    %add3A_833 = vector.broadcast %add3A_832 : f32 to vector<2048x128xf32>
    %add3A_834 = arith.addf %dot_general3A_831, %add3A_833 : vector<2048x128xf32>
    %div3A_835 = arith.constant 1.000000e+00 : f32
    %div3A_836 = vector.broadcast %div3A_835 : f32 to vector<2048x128xf32>
    %div3A_837 = arith.divf %div3A_836, %add3A_834 : vector<2048x128xf32>
    %mul3A_838 = arith.mulf %mul3A_829, %div3A_837 : vector<2048x128xf32>
    %slice3A_839 = vector.extract_strided_slice %mul3A_838 {offsets = [0, 0], sizes = [128, 128], strides = [1, 1]} : vector<2048x128xf32> to vector<128x128xf32>
    %slice3A_840 = vector.extract_strided_slice %dot_general3A_755 {offsets = [0, 0], sizes = [128, 128], strides = [1, 1]} : vector<2048x128xf32> to vector<128x128xf32>
    %dot_general3A_841 = arith.constant dense<0.000000e+00> : vector<128x128xf32>
    %dot_general3A_842 = tpu.matmul %slice3A_839, %slice3A_840, %dot_general3A_841 {dimension_numbers = #tpu.dot_dimension_numbers<[1], [0], [0], [1], [0, 0, 1, 1], [], []>, transpose_lhs_hint = false} : vector<128x128xf32>, vector<128x128xf32>, vector<128x128xf32> -> vector<128x128xf32>
    %slice3A_843 = vector.extract_strided_slice %mul3A_838 {offsets = [128, 0], sizes = [128, 128], strides = [1, 1]} : vector<2048x128xf32> to vector<128x128xf32>
    %slice3A_844 = vector.extract_strided_slice %dot_general3A_755 {offsets = [128, 0], sizes = [128, 128], strides = [1, 1]} : vector<2048x128xf32> to vector<128x128xf32>
    %dot_general3A_845 = arith.constant dense<0.000000e+00> : vector<128x128xf32>
    %dot_general3A_846 = tpu.matmul %slice3A_843, %slice3A_844, %dot_general3A_845 {dimension_numbers = #tpu.dot_dimension_numbers<[1], [0], [0], [1], [0, 0, 1, 1], [], []>, transpose_lhs_hint = false} : vector<128x128xf32>, vector<128x128xf32>, vector<128x128xf32> -> vector<128x128xf32>
    %slice3A_847 = vector.extract_strided_slice %mul3A_838 {offsets = [256, 0], sizes = [128, 128], strides = [1, 1]} : vector<2048x128xf32> to vector<128x128xf32>
    %slice3A_848 = vector.extract_strided_slice %dot_general3A_755 {offsets = [256, 0], sizes = [128, 128], strides = [1, 1]} : vector<2048x128xf32> to vector<128x128xf32>
    %dot_general3A_849 = arith.constant dense<0.000000e+00> : vector<128x128xf32>
    %dot_general3A_850 = tpu.matmul %slice3A_847, %slice3A_848, %dot_general3A_849 {dimension_numbers = #tpu.dot_dimension_numbers<[1], [0], [0], [1], [0, 0, 1, 1], [], []>, transpose_lhs_hint = false} : vector<128x128xf32>, vector<128x128xf32>, vector<128x128xf32> -> vector<128x128xf32>
    %slice3A_851 = vector.extract_strided_slice %mul3A_838 {offsets = [384, 0], sizes = [128, 128], strides = [1, 1]} : vector<2048x128xf32> to vector<128x128xf32>
    %slice3A_852 = vector.extract_strided_slice %dot_general3A_755 {offsets = [384, 0], sizes = [128, 128], strides = [1, 1]} : vector<2048x128xf32> to vector<128x128xf32>
    %dot_general3A_853 = arith.constant dense<0.000000e+00> : vector<128x128xf32>
    %dot_general3A_854 = tpu.matmul %slice3A_851, %slice3A_852, %dot_general3A_853 {dimension_numbers = #tpu.dot_dimension_numbers<[1], [0], [0], [1], [0, 0, 1, 1], [], []>, transpose_lhs_hint = false} : vector<128x128xf32>, vector<128x128xf32>, vector<128x128xf32> -> vector<128x128xf32>
    %slice3A_855 = vector.extract_strided_slice %mul3A_838 {offsets = [512, 0], sizes = [128, 128], strides = [1, 1]} : vector<2048x128xf32> to vector<128x128xf32>
    %slice3A_856 = vector.extract_strided_slice %dot_general3A_755 {offsets = [512, 0], sizes = [128, 128], strides = [1, 1]} : vector<2048x128xf32> to vector<128x128xf32>
    %dot_general3A_857 = arith.constant dense<0.000000e+00> : vector<128x128xf32>
    %dot_general3A_858 = tpu.matmul %slice3A_855, %slice3A_856, %dot_general3A_857 {dimension_numbers = #tpu.dot_dimension_numbers<[1], [0], [0], [1], [0, 0, 1, 1], [], []>, transpose_lhs_hint = false} : vector<128x128xf32>, vector<128x128xf32>, vector<128x128xf32> -> vector<128x128xf32>
    %slice3A_859 = vector.extract_strided_slice %mul3A_838 {offsets = [640, 0], sizes = [128, 128], strides = [1, 1]} : vector<2048x128xf32> to vector<128x128xf32>
    %slice3A_860 = vector.extract_strided_slice %dot_general3A_755 {offsets = [640, 0], sizes = [128, 128], strides = [1, 1]} : vector<2048x128xf32> to vector<128x128xf32>
    %dot_general3A_861 = arith.constant dense<0.000000e+00> : vector<128x128xf32>
    %dot_general3A_862 = tpu.matmul %slice3A_859, %slice3A_860, %dot_general3A_861 {dimension_numbers = #tpu.dot_dimension_numbers<[1], [0], [0], [1], [0, 0, 1, 1], [], []>, transpose_lhs_hint = false} : vector<128x128xf32>, vector<128x128xf32>, vector<128x128xf32> -> vector<128x128xf32>
    %slice3A_863 = vector.extract_strided_slice %mul3A_838 {offsets = [768, 0], sizes = [128, 128], strides = [1, 1]} : vector<2048x128xf32> to vector<128x128xf32>
    %slice3A_864 = vector.extract_strided_slice %dot_general3A_755 {offsets = [768, 0], sizes = [128, 128], strides = [1, 1]} : vector<2048x128xf32> to vector<128x128xf32>
    %dot_general3A_865 = arith.constant dense<0.000000e+00> : vector<128x128xf32>
    %dot_general3A_866 = tpu.matmul %slice3A_863, %slice3A_864, %dot_general3A_865 {dimension_numbers = #tpu.dot_dimension_numbers<[1], [0], [0], [1], [0, 0, 1, 1], [], []>, transpose_lhs_hint = false} : vector<128x128xf32>, vector<128x128xf32>, vector<128x128xf32> -> vector<128x128xf32>
    %slice3A_867 = vector.extract_strided_slice %mul3A_838 {offsets = [896, 0], sizes = [128, 128], strides = [1, 1]} : vector<2048x128xf32> to vector<128x128xf32>
    %slice3A_868 = vector.extract_strided_slice %dot_general3A_755 {offsets = [896, 0], sizes = [128, 128], strides = [1, 1]} : vector<2048x128xf32> to vector<128x128xf32>
    %dot_general3A_869 = arith.constant dense<0.000000e+00> : vector<128x128xf32>
    %dot_general3A_870 = tpu.matmul %slice3A_867, %slice3A_868, %dot_general3A_869 {dimension_numbers = #tpu.dot_dimension_numbers<[1], [0], [0], [1], [0, 0, 1, 1], [], []>, transpose_lhs_hint = false} : vector<128x128xf32>, vector<128x128xf32>, vector<128x128xf32> -> vector<128x128xf32>
    %slice3A_871 = vector.extract_strided_slice %mul3A_838 {offsets = [1024, 0], sizes = [128, 128], strides = [1, 1]} : vector<2048x128xf32> to vector<128x128xf32>
    %slice3A_872 = vector.extract_strided_slice %dot_general3A_755 {offsets = [1024, 0], sizes = [128, 128], strides = [1, 1]} : vector<2048x128xf32> to vector<128x128xf32>
    %dot_general3A_873 = arith.constant dense<0.000000e+00> : vector<128x128xf32>
    %dot_general3A_874 = tpu.matmul %slice3A_871, %slice3A_872, %dot_general3A_873 {dimension_numbers = #tpu.dot_dimension_numbers<[1], [0], [0], [1], [0, 0, 1, 1], [], []>, transpose_lhs_hint = false} : vector<128x128xf32>, vector<128x128xf32>, vector<128x128xf32> -> vector<128x128xf32>
    %slice3A_875 = vector.extract_strided_slice %mul3A_838 {offsets = [1152, 0], sizes = [128, 128], strides = [1, 1]} : vector<2048x128xf32> to vector<128x128xf32>
    %slice3A_876 = vector.extract_strided_slice %dot_general3A_755 {offsets = [1152, 0], sizes = [128, 128], strides = [1, 1]} : vector<2048x128xf32> to vector<128x128xf32>
    %dot_general3A_877 = arith.constant dense<0.000000e+00> : vector<128x128xf32>
    %dot_general3A_878 = tpu.matmul %slice3A_875, %slice3A_876, %dot_general3A_877 {dimension_numbers = #tpu.dot_dimension_numbers<[1], [0], [0], [1], [0, 0, 1, 1], [], []>, transpose_lhs_hint = false} : vector<128x128xf32>, vector<128x128xf32>, vector<128x128xf32> -> vector<128x128xf32>
    %slice3A_879 = vector.extract_strided_slice %mul3A_838 {offsets = [1280, 0], sizes = [128, 128], strides = [1, 1]} : vector<2048x128xf32> to vector<128x128xf32>
    %slice3A_880 = vector.extract_strided_slice %dot_general3A_755 {offsets = [1280, 0], sizes = [128, 128], strides = [1, 1]} : vector<2048x128xf32> to vector<128x128xf32>
    %dot_general3A_881 = arith.constant dense<0.000000e+00> : vector<128x128xf32>
    %dot_general3A_882 = tpu.matmul %slice3A_879, %slice3A_880, %dot_general3A_881 {dimension_numbers = #tpu.dot_dimension_numbers<[1], [0], [0], [1], [0, 0, 1, 1], [], []>, transpose_lhs_hint = false} : vector<128x128xf32>, vector<128x128xf32>, vector<128x128xf32> -> vector<128x128xf32>
    %slice3A_883 = vector.extract_strided_slice %mul3A_838 {offsets = [1408, 0], sizes = [128, 128], strides = [1, 1]} : vector<2048x128xf32> to vector<128x128xf32>
    %slice3A_884 = vector.extract_strided_slice %dot_general3A_755 {offsets = [1408, 0], sizes = [128, 128], strides = [1, 1]} : vector<2048x128xf32> to vector<128x128xf32>
    %dot_general3A_885 = arith.constant dense<0.000000e+00> : vector<128x128xf32>
    %dot_general3A_886 = tpu.matmul %slice3A_883, %slice3A_884, %dot_general3A_885 {dimension_numbers = #tpu.dot_dimension_numbers<[1], [0], [0], [1], [0, 0, 1, 1], [], []>, transpose_lhs_hint = false} : vector<128x128xf32>, vector<128x128xf32>, vector<128x128xf32> -> vector<128x128xf32>
    %slice3A_887 = vector.extract_strided_slice %mul3A_838 {offsets = [1536, 0], sizes = [128, 128], strides = [1, 1]} : vector<2048x128xf32> to vector<128x128xf32>
    %slice3A_888 = vector.extract_strided_slice %dot_general3A_755 {offsets = [1536, 0], sizes = [128, 128], strides = [1, 1]} : vector<2048x128xf32> to vector<128x128xf32>
    %dot_general3A_889 = arith.constant dense<0.000000e+00> : vector<128x128xf32>
    %dot_general3A_890 = tpu.matmul %slice3A_887, %slice3A_888, %dot_general3A_889 {dimension_numbers = #tpu.dot_dimension_numbers<[1], [0], [0], [1], [0, 0, 1, 1], [], []>, transpose_lhs_hint = false} : vector<128x128xf32>, vector<128x128xf32>, vector<128x128xf32> -> vector<128x128xf32>
    %slice3A_891 = vector.extract_strided_slice %mul3A_838 {offsets = [1664, 0], sizes = [128, 128], strides = [1, 1]} : vector<2048x128xf32> to vector<128x128xf32>
    %slice3A_892 = vector.extract_strided_slice %dot_general3A_755 {offsets = [1664, 0], sizes = [128, 128], strides = [1, 1]} : vector<2048x128xf32> to vector<128x128xf32>
    %dot_general3A_893 = arith.constant dense<0.000000e+00> : vector<128x128xf32>
    %dot_general3A_894 = tpu.matmul %slice3A_891, %slice3A_892, %dot_general3A_893 {dimension_numbers = #tpu.dot_dimension_numbers<[1], [0], [0], [1], [0, 0, 1, 1], [], []>, transpose_lhs_hint = false} : vector<128x128xf32>, vector<128x128xf32>, vector<128x128xf32> -> vector<128x128xf32>
    %slice3A_895 = vector.extract_strided_slice %mul3A_838 {offsets = [1792, 0], sizes = [128, 128], strides = [1, 1]} : vector<2048x128xf32> to vector<128x128xf32>
    %slice3A_896 = vector.extract_strided_slice %dot_general3A_755 {offsets = [1792, 0], sizes = [128, 128], strides = [1, 1]} : vector<2048x128xf32> to vector<128x128xf32>
    %dot_general3A_897 = arith.constant dense<0.000000e+00> : vector<128x128xf32>
    %dot_general3A_898 = tpu.matmul %slice3A_895, %slice3A_896, %dot_general3A_897 {dimension_numbers = #tpu.dot_dimension_numbers<[1], [0], [0], [1], [0, 0, 1, 1], [], []>, transpose_lhs_hint = false} : vector<128x128xf32>, vector<128x128xf32>, vector<128x128xf32> -> vector<128x128xf32>
    %slice3A_899 = vector.extract_strided_slice %mul3A_838 {offsets = [1920, 0], sizes = [128, 128], strides = [1, 1]} : vector<2048x128xf32> to vector<128x128xf32>
    %slice3A_900 = vector.extract_strided_slice %dot_general3A_755 {offsets = [1920, 0], sizes = [128, 128], strides = [1, 1]} : vector<2048x128xf32> to vector<128x128xf32>
    %dot_general3A_901 = arith.constant dense<0.000000e+00> : vector<128x128xf32>
    %dot_general3A_902 = tpu.matmul %slice3A_899, %slice3A_900, %dot_general3A_901 {dimension_numbers = #tpu.dot_dimension_numbers<[1], [0], [0], [1], [0, 0, 1, 1], [], []>, transpose_lhs_hint = false} : vector<128x128xf32>, vector<128x128xf32>, vector<128x128xf32> -> vector<128x128xf32>
    %concatenate3A_903 = tpu.concatenate %dot_general3A_842, %dot_general3A_846, %dot_general3A_850, %dot_general3A_854, %dot_general3A_858, %dot_general3A_862, %dot_general3A_866, %dot_general3A_870, %dot_general3A_874, %dot_general3A_878, %dot_general3A_882, %dot_general3A_886, %dot_general3A_890, %dot_general3A_894, %dot_general3A_898, %dot_general3A_902 in 0 : vector<128x128xf32>, vector<128x128xf32>, vector<128x128xf32>, vector<128x128xf32>, vector<128x128xf32>, vector<128x128xf32>, vector<128x128xf32>, vector<128x128xf32>, vector<128x128xf32>, vector<128x128xf32>, vector<128x128xf32>, vector<128x128xf32>, vector<128x128xf32>, vector<128x128xf32>, vector<128x128xf32>, vector<128x128xf32> -> vector<2048x128xf32>
    %broadcast_in_dim3A_904 = vector.shape_cast %get3A_753 : vector<128xf32> to vector<1x128xf32>
    %add3A_905 = vector.broadcast %broadcast_in_dim3A_904 : vector<1x128xf32> to vector<2048x128xf32>
    %add3A_906 = arith.addf %concatenate3A_903, %add3A_905 : vector<2048x128xf32>
    %reshape3A = vector.shape_cast %add3A_906 : vector<2048x128xf32> to vector<128x16x128xf32>
    %reduce_sum3A_907 = arith.constant dense<0.000000e+00> : vector<128x128xf32>
    %reduce_sum3A_908 = vector.multi_reduction <add>, %reshape3A, %reduce_sum3A_907 [1] : vector<128x16x128xf32> to vector<128x128xf32>
    %div3A_909 = arith.constant 1.600000e+01 : f32
    %div3A_910 = vector.broadcast %div3A_909 : f32 to vector<128x128xf32>
    %div3A_911 = arith.divf %reduce_sum3A_908, %div3A_910 : vector<128x128xf32>
    %get3A_912 = arith.constant 1 : index
    %get3A_913 = arith.constant 0 : index
    %get3A_914 = arith.constant 0 : index
    %get3A_915 = vector.load %arg1[%get3A_912, %get3A_913, %get3A_914] : memref<3x2048x128xf32, #tpu.memory_space<vmem>>, vector<1x2048x128xf32>
    %get3A_916 = vector.shape_cast %get3A_915 : vector<1x2048x128xf32> to vector<2048x128xf32>
    %get3A_917 = arith.constant 1 : index
    %get3A_918 = arith.constant 0 : index
    %get3A_919 = arith.constant 0 : index
    %get3A_920 = vector.load %arg4[%get3A_917, %get3A_918, %get3A_919] : memref<3x128x128xf32, #tpu.memory_space<vmem>>, vector<1x128x128xf32>
    %get3A_921 = vector.shape_cast %get3A_920 : vector<1x128x128xf32> to vector<128x128xf32>
    %dot_general3A_922 = arith.constant dense<0.000000e+00> : vector<2048x128xf32>
    %dot_general3A_923 = tpu.matmul %get3A_916, %get3A_921, %dot_general3A_922 {dimension_numbers = #tpu.dot_dimension_numbers<[1], [0], [0], [1], [0, 0, 1, 1], [], []>, transpose_lhs_hint = false} : vector<2048x128xf32>, vector<128x128xf32>, vector<2048x128xf32> -> vector<2048x128xf32>
    %get3A_924 = arith.constant 1 : index
    %get3A_925 = arith.constant 0 : index
    %get3A_926 = vector.load %arg5[%get3A_924, %get3A_925] : memref<3x128xf32, #tpu.memory_space<vmem>>, vector<1x128xf32>
    %get3A_927 = vector.shape_cast %get3A_926 : vector<1x128xf32> to vector<128xf32>
    %broadcast_in_dim3A_928 = vector.shape_cast %get3A_927 : vector<128xf32> to vector<1x128xf32>
    %add3A_929 = vector.broadcast %broadcast_in_dim3A_928 : vector<1x128xf32> to vector<2048x128xf32>
    %add3A_930 = arith.addf %dot_general3A_923, %add3A_929 : vector<2048x128xf32>
    %get3A_931 = arith.constant 1 : index
    %get3A_932 = arith.constant 0 : index
    %get3A_933 = vector.load %arg6[%get3A_931, %get3A_932] : memref<3x128xf32, #tpu.memory_space<vmem>>, vector<1x128xf32>
    %get3A_934 = vector.shape_cast %get3A_933 : vector<1x128xf32> to vector<128xf32>
    %broadcast_in_dim3A_935 = vector.shape_cast %get3A_934 : vector<128xf32> to vector<1x128xf32>
    %get3A_936 = arith.constant 1 : index
    %get3A_937 = arith.constant 0 : index
    %get3A_938 = vector.load %arg7[%get3A_936, %get3A_937] : memref<3x128xf32, #tpu.memory_space<vmem>>, vector<1x128xf32>
    %get3A_939 = vector.shape_cast %get3A_938 : vector<1x128xf32> to vector<128xf32>
    %broadcast_in_dim3A_940 = vector.shape_cast %get3A_939 : vector<128xf32> to vector<1x128xf32>
    %reduce_sum3A_941 = arith.constant dense<0.000000e+00> : vector<2048xf32>
    %reduce_sum3A_942 = vector.multi_reduction <add>, %add3A_930, %reduce_sum3A_941 [1] : vector<2048x128xf32> to vector<2048xf32>
    %broadcast_in_dim3A_943 = vector.shape_cast %reduce_sum3A_942 : vector<2048xf32> to vector<2048x1xf32>
    %div3A_944 = arith.constant 1.280000e+02 : f32
    %div3A_945 = vector.broadcast %div3A_944 : f32 to vector<2048x1xf32>
    %div3A_946 = arith.divf %broadcast_in_dim3A_943, %div3A_945 : vector<2048x1xf32>
    %sub3A_947 = vector.broadcast %div3A_946 : vector<2048x1xf32> to vector<2048x128xf32>
    %sub3A_948 = arith.subf %add3A_930, %sub3A_947 : vector<2048x128xf32>
    %integer_pow3A_949 = arith.mulf %sub3A_948, %sub3A_948 : vector<2048x128xf32>
    %reduce_sum3A_950 = arith.constant dense<0.000000e+00> : vector<2048xf32>
    %reduce_sum3A_951 = vector.multi_reduction <add>, %integer_pow3A_949, %reduce_sum3A_950 [1] : vector<2048x128xf32> to vector<2048xf32>
    %broadcast_in_dim3A_952 = vector.shape_cast %reduce_sum3A_951 : vector<2048xf32> to vector<2048x1xf32>
    %div3A_953 = arith.constant 1.280000e+02 : f32
    %div3A_954 = vector.broadcast %div3A_953 : f32 to vector<2048x1xf32>
    %div3A_955 = arith.divf %broadcast_in_dim3A_952, %div3A_954 : vector<2048x1xf32>
    %sub3A_956 = vector.broadcast %div3A_946 : vector<2048x1xf32> to vector<2048x128xf32>
    %sub3A_957 = arith.subf %add3A_930, %sub3A_956 : vector<2048x128xf32>
    %add3A_958 = arith.constant 9.99999974E-6 : f32
    %add3A_959 = vector.broadcast %add3A_958 : f32 to vector<2048x1xf32>
    %add3A_960 = arith.addf %div3A_955, %add3A_959 : vector<2048x1xf32>
    %sqrt3A_961 = math.sqrt %add3A_960 : vector<2048x1xf32>
    %div3A_962 = vector.broadcast %sqrt3A_961 : vector<2048x1xf32> to vector<2048x128xf32>
    %div3A_963 = arith.divf %sub3A_957, %div3A_962 : vector<2048x128xf32>
    %mul3A_964 = vector.broadcast %broadcast_in_dim3A_935 : vector<1x128xf32> to vector<2048x128xf32>
    %mul3A_965 = arith.mulf %div3A_963, %mul3A_964 : vector<2048x128xf32>
    %add3A_966 = vector.broadcast %broadcast_in_dim3A_940 : vector<1x128xf32> to vector<2048x128xf32>
    %add3A_967 = arith.addf %mul3A_965, %add3A_966 : vector<2048x128xf32>
    %get3A_968 = arith.constant 1 : index
    %get3A_969 = arith.constant 0 : index
    %get3A_970 = arith.constant 0 : index
    %get3A_971 = vector.load %arg8[%get3A_968, %get3A_969, %get3A_970] : memref<3x16x1xf32, #tpu.memory_space<vmem>>, vector<1x16x1xf32>
    %get3A_972 = vector.shape_cast %get3A_971 : vector<1x16x1xf32> to vector<16x1xf32>
    %logistic3A_973 = arith.negf %get3A_972 : vector<16x1xf32>
    %logistic3A_974 = math.exp %logistic3A_973 : vector<16x1xf32>
    %logistic3A_975 = arith.constant 1.000000e+00 : f32
    %logistic3A_976 = vector.broadcast %logistic3A_975 : f32 to vector<16x1xf32>
    %logistic3A_977 = arith.addf %logistic3A_976, %logistic3A_974 : vector<16x1xf32>
    %logistic3A_978 = arith.divf %logistic3A_976, %logistic3A_977 : vector<16x1xf32>
    %dot_general3A_979 = arith.constant dense<0.000000e+00> : vector<2048x1xf32>
    %dot_general3A_980 = tpu.matmul %convert_element_type3A_3, %logistic3A_978, %dot_general3A_979 {dimension_numbers = #tpu.dot_dimension_numbers<[1], [0], [0], [1], [0, 0, 1, 1], [], []>, transpose_lhs_hint = false} : vector<2048x16xf32>, vector<16x1xf32>, vector<2048x1xf32> -> vector<2048x1xf32>
    %mul3A_981 = vector.broadcast %dot_general3A_980 : vector<2048x1xf32> to vector<2048x128xf32>
    %mul3A_982 = arith.mulf %add3A_967, %mul3A_981 : vector<2048x128xf32>
    %get3A_983 = arith.constant 1 : index
    %get3A_984 = arith.constant 0 : index
    %get3A_985 = arith.constant 0 : index
    %get3A_986 = vector.load %arg2[%get3A_983, %get3A_984, %get3A_985] : memref<3x2x64xi32, #tpu.memory_space<vmem>>, vector<1x1x64xi32>
    %get3A_987 = vector.shape_cast %get3A_986 : vector<1x1x64xi32> to vector<1x64xi32>
    %get3A_988 = arith.constant 1 : index
    %get3A_989 = arith.constant 1 : index
    %get3A_990 = arith.constant 0 : index
    %get3A_991 = vector.load %arg2[%get3A_988, %get3A_989, %get3A_990] : memref<3x2x64xi32, #tpu.memory_space<vmem>>, vector<1x1x64xi32>
    %get3A_992 = vector.shape_cast %get3A_991 : vector<1x1x64xi32> to vector<1x64xi32>
    %iota3A_993 = tpu.iota {dimensions = array<i32: 0>} : vector<16x64xi32>
    %eq3A_994 = vector.broadcast %get3A_987 : vector<1x64xi32> to vector<16x64xi32>
    %eq3A_995 = arith.cmpi eq, %eq3A_994, %iota3A_993 : vector<16x64xi32>
    %convert_element_type3A_996 = arith.extui %eq3A_995 : vector<16x64xi1> to vector<16x64xi32>
    %convert_element_type3A_997 = arith.sitofp %convert_element_type3A_996 : vector<16x64xi32> to vector<16x64xf32>
    %eq3A_998 = vector.broadcast %get3A_992 : vector<1x64xi32> to vector<16x64xi32>
    %eq3A_999 = arith.cmpi eq, %eq3A_998, %iota3A_993 : vector<16x64xi32>
    %convert_element_type3A_1000 = arith.extui %eq3A_999 : vector<16x64xi1> to vector<16x64xi32>
    %convert_element_type3A_1001 = arith.sitofp %convert_element_type3A_1000 : vector<16x64xi32> to vector<16x64xf32>
    %iota3A_1002 = tpu.iota {dimensions = array<i32: 0>} : vector<16x16xi32>
    %iota3A_1003 = tpu.iota {dimensions = array<i32: 1>} : vector<16x16xi32>
    %eq3A_1004 = arith.cmpi eq, %iota3A_1002, %iota3A_1003 : vector<16x16xi32>
    %convert_element_type3A_1005 = arith.extui %eq3A_1004 : vector<16x16xi1> to vector<16x16xi32>
    %convert_element_type3A_1006 = arith.sitofp %convert_element_type3A_1005 : vector<16x16xi32> to vector<16x16xf32>
    %dot_general3A_1007 = arith.constant dense<0.000000e+00> : vector<16x16xf32>
    %dot_general3A_1008 = tpu.matmul %convert_element_type3A_1001, %convert_element_type3A_997, %dot_general3A_1007 {dimension_numbers = #tpu.dot_dimension_numbers<[1], [1], [0], [0], [0, 0, 1, 0], [], []>, transpose_lhs_hint = false} : vector<16x64xf32>, vector<16x64xf32>, vector<16x16xf32> -> vector<16x16xf32>
    %add3A_1009 = arith.addf %dot_general3A_1008, %convert_element_type3A_1006 : vector<16x16xf32>
    %concatenate3A_1010 = tpu.concatenate %add3A_1009, %add3A_1009, %add3A_1009, %add3A_1009, %add3A_1009, %add3A_1009, %add3A_1009, %add3A_1009 in 1 : vector<16x16xf32>, vector<16x16xf32>, vector<16x16xf32>, vector<16x16xf32>, vector<16x16xf32>, vector<16x16xf32>, vector<16x16xf32>, vector<16x16xf32> -> vector<16x128xf32>
    %dot_general3A_1011 = arith.constant dense<0.000000e+00> : vector<2048x128xf32>
    %dot_general3A_1012 = tpu.matmul %convert_element_type3A_3, %concatenate3A_1010, %dot_general3A_1011 {dimension_numbers = #tpu.dot_dimension_numbers<[1], [0], [0], [1], [0, 0, 1, 1], [], []>, transpose_lhs_hint = false} : vector<2048x16xf32>, vector<16x128xf32>, vector<2048x128xf32> -> vector<2048x128xf32>
    %mul3A_1013 = arith.mulf %dot_general3A_1012, %convert_element_type3A_16 : vector<2048x128xf32>
    %get3A_1014 = arith.constant 1 : index
    %get3A_1015 = arith.constant 0 : index
    %get3A_1016 = arith.constant 0 : index
    %get3A_1017 = vector.load %arg9[%get3A_1014, %get3A_1015, %get3A_1016] : memref<3x128x512xf32, #tpu.memory_space<vmem>>, vector<1x128x512xf32>
    %get3A_1018 = vector.shape_cast %get3A_1017 : vector<1x128x512xf32> to vector<128x512xf32>
    %get3A_1019 = arith.constant 1 : index
    %get3A_1020 = arith.constant 0 : index
    %get3A_1021 = arith.constant 0 : index
    %get3A_1022 = vector.load %arg10[%get3A_1019, %get3A_1020, %get3A_1021] : memref<3x4x128xf32, #tpu.memory_space<vmem>>, vector<1x4x128xf32>
    %get3A_1023 = vector.shape_cast %get3A_1022 : vector<1x4x128xf32> to vector<4x128xf32>
    %get3A_1024 = arith.constant 1 : index
    %get3A_1025 = arith.constant 0 : index
    %get3A_1026 = arith.constant 0 : index
    %get3A_1027 = vector.load %arg11[%get3A_1024, %get3A_1025, %get3A_1026] : memref<3x4x128xf32, #tpu.memory_space<vmem>>, vector<1x4x128xf32>
    %get3A_1028 = vector.shape_cast %get3A_1027 : vector<1x4x128xf32> to vector<4x128xf32>
    %get3A_1029 = arith.constant 1 : index
    %get3A_1030 = arith.constant 0 : index
    %get3A_1031 = vector.load %arg12[%get3A_1029, %get3A_1030] : memref<3x512xf32, #tpu.memory_space<vmem>>, vector<1x512xf32>
    %get3A_1032 = vector.shape_cast %get3A_1031 : vector<1x512xf32> to vector<512xf32>
    %dot_general3A_1033 = arith.constant dense<0.000000e+00> : vector<2048x512xf32>
    %dot_general3A_1034 = tpu.matmul %mul3A_982, %get3A_1018, %dot_general3A_1033 {dimension_numbers = #tpu.dot_dimension_numbers<[1], [0], [0], [1], [0, 0, 1, 1], [], []>, transpose_lhs_hint = false} : vector<2048x128xf32>, vector<128x512xf32>, vector<2048x512xf32> -> vector<2048x512xf32>
    %broadcast_in_dim3A_1035 = arith.constant 1.000000e+00 : f32
    %broadcast_in_dim3A_1036 = vector.broadcast %broadcast_in_dim3A_1035 : f32 to vector<128x128xf32>
    %slice3A_1037 = vector.extract_strided_slice %dot_general3A_1034 {offsets = [0, 0], sizes = [2048, 128], strides = [1, 1]} : vector<2048x512xf32> to vector<2048x128xf32>
    %slice3A_1038 = vector.extract_strided_slice %get3A_1023 {offsets = [0, 0], sizes = [1, 128], strides = [1, 1]} : vector<4x128xf32> to vector<1x128xf32>
    %squeeze3A_1039 = vector.shape_cast %slice3A_1038 : vector<1x128xf32> to vector<128xf32>
    %broadcast_in_dim3A_1040 = vector.shape_cast %squeeze3A_1039 : vector<128xf32> to vector<1x128xf32>
    %broadcast_in_dim3A_1041 = vector.shape_cast %broadcast_in_dim3A_1040 : vector<1x128xf32> to vector<1x128xf32>
    %broadcast_in_dim3A_1042 = vector.broadcast %broadcast_in_dim3A_1041 : vector<1x128xf32> to vector<128x128xf32>
    %slice3A_1043 = vector.extract_strided_slice %get3A_1028 {offsets = [0, 0], sizes = [1, 128], strides = [1, 1]} : vector<4x128xf32> to vector<1x128xf32>
    %squeeze3A_1044 = vector.shape_cast %slice3A_1043 : vector<1x128xf32> to vector<128xf32>
    %broadcast_in_dim3A_1045 = vector.shape_cast %squeeze3A_1044 : vector<128xf32> to vector<1x128xf32>
    %broadcast_in_dim3A_1046 = vector.shape_cast %broadcast_in_dim3A_1045 : vector<1x128xf32> to vector<1x128xf32>
    %broadcast_in_dim3A_1047 = vector.broadcast %broadcast_in_dim3A_1046 : vector<1x128xf32> to vector<128x128xf32>
    %slice3A_1048 = vector.extract_strided_slice %slice3A_1037 {offsets = [0, 0], sizes = [128, 128], strides = [1, 1]} : vector<2048x128xf32> to vector<128x128xf32>
    %dot_general3A_1049 = arith.constant dense<0.000000e+00> : vector<128x128xf32>
    %dot_general3A_1050 = tpu.matmul %broadcast_in_dim3A_1042, %slice3A_1048, %dot_general3A_1049 {dimension_numbers = #tpu.dot_dimension_numbers<[1], [1], [0], [0], [0, 0, 1, 0], [], []>, transpose_lhs_hint = false} : vector<128x128xf32>, vector<128x128xf32>, vector<128x128xf32> -> vector<128x128xf32>
    %slice3A_1051 = vector.extract_strided_slice %slice3A_1037 {offsets = [128, 0], sizes = [128, 128], strides = [1, 1]} : vector<2048x128xf32> to vector<128x128xf32>
    %dot_general3A_1052 = arith.constant dense<0.000000e+00> : vector<128x128xf32>
    %dot_general3A_1053 = tpu.matmul %broadcast_in_dim3A_1042, %slice3A_1051, %dot_general3A_1052 {dimension_numbers = #tpu.dot_dimension_numbers<[1], [1], [0], [0], [0, 0, 1, 0], [], []>, transpose_lhs_hint = false} : vector<128x128xf32>, vector<128x128xf32>, vector<128x128xf32> -> vector<128x128xf32>
    %slice3A_1054 = vector.extract_strided_slice %slice3A_1037 {offsets = [256, 0], sizes = [128, 128], strides = [1, 1]} : vector<2048x128xf32> to vector<128x128xf32>
    %dot_general3A_1055 = arith.constant dense<0.000000e+00> : vector<128x128xf32>
    %dot_general3A_1056 = tpu.matmul %broadcast_in_dim3A_1042, %slice3A_1054, %dot_general3A_1055 {dimension_numbers = #tpu.dot_dimension_numbers<[1], [1], [0], [0], [0, 0, 1, 0], [], []>, transpose_lhs_hint = false} : vector<128x128xf32>, vector<128x128xf32>, vector<128x128xf32> -> vector<128x128xf32>
    %slice3A_1057 = vector.extract_strided_slice %slice3A_1037 {offsets = [384, 0], sizes = [128, 128], strides = [1, 1]} : vector<2048x128xf32> to vector<128x128xf32>
    %dot_general3A_1058 = arith.constant dense<0.000000e+00> : vector<128x128xf32>
    %dot_general3A_1059 = tpu.matmul %broadcast_in_dim3A_1042, %slice3A_1057, %dot_general3A_1058 {dimension_numbers = #tpu.dot_dimension_numbers<[1], [1], [0], [0], [0, 0, 1, 0], [], []>, transpose_lhs_hint = false} : vector<128x128xf32>, vector<128x128xf32>, vector<128x128xf32> -> vector<128x128xf32>
    %slice3A_1060 = vector.extract_strided_slice %slice3A_1037 {offsets = [512, 0], sizes = [128, 128], strides = [1, 1]} : vector<2048x128xf32> to vector<128x128xf32>
    %dot_general3A_1061 = arith.constant dense<0.000000e+00> : vector<128x128xf32>
    %dot_general3A_1062 = tpu.matmul %broadcast_in_dim3A_1042, %slice3A_1060, %dot_general3A_1061 {dimension_numbers = #tpu.dot_dimension_numbers<[1], [1], [0], [0], [0, 0, 1, 0], [], []>, transpose_lhs_hint = false} : vector<128x128xf32>, vector<128x128xf32>, vector<128x128xf32> -> vector<128x128xf32>
    %slice3A_1063 = vector.extract_strided_slice %slice3A_1037 {offsets = [640, 0], sizes = [128, 128], strides = [1, 1]} : vector<2048x128xf32> to vector<128x128xf32>
    %dot_general3A_1064 = arith.constant dense<0.000000e+00> : vector<128x128xf32>
    %dot_general3A_1065 = tpu.matmul %broadcast_in_dim3A_1042, %slice3A_1063, %dot_general3A_1064 {dimension_numbers = #tpu.dot_dimension_numbers<[1], [1], [0], [0], [0, 0, 1, 0], [], []>, transpose_lhs_hint = false} : vector<128x128xf32>, vector<128x128xf32>, vector<128x128xf32> -> vector<128x128xf32>
    %slice3A_1066 = vector.extract_strided_slice %slice3A_1037 {offsets = [768, 0], sizes = [128, 128], strides = [1, 1]} : vector<2048x128xf32> to vector<128x128xf32>
    %dot_general3A_1067 = arith.constant dense<0.000000e+00> : vector<128x128xf32>
    %dot_general3A_1068 = tpu.matmul %broadcast_in_dim3A_1042, %slice3A_1066, %dot_general3A_1067 {dimension_numbers = #tpu.dot_dimension_numbers<[1], [1], [0], [0], [0, 0, 1, 0], [], []>, transpose_lhs_hint = false} : vector<128x128xf32>, vector<128x128xf32>, vector<128x128xf32> -> vector<128x128xf32>
    %slice3A_1069 = vector.extract_strided_slice %slice3A_1037 {offsets = [896, 0], sizes = [128, 128], strides = [1, 1]} : vector<2048x128xf32> to vector<128x128xf32>
    %dot_general3A_1070 = arith.constant dense<0.000000e+00> : vector<128x128xf32>
    %dot_general3A_1071 = tpu.matmul %broadcast_in_dim3A_1042, %slice3A_1069, %dot_general3A_1070 {dimension_numbers = #tpu.dot_dimension_numbers<[1], [1], [0], [0], [0, 0, 1, 0], [], []>, transpose_lhs_hint = false} : vector<128x128xf32>, vector<128x128xf32>, vector<128x128xf32> -> vector<128x128xf32>
    %slice3A_1072 = vector.extract_strided_slice %slice3A_1037 {offsets = [1024, 0], sizes = [128, 128], strides = [1, 1]} : vector<2048x128xf32> to vector<128x128xf32>
    %dot_general3A_1073 = arith.constant dense<0.000000e+00> : vector<128x128xf32>
    %dot_general3A_1074 = tpu.matmul %broadcast_in_dim3A_1042, %slice3A_1072, %dot_general3A_1073 {dimension_numbers = #tpu.dot_dimension_numbers<[1], [1], [0], [0], [0, 0, 1, 0], [], []>, transpose_lhs_hint = false} : vector<128x128xf32>, vector<128x128xf32>, vector<128x128xf32> -> vector<128x128xf32>
    %slice3A_1075 = vector.extract_strided_slice %slice3A_1037 {offsets = [1152, 0], sizes = [128, 128], strides = [1, 1]} : vector<2048x128xf32> to vector<128x128xf32>
    %dot_general3A_1076 = arith.constant dense<0.000000e+00> : vector<128x128xf32>
    %dot_general3A_1077 = tpu.matmul %broadcast_in_dim3A_1042, %slice3A_1075, %dot_general3A_1076 {dimension_numbers = #tpu.dot_dimension_numbers<[1], [1], [0], [0], [0, 0, 1, 0], [], []>, transpose_lhs_hint = false} : vector<128x128xf32>, vector<128x128xf32>, vector<128x128xf32> -> vector<128x128xf32>
    %slice3A_1078 = vector.extract_strided_slice %slice3A_1037 {offsets = [1280, 0], sizes = [128, 128], strides = [1, 1]} : vector<2048x128xf32> to vector<128x128xf32>
    %dot_general3A_1079 = arith.constant dense<0.000000e+00> : vector<128x128xf32>
    %dot_general3A_1080 = tpu.matmul %broadcast_in_dim3A_1042, %slice3A_1078, %dot_general3A_1079 {dimension_numbers = #tpu.dot_dimension_numbers<[1], [1], [0], [0], [0, 0, 1, 0], [], []>, transpose_lhs_hint = false} : vector<128x128xf32>, vector<128x128xf32>, vector<128x128xf32> -> vector<128x128xf32>
    %slice3A_1081 = vector.extract_strided_slice %slice3A_1037 {offsets = [1408, 0], sizes = [128, 128], strides = [1, 1]} : vector<2048x128xf32> to vector<128x128xf32>
    %dot_general3A_1082 = arith.constant dense<0.000000e+00> : vector<128x128xf32>
    %dot_general3A_1083 = tpu.matmul %broadcast_in_dim3A_1042, %slice3A_1081, %dot_general3A_1082 {dimension_numbers = #tpu.dot_dimension_numbers<[1], [1], [0], [0], [0, 0, 1, 0], [], []>, transpose_lhs_hint = false} : vector<128x128xf32>, vector<128x128xf32>, vector<128x128xf32> -> vector<128x128xf32>
    %slice3A_1084 = vector.extract_strided_slice %slice3A_1037 {offsets = [1536, 0], sizes = [128, 128], strides = [1, 1]} : vector<2048x128xf32> to vector<128x128xf32>
    %dot_general3A_1085 = arith.constant dense<0.000000e+00> : vector<128x128xf32>
    %dot_general3A_1086 = tpu.matmul %broadcast_in_dim3A_1042, %slice3A_1084, %dot_general3A_1085 {dimension_numbers = #tpu.dot_dimension_numbers<[1], [1], [0], [0], [0, 0, 1, 0], [], []>, transpose_lhs_hint = false} : vector<128x128xf32>, vector<128x128xf32>, vector<128x128xf32> -> vector<128x128xf32>
    %slice3A_1087 = vector.extract_strided_slice %slice3A_1037 {offsets = [1664, 0], sizes = [128, 128], strides = [1, 1]} : vector<2048x128xf32> to vector<128x128xf32>
    %dot_general3A_1088 = arith.constant dense<0.000000e+00> : vector<128x128xf32>
    %dot_general3A_1089 = tpu.matmul %broadcast_in_dim3A_1042, %slice3A_1087, %dot_general3A_1088 {dimension_numbers = #tpu.dot_dimension_numbers<[1], [1], [0], [0], [0, 0, 1, 0], [], []>, transpose_lhs_hint = false} : vector<128x128xf32>, vector<128x128xf32>, vector<128x128xf32> -> vector<128x128xf32>
    %slice3A_1090 = vector.extract_strided_slice %slice3A_1037 {offsets = [1792, 0], sizes = [128, 128], strides = [1, 1]} : vector<2048x128xf32> to vector<128x128xf32>
    %dot_general3A_1091 = arith.constant dense<0.000000e+00> : vector<128x128xf32>
    %dot_general3A_1092 = tpu.matmul %broadcast_in_dim3A_1042, %slice3A_1090, %dot_general3A_1091 {dimension_numbers = #tpu.dot_dimension_numbers<[1], [1], [0], [0], [0, 0, 1, 0], [], []>, transpose_lhs_hint = false} : vector<128x128xf32>, vector<128x128xf32>, vector<128x128xf32> -> vector<128x128xf32>
    %slice3A_1093 = vector.extract_strided_slice %slice3A_1037 {offsets = [1920, 0], sizes = [128, 128], strides = [1, 1]} : vector<2048x128xf32> to vector<128x128xf32>
    %dot_general3A_1094 = arith.constant dense<0.000000e+00> : vector<128x128xf32>
    %dot_general3A_1095 = tpu.matmul %broadcast_in_dim3A_1042, %slice3A_1093, %dot_general3A_1094 {dimension_numbers = #tpu.dot_dimension_numbers<[1], [1], [0], [0], [0, 0, 1, 0], [], []>, transpose_lhs_hint = false} : vector<128x128xf32>, vector<128x128xf32>, vector<128x128xf32> -> vector<128x128xf32>
    %concatenate3A_1096 = tpu.concatenate %dot_general3A_1050, %dot_general3A_1053, %dot_general3A_1056, %dot_general3A_1059, %dot_general3A_1062, %dot_general3A_1065, %dot_general3A_1068, %dot_general3A_1071, %dot_general3A_1074, %dot_general3A_1077, %dot_general3A_1080, %dot_general3A_1083, %dot_general3A_1086, %dot_general3A_1089, %dot_general3A_1092, %dot_general3A_1095 in 0 : vector<128x128xf32>, vector<128x128xf32>, vector<128x128xf32>, vector<128x128xf32>, vector<128x128xf32>, vector<128x128xf32>, vector<128x128xf32>, vector<128x128xf32>, vector<128x128xf32>, vector<128x128xf32>, vector<128x128xf32>, vector<128x128xf32>, vector<128x128xf32>, vector<128x128xf32>, vector<128x128xf32>, vector<128x128xf32> -> vector<2048x128xf32>
    %dot_general3A_1097 = arith.constant dense<0.000000e+00> : vector<2048x128xf32>
    %dot_general3A_1098 = tpu.matmul %slice3A_1037, %broadcast_in_dim3A_1047, %dot_general3A_1097 {dimension_numbers = #tpu.dot_dimension_numbers<[1], [1], [0], [0], [0, 0, 1, 0], [], []>, transpose_lhs_hint = false} : vector<2048x128xf32>, vector<128x128xf32>, vector<2048x128xf32> -> vector<2048x128xf32>
    %add3A_1099 = arith.addf %concatenate3A_1096, %dot_general3A_1098 : vector<2048x128xf32>
    %gt3A_1100 = arith.constant 0.000000e+00 : f32
    %gt3A_1101 = vector.broadcast %gt3A_1100 : f32 to vector<2048x128xf32>
    %gt3A_1102 = arith.cmpf ogt, %add3A_1099, %gt3A_1101 : vector<2048x128xf32>
    %mul3A_1103 = arith.constant 2.000000e-01 : f32
    %mul3A_1104 = vector.broadcast %mul3A_1103 : f32 to vector<2048x128xf32>
    %mul3A_1105 = arith.mulf %mul3A_1104, %add3A_1099 : vector<2048x128xf32>
    %select_n3A_1106 = arith.select %gt3A_1102, %add3A_1099, %mul3A_1105 : vector<2048x128xi1>, vector<2048x128xf32>
    %min3A_1107 = arith.constant 6.000000e+01 : f32
    %min3A_1108 = vector.broadcast %min3A_1107 : f32 to vector<2048x128xf32>
    %min3A_1109 = arith.minimumf %select_n3A_1106, %min3A_1108 : vector<2048x128xf32>
    %exp3A_1110 = math.exp %min3A_1109 : vector<2048x128xf32>
    %mul3A_1111 = arith.mulf %mul3A_1013, %exp3A_1110 : vector<2048x128xf32>
    %dot_general3A_1112 = arith.constant dense<0.000000e+00> : vector<2048x128xf32>
    %dot_general3A_1113 = tpu.matmul %mul3A_1111, %broadcast_in_dim3A_1036, %dot_general3A_1112 {dimension_numbers = #tpu.dot_dimension_numbers<[1], [0], [0], [1], [0, 0, 1, 1], [], []>, transpose_lhs_hint = false} : vector<2048x128xf32>, vector<128x128xf32>, vector<2048x128xf32> -> vector<2048x128xf32>
    %add3A_1114 = arith.constant 1.000000e-16 : f32
    %add3A_1115 = vector.broadcast %add3A_1114 : f32 to vector<2048x128xf32>
    %add3A_1116 = arith.addf %dot_general3A_1113, %add3A_1115 : vector<2048x128xf32>
    %div3A_1117 = arith.constant 1.000000e+00 : f32
    %div3A_1118 = vector.broadcast %div3A_1117 : f32 to vector<2048x128xf32>
    %div3A_1119 = arith.divf %div3A_1118, %add3A_1116 : vector<2048x128xf32>
    %mul3A_1120 = arith.mulf %mul3A_1111, %div3A_1119 : vector<2048x128xf32>
    %slice3A_1121 = vector.extract_strided_slice %mul3A_1120 {offsets = [0, 0], sizes = [128, 128], strides = [1, 1]} : vector<2048x128xf32> to vector<128x128xf32>
    %slice3A_1122 = vector.extract_strided_slice %slice3A_1037 {offsets = [0, 0], sizes = [128, 128], strides = [1, 1]} : vector<2048x128xf32> to vector<128x128xf32>
    %dot_general3A_1123 = arith.constant dense<0.000000e+00> : vector<128x128xf32>
    %dot_general3A_1124 = tpu.matmul %slice3A_1121, %slice3A_1122, %dot_general3A_1123 {dimension_numbers = #tpu.dot_dimension_numbers<[1], [0], [0], [1], [0, 0, 1, 1], [], []>, transpose_lhs_hint = false} : vector<128x128xf32>, vector<128x128xf32>, vector<128x128xf32> -> vector<128x128xf32>
    %slice3A_1125 = vector.extract_strided_slice %mul3A_1120 {offsets = [128, 0], sizes = [128, 128], strides = [1, 1]} : vector<2048x128xf32> to vector<128x128xf32>
    %slice3A_1126 = vector.extract_strided_slice %slice3A_1037 {offsets = [128, 0], sizes = [128, 128], strides = [1, 1]} : vector<2048x128xf32> to vector<128x128xf32>
    %dot_general3A_1127 = arith.constant dense<0.000000e+00> : vector<128x128xf32>
    %dot_general3A_1128 = tpu.matmul %slice3A_1125, %slice3A_1126, %dot_general3A_1127 {dimension_numbers = #tpu.dot_dimension_numbers<[1], [0], [0], [1], [0, 0, 1, 1], [], []>, transpose_lhs_hint = false} : vector<128x128xf32>, vector<128x128xf32>, vector<128x128xf32> -> vector<128x128xf32>
    %slice3A_1129 = vector.extract_strided_slice %mul3A_1120 {offsets = [256, 0], sizes = [128, 128], strides = [1, 1]} : vector<2048x128xf32> to vector<128x128xf32>
    %slice3A_1130 = vector.extract_strided_slice %slice3A_1037 {offsets = [256, 0], sizes = [128, 128], strides = [1, 1]} : vector<2048x128xf32> to vector<128x128xf32>
    %dot_general3A_1131 = arith.constant dense<0.000000e+00> : vector<128x128xf32>
    %dot_general3A_1132 = tpu.matmul %slice3A_1129, %slice3A_1130, %dot_general3A_1131 {dimension_numbers = #tpu.dot_dimension_numbers<[1], [0], [0], [1], [0, 0, 1, 1], [], []>, transpose_lhs_hint = false} : vector<128x128xf32>, vector<128x128xf32>, vector<128x128xf32> -> vector<128x128xf32>
    %slice3A_1133 = vector.extract_strided_slice %mul3A_1120 {offsets = [384, 0], sizes = [128, 128], strides = [1, 1]} : vector<2048x128xf32> to vector<128x128xf32>
    %slice3A_1134 = vector.extract_strided_slice %slice3A_1037 {offsets = [384, 0], sizes = [128, 128], strides = [1, 1]} : vector<2048x128xf32> to vector<128x128xf32>
    %dot_general3A_1135 = arith.constant dense<0.000000e+00> : vector<128x128xf32>
    %dot_general3A_1136 = tpu.matmul %slice3A_1133, %slice3A_1134, %dot_general3A_1135 {dimension_numbers = #tpu.dot_dimension_numbers<[1], [0], [0], [1], [0, 0, 1, 1], [], []>, transpose_lhs_hint = false} : vector<128x128xf32>, vector<128x128xf32>, vector<128x128xf32> -> vector<128x128xf32>
    %slice3A_1137 = vector.extract_strided_slice %mul3A_1120 {offsets = [512, 0], sizes = [128, 128], strides = [1, 1]} : vector<2048x128xf32> to vector<128x128xf32>
    %slice3A_1138 = vector.extract_strided_slice %slice3A_1037 {offsets = [512, 0], sizes = [128, 128], strides = [1, 1]} : vector<2048x128xf32> to vector<128x128xf32>
    %dot_general3A_1139 = arith.constant dense<0.000000e+00> : vector<128x128xf32>
    %dot_general3A_1140 = tpu.matmul %slice3A_1137, %slice3A_1138, %dot_general3A_1139 {dimension_numbers = #tpu.dot_dimension_numbers<[1], [0], [0], [1], [0, 0, 1, 1], [], []>, transpose_lhs_hint = false} : vector<128x128xf32>, vector<128x128xf32>, vector<128x128xf32> -> vector<128x128xf32>
    %slice3A_1141 = vector.extract_strided_slice %mul3A_1120 {offsets = [640, 0], sizes = [128, 128], strides = [1, 1]} : vector<2048x128xf32> to vector<128x128xf32>
    %slice3A_1142 = vector.extract_strided_slice %slice3A_1037 {offsets = [640, 0], sizes = [128, 128], strides = [1, 1]} : vector<2048x128xf32> to vector<128x128xf32>
    %dot_general3A_1143 = arith.constant dense<0.000000e+00> : vector<128x128xf32>
    %dot_general3A_1144 = tpu.matmul %slice3A_1141, %slice3A_1142, %dot_general3A_1143 {dimension_numbers = #tpu.dot_dimension_numbers<[1], [0], [0], [1], [0, 0, 1, 1], [], []>, transpose_lhs_hint = false} : vector<128x128xf32>, vector<128x128xf32>, vector<128x128xf32> -> vector<128x128xf32>
    %slice3A_1145 = vector.extract_strided_slice %mul3A_1120 {offsets = [768, 0], sizes = [128, 128], strides = [1, 1]} : vector<2048x128xf32> to vector<128x128xf32>
    %slice3A_1146 = vector.extract_strided_slice %slice3A_1037 {offsets = [768, 0], sizes = [128, 128], strides = [1, 1]} : vector<2048x128xf32> to vector<128x128xf32>
    %dot_general3A_1147 = arith.constant dense<0.000000e+00> : vector<128x128xf32>
    %dot_general3A_1148 = tpu.matmul %slice3A_1145, %slice3A_1146, %dot_general3A_1147 {dimension_numbers = #tpu.dot_dimension_numbers<[1], [0], [0], [1], [0, 0, 1, 1], [], []>, transpose_lhs_hint = false} : vector<128x128xf32>, vector<128x128xf32>, vector<128x128xf32> -> vector<128x128xf32>
    %slice3A_1149 = vector.extract_strided_slice %mul3A_1120 {offsets = [896, 0], sizes = [128, 128], strides = [1, 1]} : vector<2048x128xf32> to vector<128x128xf32>
    %slice3A_1150 = vector.extract_strided_slice %slice3A_1037 {offsets = [896, 0], sizes = [128, 128], strides = [1, 1]} : vector<2048x128xf32> to vector<128x128xf32>
    %dot_general3A_1151 = arith.constant dense<0.000000e+00> : vector<128x128xf32>
    %dot_general3A_1152 = tpu.matmul %slice3A_1149, %slice3A_1150, %dot_general3A_1151 {dimension_numbers = #tpu.dot_dimension_numbers<[1], [0], [0], [1], [0, 0, 1, 1], [], []>, transpose_lhs_hint = false} : vector<128x128xf32>, vector<128x128xf32>, vector<128x128xf32> -> vector<128x128xf32>
    %slice3A_1153 = vector.extract_strided_slice %mul3A_1120 {offsets = [1024, 0], sizes = [128, 128], strides = [1, 1]} : vector<2048x128xf32> to vector<128x128xf32>
    %slice3A_1154 = vector.extract_strided_slice %slice3A_1037 {offsets = [1024, 0], sizes = [128, 128], strides = [1, 1]} : vector<2048x128xf32> to vector<128x128xf32>
    %dot_general3A_1155 = arith.constant dense<0.000000e+00> : vector<128x128xf32>
    %dot_general3A_1156 = tpu.matmul %slice3A_1153, %slice3A_1154, %dot_general3A_1155 {dimension_numbers = #tpu.dot_dimension_numbers<[1], [0], [0], [1], [0, 0, 1, 1], [], []>, transpose_lhs_hint = false} : vector<128x128xf32>, vector<128x128xf32>, vector<128x128xf32> -> vector<128x128xf32>
    %slice3A_1157 = vector.extract_strided_slice %mul3A_1120 {offsets = [1152, 0], sizes = [128, 128], strides = [1, 1]} : vector<2048x128xf32> to vector<128x128xf32>
    %slice3A_1158 = vector.extract_strided_slice %slice3A_1037 {offsets = [1152, 0], sizes = [128, 128], strides = [1, 1]} : vector<2048x128xf32> to vector<128x128xf32>
    %dot_general3A_1159 = arith.constant dense<0.000000e+00> : vector<128x128xf32>
    %dot_general3A_1160 = tpu.matmul %slice3A_1157, %slice3A_1158, %dot_general3A_1159 {dimension_numbers = #tpu.dot_dimension_numbers<[1], [0], [0], [1], [0, 0, 1, 1], [], []>, transpose_lhs_hint = false} : vector<128x128xf32>, vector<128x128xf32>, vector<128x128xf32> -> vector<128x128xf32>
    %slice3A_1161 = vector.extract_strided_slice %mul3A_1120 {offsets = [1280, 0], sizes = [128, 128], strides = [1, 1]} : vector<2048x128xf32> to vector<128x128xf32>
    %slice3A_1162 = vector.extract_strided_slice %slice3A_1037 {offsets = [1280, 0], sizes = [128, 128], strides = [1, 1]} : vector<2048x128xf32> to vector<128x128xf32>
    %dot_general3A_1163 = arith.constant dense<0.000000e+00> : vector<128x128xf32>
    %dot_general3A_1164 = tpu.matmul %slice3A_1161, %slice3A_1162, %dot_general3A_1163 {dimension_numbers = #tpu.dot_dimension_numbers<[1], [0], [0], [1], [0, 0, 1, 1], [], []>, transpose_lhs_hint = false} : vector<128x128xf32>, vector<128x128xf32>, vector<128x128xf32> -> vector<128x128xf32>
    %slice3A_1165 = vector.extract_strided_slice %mul3A_1120 {offsets = [1408, 0], sizes = [128, 128], strides = [1, 1]} : vector<2048x128xf32> to vector<128x128xf32>
    %slice3A_1166 = vector.extract_strided_slice %slice3A_1037 {offsets = [1408, 0], sizes = [128, 128], strides = [1, 1]} : vector<2048x128xf32> to vector<128x128xf32>
    %dot_general3A_1167 = arith.constant dense<0.000000e+00> : vector<128x128xf32>
    %dot_general3A_1168 = tpu.matmul %slice3A_1165, %slice3A_1166, %dot_general3A_1167 {dimension_numbers = #tpu.dot_dimension_numbers<[1], [0], [0], [1], [0, 0, 1, 1], [], []>, transpose_lhs_hint = false} : vector<128x128xf32>, vector<128x128xf32>, vector<128x128xf32> -> vector<128x128xf32>
    %slice3A_1169 = vector.extract_strided_slice %mul3A_1120 {offsets = [1536, 0], sizes = [128, 128], strides = [1, 1]} : vector<2048x128xf32> to vector<128x128xf32>
    %slice3A_1170 = vector.extract_strided_slice %slice3A_1037 {offsets = [1536, 0], sizes = [128, 128], strides = [1, 1]} : vector<2048x128xf32> to vector<128x128xf32>
    %dot_general3A_1171 = arith.constant dense<0.000000e+00> : vector<128x128xf32>
    %dot_general3A_1172 = tpu.matmul %slice3A_1169, %slice3A_1170, %dot_general3A_1171 {dimension_numbers = #tpu.dot_dimension_numbers<[1], [0], [0], [1], [0, 0, 1, 1], [], []>, transpose_lhs_hint = false} : vector<128x128xf32>, vector<128x128xf32>, vector<128x128xf32> -> vector<128x128xf32>
    %slice3A_1173 = vector.extract_strided_slice %mul3A_1120 {offsets = [1664, 0], sizes = [128, 128], strides = [1, 1]} : vector<2048x128xf32> to vector<128x128xf32>
    %slice3A_1174 = vector.extract_strided_slice %slice3A_1037 {offsets = [1664, 0], sizes = [128, 128], strides = [1, 1]} : vector<2048x128xf32> to vector<128x128xf32>
    %dot_general3A_1175 = arith.constant dense<0.000000e+00> : vector<128x128xf32>
    %dot_general3A_1176 = tpu.matmul %slice3A_1173, %slice3A_1174, %dot_general3A_1175 {dimension_numbers = #tpu.dot_dimension_numbers<[1], [0], [0], [1], [0, 0, 1, 1], [], []>, transpose_lhs_hint = false} : vector<128x128xf32>, vector<128x128xf32>, vector<128x128xf32> -> vector<128x128xf32>
    %slice3A_1177 = vector.extract_strided_slice %mul3A_1120 {offsets = [1792, 0], sizes = [128, 128], strides = [1, 1]} : vector<2048x128xf32> to vector<128x128xf32>
    %slice3A_1178 = vector.extract_strided_slice %slice3A_1037 {offsets = [1792, 0], sizes = [128, 128], strides = [1, 1]} : vector<2048x128xf32> to vector<128x128xf32>
    %dot_general3A_1179 = arith.constant dense<0.000000e+00> : vector<128x128xf32>
    %dot_general3A_1180 = tpu.matmul %slice3A_1177, %slice3A_1178, %dot_general3A_1179 {dimension_numbers = #tpu.dot_dimension_numbers<[1], [0], [0], [1], [0, 0, 1, 1], [], []>, transpose_lhs_hint = false} : vector<128x128xf32>, vector<128x128xf32>, vector<128x128xf32> -> vector<128x128xf32>
    %slice3A_1181 = vector.extract_strided_slice %mul3A_1120 {offsets = [1920, 0], sizes = [128, 128], strides = [1, 1]} : vector<2048x128xf32> to vector<128x128xf32>
    %slice3A_1182 = vector.extract_strided_slice %slice3A_1037 {offsets = [1920, 0], sizes = [128, 128], strides = [1, 1]} : vector<2048x128xf32> to vector<128x128xf32>
    %dot_general3A_1183 = arith.constant dense<0.000000e+00> : vector<128x128xf32>
    %dot_general3A_1184 = tpu.matmul %slice3A_1181, %slice3A_1182, %dot_general3A_1183 {dimension_numbers = #tpu.dot_dimension_numbers<[1], [0], [0], [1], [0, 0, 1, 1], [], []>, transpose_lhs_hint = false} : vector<128x128xf32>, vector<128x128xf32>, vector<128x128xf32> -> vector<128x128xf32>
    %concatenate3A_1185 = tpu.concatenate %dot_general3A_1124, %dot_general3A_1128, %dot_general3A_1132, %dot_general3A_1136, %dot_general3A_1140, %dot_general3A_1144, %dot_general3A_1148, %dot_general3A_1152, %dot_general3A_1156, %dot_general3A_1160, %dot_general3A_1164, %dot_general3A_1168, %dot_general3A_1172, %dot_general3A_1176, %dot_general3A_1180, %dot_general3A_1184 in 0 : vector<128x128xf32>, vector<128x128xf32>, vector<128x128xf32>, vector<128x128xf32>, vector<128x128xf32>, vector<128x128xf32>, vector<128x128xf32>, vector<128x128xf32>, vector<128x128xf32>, vector<128x128xf32>, vector<128x128xf32>, vector<128x128xf32>, vector<128x128xf32>, vector<128x128xf32>, vector<128x128xf32>, vector<128x128xf32> -> vector<2048x128xf32>
    %slice3A_1186 = vector.extract_strided_slice %dot_general3A_1034 {offsets = [0, 128], sizes = [2048, 128], strides = [1, 1]} : vector<2048x512xf32> to vector<2048x128xf32>
    %slice3A_1187 = vector.extract_strided_slice %get3A_1023 {offsets = [1, 0], sizes = [1, 128], strides = [1, 1]} : vector<4x128xf32> to vector<1x128xf32>
    %squeeze3A_1188 = vector.shape_cast %slice3A_1187 : vector<1x128xf32> to vector<128xf32>
    %broadcast_in_dim3A_1189 = vector.shape_cast %squeeze3A_1188 : vector<128xf32> to vector<1x128xf32>
    %broadcast_in_dim3A_1190 = vector.shape_cast %broadcast_in_dim3A_1189 : vector<1x128xf32> to vector<1x128xf32>
    %broadcast_in_dim3A_1191 = vector.broadcast %broadcast_in_dim3A_1190 : vector<1x128xf32> to vector<128x128xf32>
    %slice3A_1192 = vector.extract_strided_slice %get3A_1028 {offsets = [1, 0], sizes = [1, 128], strides = [1, 1]} : vector<4x128xf32> to vector<1x128xf32>
    %squeeze3A_1193 = vector.shape_cast %slice3A_1192 : vector<1x128xf32> to vector<128xf32>
    %broadcast_in_dim3A_1194 = vector.shape_cast %squeeze3A_1193 : vector<128xf32> to vector<1x128xf32>
    %broadcast_in_dim3A_1195 = vector.shape_cast %broadcast_in_dim3A_1194 : vector<1x128xf32> to vector<1x128xf32>
    %broadcast_in_dim3A_1196 = vector.broadcast %broadcast_in_dim3A_1195 : vector<1x128xf32> to vector<128x128xf32>
    %slice3A_1197 = vector.extract_strided_slice %slice3A_1186 {offsets = [0, 0], sizes = [128, 128], strides = [1, 1]} : vector<2048x128xf32> to vector<128x128xf32>
    %dot_general3A_1198 = arith.constant dense<0.000000e+00> : vector<128x128xf32>
    %dot_general3A_1199 = tpu.matmul %broadcast_in_dim3A_1191, %slice3A_1197, %dot_general3A_1198 {dimension_numbers = #tpu.dot_dimension_numbers<[1], [1], [0], [0], [0, 0, 1, 0], [], []>, transpose_lhs_hint = false} : vector<128x128xf32>, vector<128x128xf32>, vector<128x128xf32> -> vector<128x128xf32>
    %slice3A_1200 = vector.extract_strided_slice %slice3A_1186 {offsets = [128, 0], sizes = [128, 128], strides = [1, 1]} : vector<2048x128xf32> to vector<128x128xf32>
    %dot_general3A_1201 = arith.constant dense<0.000000e+00> : vector<128x128xf32>
    %dot_general3A_1202 = tpu.matmul %broadcast_in_dim3A_1191, %slice3A_1200, %dot_general3A_1201 {dimension_numbers = #tpu.dot_dimension_numbers<[1], [1], [0], [0], [0, 0, 1, 0], [], []>, transpose_lhs_hint = false} : vector<128x128xf32>, vector<128x128xf32>, vector<128x128xf32> -> vector<128x128xf32>
    %slice3A_1203 = vector.extract_strided_slice %slice3A_1186 {offsets = [256, 0], sizes = [128, 128], strides = [1, 1]} : vector<2048x128xf32> to vector<128x128xf32>
    %dot_general3A_1204 = arith.constant dense<0.000000e+00> : vector<128x128xf32>
    %dot_general3A_1205 = tpu.matmul %broadcast_in_dim3A_1191, %slice3A_1203, %dot_general3A_1204 {dimension_numbers = #tpu.dot_dimension_numbers<[1], [1], [0], [0], [0, 0, 1, 0], [], []>, transpose_lhs_hint = false} : vector<128x128xf32>, vector<128x128xf32>, vector<128x128xf32> -> vector<128x128xf32>
    %slice3A_1206 = vector.extract_strided_slice %slice3A_1186 {offsets = [384, 0], sizes = [128, 128], strides = [1, 1]} : vector<2048x128xf32> to vector<128x128xf32>
    %dot_general3A_1207 = arith.constant dense<0.000000e+00> : vector<128x128xf32>
    %dot_general3A_1208 = tpu.matmul %broadcast_in_dim3A_1191, %slice3A_1206, %dot_general3A_1207 {dimension_numbers = #tpu.dot_dimension_numbers<[1], [1], [0], [0], [0, 0, 1, 0], [], []>, transpose_lhs_hint = false} : vector<128x128xf32>, vector<128x128xf32>, vector<128x128xf32> -> vector<128x128xf32>
    %slice3A_1209 = vector.extract_strided_slice %slice3A_1186 {offsets = [512, 0], sizes = [128, 128], strides = [1, 1]} : vector<2048x128xf32> to vector<128x128xf32>
    %dot_general3A_1210 = arith.constant dense<0.000000e+00> : vector<128x128xf32>
    %dot_general3A_1211 = tpu.matmul %broadcast_in_dim3A_1191, %slice3A_1209, %dot_general3A_1210 {dimension_numbers = #tpu.dot_dimension_numbers<[1], [1], [0], [0], [0, 0, 1, 0], [], []>, transpose_lhs_hint = false} : vector<128x128xf32>, vector<128x128xf32>, vector<128x128xf32> -> vector<128x128xf32>
    %slice3A_1212 = vector.extract_strided_slice %slice3A_1186 {offsets = [640, 0], sizes = [128, 128], strides = [1, 1]} : vector<2048x128xf32> to vector<128x128xf32>
    %dot_general3A_1213 = arith.constant dense<0.000000e+00> : vector<128x128xf32>
    %dot_general3A_1214 = tpu.matmul %broadcast_in_dim3A_1191, %slice3A_1212, %dot_general3A_1213 {dimension_numbers = #tpu.dot_dimension_numbers<[1], [1], [0], [0], [0, 0, 1, 0], [], []>, transpose_lhs_hint = false} : vector<128x128xf32>, vector<128x128xf32>, vector<128x128xf32> -> vector<128x128xf32>
    %slice3A_1215 = vector.extract_strided_slice %slice3A_1186 {offsets = [768, 0], sizes = [128, 128], strides = [1, 1]} : vector<2048x128xf32> to vector<128x128xf32>
    %dot_general3A_1216 = arith.constant dense<0.000000e+00> : vector<128x128xf32>
    %dot_general3A_1217 = tpu.matmul %broadcast_in_dim3A_1191, %slice3A_1215, %dot_general3A_1216 {dimension_numbers = #tpu.dot_dimension_numbers<[1], [1], [0], [0], [0, 0, 1, 0], [], []>, transpose_lhs_hint = false} : vector<128x128xf32>, vector<128x128xf32>, vector<128x128xf32> -> vector<128x128xf32>
    %slice3A_1218 = vector.extract_strided_slice %slice3A_1186 {offsets = [896, 0], sizes = [128, 128], strides = [1, 1]} : vector<2048x128xf32> to vector<128x128xf32>
    %dot_general3A_1219 = arith.constant dense<0.000000e+00> : vector<128x128xf32>
    %dot_general3A_1220 = tpu.matmul %broadcast_in_dim3A_1191, %slice3A_1218, %dot_general3A_1219 {dimension_numbers = #tpu.dot_dimension_numbers<[1], [1], [0], [0], [0, 0, 1, 0], [], []>, transpose_lhs_hint = false} : vector<128x128xf32>, vector<128x128xf32>, vector<128x128xf32> -> vector<128x128xf32>
    %slice3A_1221 = vector.extract_strided_slice %slice3A_1186 {offsets = [1024, 0], sizes = [128, 128], strides = [1, 1]} : vector<2048x128xf32> to vector<128x128xf32>
    %dot_general3A_1222 = arith.constant dense<0.000000e+00> : vector<128x128xf32>
    %dot_general3A_1223 = tpu.matmul %broadcast_in_dim3A_1191, %slice3A_1221, %dot_general3A_1222 {dimension_numbers = #tpu.dot_dimension_numbers<[1], [1], [0], [0], [0, 0, 1, 0], [], []>, transpose_lhs_hint = false} : vector<128x128xf32>, vector<128x128xf32>, vector<128x128xf32> -> vector<128x128xf32>
    %slice3A_1224 = vector.extract_strided_slice %slice3A_1186 {offsets = [1152, 0], sizes = [128, 128], strides = [1, 1]} : vector<2048x128xf32> to vector<128x128xf32>
    %dot_general3A_1225 = arith.constant dense<0.000000e+00> : vector<128x128xf32>
    %dot_general3A_1226 = tpu.matmul %broadcast_in_dim3A_1191, %slice3A_1224, %dot_general3A_1225 {dimension_numbers = #tpu.dot_dimension_numbers<[1], [1], [0], [0], [0, 0, 1, 0], [], []>, transpose_lhs_hint = false} : vector<128x128xf32>, vector<128x128xf32>, vector<128x128xf32> -> vector<128x128xf32>
    %slice3A_1227 = vector.extract_strided_slice %slice3A_1186 {offsets = [1280, 0], sizes = [128, 128], strides = [1, 1]} : vector<2048x128xf32> to vector<128x128xf32>
    %dot_general3A_1228 = arith.constant dense<0.000000e+00> : vector<128x128xf32>
    %dot_general3A_1229 = tpu.matmul %broadcast_in_dim3A_1191, %slice3A_1227, %dot_general3A_1228 {dimension_numbers = #tpu.dot_dimension_numbers<[1], [1], [0], [0], [0, 0, 1, 0], [], []>, transpose_lhs_hint = false} : vector<128x128xf32>, vector<128x128xf32>, vector<128x128xf32> -> vector<128x128xf32>
    %slice3A_1230 = vector.extract_strided_slice %slice3A_1186 {offsets = [1408, 0], sizes = [128, 128], strides = [1, 1]} : vector<2048x128xf32> to vector<128x128xf32>
    %dot_general3A_1231 = arith.constant dense<0.000000e+00> : vector<128x128xf32>
    %dot_general3A_1232 = tpu.matmul %broadcast_in_dim3A_1191, %slice3A_1230, %dot_general3A_1231 {dimension_numbers = #tpu.dot_dimension_numbers<[1], [1], [0], [0], [0, 0, 1, 0], [], []>, transpose_lhs_hint = false} : vector<128x128xf32>, vector<128x128xf32>, vector<128x128xf32> -> vector<128x128xf32>
    %slice3A_1233 = vector.extract_strided_slice %slice3A_1186 {offsets = [1536, 0], sizes = [128, 128], strides = [1, 1]} : vector<2048x128xf32> to vector<128x128xf32>
    %dot_general3A_1234 = arith.constant dense<0.000000e+00> : vector<128x128xf32>
    %dot_general3A_1235 = tpu.matmul %broadcast_in_dim3A_1191, %slice3A_1233, %dot_general3A_1234 {dimension_numbers = #tpu.dot_dimension_numbers<[1], [1], [0], [0], [0, 0, 1, 0], [], []>, transpose_lhs_hint = false} : vector<128x128xf32>, vector<128x128xf32>, vector<128x128xf32> -> vector<128x128xf32>
    %slice3A_1236 = vector.extract_strided_slice %slice3A_1186 {offsets = [1664, 0], sizes = [128, 128], strides = [1, 1]} : vector<2048x128xf32> to vector<128x128xf32>
    %dot_general3A_1237 = arith.constant dense<0.000000e+00> : vector<128x128xf32>
    %dot_general3A_1238 = tpu.matmul %broadcast_in_dim3A_1191, %slice3A_1236, %dot_general3A_1237 {dimension_numbers = #tpu.dot_dimension_numbers<[1], [1], [0], [0], [0, 0, 1, 0], [], []>, transpose_lhs_hint = false} : vector<128x128xf32>, vector<128x128xf32>, vector<128x128xf32> -> vector<128x128xf32>
    %slice3A_1239 = vector.extract_strided_slice %slice3A_1186 {offsets = [1792, 0], sizes = [128, 128], strides = [1, 1]} : vector<2048x128xf32> to vector<128x128xf32>
    %dot_general3A_1240 = arith.constant dense<0.000000e+00> : vector<128x128xf32>
    %dot_general3A_1241 = tpu.matmul %broadcast_in_dim3A_1191, %slice3A_1239, %dot_general3A_1240 {dimension_numbers = #tpu.dot_dimension_numbers<[1], [1], [0], [0], [0, 0, 1, 0], [], []>, transpose_lhs_hint = false} : vector<128x128xf32>, vector<128x128xf32>, vector<128x128xf32> -> vector<128x128xf32>
    %slice3A_1242 = vector.extract_strided_slice %slice3A_1186 {offsets = [1920, 0], sizes = [128, 128], strides = [1, 1]} : vector<2048x128xf32> to vector<128x128xf32>
    %dot_general3A_1243 = arith.constant dense<0.000000e+00> : vector<128x128xf32>
    %dot_general3A_1244 = tpu.matmul %broadcast_in_dim3A_1191, %slice3A_1242, %dot_general3A_1243 {dimension_numbers = #tpu.dot_dimension_numbers<[1], [1], [0], [0], [0, 0, 1, 0], [], []>, transpose_lhs_hint = false} : vector<128x128xf32>, vector<128x128xf32>, vector<128x128xf32> -> vector<128x128xf32>
    %concatenate3A_1245 = tpu.concatenate %dot_general3A_1199, %dot_general3A_1202, %dot_general3A_1205, %dot_general3A_1208, %dot_general3A_1211, %dot_general3A_1214, %dot_general3A_1217, %dot_general3A_1220, %dot_general3A_1223, %dot_general3A_1226, %dot_general3A_1229, %dot_general3A_1232, %dot_general3A_1235, %dot_general3A_1238, %dot_general3A_1241, %dot_general3A_1244 in 0 : vector<128x128xf32>, vector<128x128xf32>, vector<128x128xf32>, vector<128x128xf32>, vector<128x128xf32>, vector<128x128xf32>, vector<128x128xf32>, vector<128x128xf32>, vector<128x128xf32>, vector<128x128xf32>, vector<128x128xf32>, vector<128x128xf32>, vector<128x128xf32>, vector<128x128xf32>, vector<128x128xf32>, vector<128x128xf32> -> vector<2048x128xf32>
    %dot_general3A_1246 = arith.constant dense<0.000000e+00> : vector<2048x128xf32>
    %dot_general3A_1247 = tpu.matmul %slice3A_1186, %broadcast_in_dim3A_1196, %dot_general3A_1246 {dimension_numbers = #tpu.dot_dimension_numbers<[1], [1], [0], [0], [0, 0, 1, 0], [], []>, transpose_lhs_hint = false} : vector<2048x128xf32>, vector<128x128xf32>, vector<2048x128xf32> -> vector<2048x128xf32>
    %add3A_1248 = arith.addf %concatenate3A_1245, %dot_general3A_1247 : vector<2048x128xf32>
    %gt3A_1249 = arith.constant 0.000000e+00 : f32
    %gt3A_1250 = vector.broadcast %gt3A_1249 : f32 to vector<2048x128xf32>
    %gt3A_1251 = arith.cmpf ogt, %add3A_1248, %gt3A_1250 : vector<2048x128xf32>
    %mul3A_1252 = arith.constant 2.000000e-01 : f32
    %mul3A_1253 = vector.broadcast %mul3A_1252 : f32 to vector<2048x128xf32>
    %mul3A_1254 = arith.mulf %mul3A_1253, %add3A_1248 : vector<2048x128xf32>
    %select_n3A_1255 = arith.select %gt3A_1251, %add3A_1248, %mul3A_1254 : vector<2048x128xi1>, vector<2048x128xf32>
    %min3A_1256 = arith.constant 6.000000e+01 : f32
    %min3A_1257 = vector.broadcast %min3A_1256 : f32 to vector<2048x128xf32>
    %min3A_1258 = arith.minimumf %select_n3A_1255, %min3A_1257 : vector<2048x128xf32>
    %exp3A_1259 = math.exp %min3A_1258 : vector<2048x128xf32>
    %mul3A_1260 = arith.mulf %mul3A_1013, %exp3A_1259 : vector<2048x128xf32>
    %dot_general3A_1261 = arith.constant dense<0.000000e+00> : vector<2048x128xf32>
    %dot_general3A_1262 = tpu.matmul %mul3A_1260, %broadcast_in_dim3A_1036, %dot_general3A_1261 {dimension_numbers = #tpu.dot_dimension_numbers<[1], [0], [0], [1], [0, 0, 1, 1], [], []>, transpose_lhs_hint = false} : vector<2048x128xf32>, vector<128x128xf32>, vector<2048x128xf32> -> vector<2048x128xf32>
    %add3A_1263 = arith.constant 1.000000e-16 : f32
    %add3A_1264 = vector.broadcast %add3A_1263 : f32 to vector<2048x128xf32>
    %add3A_1265 = arith.addf %dot_general3A_1262, %add3A_1264 : vector<2048x128xf32>
    %div3A_1266 = arith.constant 1.000000e+00 : f32
    %div3A_1267 = vector.broadcast %div3A_1266 : f32 to vector<2048x128xf32>
    %div3A_1268 = arith.divf %div3A_1267, %add3A_1265 : vector<2048x128xf32>
    %mul3A_1269 = arith.mulf %mul3A_1260, %div3A_1268 : vector<2048x128xf32>
    %slice3A_1270 = vector.extract_strided_slice %mul3A_1269 {offsets = [0, 0], sizes = [128, 128], strides = [1, 1]} : vector<2048x128xf32> to vector<128x128xf32>
    %slice3A_1271 = vector.extract_strided_slice %slice3A_1186 {offsets = [0, 0], sizes = [128, 128], strides = [1, 1]} : vector<2048x128xf32> to vector<128x128xf32>
    %dot_general3A_1272 = arith.constant dense<0.000000e+00> : vector<128x128xf32>
    %dot_general3A_1273 = tpu.matmul %slice3A_1270, %slice3A_1271, %dot_general3A_1272 {dimension_numbers = #tpu.dot_dimension_numbers<[1], [0], [0], [1], [0, 0, 1, 1], [], []>, transpose_lhs_hint = false} : vector<128x128xf32>, vector<128x128xf32>, vector<128x128xf32> -> vector<128x128xf32>
    %slice3A_1274 = vector.extract_strided_slice %mul3A_1269 {offsets = [128, 0], sizes = [128, 128], strides = [1, 1]} : vector<2048x128xf32> to vector<128x128xf32>
    %slice3A_1275 = vector.extract_strided_slice %slice3A_1186 {offsets = [128, 0], sizes = [128, 128], strides = [1, 1]} : vector<2048x128xf32> to vector<128x128xf32>
    %dot_general3A_1276 = arith.constant dense<0.000000e+00> : vector<128x128xf32>
    %dot_general3A_1277 = tpu.matmul %slice3A_1274, %slice3A_1275, %dot_general3A_1276 {dimension_numbers = #tpu.dot_dimension_numbers<[1], [0], [0], [1], [0, 0, 1, 1], [], []>, transpose_lhs_hint = false} : vector<128x128xf32>, vector<128x128xf32>, vector<128x128xf32> -> vector<128x128xf32>
    %slice3A_1278 = vector.extract_strided_slice %mul3A_1269 {offsets = [256, 0], sizes = [128, 128], strides = [1, 1]} : vector<2048x128xf32> to vector<128x128xf32>
    %slice3A_1279 = vector.extract_strided_slice %slice3A_1186 {offsets = [256, 0], sizes = [128, 128], strides = [1, 1]} : vector<2048x128xf32> to vector<128x128xf32>
    %dot_general3A_1280 = arith.constant dense<0.000000e+00> : vector<128x128xf32>
    %dot_general3A_1281 = tpu.matmul %slice3A_1278, %slice3A_1279, %dot_general3A_1280 {dimension_numbers = #tpu.dot_dimension_numbers<[1], [0], [0], [1], [0, 0, 1, 1], [], []>, transpose_lhs_hint = false} : vector<128x128xf32>, vector<128x128xf32>, vector<128x128xf32> -> vector<128x128xf32>
    %slice3A_1282 = vector.extract_strided_slice %mul3A_1269 {offsets = [384, 0], sizes = [128, 128], strides = [1, 1]} : vector<2048x128xf32> to vector<128x128xf32>
    %slice3A_1283 = vector.extract_strided_slice %slice3A_1186 {offsets = [384, 0], sizes = [128, 128], strides = [1, 1]} : vector<2048x128xf32> to vector<128x128xf32>
    %dot_general3A_1284 = arith.constant dense<0.000000e+00> : vector<128x128xf32>
    %dot_general3A_1285 = tpu.matmul %slice3A_1282, %slice3A_1283, %dot_general3A_1284 {dimension_numbers = #tpu.dot_dimension_numbers<[1], [0], [0], [1], [0, 0, 1, 1], [], []>, transpose_lhs_hint = false} : vector<128x128xf32>, vector<128x128xf32>, vector<128x128xf32> -> vector<128x128xf32>
    %slice3A_1286 = vector.extract_strided_slice %mul3A_1269 {offsets = [512, 0], sizes = [128, 128], strides = [1, 1]} : vector<2048x128xf32> to vector<128x128xf32>
    %slice3A_1287 = vector.extract_strided_slice %slice3A_1186 {offsets = [512, 0], sizes = [128, 128], strides = [1, 1]} : vector<2048x128xf32> to vector<128x128xf32>
    %dot_general3A_1288 = arith.constant dense<0.000000e+00> : vector<128x128xf32>
    %dot_general3A_1289 = tpu.matmul %slice3A_1286, %slice3A_1287, %dot_general3A_1288 {dimension_numbers = #tpu.dot_dimension_numbers<[1], [0], [0], [1], [0, 0, 1, 1], [], []>, transpose_lhs_hint = false} : vector<128x128xf32>, vector<128x128xf32>, vector<128x128xf32> -> vector<128x128xf32>
    %slice3A_1290 = vector.extract_strided_slice %mul3A_1269 {offsets = [640, 0], sizes = [128, 128], strides = [1, 1]} : vector<2048x128xf32> to vector<128x128xf32>
    %slice3A_1291 = vector.extract_strided_slice %slice3A_1186 {offsets = [640, 0], sizes = [128, 128], strides = [1, 1]} : vector<2048x128xf32> to vector<128x128xf32>
    %dot_general3A_1292 = arith.constant dense<0.000000e+00> : vector<128x128xf32>
    %dot_general3A_1293 = tpu.matmul %slice3A_1290, %slice3A_1291, %dot_general3A_1292 {dimension_numbers = #tpu.dot_dimension_numbers<[1], [0], [0], [1], [0, 0, 1, 1], [], []>, transpose_lhs_hint = false} : vector<128x128xf32>, vector<128x128xf32>, vector<128x128xf32> -> vector<128x128xf32>
    %slice3A_1294 = vector.extract_strided_slice %mul3A_1269 {offsets = [768, 0], sizes = [128, 128], strides = [1, 1]} : vector<2048x128xf32> to vector<128x128xf32>
    %slice3A_1295 = vector.extract_strided_slice %slice3A_1186 {offsets = [768, 0], sizes = [128, 128], strides = [1, 1]} : vector<2048x128xf32> to vector<128x128xf32>
    %dot_general3A_1296 = arith.constant dense<0.000000e+00> : vector<128x128xf32>
    %dot_general3A_1297 = tpu.matmul %slice3A_1294, %slice3A_1295, %dot_general3A_1296 {dimension_numbers = #tpu.dot_dimension_numbers<[1], [0], [0], [1], [0, 0, 1, 1], [], []>, transpose_lhs_hint = false} : vector<128x128xf32>, vector<128x128xf32>, vector<128x128xf32> -> vector<128x128xf32>
    %slice3A_1298 = vector.extract_strided_slice %mul3A_1269 {offsets = [896, 0], sizes = [128, 128], strides = [1, 1]} : vector<2048x128xf32> to vector<128x128xf32>
    %slice3A_1299 = vector.extract_strided_slice %slice3A_1186 {offsets = [896, 0], sizes = [128, 128], strides = [1, 1]} : vector<2048x128xf32> to vector<128x128xf32>
    %dot_general3A_1300 = arith.constant dense<0.000000e+00> : vector<128x128xf32>
    %dot_general3A_1301 = tpu.matmul %slice3A_1298, %slice3A_1299, %dot_general3A_1300 {dimension_numbers = #tpu.dot_dimension_numbers<[1], [0], [0], [1], [0, 0, 1, 1], [], []>, transpose_lhs_hint = false} : vector<128x128xf32>, vector<128x128xf32>, vector<128x128xf32> -> vector<128x128xf32>
    %slice3A_1302 = vector.extract_strided_slice %mul3A_1269 {offsets = [1024, 0], sizes = [128, 128], strides = [1, 1]} : vector<2048x128xf32> to vector<128x128xf32>
    %slice3A_1303 = vector.extract_strided_slice %slice3A_1186 {offsets = [1024, 0], sizes = [128, 128], strides = [1, 1]} : vector<2048x128xf32> to vector<128x128xf32>
    %dot_general3A_1304 = arith.constant dense<0.000000e+00> : vector<128x128xf32>
    %dot_general3A_1305 = tpu.matmul %slice3A_1302, %slice3A_1303, %dot_general3A_1304 {dimension_numbers = #tpu.dot_dimension_numbers<[1], [0], [0], [1], [0, 0, 1, 1], [], []>, transpose_lhs_hint = false} : vector<128x128xf32>, vector<128x128xf32>, vector<128x128xf32> -> vector<128x128xf32>
    %slice3A_1306 = vector.extract_strided_slice %mul3A_1269 {offsets = [1152, 0], sizes = [128, 128], strides = [1, 1]} : vector<2048x128xf32> to vector<128x128xf32>
    %slice3A_1307 = vector.extract_strided_slice %slice3A_1186 {offsets = [1152, 0], sizes = [128, 128], strides = [1, 1]} : vector<2048x128xf32> to vector<128x128xf32>
    %dot_general3A_1308 = arith.constant dense<0.000000e+00> : vector<128x128xf32>
    %dot_general3A_1309 = tpu.matmul %slice3A_1306, %slice3A_1307, %dot_general3A_1308 {dimension_numbers = #tpu.dot_dimension_numbers<[1], [0], [0], [1], [0, 0, 1, 1], [], []>, transpose_lhs_hint = false} : vector<128x128xf32>, vector<128x128xf32>, vector<128x128xf32> -> vector<128x128xf32>
    %slice3A_1310 = vector.extract_strided_slice %mul3A_1269 {offsets = [1280, 0], sizes = [128, 128], strides = [1, 1]} : vector<2048x128xf32> to vector<128x128xf32>
    %slice3A_1311 = vector.extract_strided_slice %slice3A_1186 {offsets = [1280, 0], sizes = [128, 128], strides = [1, 1]} : vector<2048x128xf32> to vector<128x128xf32>
    %dot_general3A_1312 = arith.constant dense<0.000000e+00> : vector<128x128xf32>
    %dot_general3A_1313 = tpu.matmul %slice3A_1310, %slice3A_1311, %dot_general3A_1312 {dimension_numbers = #tpu.dot_dimension_numbers<[1], [0], [0], [1], [0, 0, 1, 1], [], []>, transpose_lhs_hint = false} : vector<128x128xf32>, vector<128x128xf32>, vector<128x128xf32> -> vector<128x128xf32>
    %slice3A_1314 = vector.extract_strided_slice %mul3A_1269 {offsets = [1408, 0], sizes = [128, 128], strides = [1, 1]} : vector<2048x128xf32> to vector<128x128xf32>
    %slice3A_1315 = vector.extract_strided_slice %slice3A_1186 {offsets = [1408, 0], sizes = [128, 128], strides = [1, 1]} : vector<2048x128xf32> to vector<128x128xf32>
    %dot_general3A_1316 = arith.constant dense<0.000000e+00> : vector<128x128xf32>
    %dot_general3A_1317 = tpu.matmul %slice3A_1314, %slice3A_1315, %dot_general3A_1316 {dimension_numbers = #tpu.dot_dimension_numbers<[1], [0], [0], [1], [0, 0, 1, 1], [], []>, transpose_lhs_hint = false} : vector<128x128xf32>, vector<128x128xf32>, vector<128x128xf32> -> vector<128x128xf32>
    %slice3A_1318 = vector.extract_strided_slice %mul3A_1269 {offsets = [1536, 0], sizes = [128, 128], strides = [1, 1]} : vector<2048x128xf32> to vector<128x128xf32>
    %slice3A_1319 = vector.extract_strided_slice %slice3A_1186 {offsets = [1536, 0], sizes = [128, 128], strides = [1, 1]} : vector<2048x128xf32> to vector<128x128xf32>
    %dot_general3A_1320 = arith.constant dense<0.000000e+00> : vector<128x128xf32>
    %dot_general3A_1321 = tpu.matmul %slice3A_1318, %slice3A_1319, %dot_general3A_1320 {dimension_numbers = #tpu.dot_dimension_numbers<[1], [0], [0], [1], [0, 0, 1, 1], [], []>, transpose_lhs_hint = false} : vector<128x128xf32>, vector<128x128xf32>, vector<128x128xf32> -> vector<128x128xf32>
    %slice3A_1322 = vector.extract_strided_slice %mul3A_1269 {offsets = [1664, 0], sizes = [128, 128], strides = [1, 1]} : vector<2048x128xf32> to vector<128x128xf32>
    %slice3A_1323 = vector.extract_strided_slice %slice3A_1186 {offsets = [1664, 0], sizes = [128, 128], strides = [1, 1]} : vector<2048x128xf32> to vector<128x128xf32>
    %dot_general3A_1324 = arith.constant dense<0.000000e+00> : vector<128x128xf32>
    %dot_general3A_1325 = tpu.matmul %slice3A_1322, %slice3A_1323, %dot_general3A_1324 {dimension_numbers = #tpu.dot_dimension_numbers<[1], [0], [0], [1], [0, 0, 1, 1], [], []>, transpose_lhs_hint = false} : vector<128x128xf32>, vector<128x128xf32>, vector<128x128xf32> -> vector<128x128xf32>
    %slice3A_1326 = vector.extract_strided_slice %mul3A_1269 {offsets = [1792, 0], sizes = [128, 128], strides = [1, 1]} : vector<2048x128xf32> to vector<128x128xf32>
    %slice3A_1327 = vector.extract_strided_slice %slice3A_1186 {offsets = [1792, 0], sizes = [128, 128], strides = [1, 1]} : vector<2048x128xf32> to vector<128x128xf32>
    %dot_general3A_1328 = arith.constant dense<0.000000e+00> : vector<128x128xf32>
    %dot_general3A_1329 = tpu.matmul %slice3A_1326, %slice3A_1327, %dot_general3A_1328 {dimension_numbers = #tpu.dot_dimension_numbers<[1], [0], [0], [1], [0, 0, 1, 1], [], []>, transpose_lhs_hint = false} : vector<128x128xf32>, vector<128x128xf32>, vector<128x128xf32> -> vector<128x128xf32>
    %slice3A_1330 = vector.extract_strided_slice %mul3A_1269 {offsets = [1920, 0], sizes = [128, 128], strides = [1, 1]} : vector<2048x128xf32> to vector<128x128xf32>
    %slice3A_1331 = vector.extract_strided_slice %slice3A_1186 {offsets = [1920, 0], sizes = [128, 128], strides = [1, 1]} : vector<2048x128xf32> to vector<128x128xf32>
    %dot_general3A_1332 = arith.constant dense<0.000000e+00> : vector<128x128xf32>
    %dot_general3A_1333 = tpu.matmul %slice3A_1330, %slice3A_1331, %dot_general3A_1332 {dimension_numbers = #tpu.dot_dimension_numbers<[1], [0], [0], [1], [0, 0, 1, 1], [], []>, transpose_lhs_hint = false} : vector<128x128xf32>, vector<128x128xf32>, vector<128x128xf32> -> vector<128x128xf32>
    %concatenate3A_1334 = tpu.concatenate %dot_general3A_1273, %dot_general3A_1277, %dot_general3A_1281, %dot_general3A_1285, %dot_general3A_1289, %dot_general3A_1293, %dot_general3A_1297, %dot_general3A_1301, %dot_general3A_1305, %dot_general3A_1309, %dot_general3A_1313, %dot_general3A_1317, %dot_general3A_1321, %dot_general3A_1325, %dot_general3A_1329, %dot_general3A_1333 in 0 : vector<128x128xf32>, vector<128x128xf32>, vector<128x128xf32>, vector<128x128xf32>, vector<128x128xf32>, vector<128x128xf32>, vector<128x128xf32>, vector<128x128xf32>, vector<128x128xf32>, vector<128x128xf32>, vector<128x128xf32>, vector<128x128xf32>, vector<128x128xf32>, vector<128x128xf32>, vector<128x128xf32>, vector<128x128xf32> -> vector<2048x128xf32>
    %slice3A_1335 = vector.extract_strided_slice %dot_general3A_1034 {offsets = [0, 256], sizes = [2048, 128], strides = [1, 1]} : vector<2048x512xf32> to vector<2048x128xf32>
    %slice3A_1336 = vector.extract_strided_slice %get3A_1023 {offsets = [2, 0], sizes = [1, 128], strides = [1, 1]} : vector<4x128xf32> to vector<1x128xf32>
    %squeeze3A_1337 = vector.shape_cast %slice3A_1336 : vector<1x128xf32> to vector<128xf32>
    %broadcast_in_dim3A_1338 = vector.shape_cast %squeeze3A_1337 : vector<128xf32> to vector<1x128xf32>
    %broadcast_in_dim3A_1339 = vector.shape_cast %broadcast_in_dim3A_1338 : vector<1x128xf32> to vector<1x128xf32>
    %broadcast_in_dim3A_1340 = vector.broadcast %broadcast_in_dim3A_1339 : vector<1x128xf32> to vector<128x128xf32>
    %slice3A_1341 = vector.extract_strided_slice %get3A_1028 {offsets = [2, 0], sizes = [1, 128], strides = [1, 1]} : vector<4x128xf32> to vector<1x128xf32>
    %squeeze3A_1342 = vector.shape_cast %slice3A_1341 : vector<1x128xf32> to vector<128xf32>
    %broadcast_in_dim3A_1343 = vector.shape_cast %squeeze3A_1342 : vector<128xf32> to vector<1x128xf32>
    %broadcast_in_dim3A_1344 = vector.shape_cast %broadcast_in_dim3A_1343 : vector<1x128xf32> to vector<1x128xf32>
    %broadcast_in_dim3A_1345 = vector.broadcast %broadcast_in_dim3A_1344 : vector<1x128xf32> to vector<128x128xf32>
    %slice3A_1346 = vector.extract_strided_slice %slice3A_1335 {offsets = [0, 0], sizes = [128, 128], strides = [1, 1]} : vector<2048x128xf32> to vector<128x128xf32>
    %dot_general3A_1347 = arith.constant dense<0.000000e+00> : vector<128x128xf32>
    %dot_general3A_1348 = tpu.matmul %broadcast_in_dim3A_1340, %slice3A_1346, %dot_general3A_1347 {dimension_numbers = #tpu.dot_dimension_numbers<[1], [1], [0], [0], [0, 0, 1, 0], [], []>, transpose_lhs_hint = false} : vector<128x128xf32>, vector<128x128xf32>, vector<128x128xf32> -> vector<128x128xf32>
    %slice3A_1349 = vector.extract_strided_slice %slice3A_1335 {offsets = [128, 0], sizes = [128, 128], strides = [1, 1]} : vector<2048x128xf32> to vector<128x128xf32>
    %dot_general3A_1350 = arith.constant dense<0.000000e+00> : vector<128x128xf32>
    %dot_general3A_1351 = tpu.matmul %broadcast_in_dim3A_1340, %slice3A_1349, %dot_general3A_1350 {dimension_numbers = #tpu.dot_dimension_numbers<[1], [1], [0], [0], [0, 0, 1, 0], [], []>, transpose_lhs_hint = false} : vector<128x128xf32>, vector<128x128xf32>, vector<128x128xf32> -> vector<128x128xf32>
    %slice3A_1352 = vector.extract_strided_slice %slice3A_1335 {offsets = [256, 0], sizes = [128, 128], strides = [1, 1]} : vector<2048x128xf32> to vector<128x128xf32>
    %dot_general3A_1353 = arith.constant dense<0.000000e+00> : vector<128x128xf32>
    %dot_general3A_1354 = tpu.matmul %broadcast_in_dim3A_1340, %slice3A_1352, %dot_general3A_1353 {dimension_numbers = #tpu.dot_dimension_numbers<[1], [1], [0], [0], [0, 0, 1, 0], [], []>, transpose_lhs_hint = false} : vector<128x128xf32>, vector<128x128xf32>, vector<128x128xf32> -> vector<128x128xf32>
    %slice3A_1355 = vector.extract_strided_slice %slice3A_1335 {offsets = [384, 0], sizes = [128, 128], strides = [1, 1]} : vector<2048x128xf32> to vector<128x128xf32>
    %dot_general3A_1356 = arith.constant dense<0.000000e+00> : vector<128x128xf32>
    %dot_general3A_1357 = tpu.matmul %broadcast_in_dim3A_1340, %slice3A_1355, %dot_general3A_1356 {dimension_numbers = #tpu.dot_dimension_numbers<[1], [1], [0], [0], [0, 0, 1, 0], [], []>, transpose_lhs_hint = false} : vector<128x128xf32>, vector<128x128xf32>, vector<128x128xf32> -> vector<128x128xf32>
    %slice3A_1358 = vector.extract_strided_slice %slice3A_1335 {offsets = [512, 0], sizes = [128, 128], strides = [1, 1]} : vector<2048x128xf32> to vector<128x128xf32>
    %dot_general3A_1359 = arith.constant dense<0.000000e+00> : vector<128x128xf32>
    %dot_general3A_1360 = tpu.matmul %broadcast_in_dim3A_1340, %slice3A_1358, %dot_general3A_1359 {dimension_numbers = #tpu.dot_dimension_numbers<[1], [1], [0], [0], [0, 0, 1, 0], [], []>, transpose_lhs_hint = false} : vector<128x128xf32>, vector<128x128xf32>, vector<128x128xf32> -> vector<128x128xf32>
    %slice3A_1361 = vector.extract_strided_slice %slice3A_1335 {offsets = [640, 0], sizes = [128, 128], strides = [1, 1]} : vector<2048x128xf32> to vector<128x128xf32>
    %dot_general3A_1362 = arith.constant dense<0.000000e+00> : vector<128x128xf32>
    %dot_general3A_1363 = tpu.matmul %broadcast_in_dim3A_1340, %slice3A_1361, %dot_general3A_1362 {dimension_numbers = #tpu.dot_dimension_numbers<[1], [1], [0], [0], [0, 0, 1, 0], [], []>, transpose_lhs_hint = false} : vector<128x128xf32>, vector<128x128xf32>, vector<128x128xf32> -> vector<128x128xf32>
    %slice3A_1364 = vector.extract_strided_slice %slice3A_1335 {offsets = [768, 0], sizes = [128, 128], strides = [1, 1]} : vector<2048x128xf32> to vector<128x128xf32>
    %dot_general3A_1365 = arith.constant dense<0.000000e+00> : vector<128x128xf32>
    %dot_general3A_1366 = tpu.matmul %broadcast_in_dim3A_1340, %slice3A_1364, %dot_general3A_1365 {dimension_numbers = #tpu.dot_dimension_numbers<[1], [1], [0], [0], [0, 0, 1, 0], [], []>, transpose_lhs_hint = false} : vector<128x128xf32>, vector<128x128xf32>, vector<128x128xf32> -> vector<128x128xf32>
    %slice3A_1367 = vector.extract_strided_slice %slice3A_1335 {offsets = [896, 0], sizes = [128, 128], strides = [1, 1]} : vector<2048x128xf32> to vector<128x128xf32>
    %dot_general3A_1368 = arith.constant dense<0.000000e+00> : vector<128x128xf32>
    %dot_general3A_1369 = tpu.matmul %broadcast_in_dim3A_1340, %slice3A_1367, %dot_general3A_1368 {dimension_numbers = #tpu.dot_dimension_numbers<[1], [1], [0], [0], [0, 0, 1, 0], [], []>, transpose_lhs_hint = false} : vector<128x128xf32>, vector<128x128xf32>, vector<128x128xf32> -> vector<128x128xf32>
    %slice3A_1370 = vector.extract_strided_slice %slice3A_1335 {offsets = [1024, 0], sizes = [128, 128], strides = [1, 1]} : vector<2048x128xf32> to vector<128x128xf32>
    %dot_general3A_1371 = arith.constant dense<0.000000e+00> : vector<128x128xf32>
    %dot_general3A_1372 = tpu.matmul %broadcast_in_dim3A_1340, %slice3A_1370, %dot_general3A_1371 {dimension_numbers = #tpu.dot_dimension_numbers<[1], [1], [0], [0], [0, 0, 1, 0], [], []>, transpose_lhs_hint = false} : vector<128x128xf32>, vector<128x128xf32>, vector<128x128xf32> -> vector<128x128xf32>
    %slice3A_1373 = vector.extract_strided_slice %slice3A_1335 {offsets = [1152, 0], sizes = [128, 128], strides = [1, 1]} : vector<2048x128xf32> to vector<128x128xf32>
    %dot_general3A_1374 = arith.constant dense<0.000000e+00> : vector<128x128xf32>
    %dot_general3A_1375 = tpu.matmul %broadcast_in_dim3A_1340, %slice3A_1373, %dot_general3A_1374 {dimension_numbers = #tpu.dot_dimension_numbers<[1], [1], [0], [0], [0, 0, 1, 0], [], []>, transpose_lhs_hint = false} : vector<128x128xf32>, vector<128x128xf32>, vector<128x128xf32> -> vector<128x128xf32>
    %slice3A_1376 = vector.extract_strided_slice %slice3A_1335 {offsets = [1280, 0], sizes = [128, 128], strides = [1, 1]} : vector<2048x128xf32> to vector<128x128xf32>
    %dot_general3A_1377 = arith.constant dense<0.000000e+00> : vector<128x128xf32>
    %dot_general3A_1378 = tpu.matmul %broadcast_in_dim3A_1340, %slice3A_1376, %dot_general3A_1377 {dimension_numbers = #tpu.dot_dimension_numbers<[1], [1], [0], [0], [0, 0, 1, 0], [], []>, transpose_lhs_hint = false} : vector<128x128xf32>, vector<128x128xf32>, vector<128x128xf32> -> vector<128x128xf32>
    %slice3A_1379 = vector.extract_strided_slice %slice3A_1335 {offsets = [1408, 0], sizes = [128, 128], strides = [1, 1]} : vector<2048x128xf32> to vector<128x128xf32>
    %dot_general3A_1380 = arith.constant dense<0.000000e+00> : vector<128x128xf32>
    %dot_general3A_1381 = tpu.matmul %broadcast_in_dim3A_1340, %slice3A_1379, %dot_general3A_1380 {dimension_numbers = #tpu.dot_dimension_numbers<[1], [1], [0], [0], [0, 0, 1, 0], [], []>, transpose_lhs_hint = false} : vector<128x128xf32>, vector<128x128xf32>, vector<128x128xf32> -> vector<128x128xf32>
    %slice3A_1382 = vector.extract_strided_slice %slice3A_1335 {offsets = [1536, 0], sizes = [128, 128], strides = [1, 1]} : vector<2048x128xf32> to vector<128x128xf32>
    %dot_general3A_1383 = arith.constant dense<0.000000e+00> : vector<128x128xf32>
    %dot_general3A_1384 = tpu.matmul %broadcast_in_dim3A_1340, %slice3A_1382, %dot_general3A_1383 {dimension_numbers = #tpu.dot_dimension_numbers<[1], [1], [0], [0], [0, 0, 1, 0], [], []>, transpose_lhs_hint = false} : vector<128x128xf32>, vector<128x128xf32>, vector<128x128xf32> -> vector<128x128xf32>
    %slice3A_1385 = vector.extract_strided_slice %slice3A_1335 {offsets = [1664, 0], sizes = [128, 128], strides = [1, 1]} : vector<2048x128xf32> to vector<128x128xf32>
    %dot_general3A_1386 = arith.constant dense<0.000000e+00> : vector<128x128xf32>
    %dot_general3A_1387 = tpu.matmul %broadcast_in_dim3A_1340, %slice3A_1385, %dot_general3A_1386 {dimension_numbers = #tpu.dot_dimension_numbers<[1], [1], [0], [0], [0, 0, 1, 0], [], []>, transpose_lhs_hint = false} : vector<128x128xf32>, vector<128x128xf32>, vector<128x128xf32> -> vector<128x128xf32>
    %slice3A_1388 = vector.extract_strided_slice %slice3A_1335 {offsets = [1792, 0], sizes = [128, 128], strides = [1, 1]} : vector<2048x128xf32> to vector<128x128xf32>
    %dot_general3A_1389 = arith.constant dense<0.000000e+00> : vector<128x128xf32>
    %dot_general3A_1390 = tpu.matmul %broadcast_in_dim3A_1340, %slice3A_1388, %dot_general3A_1389 {dimension_numbers = #tpu.dot_dimension_numbers<[1], [1], [0], [0], [0, 0, 1, 0], [], []>, transpose_lhs_hint = false} : vector<128x128xf32>, vector<128x128xf32>, vector<128x128xf32> -> vector<128x128xf32>
    %slice3A_1391 = vector.extract_strided_slice %slice3A_1335 {offsets = [1920, 0], sizes = [128, 128], strides = [1, 1]} : vector<2048x128xf32> to vector<128x128xf32>
    %dot_general3A_1392 = arith.constant dense<0.000000e+00> : vector<128x128xf32>
    %dot_general3A_1393 = tpu.matmul %broadcast_in_dim3A_1340, %slice3A_1391, %dot_general3A_1392 {dimension_numbers = #tpu.dot_dimension_numbers<[1], [1], [0], [0], [0, 0, 1, 0], [], []>, transpose_lhs_hint = false} : vector<128x128xf32>, vector<128x128xf32>, vector<128x128xf32> -> vector<128x128xf32>
    %concatenate3A_1394 = tpu.concatenate %dot_general3A_1348, %dot_general3A_1351, %dot_general3A_1354, %dot_general3A_1357, %dot_general3A_1360, %dot_general3A_1363, %dot_general3A_1366, %dot_general3A_1369, %dot_general3A_1372, %dot_general3A_1375, %dot_general3A_1378, %dot_general3A_1381, %dot_general3A_1384, %dot_general3A_1387, %dot_general3A_1390, %dot_general3A_1393 in 0 : vector<128x128xf32>, vector<128x128xf32>, vector<128x128xf32>, vector<128x128xf32>, vector<128x128xf32>, vector<128x128xf32>, vector<128x128xf32>, vector<128x128xf32>, vector<128x128xf32>, vector<128x128xf32>, vector<128x128xf32>, vector<128x128xf32>, vector<128x128xf32>, vector<128x128xf32>, vector<128x128xf32>, vector<128x128xf32> -> vector<2048x128xf32>
    %dot_general3A_1395 = arith.constant dense<0.000000e+00> : vector<2048x128xf32>
    %dot_general3A_1396 = tpu.matmul %slice3A_1335, %broadcast_in_dim3A_1345, %dot_general3A_1395 {dimension_numbers = #tpu.dot_dimension_numbers<[1], [1], [0], [0], [0, 0, 1, 0], [], []>, transpose_lhs_hint = false} : vector<2048x128xf32>, vector<128x128xf32>, vector<2048x128xf32> -> vector<2048x128xf32>
    %add3A_1397 = arith.addf %concatenate3A_1394, %dot_general3A_1396 : vector<2048x128xf32>
    %gt3A_1398 = arith.constant 0.000000e+00 : f32
    %gt3A_1399 = vector.broadcast %gt3A_1398 : f32 to vector<2048x128xf32>
    %gt3A_1400 = arith.cmpf ogt, %add3A_1397, %gt3A_1399 : vector<2048x128xf32>
    %mul3A_1401 = arith.constant 2.000000e-01 : f32
    %mul3A_1402 = vector.broadcast %mul3A_1401 : f32 to vector<2048x128xf32>
    %mul3A_1403 = arith.mulf %mul3A_1402, %add3A_1397 : vector<2048x128xf32>
    %select_n3A_1404 = arith.select %gt3A_1400, %add3A_1397, %mul3A_1403 : vector<2048x128xi1>, vector<2048x128xf32>
    %min3A_1405 = arith.constant 6.000000e+01 : f32
    %min3A_1406 = vector.broadcast %min3A_1405 : f32 to vector<2048x128xf32>
    %min3A_1407 = arith.minimumf %select_n3A_1404, %min3A_1406 : vector<2048x128xf32>
    %exp3A_1408 = math.exp %min3A_1407 : vector<2048x128xf32>
    %mul3A_1409 = arith.mulf %mul3A_1013, %exp3A_1408 : vector<2048x128xf32>
    %dot_general3A_1410 = arith.constant dense<0.000000e+00> : vector<2048x128xf32>
    %dot_general3A_1411 = tpu.matmul %mul3A_1409, %broadcast_in_dim3A_1036, %dot_general3A_1410 {dimension_numbers = #tpu.dot_dimension_numbers<[1], [0], [0], [1], [0, 0, 1, 1], [], []>, transpose_lhs_hint = false} : vector<2048x128xf32>, vector<128x128xf32>, vector<2048x128xf32> -> vector<2048x128xf32>
    %add3A_1412 = arith.constant 1.000000e-16 : f32
    %add3A_1413 = vector.broadcast %add3A_1412 : f32 to vector<2048x128xf32>
    %add3A_1414 = arith.addf %dot_general3A_1411, %add3A_1413 : vector<2048x128xf32>
    %div3A_1415 = arith.constant 1.000000e+00 : f32
    %div3A_1416 = vector.broadcast %div3A_1415 : f32 to vector<2048x128xf32>
    %div3A_1417 = arith.divf %div3A_1416, %add3A_1414 : vector<2048x128xf32>
    %mul3A_1418 = arith.mulf %mul3A_1409, %div3A_1417 : vector<2048x128xf32>
    %slice3A_1419 = vector.extract_strided_slice %mul3A_1418 {offsets = [0, 0], sizes = [128, 128], strides = [1, 1]} : vector<2048x128xf32> to vector<128x128xf32>
    %slice3A_1420 = vector.extract_strided_slice %slice3A_1335 {offsets = [0, 0], sizes = [128, 128], strides = [1, 1]} : vector<2048x128xf32> to vector<128x128xf32>
    %dot_general3A_1421 = arith.constant dense<0.000000e+00> : vector<128x128xf32>
    %dot_general3A_1422 = tpu.matmul %slice3A_1419, %slice3A_1420, %dot_general3A_1421 {dimension_numbers = #tpu.dot_dimension_numbers<[1], [0], [0], [1], [0, 0, 1, 1], [], []>, transpose_lhs_hint = false} : vector<128x128xf32>, vector<128x128xf32>, vector<128x128xf32> -> vector<128x128xf32>
    %slice3A_1423 = vector.extract_strided_slice %mul3A_1418 {offsets = [128, 0], sizes = [128, 128], strides = [1, 1]} : vector<2048x128xf32> to vector<128x128xf32>
    %slice3A_1424 = vector.extract_strided_slice %slice3A_1335 {offsets = [128, 0], sizes = [128, 128], strides = [1, 1]} : vector<2048x128xf32> to vector<128x128xf32>
    %dot_general3A_1425 = arith.constant dense<0.000000e+00> : vector<128x128xf32>
    %dot_general3A_1426 = tpu.matmul %slice3A_1423, %slice3A_1424, %dot_general3A_1425 {dimension_numbers = #tpu.dot_dimension_numbers<[1], [0], [0], [1], [0, 0, 1, 1], [], []>, transpose_lhs_hint = false} : vector<128x128xf32>, vector<128x128xf32>, vector<128x128xf32> -> vector<128x128xf32>
    %slice3A_1427 = vector.extract_strided_slice %mul3A_1418 {offsets = [256, 0], sizes = [128, 128], strides = [1, 1]} : vector<2048x128xf32> to vector<128x128xf32>
    %slice3A_1428 = vector.extract_strided_slice %slice3A_1335 {offsets = [256, 0], sizes = [128, 128], strides = [1, 1]} : vector<2048x128xf32> to vector<128x128xf32>
    %dot_general3A_1429 = arith.constant dense<0.000000e+00> : vector<128x128xf32>
    %dot_general3A_1430 = tpu.matmul %slice3A_1427, %slice3A_1428, %dot_general3A_1429 {dimension_numbers = #tpu.dot_dimension_numbers<[1], [0], [0], [1], [0, 0, 1, 1], [], []>, transpose_lhs_hint = false} : vector<128x128xf32>, vector<128x128xf32>, vector<128x128xf32> -> vector<128x128xf32>
    %slice3A_1431 = vector.extract_strided_slice %mul3A_1418 {offsets = [384, 0], sizes = [128, 128], strides = [1, 1]} : vector<2048x128xf32> to vector<128x128xf32>
    %slice3A_1432 = vector.extract_strided_slice %slice3A_1335 {offsets = [384, 0], sizes = [128, 128], strides = [1, 1]} : vector<2048x128xf32> to vector<128x128xf32>
    %dot_general3A_1433 = arith.constant dense<0.000000e+00> : vector<128x128xf32>
    %dot_general3A_1434 = tpu.matmul %slice3A_1431, %slice3A_1432, %dot_general3A_1433 {dimension_numbers = #tpu.dot_dimension_numbers<[1], [0], [0], [1], [0, 0, 1, 1], [], []>, transpose_lhs_hint = false} : vector<128x128xf32>, vector<128x128xf32>, vector<128x128xf32> -> vector<128x128xf32>
    %slice3A_1435 = vector.extract_strided_slice %mul3A_1418 {offsets = [512, 0], sizes = [128, 128], strides = [1, 1]} : vector<2048x128xf32> to vector<128x128xf32>
    %slice3A_1436 = vector.extract_strided_slice %slice3A_1335 {offsets = [512, 0], sizes = [128, 128], strides = [1, 1]} : vector<2048x128xf32> to vector<128x128xf32>
    %dot_general3A_1437 = arith.constant dense<0.000000e+00> : vector<128x128xf32>
    %dot_general3A_1438 = tpu.matmul %slice3A_1435, %slice3A_1436, %dot_general3A_1437 {dimension_numbers = #tpu.dot_dimension_numbers<[1], [0], [0], [1], [0, 0, 1, 1], [], []>, transpose_lhs_hint = false} : vector<128x128xf32>, vector<128x128xf32>, vector<128x128xf32> -> vector<128x128xf32>
    %slice3A_1439 = vector.extract_strided_slice %mul3A_1418 {offsets = [640, 0], sizes = [128, 128], strides = [1, 1]} : vector<2048x128xf32> to vector<128x128xf32>
    %slice3A_1440 = vector.extract_strided_slice %slice3A_1335 {offsets = [640, 0], sizes = [128, 128], strides = [1, 1]} : vector<2048x128xf32> to vector<128x128xf32>
    %dot_general3A_1441 = arith.constant dense<0.000000e+00> : vector<128x128xf32>
    %dot_general3A_1442 = tpu.matmul %slice3A_1439, %slice3A_1440, %dot_general3A_1441 {dimension_numbers = #tpu.dot_dimension_numbers<[1], [0], [0], [1], [0, 0, 1, 1], [], []>, transpose_lhs_hint = false} : vector<128x128xf32>, vector<128x128xf32>, vector<128x128xf32> -> vector<128x128xf32>
    %slice3A_1443 = vector.extract_strided_slice %mul3A_1418 {offsets = [768, 0], sizes = [128, 128], strides = [1, 1]} : vector<2048x128xf32> to vector<128x128xf32>
    %slice3A_1444 = vector.extract_strided_slice %slice3A_1335 {offsets = [768, 0], sizes = [128, 128], strides = [1, 1]} : vector<2048x128xf32> to vector<128x128xf32>
    %dot_general3A_1445 = arith.constant dense<0.000000e+00> : vector<128x128xf32>
    %dot_general3A_1446 = tpu.matmul %slice3A_1443, %slice3A_1444, %dot_general3A_1445 {dimension_numbers = #tpu.dot_dimension_numbers<[1], [0], [0], [1], [0, 0, 1, 1], [], []>, transpose_lhs_hint = false} : vector<128x128xf32>, vector<128x128xf32>, vector<128x128xf32> -> vector<128x128xf32>
    %slice3A_1447 = vector.extract_strided_slice %mul3A_1418 {offsets = [896, 0], sizes = [128, 128], strides = [1, 1]} : vector<2048x128xf32> to vector<128x128xf32>
    %slice3A_1448 = vector.extract_strided_slice %slice3A_1335 {offsets = [896, 0], sizes = [128, 128], strides = [1, 1]} : vector<2048x128xf32> to vector<128x128xf32>
    %dot_general3A_1449 = arith.constant dense<0.000000e+00> : vector<128x128xf32>
    %dot_general3A_1450 = tpu.matmul %slice3A_1447, %slice3A_1448, %dot_general3A_1449 {dimension_numbers = #tpu.dot_dimension_numbers<[1], [0], [0], [1], [0, 0, 1, 1], [], []>, transpose_lhs_hint = false} : vector<128x128xf32>, vector<128x128xf32>, vector<128x128xf32> -> vector<128x128xf32>
    %slice3A_1451 = vector.extract_strided_slice %mul3A_1418 {offsets = [1024, 0], sizes = [128, 128], strides = [1, 1]} : vector<2048x128xf32> to vector<128x128xf32>
    %slice3A_1452 = vector.extract_strided_slice %slice3A_1335 {offsets = [1024, 0], sizes = [128, 128], strides = [1, 1]} : vector<2048x128xf32> to vector<128x128xf32>
    %dot_general3A_1453 = arith.constant dense<0.000000e+00> : vector<128x128xf32>
    %dot_general3A_1454 = tpu.matmul %slice3A_1451, %slice3A_1452, %dot_general3A_1453 {dimension_numbers = #tpu.dot_dimension_numbers<[1], [0], [0], [1], [0, 0, 1, 1], [], []>, transpose_lhs_hint = false} : vector<128x128xf32>, vector<128x128xf32>, vector<128x128xf32> -> vector<128x128xf32>
    %slice3A_1455 = vector.extract_strided_slice %mul3A_1418 {offsets = [1152, 0], sizes = [128, 128], strides = [1, 1]} : vector<2048x128xf32> to vector<128x128xf32>
    %slice3A_1456 = vector.extract_strided_slice %slice3A_1335 {offsets = [1152, 0], sizes = [128, 128], strides = [1, 1]} : vector<2048x128xf32> to vector<128x128xf32>
    %dot_general3A_1457 = arith.constant dense<0.000000e+00> : vector<128x128xf32>
    %dot_general3A_1458 = tpu.matmul %slice3A_1455, %slice3A_1456, %dot_general3A_1457 {dimension_numbers = #tpu.dot_dimension_numbers<[1], [0], [0], [1], [0, 0, 1, 1], [], []>, transpose_lhs_hint = false} : vector<128x128xf32>, vector<128x128xf32>, vector<128x128xf32> -> vector<128x128xf32>
    %slice3A_1459 = vector.extract_strided_slice %mul3A_1418 {offsets = [1280, 0], sizes = [128, 128], strides = [1, 1]} : vector<2048x128xf32> to vector<128x128xf32>
    %slice3A_1460 = vector.extract_strided_slice %slice3A_1335 {offsets = [1280, 0], sizes = [128, 128], strides = [1, 1]} : vector<2048x128xf32> to vector<128x128xf32>
    %dot_general3A_1461 = arith.constant dense<0.000000e+00> : vector<128x128xf32>
    %dot_general3A_1462 = tpu.matmul %slice3A_1459, %slice3A_1460, %dot_general3A_1461 {dimension_numbers = #tpu.dot_dimension_numbers<[1], [0], [0], [1], [0, 0, 1, 1], [], []>, transpose_lhs_hint = false} : vector<128x128xf32>, vector<128x128xf32>, vector<128x128xf32> -> vector<128x128xf32>
    %slice3A_1463 = vector.extract_strided_slice %mul3A_1418 {offsets = [1408, 0], sizes = [128, 128], strides = [1, 1]} : vector<2048x128xf32> to vector<128x128xf32>
    %slice3A_1464 = vector.extract_strided_slice %slice3A_1335 {offsets = [1408, 0], sizes = [128, 128], strides = [1, 1]} : vector<2048x128xf32> to vector<128x128xf32>
    %dot_general3A_1465 = arith.constant dense<0.000000e+00> : vector<128x128xf32>
    %dot_general3A_1466 = tpu.matmul %slice3A_1463, %slice3A_1464, %dot_general3A_1465 {dimension_numbers = #tpu.dot_dimension_numbers<[1], [0], [0], [1], [0, 0, 1, 1], [], []>, transpose_lhs_hint = false} : vector<128x128xf32>, vector<128x128xf32>, vector<128x128xf32> -> vector<128x128xf32>
    %slice3A_1467 = vector.extract_strided_slice %mul3A_1418 {offsets = [1536, 0], sizes = [128, 128], strides = [1, 1]} : vector<2048x128xf32> to vector<128x128xf32>
    %slice3A_1468 = vector.extract_strided_slice %slice3A_1335 {offsets = [1536, 0], sizes = [128, 128], strides = [1, 1]} : vector<2048x128xf32> to vector<128x128xf32>
    %dot_general3A_1469 = arith.constant dense<0.000000e+00> : vector<128x128xf32>
    %dot_general3A_1470 = tpu.matmul %slice3A_1467, %slice3A_1468, %dot_general3A_1469 {dimension_numbers = #tpu.dot_dimension_numbers<[1], [0], [0], [1], [0, 0, 1, 1], [], []>, transpose_lhs_hint = false} : vector<128x128xf32>, vector<128x128xf32>, vector<128x128xf32> -> vector<128x128xf32>
    %slice3A_1471 = vector.extract_strided_slice %mul3A_1418 {offsets = [1664, 0], sizes = [128, 128], strides = [1, 1]} : vector<2048x128xf32> to vector<128x128xf32>
    %slice3A_1472 = vector.extract_strided_slice %slice3A_1335 {offsets = [1664, 0], sizes = [128, 128], strides = [1, 1]} : vector<2048x128xf32> to vector<128x128xf32>
    %dot_general3A_1473 = arith.constant dense<0.000000e+00> : vector<128x128xf32>
    %dot_general3A_1474 = tpu.matmul %slice3A_1471, %slice3A_1472, %dot_general3A_1473 {dimension_numbers = #tpu.dot_dimension_numbers<[1], [0], [0], [1], [0, 0, 1, 1], [], []>, transpose_lhs_hint = false} : vector<128x128xf32>, vector<128x128xf32>, vector<128x128xf32> -> vector<128x128xf32>
    %slice3A_1475 = vector.extract_strided_slice %mul3A_1418 {offsets = [1792, 0], sizes = [128, 128], strides = [1, 1]} : vector<2048x128xf32> to vector<128x128xf32>
    %slice3A_1476 = vector.extract_strided_slice %slice3A_1335 {offsets = [1792, 0], sizes = [128, 128], strides = [1, 1]} : vector<2048x128xf32> to vector<128x128xf32>
    %dot_general3A_1477 = arith.constant dense<0.000000e+00> : vector<128x128xf32>
    %dot_general3A_1478 = tpu.matmul %slice3A_1475, %slice3A_1476, %dot_general3A_1477 {dimension_numbers = #tpu.dot_dimension_numbers<[1], [0], [0], [1], [0, 0, 1, 1], [], []>, transpose_lhs_hint = false} : vector<128x128xf32>, vector<128x128xf32>, vector<128x128xf32> -> vector<128x128xf32>
    %slice3A_1479 = vector.extract_strided_slice %mul3A_1418 {offsets = [1920, 0], sizes = [128, 128], strides = [1, 1]} : vector<2048x128xf32> to vector<128x128xf32>
    %slice3A_1480 = vector.extract_strided_slice %slice3A_1335 {offsets = [1920, 0], sizes = [128, 128], strides = [1, 1]} : vector<2048x128xf32> to vector<128x128xf32>
    %dot_general3A_1481 = arith.constant dense<0.000000e+00> : vector<128x128xf32>
    %dot_general3A_1482 = tpu.matmul %slice3A_1479, %slice3A_1480, %dot_general3A_1481 {dimension_numbers = #tpu.dot_dimension_numbers<[1], [0], [0], [1], [0, 0, 1, 1], [], []>, transpose_lhs_hint = false} : vector<128x128xf32>, vector<128x128xf32>, vector<128x128xf32> -> vector<128x128xf32>
    %concatenate3A_1483 = tpu.concatenate %dot_general3A_1422, %dot_general3A_1426, %dot_general3A_1430, %dot_general3A_1434, %dot_general3A_1438, %dot_general3A_1442, %dot_general3A_1446, %dot_general3A_1450, %dot_general3A_1454, %dot_general3A_1458, %dot_general3A_1462, %dot_general3A_1466, %dot_general3A_1470, %dot_general3A_1474, %dot_general3A_1478, %dot_general3A_1482 in 0 : vector<128x128xf32>, vector<128x128xf32>, vector<128x128xf32>, vector<128x128xf32>, vector<128x128xf32>, vector<128x128xf32>, vector<128x128xf32>, vector<128x128xf32>, vector<128x128xf32>, vector<128x128xf32>, vector<128x128xf32>, vector<128x128xf32>, vector<128x128xf32>, vector<128x128xf32>, vector<128x128xf32>, vector<128x128xf32> -> vector<2048x128xf32>
    %slice3A_1484 = vector.extract_strided_slice %dot_general3A_1034 {offsets = [0, 384], sizes = [2048, 128], strides = [1, 1]} : vector<2048x512xf32> to vector<2048x128xf32>
    %slice3A_1485 = vector.extract_strided_slice %get3A_1023 {offsets = [3, 0], sizes = [1, 128], strides = [1, 1]} : vector<4x128xf32> to vector<1x128xf32>
    %squeeze3A_1486 = vector.shape_cast %slice3A_1485 : vector<1x128xf32> to vector<128xf32>
    %broadcast_in_dim3A_1487 = vector.shape_cast %squeeze3A_1486 : vector<128xf32> to vector<1x128xf32>
    %broadcast_in_dim3A_1488 = vector.shape_cast %broadcast_in_dim3A_1487 : vector<1x128xf32> to vector<1x128xf32>
    %broadcast_in_dim3A_1489 = vector.broadcast %broadcast_in_dim3A_1488 : vector<1x128xf32> to vector<128x128xf32>
    %slice3A_1490 = vector.extract_strided_slice %get3A_1028 {offsets = [3, 0], sizes = [1, 128], strides = [1, 1]} : vector<4x128xf32> to vector<1x128xf32>
    %squeeze3A_1491 = vector.shape_cast %slice3A_1490 : vector<1x128xf32> to vector<128xf32>
    %broadcast_in_dim3A_1492 = vector.shape_cast %squeeze3A_1491 : vector<128xf32> to vector<1x128xf32>
    %broadcast_in_dim3A_1493 = vector.shape_cast %broadcast_in_dim3A_1492 : vector<1x128xf32> to vector<1x128xf32>
    %broadcast_in_dim3A_1494 = vector.broadcast %broadcast_in_dim3A_1493 : vector<1x128xf32> to vector<128x128xf32>
    %slice3A_1495 = vector.extract_strided_slice %slice3A_1484 {offsets = [0, 0], sizes = [128, 128], strides = [1, 1]} : vector<2048x128xf32> to vector<128x128xf32>
    %dot_general3A_1496 = arith.constant dense<0.000000e+00> : vector<128x128xf32>
    %dot_general3A_1497 = tpu.matmul %broadcast_in_dim3A_1489, %slice3A_1495, %dot_general3A_1496 {dimension_numbers = #tpu.dot_dimension_numbers<[1], [1], [0], [0], [0, 0, 1, 0], [], []>, transpose_lhs_hint = false} : vector<128x128xf32>, vector<128x128xf32>, vector<128x128xf32> -> vector<128x128xf32>
    %slice3A_1498 = vector.extract_strided_slice %slice3A_1484 {offsets = [128, 0], sizes = [128, 128], strides = [1, 1]} : vector<2048x128xf32> to vector<128x128xf32>
    %dot_general3A_1499 = arith.constant dense<0.000000e+00> : vector<128x128xf32>
    %dot_general3A_1500 = tpu.matmul %broadcast_in_dim3A_1489, %slice3A_1498, %dot_general3A_1499 {dimension_numbers = #tpu.dot_dimension_numbers<[1], [1], [0], [0], [0, 0, 1, 0], [], []>, transpose_lhs_hint = false} : vector<128x128xf32>, vector<128x128xf32>, vector<128x128xf32> -> vector<128x128xf32>
    %slice3A_1501 = vector.extract_strided_slice %slice3A_1484 {offsets = [256, 0], sizes = [128, 128], strides = [1, 1]} : vector<2048x128xf32> to vector<128x128xf32>
    %dot_general3A_1502 = arith.constant dense<0.000000e+00> : vector<128x128xf32>
    %dot_general3A_1503 = tpu.matmul %broadcast_in_dim3A_1489, %slice3A_1501, %dot_general3A_1502 {dimension_numbers = #tpu.dot_dimension_numbers<[1], [1], [0], [0], [0, 0, 1, 0], [], []>, transpose_lhs_hint = false} : vector<128x128xf32>, vector<128x128xf32>, vector<128x128xf32> -> vector<128x128xf32>
    %slice3A_1504 = vector.extract_strided_slice %slice3A_1484 {offsets = [384, 0], sizes = [128, 128], strides = [1, 1]} : vector<2048x128xf32> to vector<128x128xf32>
    %dot_general3A_1505 = arith.constant dense<0.000000e+00> : vector<128x128xf32>
    %dot_general3A_1506 = tpu.matmul %broadcast_in_dim3A_1489, %slice3A_1504, %dot_general3A_1505 {dimension_numbers = #tpu.dot_dimension_numbers<[1], [1], [0], [0], [0, 0, 1, 0], [], []>, transpose_lhs_hint = false} : vector<128x128xf32>, vector<128x128xf32>, vector<128x128xf32> -> vector<128x128xf32>
    %slice3A_1507 = vector.extract_strided_slice %slice3A_1484 {offsets = [512, 0], sizes = [128, 128], strides = [1, 1]} : vector<2048x128xf32> to vector<128x128xf32>
    %dot_general3A_1508 = arith.constant dense<0.000000e+00> : vector<128x128xf32>
    %dot_general3A_1509 = tpu.matmul %broadcast_in_dim3A_1489, %slice3A_1507, %dot_general3A_1508 {dimension_numbers = #tpu.dot_dimension_numbers<[1], [1], [0], [0], [0, 0, 1, 0], [], []>, transpose_lhs_hint = false} : vector<128x128xf32>, vector<128x128xf32>, vector<128x128xf32> -> vector<128x128xf32>
    %slice3A_1510 = vector.extract_strided_slice %slice3A_1484 {offsets = [640, 0], sizes = [128, 128], strides = [1, 1]} : vector<2048x128xf32> to vector<128x128xf32>
    %dot_general3A_1511 = arith.constant dense<0.000000e+00> : vector<128x128xf32>
    %dot_general3A_1512 = tpu.matmul %broadcast_in_dim3A_1489, %slice3A_1510, %dot_general3A_1511 {dimension_numbers = #tpu.dot_dimension_numbers<[1], [1], [0], [0], [0, 0, 1, 0], [], []>, transpose_lhs_hint = false} : vector<128x128xf32>, vector<128x128xf32>, vector<128x128xf32> -> vector<128x128xf32>
    %slice3A_1513 = vector.extract_strided_slice %slice3A_1484 {offsets = [768, 0], sizes = [128, 128], strides = [1, 1]} : vector<2048x128xf32> to vector<128x128xf32>
    %dot_general3A_1514 = arith.constant dense<0.000000e+00> : vector<128x128xf32>
    %dot_general3A_1515 = tpu.matmul %broadcast_in_dim3A_1489, %slice3A_1513, %dot_general3A_1514 {dimension_numbers = #tpu.dot_dimension_numbers<[1], [1], [0], [0], [0, 0, 1, 0], [], []>, transpose_lhs_hint = false} : vector<128x128xf32>, vector<128x128xf32>, vector<128x128xf32> -> vector<128x128xf32>
    %slice3A_1516 = vector.extract_strided_slice %slice3A_1484 {offsets = [896, 0], sizes = [128, 128], strides = [1, 1]} : vector<2048x128xf32> to vector<128x128xf32>
    %dot_general3A_1517 = arith.constant dense<0.000000e+00> : vector<128x128xf32>
    %dot_general3A_1518 = tpu.matmul %broadcast_in_dim3A_1489, %slice3A_1516, %dot_general3A_1517 {dimension_numbers = #tpu.dot_dimension_numbers<[1], [1], [0], [0], [0, 0, 1, 0], [], []>, transpose_lhs_hint = false} : vector<128x128xf32>, vector<128x128xf32>, vector<128x128xf32> -> vector<128x128xf32>
    %slice3A_1519 = vector.extract_strided_slice %slice3A_1484 {offsets = [1024, 0], sizes = [128, 128], strides = [1, 1]} : vector<2048x128xf32> to vector<128x128xf32>
    %dot_general3A_1520 = arith.constant dense<0.000000e+00> : vector<128x128xf32>
    %dot_general3A_1521 = tpu.matmul %broadcast_in_dim3A_1489, %slice3A_1519, %dot_general3A_1520 {dimension_numbers = #tpu.dot_dimension_numbers<[1], [1], [0], [0], [0, 0, 1, 0], [], []>, transpose_lhs_hint = false} : vector<128x128xf32>, vector<128x128xf32>, vector<128x128xf32> -> vector<128x128xf32>
    %slice3A_1522 = vector.extract_strided_slice %slice3A_1484 {offsets = [1152, 0], sizes = [128, 128], strides = [1, 1]} : vector<2048x128xf32> to vector<128x128xf32>
    %dot_general3A_1523 = arith.constant dense<0.000000e+00> : vector<128x128xf32>
    %dot_general3A_1524 = tpu.matmul %broadcast_in_dim3A_1489, %slice3A_1522, %dot_general3A_1523 {dimension_numbers = #tpu.dot_dimension_numbers<[1], [1], [0], [0], [0, 0, 1, 0], [], []>, transpose_lhs_hint = false} : vector<128x128xf32>, vector<128x128xf32>, vector<128x128xf32> -> vector<128x128xf32>
    %slice3A_1525 = vector.extract_strided_slice %slice3A_1484 {offsets = [1280, 0], sizes = [128, 128], strides = [1, 1]} : vector<2048x128xf32> to vector<128x128xf32>
    %dot_general3A_1526 = arith.constant dense<0.000000e+00> : vector<128x128xf32>
    %dot_general3A_1527 = tpu.matmul %broadcast_in_dim3A_1489, %slice3A_1525, %dot_general3A_1526 {dimension_numbers = #tpu.dot_dimension_numbers<[1], [1], [0], [0], [0, 0, 1, 0], [], []>, transpose_lhs_hint = false} : vector<128x128xf32>, vector<128x128xf32>, vector<128x128xf32> -> vector<128x128xf32>
    %slice3A_1528 = vector.extract_strided_slice %slice3A_1484 {offsets = [1408, 0], sizes = [128, 128], strides = [1, 1]} : vector<2048x128xf32> to vector<128x128xf32>
    %dot_general3A_1529 = arith.constant dense<0.000000e+00> : vector<128x128xf32>
    %dot_general3A_1530 = tpu.matmul %broadcast_in_dim3A_1489, %slice3A_1528, %dot_general3A_1529 {dimension_numbers = #tpu.dot_dimension_numbers<[1], [1], [0], [0], [0, 0, 1, 0], [], []>, transpose_lhs_hint = false} : vector<128x128xf32>, vector<128x128xf32>, vector<128x128xf32> -> vector<128x128xf32>
    %slice3A_1531 = vector.extract_strided_slice %slice3A_1484 {offsets = [1536, 0], sizes = [128, 128], strides = [1, 1]} : vector<2048x128xf32> to vector<128x128xf32>
    %dot_general3A_1532 = arith.constant dense<0.000000e+00> : vector<128x128xf32>
    %dot_general3A_1533 = tpu.matmul %broadcast_in_dim3A_1489, %slice3A_1531, %dot_general3A_1532 {dimension_numbers = #tpu.dot_dimension_numbers<[1], [1], [0], [0], [0, 0, 1, 0], [], []>, transpose_lhs_hint = false} : vector<128x128xf32>, vector<128x128xf32>, vector<128x128xf32> -> vector<128x128xf32>
    %slice3A_1534 = vector.extract_strided_slice %slice3A_1484 {offsets = [1664, 0], sizes = [128, 128], strides = [1, 1]} : vector<2048x128xf32> to vector<128x128xf32>
    %dot_general3A_1535 = arith.constant dense<0.000000e+00> : vector<128x128xf32>
    %dot_general3A_1536 = tpu.matmul %broadcast_in_dim3A_1489, %slice3A_1534, %dot_general3A_1535 {dimension_numbers = #tpu.dot_dimension_numbers<[1], [1], [0], [0], [0, 0, 1, 0], [], []>, transpose_lhs_hint = false} : vector<128x128xf32>, vector<128x128xf32>, vector<128x128xf32> -> vector<128x128xf32>
    %slice3A_1537 = vector.extract_strided_slice %slice3A_1484 {offsets = [1792, 0], sizes = [128, 128], strides = [1, 1]} : vector<2048x128xf32> to vector<128x128xf32>
    %dot_general3A_1538 = arith.constant dense<0.000000e+00> : vector<128x128xf32>
    %dot_general3A_1539 = tpu.matmul %broadcast_in_dim3A_1489, %slice3A_1537, %dot_general3A_1538 {dimension_numbers = #tpu.dot_dimension_numbers<[1], [1], [0], [0], [0, 0, 1, 0], [], []>, transpose_lhs_hint = false} : vector<128x128xf32>, vector<128x128xf32>, vector<128x128xf32> -> vector<128x128xf32>
    %slice3A_1540 = vector.extract_strided_slice %slice3A_1484 {offsets = [1920, 0], sizes = [128, 128], strides = [1, 1]} : vector<2048x128xf32> to vector<128x128xf32>
    %dot_general3A_1541 = arith.constant dense<0.000000e+00> : vector<128x128xf32>
    %dot_general3A_1542 = tpu.matmul %broadcast_in_dim3A_1489, %slice3A_1540, %dot_general3A_1541 {dimension_numbers = #tpu.dot_dimension_numbers<[1], [1], [0], [0], [0, 0, 1, 0], [], []>, transpose_lhs_hint = false} : vector<128x128xf32>, vector<128x128xf32>, vector<128x128xf32> -> vector<128x128xf32>
    %concatenate3A_1543 = tpu.concatenate %dot_general3A_1497, %dot_general3A_1500, %dot_general3A_1503, %dot_general3A_1506, %dot_general3A_1509, %dot_general3A_1512, %dot_general3A_1515, %dot_general3A_1518, %dot_general3A_1521, %dot_general3A_1524, %dot_general3A_1527, %dot_general3A_1530, %dot_general3A_1533, %dot_general3A_1536, %dot_general3A_1539, %dot_general3A_1542 in 0 : vector<128x128xf32>, vector<128x128xf32>, vector<128x128xf32>, vector<128x128xf32>, vector<128x128xf32>, vector<128x128xf32>, vector<128x128xf32>, vector<128x128xf32>, vector<128x128xf32>, vector<128x128xf32>, vector<128x128xf32>, vector<128x128xf32>, vector<128x128xf32>, vector<128x128xf32>, vector<128x128xf32>, vector<128x128xf32> -> vector<2048x128xf32>
    %dot_general3A_1544 = arith.constant dense<0.000000e+00> : vector<2048x128xf32>
    %dot_general3A_1545 = tpu.matmul %slice3A_1484, %broadcast_in_dim3A_1494, %dot_general3A_1544 {dimension_numbers = #tpu.dot_dimension_numbers<[1], [1], [0], [0], [0, 0, 1, 0], [], []>, transpose_lhs_hint = false} : vector<2048x128xf32>, vector<128x128xf32>, vector<2048x128xf32> -> vector<2048x128xf32>
    %add3A_1546 = arith.addf %concatenate3A_1543, %dot_general3A_1545 : vector<2048x128xf32>
    %gt3A_1547 = arith.constant 0.000000e+00 : f32
    %gt3A_1548 = vector.broadcast %gt3A_1547 : f32 to vector<2048x128xf32>
    %gt3A_1549 = arith.cmpf ogt, %add3A_1546, %gt3A_1548 : vector<2048x128xf32>
    %mul3A_1550 = arith.constant 2.000000e-01 : f32
    %mul3A_1551 = vector.broadcast %mul3A_1550 : f32 to vector<2048x128xf32>
    %mul3A_1552 = arith.mulf %mul3A_1551, %add3A_1546 : vector<2048x128xf32>
    %select_n3A_1553 = arith.select %gt3A_1549, %add3A_1546, %mul3A_1552 : vector<2048x128xi1>, vector<2048x128xf32>
    %min3A_1554 = arith.constant 6.000000e+01 : f32
    %min3A_1555 = vector.broadcast %min3A_1554 : f32 to vector<2048x128xf32>
    %min3A_1556 = arith.minimumf %select_n3A_1553, %min3A_1555 : vector<2048x128xf32>
    %exp3A_1557 = math.exp %min3A_1556 : vector<2048x128xf32>
    %mul3A_1558 = arith.mulf %mul3A_1013, %exp3A_1557 : vector<2048x128xf32>
    %dot_general3A_1559 = arith.constant dense<0.000000e+00> : vector<2048x128xf32>
    %dot_general3A_1560 = tpu.matmul %mul3A_1558, %broadcast_in_dim3A_1036, %dot_general3A_1559 {dimension_numbers = #tpu.dot_dimension_numbers<[1], [0], [0], [1], [0, 0, 1, 1], [], []>, transpose_lhs_hint = false} : vector<2048x128xf32>, vector<128x128xf32>, vector<2048x128xf32> -> vector<2048x128xf32>
    %add3A_1561 = arith.constant 1.000000e-16 : f32
    %add3A_1562 = vector.broadcast %add3A_1561 : f32 to vector<2048x128xf32>
    %add3A_1563 = arith.addf %dot_general3A_1560, %add3A_1562 : vector<2048x128xf32>
    %div3A_1564 = arith.constant 1.000000e+00 : f32
    %div3A_1565 = vector.broadcast %div3A_1564 : f32 to vector<2048x128xf32>
    %div3A_1566 = arith.divf %div3A_1565, %add3A_1563 : vector<2048x128xf32>
    %mul3A_1567 = arith.mulf %mul3A_1558, %div3A_1566 : vector<2048x128xf32>
    %slice3A_1568 = vector.extract_strided_slice %mul3A_1567 {offsets = [0, 0], sizes = [128, 128], strides = [1, 1]} : vector<2048x128xf32> to vector<128x128xf32>
    %slice3A_1569 = vector.extract_strided_slice %slice3A_1484 {offsets = [0, 0], sizes = [128, 128], strides = [1, 1]} : vector<2048x128xf32> to vector<128x128xf32>
    %dot_general3A_1570 = arith.constant dense<0.000000e+00> : vector<128x128xf32>
    %dot_general3A_1571 = tpu.matmul %slice3A_1568, %slice3A_1569, %dot_general3A_1570 {dimension_numbers = #tpu.dot_dimension_numbers<[1], [0], [0], [1], [0, 0, 1, 1], [], []>, transpose_lhs_hint = false} : vector<128x128xf32>, vector<128x128xf32>, vector<128x128xf32> -> vector<128x128xf32>
    %slice3A_1572 = vector.extract_strided_slice %mul3A_1567 {offsets = [128, 0], sizes = [128, 128], strides = [1, 1]} : vector<2048x128xf32> to vector<128x128xf32>
    %slice3A_1573 = vector.extract_strided_slice %slice3A_1484 {offsets = [128, 0], sizes = [128, 128], strides = [1, 1]} : vector<2048x128xf32> to vector<128x128xf32>
    %dot_general3A_1574 = arith.constant dense<0.000000e+00> : vector<128x128xf32>
    %dot_general3A_1575 = tpu.matmul %slice3A_1572, %slice3A_1573, %dot_general3A_1574 {dimension_numbers = #tpu.dot_dimension_numbers<[1], [0], [0], [1], [0, 0, 1, 1], [], []>, transpose_lhs_hint = false} : vector<128x128xf32>, vector<128x128xf32>, vector<128x128xf32> -> vector<128x128xf32>
    %slice3A_1576 = vector.extract_strided_slice %mul3A_1567 {offsets = [256, 0], sizes = [128, 128], strides = [1, 1]} : vector<2048x128xf32> to vector<128x128xf32>
    %slice3A_1577 = vector.extract_strided_slice %slice3A_1484 {offsets = [256, 0], sizes = [128, 128], strides = [1, 1]} : vector<2048x128xf32> to vector<128x128xf32>
    %dot_general3A_1578 = arith.constant dense<0.000000e+00> : vector<128x128xf32>
    %dot_general3A_1579 = tpu.matmul %slice3A_1576, %slice3A_1577, %dot_general3A_1578 {dimension_numbers = #tpu.dot_dimension_numbers<[1], [0], [0], [1], [0, 0, 1, 1], [], []>, transpose_lhs_hint = false} : vector<128x128xf32>, vector<128x128xf32>, vector<128x128xf32> -> vector<128x128xf32>
    %slice3A_1580 = vector.extract_strided_slice %mul3A_1567 {offsets = [384, 0], sizes = [128, 128], strides = [1, 1]} : vector<2048x128xf32> to vector<128x128xf32>
    %slice3A_1581 = vector.extract_strided_slice %slice3A_1484 {offsets = [384, 0], sizes = [128, 128], strides = [1, 1]} : vector<2048x128xf32> to vector<128x128xf32>
    %dot_general3A_1582 = arith.constant dense<0.000000e+00> : vector<128x128xf32>
    %dot_general3A_1583 = tpu.matmul %slice3A_1580, %slice3A_1581, %dot_general3A_1582 {dimension_numbers = #tpu.dot_dimension_numbers<[1], [0], [0], [1], [0, 0, 1, 1], [], []>, transpose_lhs_hint = false} : vector<128x128xf32>, vector<128x128xf32>, vector<128x128xf32> -> vector<128x128xf32>
    %slice3A_1584 = vector.extract_strided_slice %mul3A_1567 {offsets = [512, 0], sizes = [128, 128], strides = [1, 1]} : vector<2048x128xf32> to vector<128x128xf32>
    %slice3A_1585 = vector.extract_strided_slice %slice3A_1484 {offsets = [512, 0], sizes = [128, 128], strides = [1, 1]} : vector<2048x128xf32> to vector<128x128xf32>
    %dot_general3A_1586 = arith.constant dense<0.000000e+00> : vector<128x128xf32>
    %dot_general3A_1587 = tpu.matmul %slice3A_1584, %slice3A_1585, %dot_general3A_1586 {dimension_numbers = #tpu.dot_dimension_numbers<[1], [0], [0], [1], [0, 0, 1, 1], [], []>, transpose_lhs_hint = false} : vector<128x128xf32>, vector<128x128xf32>, vector<128x128xf32> -> vector<128x128xf32>
    %slice3A_1588 = vector.extract_strided_slice %mul3A_1567 {offsets = [640, 0], sizes = [128, 128], strides = [1, 1]} : vector<2048x128xf32> to vector<128x128xf32>
    %slice3A_1589 = vector.extract_strided_slice %slice3A_1484 {offsets = [640, 0], sizes = [128, 128], strides = [1, 1]} : vector<2048x128xf32> to vector<128x128xf32>
    %dot_general3A_1590 = arith.constant dense<0.000000e+00> : vector<128x128xf32>
    %dot_general3A_1591 = tpu.matmul %slice3A_1588, %slice3A_1589, %dot_general3A_1590 {dimension_numbers = #tpu.dot_dimension_numbers<[1], [0], [0], [1], [0, 0, 1, 1], [], []>, transpose_lhs_hint = false} : vector<128x128xf32>, vector<128x128xf32>, vector<128x128xf32> -> vector<128x128xf32>
    %slice3A_1592 = vector.extract_strided_slice %mul3A_1567 {offsets = [768, 0], sizes = [128, 128], strides = [1, 1]} : vector<2048x128xf32> to vector<128x128xf32>
    %slice3A_1593 = vector.extract_strided_slice %slice3A_1484 {offsets = [768, 0], sizes = [128, 128], strides = [1, 1]} : vector<2048x128xf32> to vector<128x128xf32>
    %dot_general3A_1594 = arith.constant dense<0.000000e+00> : vector<128x128xf32>
    %dot_general3A_1595 = tpu.matmul %slice3A_1592, %slice3A_1593, %dot_general3A_1594 {dimension_numbers = #tpu.dot_dimension_numbers<[1], [0], [0], [1], [0, 0, 1, 1], [], []>, transpose_lhs_hint = false} : vector<128x128xf32>, vector<128x128xf32>, vector<128x128xf32> -> vector<128x128xf32>
    %slice3A_1596 = vector.extract_strided_slice %mul3A_1567 {offsets = [896, 0], sizes = [128, 128], strides = [1, 1]} : vector<2048x128xf32> to vector<128x128xf32>
    %slice3A_1597 = vector.extract_strided_slice %slice3A_1484 {offsets = [896, 0], sizes = [128, 128], strides = [1, 1]} : vector<2048x128xf32> to vector<128x128xf32>
    %dot_general3A_1598 = arith.constant dense<0.000000e+00> : vector<128x128xf32>
    %dot_general3A_1599 = tpu.matmul %slice3A_1596, %slice3A_1597, %dot_general3A_1598 {dimension_numbers = #tpu.dot_dimension_numbers<[1], [0], [0], [1], [0, 0, 1, 1], [], []>, transpose_lhs_hint = false} : vector<128x128xf32>, vector<128x128xf32>, vector<128x128xf32> -> vector<128x128xf32>
    %slice3A_1600 = vector.extract_strided_slice %mul3A_1567 {offsets = [1024, 0], sizes = [128, 128], strides = [1, 1]} : vector<2048x128xf32> to vector<128x128xf32>
    %slice3A_1601 = vector.extract_strided_slice %slice3A_1484 {offsets = [1024, 0], sizes = [128, 128], strides = [1, 1]} : vector<2048x128xf32> to vector<128x128xf32>
    %dot_general3A_1602 = arith.constant dense<0.000000e+00> : vector<128x128xf32>
    %dot_general3A_1603 = tpu.matmul %slice3A_1600, %slice3A_1601, %dot_general3A_1602 {dimension_numbers = #tpu.dot_dimension_numbers<[1], [0], [0], [1], [0, 0, 1, 1], [], []>, transpose_lhs_hint = false} : vector<128x128xf32>, vector<128x128xf32>, vector<128x128xf32> -> vector<128x128xf32>
    %slice3A_1604 = vector.extract_strided_slice %mul3A_1567 {offsets = [1152, 0], sizes = [128, 128], strides = [1, 1]} : vector<2048x128xf32> to vector<128x128xf32>
    %slice3A_1605 = vector.extract_strided_slice %slice3A_1484 {offsets = [1152, 0], sizes = [128, 128], strides = [1, 1]} : vector<2048x128xf32> to vector<128x128xf32>
    %dot_general3A_1606 = arith.constant dense<0.000000e+00> : vector<128x128xf32>
    %dot_general3A_1607 = tpu.matmul %slice3A_1604, %slice3A_1605, %dot_general3A_1606 {dimension_numbers = #tpu.dot_dimension_numbers<[1], [0], [0], [1], [0, 0, 1, 1], [], []>, transpose_lhs_hint = false} : vector<128x128xf32>, vector<128x128xf32>, vector<128x128xf32> -> vector<128x128xf32>
    %slice3A_1608 = vector.extract_strided_slice %mul3A_1567 {offsets = [1280, 0], sizes = [128, 128], strides = [1, 1]} : vector<2048x128xf32> to vector<128x128xf32>
    %slice3A_1609 = vector.extract_strided_slice %slice3A_1484 {offsets = [1280, 0], sizes = [128, 128], strides = [1, 1]} : vector<2048x128xf32> to vector<128x128xf32>
    %dot_general3A_1610 = arith.constant dense<0.000000e+00> : vector<128x128xf32>
    %dot_general3A_1611 = tpu.matmul %slice3A_1608, %slice3A_1609, %dot_general3A_1610 {dimension_numbers = #tpu.dot_dimension_numbers<[1], [0], [0], [1], [0, 0, 1, 1], [], []>, transpose_lhs_hint = false} : vector<128x128xf32>, vector<128x128xf32>, vector<128x128xf32> -> vector<128x128xf32>
    %slice3A_1612 = vector.extract_strided_slice %mul3A_1567 {offsets = [1408, 0], sizes = [128, 128], strides = [1, 1]} : vector<2048x128xf32> to vector<128x128xf32>
    %slice3A_1613 = vector.extract_strided_slice %slice3A_1484 {offsets = [1408, 0], sizes = [128, 128], strides = [1, 1]} : vector<2048x128xf32> to vector<128x128xf32>
    %dot_general3A_1614 = arith.constant dense<0.000000e+00> : vector<128x128xf32>
    %dot_general3A_1615 = tpu.matmul %slice3A_1612, %slice3A_1613, %dot_general3A_1614 {dimension_numbers = #tpu.dot_dimension_numbers<[1], [0], [0], [1], [0, 0, 1, 1], [], []>, transpose_lhs_hint = false} : vector<128x128xf32>, vector<128x128xf32>, vector<128x128xf32> -> vector<128x128xf32>
    %slice3A_1616 = vector.extract_strided_slice %mul3A_1567 {offsets = [1536, 0], sizes = [128, 128], strides = [1, 1]} : vector<2048x128xf32> to vector<128x128xf32>
    %slice3A_1617 = vector.extract_strided_slice %slice3A_1484 {offsets = [1536, 0], sizes = [128, 128], strides = [1, 1]} : vector<2048x128xf32> to vector<128x128xf32>
    %dot_general3A_1618 = arith.constant dense<0.000000e+00> : vector<128x128xf32>
    %dot_general3A_1619 = tpu.matmul %slice3A_1616, %slice3A_1617, %dot_general3A_1618 {dimension_numbers = #tpu.dot_dimension_numbers<[1], [0], [0], [1], [0, 0, 1, 1], [], []>, transpose_lhs_hint = false} : vector<128x128xf32>, vector<128x128xf32>, vector<128x128xf32> -> vector<128x128xf32>
    %slice3A_1620 = vector.extract_strided_slice %mul3A_1567 {offsets = [1664, 0], sizes = [128, 128], strides = [1, 1]} : vector<2048x128xf32> to vector<128x128xf32>
    %slice3A_1621 = vector.extract_strided_slice %slice3A_1484 {offsets = [1664, 0], sizes = [128, 128], strides = [1, 1]} : vector<2048x128xf32> to vector<128x128xf32>
    %dot_general3A_1622 = arith.constant dense<0.000000e+00> : vector<128x128xf32>
    %dot_general3A_1623 = tpu.matmul %slice3A_1620, %slice3A_1621, %dot_general3A_1622 {dimension_numbers = #tpu.dot_dimension_numbers<[1], [0], [0], [1], [0, 0, 1, 1], [], []>, transpose_lhs_hint = false} : vector<128x128xf32>, vector<128x128xf32>, vector<128x128xf32> -> vector<128x128xf32>
    %slice3A_1624 = vector.extract_strided_slice %mul3A_1567 {offsets = [1792, 0], sizes = [128, 128], strides = [1, 1]} : vector<2048x128xf32> to vector<128x128xf32>
    %slice3A_1625 = vector.extract_strided_slice %slice3A_1484 {offsets = [1792, 0], sizes = [128, 128], strides = [1, 1]} : vector<2048x128xf32> to vector<128x128xf32>
    %dot_general3A_1626 = arith.constant dense<0.000000e+00> : vector<128x128xf32>
    %dot_general3A_1627 = tpu.matmul %slice3A_1624, %slice3A_1625, %dot_general3A_1626 {dimension_numbers = #tpu.dot_dimension_numbers<[1], [0], [0], [1], [0, 0, 1, 1], [], []>, transpose_lhs_hint = false} : vector<128x128xf32>, vector<128x128xf32>, vector<128x128xf32> -> vector<128x128xf32>
    %slice3A_1628 = vector.extract_strided_slice %mul3A_1567 {offsets = [1920, 0], sizes = [128, 128], strides = [1, 1]} : vector<2048x128xf32> to vector<128x128xf32>
    %slice3A_1629 = vector.extract_strided_slice %slice3A_1484 {offsets = [1920, 0], sizes = [128, 128], strides = [1, 1]} : vector<2048x128xf32> to vector<128x128xf32>
    %dot_general3A_1630 = arith.constant dense<0.000000e+00> : vector<128x128xf32>
    %dot_general3A_1631 = tpu.matmul %slice3A_1628, %slice3A_1629, %dot_general3A_1630 {dimension_numbers = #tpu.dot_dimension_numbers<[1], [0], [0], [1], [0, 0, 1, 1], [], []>, transpose_lhs_hint = false} : vector<128x128xf32>, vector<128x128xf32>, vector<128x128xf32> -> vector<128x128xf32>
    %concatenate3A_1632 = tpu.concatenate %dot_general3A_1571, %dot_general3A_1575, %dot_general3A_1579, %dot_general3A_1583, %dot_general3A_1587, %dot_general3A_1591, %dot_general3A_1595, %dot_general3A_1599, %dot_general3A_1603, %dot_general3A_1607, %dot_general3A_1611, %dot_general3A_1615, %dot_general3A_1619, %dot_general3A_1623, %dot_general3A_1627, %dot_general3A_1631 in 0 : vector<128x128xf32>, vector<128x128xf32>, vector<128x128xf32>, vector<128x128xf32>, vector<128x128xf32>, vector<128x128xf32>, vector<128x128xf32>, vector<128x128xf32>, vector<128x128xf32>, vector<128x128xf32>, vector<128x128xf32>, vector<128x128xf32>, vector<128x128xf32>, vector<128x128xf32>, vector<128x128xf32>, vector<128x128xf32> -> vector<2048x128xf32>
    %concatenate3A_1633 = tpu.concatenate %concatenate3A_1185, %concatenate3A_1334, %concatenate3A_1483, %concatenate3A_1632 in 1 : vector<2048x128xf32>, vector<2048x128xf32>, vector<2048x128xf32>, vector<2048x128xf32> -> vector<2048x512xf32>
    %broadcast_in_dim3A_1634 = vector.shape_cast %get3A_1032 : vector<512xf32> to vector<1x512xf32>
    %add3A_1635 = vector.broadcast %broadcast_in_dim3A_1634 : vector<1x512xf32> to vector<2048x512xf32>
    %add3A_1636 = arith.addf %concatenate3A_1633, %add3A_1635 : vector<2048x512xf32>
    %gt3A_1637 = arith.constant 0.000000e+00 : f32
    %gt3A_1638 = vector.broadcast %gt3A_1637 : f32 to vector<2048x512xf32>
    %gt3A_1639 = arith.cmpf ogt, %add3A_1636, %gt3A_1638 : vector<2048x512xf32>
    %min3A_1640 = arith.constant 0.000000e+00 : f32
    %min3A_1641 = vector.broadcast %min3A_1640 : f32 to vector<2048x512xf32>
    %min3A_1642 = arith.minimumf %add3A_1636, %min3A_1641 : vector<2048x512xf32>
    %exp3A_1643 = math.exp %min3A_1642 : vector<2048x512xf32>
    %sub3A_1644 = arith.constant 1.000000e+00 : f32
    %sub3A_1645 = vector.broadcast %sub3A_1644 : f32 to vector<2048x512xf32>
    %sub3A_1646 = arith.subf %exp3A_1643, %sub3A_1645 : vector<2048x512xf32>
    %select_n3A_1647 = arith.select %gt3A_1639, %add3A_1636, %sub3A_1646 : vector<2048x512xi1>, vector<2048x512xf32>
    %get3A_1648 = arith.constant 1 : index
    %get3A_1649 = arith.constant 0 : index
    %get3A_1650 = arith.constant 0 : index
    %get3A_1651 = vector.load %arg13[%get3A_1648, %get3A_1649, %get3A_1650] : memref<3x512x128xf32, #tpu.memory_space<vmem>>, vector<1x512x128xf32>
    %get3A_1652 = vector.shape_cast %get3A_1651 : vector<1x512x128xf32> to vector<512x128xf32>
    %get3A_1653 = arith.constant 1 : index
    %get3A_1654 = arith.constant 0 : index
    %get3A_1655 = arith.constant 0 : index
    %get3A_1656 = vector.load %arg14[%get3A_1653, %get3A_1654, %get3A_1655] : memref<3x1x128xf32, #tpu.memory_space<vmem>>, vector<1x1x128xf32>
    %get3A_1657 = vector.shape_cast %get3A_1656 : vector<1x1x128xf32> to vector<1x128xf32>
    %get3A_1658 = arith.constant 1 : index
    %get3A_1659 = arith.constant 0 : index
    %get3A_1660 = arith.constant 0 : index
    %get3A_1661 = vector.load %arg15[%get3A_1658, %get3A_1659, %get3A_1660] : memref<3x1x128xf32, #tpu.memory_space<vmem>>, vector<1x1x128xf32>
    %get3A_1662 = vector.shape_cast %get3A_1661 : vector<1x1x128xf32> to vector<1x128xf32>
    %get3A_1663 = arith.constant 1 : index
    %get3A_1664 = arith.constant 0 : index
    %get3A_1665 = vector.load %arg16[%get3A_1663, %get3A_1664] : memref<3x128xf32, #tpu.memory_space<vmem>>, vector<1x128xf32>
    %get3A_1666 = vector.shape_cast %get3A_1665 : vector<1x128xf32> to vector<128xf32>
    %dot_general3A_1667 = arith.constant dense<0.000000e+00> : vector<2048x128xf32>
    %dot_general3A_1668 = tpu.matmul %select_n3A_1647, %get3A_1652, %dot_general3A_1667 {dimension_numbers = #tpu.dot_dimension_numbers<[1], [0], [0], [1], [0, 0, 1, 1], [], []>, transpose_lhs_hint = false} : vector<2048x512xf32>, vector<512x128xf32>, vector<2048x128xf32> -> vector<2048x128xf32>
    %broadcast_in_dim3A_1669 = arith.constant 1.000000e+00 : f32
    %broadcast_in_dim3A_1670 = vector.broadcast %broadcast_in_dim3A_1669 : f32 to vector<128x128xf32>
    %squeeze3A_1671 = vector.shape_cast %get3A_1657 : vector<1x128xf32> to vector<128xf32>
    %broadcast_in_dim3A_1672 = vector.shape_cast %squeeze3A_1671 : vector<128xf32> to vector<1x128xf32>
    %broadcast_in_dim3A_1673 = vector.shape_cast %broadcast_in_dim3A_1672 : vector<1x128xf32> to vector<1x128xf32>
    %broadcast_in_dim3A_1674 = vector.broadcast %broadcast_in_dim3A_1673 : vector<1x128xf32> to vector<128x128xf32>
    %squeeze3A_1675 = vector.shape_cast %get3A_1662 : vector<1x128xf32> to vector<128xf32>
    %broadcast_in_dim3A_1676 = vector.shape_cast %squeeze3A_1675 : vector<128xf32> to vector<1x128xf32>
    %broadcast_in_dim3A_1677 = vector.shape_cast %broadcast_in_dim3A_1676 : vector<1x128xf32> to vector<1x128xf32>
    %broadcast_in_dim3A_1678 = vector.broadcast %broadcast_in_dim3A_1677 : vector<1x128xf32> to vector<128x128xf32>
    %slice3A_1679 = vector.extract_strided_slice %dot_general3A_1668 {offsets = [0, 0], sizes = [128, 128], strides = [1, 1]} : vector<2048x128xf32> to vector<128x128xf32>
    %dot_general3A_1680 = arith.constant dense<0.000000e+00> : vector<128x128xf32>
    %dot_general3A_1681 = tpu.matmul %broadcast_in_dim3A_1674, %slice3A_1679, %dot_general3A_1680 {dimension_numbers = #tpu.dot_dimension_numbers<[1], [1], [0], [0], [0, 0, 1, 0], [], []>, transpose_lhs_hint = false} : vector<128x128xf32>, vector<128x128xf32>, vector<128x128xf32> -> vector<128x128xf32>
    %slice3A_1682 = vector.extract_strided_slice %dot_general3A_1668 {offsets = [128, 0], sizes = [128, 128], strides = [1, 1]} : vector<2048x128xf32> to vector<128x128xf32>
    %dot_general3A_1683 = arith.constant dense<0.000000e+00> : vector<128x128xf32>
    %dot_general3A_1684 = tpu.matmul %broadcast_in_dim3A_1674, %slice3A_1682, %dot_general3A_1683 {dimension_numbers = #tpu.dot_dimension_numbers<[1], [1], [0], [0], [0, 0, 1, 0], [], []>, transpose_lhs_hint = false} : vector<128x128xf32>, vector<128x128xf32>, vector<128x128xf32> -> vector<128x128xf32>
    %slice3A_1685 = vector.extract_strided_slice %dot_general3A_1668 {offsets = [256, 0], sizes = [128, 128], strides = [1, 1]} : vector<2048x128xf32> to vector<128x128xf32>
    %dot_general3A_1686 = arith.constant dense<0.000000e+00> : vector<128x128xf32>
    %dot_general3A_1687 = tpu.matmul %broadcast_in_dim3A_1674, %slice3A_1685, %dot_general3A_1686 {dimension_numbers = #tpu.dot_dimension_numbers<[1], [1], [0], [0], [0, 0, 1, 0], [], []>, transpose_lhs_hint = false} : vector<128x128xf32>, vector<128x128xf32>, vector<128x128xf32> -> vector<128x128xf32>
    %slice3A_1688 = vector.extract_strided_slice %dot_general3A_1668 {offsets = [384, 0], sizes = [128, 128], strides = [1, 1]} : vector<2048x128xf32> to vector<128x128xf32>
    %dot_general3A_1689 = arith.constant dense<0.000000e+00> : vector<128x128xf32>
    %dot_general3A_1690 = tpu.matmul %broadcast_in_dim3A_1674, %slice3A_1688, %dot_general3A_1689 {dimension_numbers = #tpu.dot_dimension_numbers<[1], [1], [0], [0], [0, 0, 1, 0], [], []>, transpose_lhs_hint = false} : vector<128x128xf32>, vector<128x128xf32>, vector<128x128xf32> -> vector<128x128xf32>
    %slice3A_1691 = vector.extract_strided_slice %dot_general3A_1668 {offsets = [512, 0], sizes = [128, 128], strides = [1, 1]} : vector<2048x128xf32> to vector<128x128xf32>
    %dot_general3A_1692 = arith.constant dense<0.000000e+00> : vector<128x128xf32>
    %dot_general3A_1693 = tpu.matmul %broadcast_in_dim3A_1674, %slice3A_1691, %dot_general3A_1692 {dimension_numbers = #tpu.dot_dimension_numbers<[1], [1], [0], [0], [0, 0, 1, 0], [], []>, transpose_lhs_hint = false} : vector<128x128xf32>, vector<128x128xf32>, vector<128x128xf32> -> vector<128x128xf32>
    %slice3A_1694 = vector.extract_strided_slice %dot_general3A_1668 {offsets = [640, 0], sizes = [128, 128], strides = [1, 1]} : vector<2048x128xf32> to vector<128x128xf32>
    %dot_general3A_1695 = arith.constant dense<0.000000e+00> : vector<128x128xf32>
    %dot_general3A_1696 = tpu.matmul %broadcast_in_dim3A_1674, %slice3A_1694, %dot_general3A_1695 {dimension_numbers = #tpu.dot_dimension_numbers<[1], [1], [0], [0], [0, 0, 1, 0], [], []>, transpose_lhs_hint = false} : vector<128x128xf32>, vector<128x128xf32>, vector<128x128xf32> -> vector<128x128xf32>
    %slice3A_1697 = vector.extract_strided_slice %dot_general3A_1668 {offsets = [768, 0], sizes = [128, 128], strides = [1, 1]} : vector<2048x128xf32> to vector<128x128xf32>
    %dot_general3A_1698 = arith.constant dense<0.000000e+00> : vector<128x128xf32>
    %dot_general3A_1699 = tpu.matmul %broadcast_in_dim3A_1674, %slice3A_1697, %dot_general3A_1698 {dimension_numbers = #tpu.dot_dimension_numbers<[1], [1], [0], [0], [0, 0, 1, 0], [], []>, transpose_lhs_hint = false} : vector<128x128xf32>, vector<128x128xf32>, vector<128x128xf32> -> vector<128x128xf32>
    %slice3A_1700 = vector.extract_strided_slice %dot_general3A_1668 {offsets = [896, 0], sizes = [128, 128], strides = [1, 1]} : vector<2048x128xf32> to vector<128x128xf32>
    %dot_general3A_1701 = arith.constant dense<0.000000e+00> : vector<128x128xf32>
    %dot_general3A_1702 = tpu.matmul %broadcast_in_dim3A_1674, %slice3A_1700, %dot_general3A_1701 {dimension_numbers = #tpu.dot_dimension_numbers<[1], [1], [0], [0], [0, 0, 1, 0], [], []>, transpose_lhs_hint = false} : vector<128x128xf32>, vector<128x128xf32>, vector<128x128xf32> -> vector<128x128xf32>
    %slice3A_1703 = vector.extract_strided_slice %dot_general3A_1668 {offsets = [1024, 0], sizes = [128, 128], strides = [1, 1]} : vector<2048x128xf32> to vector<128x128xf32>
    %dot_general3A_1704 = arith.constant dense<0.000000e+00> : vector<128x128xf32>
    %dot_general3A_1705 = tpu.matmul %broadcast_in_dim3A_1674, %slice3A_1703, %dot_general3A_1704 {dimension_numbers = #tpu.dot_dimension_numbers<[1], [1], [0], [0], [0, 0, 1, 0], [], []>, transpose_lhs_hint = false} : vector<128x128xf32>, vector<128x128xf32>, vector<128x128xf32> -> vector<128x128xf32>
    %slice3A_1706 = vector.extract_strided_slice %dot_general3A_1668 {offsets = [1152, 0], sizes = [128, 128], strides = [1, 1]} : vector<2048x128xf32> to vector<128x128xf32>
    %dot_general3A_1707 = arith.constant dense<0.000000e+00> : vector<128x128xf32>
    %dot_general3A_1708 = tpu.matmul %broadcast_in_dim3A_1674, %slice3A_1706, %dot_general3A_1707 {dimension_numbers = #tpu.dot_dimension_numbers<[1], [1], [0], [0], [0, 0, 1, 0], [], []>, transpose_lhs_hint = false} : vector<128x128xf32>, vector<128x128xf32>, vector<128x128xf32> -> vector<128x128xf32>
    %slice3A_1709 = vector.extract_strided_slice %dot_general3A_1668 {offsets = [1280, 0], sizes = [128, 128], strides = [1, 1]} : vector<2048x128xf32> to vector<128x128xf32>
    %dot_general3A_1710 = arith.constant dense<0.000000e+00> : vector<128x128xf32>
    %dot_general3A_1711 = tpu.matmul %broadcast_in_dim3A_1674, %slice3A_1709, %dot_general3A_1710 {dimension_numbers = #tpu.dot_dimension_numbers<[1], [1], [0], [0], [0, 0, 1, 0], [], []>, transpose_lhs_hint = false} : vector<128x128xf32>, vector<128x128xf32>, vector<128x128xf32> -> vector<128x128xf32>
    %slice3A_1712 = vector.extract_strided_slice %dot_general3A_1668 {offsets = [1408, 0], sizes = [128, 128], strides = [1, 1]} : vector<2048x128xf32> to vector<128x128xf32>
    %dot_general3A_1713 = arith.constant dense<0.000000e+00> : vector<128x128xf32>
    %dot_general3A_1714 = tpu.matmul %broadcast_in_dim3A_1674, %slice3A_1712, %dot_general3A_1713 {dimension_numbers = #tpu.dot_dimension_numbers<[1], [1], [0], [0], [0, 0, 1, 0], [], []>, transpose_lhs_hint = false} : vector<128x128xf32>, vector<128x128xf32>, vector<128x128xf32> -> vector<128x128xf32>
    %slice3A_1715 = vector.extract_strided_slice %dot_general3A_1668 {offsets = [1536, 0], sizes = [128, 128], strides = [1, 1]} : vector<2048x128xf32> to vector<128x128xf32>
    %dot_general3A_1716 = arith.constant dense<0.000000e+00> : vector<128x128xf32>
    %dot_general3A_1717 = tpu.matmul %broadcast_in_dim3A_1674, %slice3A_1715, %dot_general3A_1716 {dimension_numbers = #tpu.dot_dimension_numbers<[1], [1], [0], [0], [0, 0, 1, 0], [], []>, transpose_lhs_hint = false} : vector<128x128xf32>, vector<128x128xf32>, vector<128x128xf32> -> vector<128x128xf32>
    %slice3A_1718 = vector.extract_strided_slice %dot_general3A_1668 {offsets = [1664, 0], sizes = [128, 128], strides = [1, 1]} : vector<2048x128xf32> to vector<128x128xf32>
    %dot_general3A_1719 = arith.constant dense<0.000000e+00> : vector<128x128xf32>
    %dot_general3A_1720 = tpu.matmul %broadcast_in_dim3A_1674, %slice3A_1718, %dot_general3A_1719 {dimension_numbers = #tpu.dot_dimension_numbers<[1], [1], [0], [0], [0, 0, 1, 0], [], []>, transpose_lhs_hint = false} : vector<128x128xf32>, vector<128x128xf32>, vector<128x128xf32> -> vector<128x128xf32>
    %slice3A_1721 = vector.extract_strided_slice %dot_general3A_1668 {offsets = [1792, 0], sizes = [128, 128], strides = [1, 1]} : vector<2048x128xf32> to vector<128x128xf32>
    %dot_general3A_1722 = arith.constant dense<0.000000e+00> : vector<128x128xf32>
    %dot_general3A_1723 = tpu.matmul %broadcast_in_dim3A_1674, %slice3A_1721, %dot_general3A_1722 {dimension_numbers = #tpu.dot_dimension_numbers<[1], [1], [0], [0], [0, 0, 1, 0], [], []>, transpose_lhs_hint = false} : vector<128x128xf32>, vector<128x128xf32>, vector<128x128xf32> -> vector<128x128xf32>
    %slice3A_1724 = vector.extract_strided_slice %dot_general3A_1668 {offsets = [1920, 0], sizes = [128, 128], strides = [1, 1]} : vector<2048x128xf32> to vector<128x128xf32>
    %dot_general3A_1725 = arith.constant dense<0.000000e+00> : vector<128x128xf32>
    %dot_general3A_1726 = tpu.matmul %broadcast_in_dim3A_1674, %slice3A_1724, %dot_general3A_1725 {dimension_numbers = #tpu.dot_dimension_numbers<[1], [1], [0], [0], [0, 0, 1, 0], [], []>, transpose_lhs_hint = false} : vector<128x128xf32>, vector<128x128xf32>, vector<128x128xf32> -> vector<128x128xf32>
    %concatenate3A_1727 = tpu.concatenate %dot_general3A_1681, %dot_general3A_1684, %dot_general3A_1687, %dot_general3A_1690, %dot_general3A_1693, %dot_general3A_1696, %dot_general3A_1699, %dot_general3A_1702, %dot_general3A_1705, %dot_general3A_1708, %dot_general3A_1711, %dot_general3A_1714, %dot_general3A_1717, %dot_general3A_1720, %dot_general3A_1723, %dot_general3A_1726 in 0 : vector<128x128xf32>, vector<128x128xf32>, vector<128x128xf32>, vector<128x128xf32>, vector<128x128xf32>, vector<128x128xf32>, vector<128x128xf32>, vector<128x128xf32>, vector<128x128xf32>, vector<128x128xf32>, vector<128x128xf32>, vector<128x128xf32>, vector<128x128xf32>, vector<128x128xf32>, vector<128x128xf32>, vector<128x128xf32> -> vector<2048x128xf32>
    %dot_general3A_1728 = arith.constant dense<0.000000e+00> : vector<2048x128xf32>
    %dot_general3A_1729 = tpu.matmul %dot_general3A_1668, %broadcast_in_dim3A_1678, %dot_general3A_1728 {dimension_numbers = #tpu.dot_dimension_numbers<[1], [1], [0], [0], [0, 0, 1, 0], [], []>, transpose_lhs_hint = false} : vector<2048x128xf32>, vector<128x128xf32>, vector<2048x128xf32> -> vector<2048x128xf32>
    %add3A_1730 = arith.addf %concatenate3A_1727, %dot_general3A_1729 : vector<2048x128xf32>
    %gt3A_1731 = arith.constant 0.000000e+00 : f32
    %gt3A_1732 = vector.broadcast %gt3A_1731 : f32 to vector<2048x128xf32>
    %gt3A_1733 = arith.cmpf ogt, %add3A_1730, %gt3A_1732 : vector<2048x128xf32>
    %mul3A_1734 = arith.constant 2.000000e-01 : f32
    %mul3A_1735 = vector.broadcast %mul3A_1734 : f32 to vector<2048x128xf32>
    %mul3A_1736 = arith.mulf %mul3A_1735, %add3A_1730 : vector<2048x128xf32>
    %select_n3A_1737 = arith.select %gt3A_1733, %add3A_1730, %mul3A_1736 : vector<2048x128xi1>, vector<2048x128xf32>
    %min3A_1738 = arith.constant 6.000000e+01 : f32
    %min3A_1739 = vector.broadcast %min3A_1738 : f32 to vector<2048x128xf32>
    %min3A_1740 = arith.minimumf %select_n3A_1737, %min3A_1739 : vector<2048x128xf32>
    %exp3A_1741 = math.exp %min3A_1740 : vector<2048x128xf32>
    %mul3A_1742 = arith.mulf %mul3A_1013, %exp3A_1741 : vector<2048x128xf32>
    %dot_general3A_1743 = arith.constant dense<0.000000e+00> : vector<2048x128xf32>
    %dot_general3A_1744 = tpu.matmul %mul3A_1742, %broadcast_in_dim3A_1670, %dot_general3A_1743 {dimension_numbers = #tpu.dot_dimension_numbers<[1], [0], [0], [1], [0, 0, 1, 1], [], []>, transpose_lhs_hint = false} : vector<2048x128xf32>, vector<128x128xf32>, vector<2048x128xf32> -> vector<2048x128xf32>
    %add3A_1745 = arith.constant 1.000000e-16 : f32
    %add3A_1746 = vector.broadcast %add3A_1745 : f32 to vector<2048x128xf32>
    %add3A_1747 = arith.addf %dot_general3A_1744, %add3A_1746 : vector<2048x128xf32>
    %div3A_1748 = arith.constant 1.000000e+00 : f32
    %div3A_1749 = vector.broadcast %div3A_1748 : f32 to vector<2048x128xf32>
    %div3A_1750 = arith.divf %div3A_1749, %add3A_1747 : vector<2048x128xf32>
    %mul3A_1751 = arith.mulf %mul3A_1742, %div3A_1750 : vector<2048x128xf32>
    %slice3A_1752 = vector.extract_strided_slice %mul3A_1751 {offsets = [0, 0], sizes = [128, 128], strides = [1, 1]} : vector<2048x128xf32> to vector<128x128xf32>
    %slice3A_1753 = vector.extract_strided_slice %dot_general3A_1668 {offsets = [0, 0], sizes = [128, 128], strides = [1, 1]} : vector<2048x128xf32> to vector<128x128xf32>
    %dot_general3A_1754 = arith.constant dense<0.000000e+00> : vector<128x128xf32>
    %dot_general3A_1755 = tpu.matmul %slice3A_1752, %slice3A_1753, %dot_general3A_1754 {dimension_numbers = #tpu.dot_dimension_numbers<[1], [0], [0], [1], [0, 0, 1, 1], [], []>, transpose_lhs_hint = false} : vector<128x128xf32>, vector<128x128xf32>, vector<128x128xf32> -> vector<128x128xf32>
    %slice3A_1756 = vector.extract_strided_slice %mul3A_1751 {offsets = [128, 0], sizes = [128, 128], strides = [1, 1]} : vector<2048x128xf32> to vector<128x128xf32>
    %slice3A_1757 = vector.extract_strided_slice %dot_general3A_1668 {offsets = [128, 0], sizes = [128, 128], strides = [1, 1]} : vector<2048x128xf32> to vector<128x128xf32>
    %dot_general3A_1758 = arith.constant dense<0.000000e+00> : vector<128x128xf32>
    %dot_general3A_1759 = tpu.matmul %slice3A_1756, %slice3A_1757, %dot_general3A_1758 {dimension_numbers = #tpu.dot_dimension_numbers<[1], [0], [0], [1], [0, 0, 1, 1], [], []>, transpose_lhs_hint = false} : vector<128x128xf32>, vector<128x128xf32>, vector<128x128xf32> -> vector<128x128xf32>
    %slice3A_1760 = vector.extract_strided_slice %mul3A_1751 {offsets = [256, 0], sizes = [128, 128], strides = [1, 1]} : vector<2048x128xf32> to vector<128x128xf32>
    %slice3A_1761 = vector.extract_strided_slice %dot_general3A_1668 {offsets = [256, 0], sizes = [128, 128], strides = [1, 1]} : vector<2048x128xf32> to vector<128x128xf32>
    %dot_general3A_1762 = arith.constant dense<0.000000e+00> : vector<128x128xf32>
    %dot_general3A_1763 = tpu.matmul %slice3A_1760, %slice3A_1761, %dot_general3A_1762 {dimension_numbers = #tpu.dot_dimension_numbers<[1], [0], [0], [1], [0, 0, 1, 1], [], []>, transpose_lhs_hint = false} : vector<128x128xf32>, vector<128x128xf32>, vector<128x128xf32> -> vector<128x128xf32>
    %slice3A_1764 = vector.extract_strided_slice %mul3A_1751 {offsets = [384, 0], sizes = [128, 128], strides = [1, 1]} : vector<2048x128xf32> to vector<128x128xf32>
    %slice3A_1765 = vector.extract_strided_slice %dot_general3A_1668 {offsets = [384, 0], sizes = [128, 128], strides = [1, 1]} : vector<2048x128xf32> to vector<128x128xf32>
    %dot_general3A_1766 = arith.constant dense<0.000000e+00> : vector<128x128xf32>
    %dot_general3A_1767 = tpu.matmul %slice3A_1764, %slice3A_1765, %dot_general3A_1766 {dimension_numbers = #tpu.dot_dimension_numbers<[1], [0], [0], [1], [0, 0, 1, 1], [], []>, transpose_lhs_hint = false} : vector<128x128xf32>, vector<128x128xf32>, vector<128x128xf32> -> vector<128x128xf32>
    %slice3A_1768 = vector.extract_strided_slice %mul3A_1751 {offsets = [512, 0], sizes = [128, 128], strides = [1, 1]} : vector<2048x128xf32> to vector<128x128xf32>
    %slice3A_1769 = vector.extract_strided_slice %dot_general3A_1668 {offsets = [512, 0], sizes = [128, 128], strides = [1, 1]} : vector<2048x128xf32> to vector<128x128xf32>
    %dot_general3A_1770 = arith.constant dense<0.000000e+00> : vector<128x128xf32>
    %dot_general3A_1771 = tpu.matmul %slice3A_1768, %slice3A_1769, %dot_general3A_1770 {dimension_numbers = #tpu.dot_dimension_numbers<[1], [0], [0], [1], [0, 0, 1, 1], [], []>, transpose_lhs_hint = false} : vector<128x128xf32>, vector<128x128xf32>, vector<128x128xf32> -> vector<128x128xf32>
    %slice3A_1772 = vector.extract_strided_slice %mul3A_1751 {offsets = [640, 0], sizes = [128, 128], strides = [1, 1]} : vector<2048x128xf32> to vector<128x128xf32>
    %slice3A_1773 = vector.extract_strided_slice %dot_general3A_1668 {offsets = [640, 0], sizes = [128, 128], strides = [1, 1]} : vector<2048x128xf32> to vector<128x128xf32>
    %dot_general3A_1774 = arith.constant dense<0.000000e+00> : vector<128x128xf32>
    %dot_general3A_1775 = tpu.matmul %slice3A_1772, %slice3A_1773, %dot_general3A_1774 {dimension_numbers = #tpu.dot_dimension_numbers<[1], [0], [0], [1], [0, 0, 1, 1], [], []>, transpose_lhs_hint = false} : vector<128x128xf32>, vector<128x128xf32>, vector<128x128xf32> -> vector<128x128xf32>
    %slice3A_1776 = vector.extract_strided_slice %mul3A_1751 {offsets = [768, 0], sizes = [128, 128], strides = [1, 1]} : vector<2048x128xf32> to vector<128x128xf32>
    %slice3A_1777 = vector.extract_strided_slice %dot_general3A_1668 {offsets = [768, 0], sizes = [128, 128], strides = [1, 1]} : vector<2048x128xf32> to vector<128x128xf32>
    %dot_general3A_1778 = arith.constant dense<0.000000e+00> : vector<128x128xf32>
    %dot_general3A_1779 = tpu.matmul %slice3A_1776, %slice3A_1777, %dot_general3A_1778 {dimension_numbers = #tpu.dot_dimension_numbers<[1], [0], [0], [1], [0, 0, 1, 1], [], []>, transpose_lhs_hint = false} : vector<128x128xf32>, vector<128x128xf32>, vector<128x128xf32> -> vector<128x128xf32>
    %slice3A_1780 = vector.extract_strided_slice %mul3A_1751 {offsets = [896, 0], sizes = [128, 128], strides = [1, 1]} : vector<2048x128xf32> to vector<128x128xf32>
    %slice3A_1781 = vector.extract_strided_slice %dot_general3A_1668 {offsets = [896, 0], sizes = [128, 128], strides = [1, 1]} : vector<2048x128xf32> to vector<128x128xf32>
    %dot_general3A_1782 = arith.constant dense<0.000000e+00> : vector<128x128xf32>
    %dot_general3A_1783 = tpu.matmul %slice3A_1780, %slice3A_1781, %dot_general3A_1782 {dimension_numbers = #tpu.dot_dimension_numbers<[1], [0], [0], [1], [0, 0, 1, 1], [], []>, transpose_lhs_hint = false} : vector<128x128xf32>, vector<128x128xf32>, vector<128x128xf32> -> vector<128x128xf32>
    %slice3A_1784 = vector.extract_strided_slice %mul3A_1751 {offsets = [1024, 0], sizes = [128, 128], strides = [1, 1]} : vector<2048x128xf32> to vector<128x128xf32>
    %slice3A_1785 = vector.extract_strided_slice %dot_general3A_1668 {offsets = [1024, 0], sizes = [128, 128], strides = [1, 1]} : vector<2048x128xf32> to vector<128x128xf32>
    %dot_general3A_1786 = arith.constant dense<0.000000e+00> : vector<128x128xf32>
    %dot_general3A_1787 = tpu.matmul %slice3A_1784, %slice3A_1785, %dot_general3A_1786 {dimension_numbers = #tpu.dot_dimension_numbers<[1], [0], [0], [1], [0, 0, 1, 1], [], []>, transpose_lhs_hint = false} : vector<128x128xf32>, vector<128x128xf32>, vector<128x128xf32> -> vector<128x128xf32>
    %slice3A_1788 = vector.extract_strided_slice %mul3A_1751 {offsets = [1152, 0], sizes = [128, 128], strides = [1, 1]} : vector<2048x128xf32> to vector<128x128xf32>
    %slice3A_1789 = vector.extract_strided_slice %dot_general3A_1668 {offsets = [1152, 0], sizes = [128, 128], strides = [1, 1]} : vector<2048x128xf32> to vector<128x128xf32>
    %dot_general3A_1790 = arith.constant dense<0.000000e+00> : vector<128x128xf32>
    %dot_general3A_1791 = tpu.matmul %slice3A_1788, %slice3A_1789, %dot_general3A_1790 {dimension_numbers = #tpu.dot_dimension_numbers<[1], [0], [0], [1], [0, 0, 1, 1], [], []>, transpose_lhs_hint = false} : vector<128x128xf32>, vector<128x128xf32>, vector<128x128xf32> -> vector<128x128xf32>
    %slice3A_1792 = vector.extract_strided_slice %mul3A_1751 {offsets = [1280, 0], sizes = [128, 128], strides = [1, 1]} : vector<2048x128xf32> to vector<128x128xf32>
    %slice3A_1793 = vector.extract_strided_slice %dot_general3A_1668 {offsets = [1280, 0], sizes = [128, 128], strides = [1, 1]} : vector<2048x128xf32> to vector<128x128xf32>
    %dot_general3A_1794 = arith.constant dense<0.000000e+00> : vector<128x128xf32>
    %dot_general3A_1795 = tpu.matmul %slice3A_1792, %slice3A_1793, %dot_general3A_1794 {dimension_numbers = #tpu.dot_dimension_numbers<[1], [0], [0], [1], [0, 0, 1, 1], [], []>, transpose_lhs_hint = false} : vector<128x128xf32>, vector<128x128xf32>, vector<128x128xf32> -> vector<128x128xf32>
    %slice3A_1796 = vector.extract_strided_slice %mul3A_1751 {offsets = [1408, 0], sizes = [128, 128], strides = [1, 1]} : vector<2048x128xf32> to vector<128x128xf32>
    %slice3A_1797 = vector.extract_strided_slice %dot_general3A_1668 {offsets = [1408, 0], sizes = [128, 128], strides = [1, 1]} : vector<2048x128xf32> to vector<128x128xf32>
    %dot_general3A_1798 = arith.constant dense<0.000000e+00> : vector<128x128xf32>
    %dot_general3A_1799 = tpu.matmul %slice3A_1796, %slice3A_1797, %dot_general3A_1798 {dimension_numbers = #tpu.dot_dimension_numbers<[1], [0], [0], [1], [0, 0, 1, 1], [], []>, transpose_lhs_hint = false} : vector<128x128xf32>, vector<128x128xf32>, vector<128x128xf32> -> vector<128x128xf32>
    %slice3A_1800 = vector.extract_strided_slice %mul3A_1751 {offsets = [1536, 0], sizes = [128, 128], strides = [1, 1]} : vector<2048x128xf32> to vector<128x128xf32>
    %slice3A_1801 = vector.extract_strided_slice %dot_general3A_1668 {offsets = [1536, 0], sizes = [128, 128], strides = [1, 1]} : vector<2048x128xf32> to vector<128x128xf32>
    %dot_general3A_1802 = arith.constant dense<0.000000e+00> : vector<128x128xf32>
    %dot_general3A_1803 = tpu.matmul %slice3A_1800, %slice3A_1801, %dot_general3A_1802 {dimension_numbers = #tpu.dot_dimension_numbers<[1], [0], [0], [1], [0, 0, 1, 1], [], []>, transpose_lhs_hint = false} : vector<128x128xf32>, vector<128x128xf32>, vector<128x128xf32> -> vector<128x128xf32>
    %slice3A_1804 = vector.extract_strided_slice %mul3A_1751 {offsets = [1664, 0], sizes = [128, 128], strides = [1, 1]} : vector<2048x128xf32> to vector<128x128xf32>
    %slice3A_1805 = vector.extract_strided_slice %dot_general3A_1668 {offsets = [1664, 0], sizes = [128, 128], strides = [1, 1]} : vector<2048x128xf32> to vector<128x128xf32>
    %dot_general3A_1806 = arith.constant dense<0.000000e+00> : vector<128x128xf32>
    %dot_general3A_1807 = tpu.matmul %slice3A_1804, %slice3A_1805, %dot_general3A_1806 {dimension_numbers = #tpu.dot_dimension_numbers<[1], [0], [0], [1], [0, 0, 1, 1], [], []>, transpose_lhs_hint = false} : vector<128x128xf32>, vector<128x128xf32>, vector<128x128xf32> -> vector<128x128xf32>
    %slice3A_1808 = vector.extract_strided_slice %mul3A_1751 {offsets = [1792, 0], sizes = [128, 128], strides = [1, 1]} : vector<2048x128xf32> to vector<128x128xf32>
    %slice3A_1809 = vector.extract_strided_slice %dot_general3A_1668 {offsets = [1792, 0], sizes = [128, 128], strides = [1, 1]} : vector<2048x128xf32> to vector<128x128xf32>
    %dot_general3A_1810 = arith.constant dense<0.000000e+00> : vector<128x128xf32>
    %dot_general3A_1811 = tpu.matmul %slice3A_1808, %slice3A_1809, %dot_general3A_1810 {dimension_numbers = #tpu.dot_dimension_numbers<[1], [0], [0], [1], [0, 0, 1, 1], [], []>, transpose_lhs_hint = false} : vector<128x128xf32>, vector<128x128xf32>, vector<128x128xf32> -> vector<128x128xf32>
    %slice3A_1812 = vector.extract_strided_slice %mul3A_1751 {offsets = [1920, 0], sizes = [128, 128], strides = [1, 1]} : vector<2048x128xf32> to vector<128x128xf32>
    %slice3A_1813 = vector.extract_strided_slice %dot_general3A_1668 {offsets = [1920, 0], sizes = [128, 128], strides = [1, 1]} : vector<2048x128xf32> to vector<128x128xf32>
    %dot_general3A_1814 = arith.constant dense<0.000000e+00> : vector<128x128xf32>
    %dot_general3A_1815 = tpu.matmul %slice3A_1812, %slice3A_1813, %dot_general3A_1814 {dimension_numbers = #tpu.dot_dimension_numbers<[1], [0], [0], [1], [0, 0, 1, 1], [], []>, transpose_lhs_hint = false} : vector<128x128xf32>, vector<128x128xf32>, vector<128x128xf32> -> vector<128x128xf32>
    %concatenate3A_1816 = tpu.concatenate %dot_general3A_1755, %dot_general3A_1759, %dot_general3A_1763, %dot_general3A_1767, %dot_general3A_1771, %dot_general3A_1775, %dot_general3A_1779, %dot_general3A_1783, %dot_general3A_1787, %dot_general3A_1791, %dot_general3A_1795, %dot_general3A_1799, %dot_general3A_1803, %dot_general3A_1807, %dot_general3A_1811, %dot_general3A_1815 in 0 : vector<128x128xf32>, vector<128x128xf32>, vector<128x128xf32>, vector<128x128xf32>, vector<128x128xf32>, vector<128x128xf32>, vector<128x128xf32>, vector<128x128xf32>, vector<128x128xf32>, vector<128x128xf32>, vector<128x128xf32>, vector<128x128xf32>, vector<128x128xf32>, vector<128x128xf32>, vector<128x128xf32>, vector<128x128xf32> -> vector<2048x128xf32>
    %broadcast_in_dim3A_1817 = vector.shape_cast %get3A_1666 : vector<128xf32> to vector<1x128xf32>
    %add3A_1818 = vector.broadcast %broadcast_in_dim3A_1817 : vector<1x128xf32> to vector<2048x128xf32>
    %add3A_1819 = arith.addf %concatenate3A_1816, %add3A_1818 : vector<2048x128xf32>
    %reshape3A_1820 = vector.shape_cast %add3A_1819 : vector<2048x128xf32> to vector<128x16x128xf32>
    %reduce_sum3A_1821 = arith.constant dense<0.000000e+00> : vector<128x128xf32>
    %reduce_sum3A_1822 = vector.multi_reduction <add>, %reshape3A_1820, %reduce_sum3A_1821 [1] : vector<128x16x128xf32> to vector<128x128xf32>
    %div3A_1823 = arith.constant 1.600000e+01 : f32
    %div3A_1824 = vector.broadcast %div3A_1823 : f32 to vector<128x128xf32>
    %div3A_1825 = arith.divf %reduce_sum3A_1822, %div3A_1824 : vector<128x128xf32>
    %get3A_1826 = arith.constant 2 : index
    %get3A_1827 = arith.constant 0 : index
    %get3A_1828 = arith.constant 0 : index
    %get3A_1829 = vector.load %arg1[%get3A_1826, %get3A_1827, %get3A_1828] : memref<3x2048x128xf32, #tpu.memory_space<vmem>>, vector<1x2048x128xf32>
    %get3A_1830 = vector.shape_cast %get3A_1829 : vector<1x2048x128xf32> to vector<2048x128xf32>
    %get3A_1831 = arith.constant 2 : index
    %get3A_1832 = arith.constant 0 : index
    %get3A_1833 = arith.constant 0 : index
    %get3A_1834 = vector.load %arg4[%get3A_1831, %get3A_1832, %get3A_1833] : memref<3x128x128xf32, #tpu.memory_space<vmem>>, vector<1x128x128xf32>
    %get3A_1835 = vector.shape_cast %get3A_1834 : vector<1x128x128xf32> to vector<128x128xf32>
    %dot_general3A_1836 = arith.constant dense<0.000000e+00> : vector<2048x128xf32>
    %dot_general3A_1837 = tpu.matmul %get3A_1830, %get3A_1835, %dot_general3A_1836 {dimension_numbers = #tpu.dot_dimension_numbers<[1], [0], [0], [1], [0, 0, 1, 1], [], []>, transpose_lhs_hint = false} : vector<2048x128xf32>, vector<128x128xf32>, vector<2048x128xf32> -> vector<2048x128xf32>
    %get3A_1838 = arith.constant 2 : index
    %get3A_1839 = arith.constant 0 : index
    %get3A_1840 = vector.load %arg5[%get3A_1838, %get3A_1839] : memref<3x128xf32, #tpu.memory_space<vmem>>, vector<1x128xf32>
    %get3A_1841 = vector.shape_cast %get3A_1840 : vector<1x128xf32> to vector<128xf32>
    %broadcast_in_dim3A_1842 = vector.shape_cast %get3A_1841 : vector<128xf32> to vector<1x128xf32>
    %add3A_1843 = vector.broadcast %broadcast_in_dim3A_1842 : vector<1x128xf32> to vector<2048x128xf32>
    %add3A_1844 = arith.addf %dot_general3A_1837, %add3A_1843 : vector<2048x128xf32>
    %get3A_1845 = arith.constant 2 : index
    %get3A_1846 = arith.constant 0 : index
    %get3A_1847 = vector.load %arg6[%get3A_1845, %get3A_1846] : memref<3x128xf32, #tpu.memory_space<vmem>>, vector<1x128xf32>
    %get3A_1848 = vector.shape_cast %get3A_1847 : vector<1x128xf32> to vector<128xf32>
    %broadcast_in_dim3A_1849 = vector.shape_cast %get3A_1848 : vector<128xf32> to vector<1x128xf32>
    %get3A_1850 = arith.constant 2 : index
    %get3A_1851 = arith.constant 0 : index
    %get3A_1852 = vector.load %arg7[%get3A_1850, %get3A_1851] : memref<3x128xf32, #tpu.memory_space<vmem>>, vector<1x128xf32>
    %get3A_1853 = vector.shape_cast %get3A_1852 : vector<1x128xf32> to vector<128xf32>
    %broadcast_in_dim3A_1854 = vector.shape_cast %get3A_1853 : vector<128xf32> to vector<1x128xf32>
    %reduce_sum3A_1855 = arith.constant dense<0.000000e+00> : vector<2048xf32>
    %reduce_sum3A_1856 = vector.multi_reduction <add>, %add3A_1844, %reduce_sum3A_1855 [1] : vector<2048x128xf32> to vector<2048xf32>
    %broadcast_in_dim3A_1857 = vector.shape_cast %reduce_sum3A_1856 : vector<2048xf32> to vector<2048x1xf32>
    %div3A_1858 = arith.constant 1.280000e+02 : f32
    %div3A_1859 = vector.broadcast %div3A_1858 : f32 to vector<2048x1xf32>
    %div3A_1860 = arith.divf %broadcast_in_dim3A_1857, %div3A_1859 : vector<2048x1xf32>
    %sub3A_1861 = vector.broadcast %div3A_1860 : vector<2048x1xf32> to vector<2048x128xf32>
    %sub3A_1862 = arith.subf %add3A_1844, %sub3A_1861 : vector<2048x128xf32>
    %integer_pow3A_1863 = arith.mulf %sub3A_1862, %sub3A_1862 : vector<2048x128xf32>
    %reduce_sum3A_1864 = arith.constant dense<0.000000e+00> : vector<2048xf32>
    %reduce_sum3A_1865 = vector.multi_reduction <add>, %integer_pow3A_1863, %reduce_sum3A_1864 [1] : vector<2048x128xf32> to vector<2048xf32>
    %broadcast_in_dim3A_1866 = vector.shape_cast %reduce_sum3A_1865 : vector<2048xf32> to vector<2048x1xf32>
    %div3A_1867 = arith.constant 1.280000e+02 : f32
    %div3A_1868 = vector.broadcast %div3A_1867 : f32 to vector<2048x1xf32>
    %div3A_1869 = arith.divf %broadcast_in_dim3A_1866, %div3A_1868 : vector<2048x1xf32>
    %sub3A_1870 = vector.broadcast %div3A_1860 : vector<2048x1xf32> to vector<2048x128xf32>
    %sub3A_1871 = arith.subf %add3A_1844, %sub3A_1870 : vector<2048x128xf32>
    %add3A_1872 = arith.constant 9.99999974E-6 : f32
    %add3A_1873 = vector.broadcast %add3A_1872 : f32 to vector<2048x1xf32>
    %add3A_1874 = arith.addf %div3A_1869, %add3A_1873 : vector<2048x1xf32>
    %sqrt3A_1875 = math.sqrt %add3A_1874 : vector<2048x1xf32>
    %div3A_1876 = vector.broadcast %sqrt3A_1875 : vector<2048x1xf32> to vector<2048x128xf32>
    %div3A_1877 = arith.divf %sub3A_1871, %div3A_1876 : vector<2048x128xf32>
    %mul3A_1878 = vector.broadcast %broadcast_in_dim3A_1849 : vector<1x128xf32> to vector<2048x128xf32>
    %mul3A_1879 = arith.mulf %div3A_1877, %mul3A_1878 : vector<2048x128xf32>
    %add3A_1880 = vector.broadcast %broadcast_in_dim3A_1854 : vector<1x128xf32> to vector<2048x128xf32>
    %add3A_1881 = arith.addf %mul3A_1879, %add3A_1880 : vector<2048x128xf32>
    %get3A_1882 = arith.constant 2 : index
    %get3A_1883 = arith.constant 0 : index
    %get3A_1884 = arith.constant 0 : index
    %get3A_1885 = vector.load %arg8[%get3A_1882, %get3A_1883, %get3A_1884] : memref<3x16x1xf32, #tpu.memory_space<vmem>>, vector<1x16x1xf32>
    %get3A_1886 = vector.shape_cast %get3A_1885 : vector<1x16x1xf32> to vector<16x1xf32>
    %logistic3A_1887 = arith.negf %get3A_1886 : vector<16x1xf32>
    %logistic3A_1888 = math.exp %logistic3A_1887 : vector<16x1xf32>
    %logistic3A_1889 = arith.constant 1.000000e+00 : f32
    %logistic3A_1890 = vector.broadcast %logistic3A_1889 : f32 to vector<16x1xf32>
    %logistic3A_1891 = arith.addf %logistic3A_1890, %logistic3A_1888 : vector<16x1xf32>
    %logistic3A_1892 = arith.divf %logistic3A_1890, %logistic3A_1891 : vector<16x1xf32>
    %dot_general3A_1893 = arith.constant dense<0.000000e+00> : vector<2048x1xf32>
    %dot_general3A_1894 = tpu.matmul %convert_element_type3A_3, %logistic3A_1892, %dot_general3A_1893 {dimension_numbers = #tpu.dot_dimension_numbers<[1], [0], [0], [1], [0, 0, 1, 1], [], []>, transpose_lhs_hint = false} : vector<2048x16xf32>, vector<16x1xf32>, vector<2048x1xf32> -> vector<2048x1xf32>
    %mul3A_1895 = vector.broadcast %dot_general3A_1894 : vector<2048x1xf32> to vector<2048x128xf32>
    %mul3A_1896 = arith.mulf %add3A_1881, %mul3A_1895 : vector<2048x128xf32>
    %get3A_1897 = arith.constant 2 : index
    %get3A_1898 = arith.constant 0 : index
    %get3A_1899 = arith.constant 0 : index
    %get3A_1900 = vector.load %arg2[%get3A_1897, %get3A_1898, %get3A_1899] : memref<3x2x64xi32, #tpu.memory_space<vmem>>, vector<1x1x64xi32>
    %get3A_1901 = vector.shape_cast %get3A_1900 : vector<1x1x64xi32> to vector<1x64xi32>
    %get3A_1902 = arith.constant 2 : index
    %get3A_1903 = arith.constant 1 : index
    %get3A_1904 = arith.constant 0 : index
    %get3A_1905 = vector.load %arg2[%get3A_1902, %get3A_1903, %get3A_1904] : memref<3x2x64xi32, #tpu.memory_space<vmem>>, vector<1x1x64xi32>
    %get3A_1906 = vector.shape_cast %get3A_1905 : vector<1x1x64xi32> to vector<1x64xi32>
    %iota3A_1907 = tpu.iota {dimensions = array<i32: 0>} : vector<16x64xi32>
    %eq3A_1908 = vector.broadcast %get3A_1901 : vector<1x64xi32> to vector<16x64xi32>
    %eq3A_1909 = arith.cmpi eq, %eq3A_1908, %iota3A_1907 : vector<16x64xi32>
    %convert_element_type3A_1910 = arith.extui %eq3A_1909 : vector<16x64xi1> to vector<16x64xi32>
    %convert_element_type3A_1911 = arith.sitofp %convert_element_type3A_1910 : vector<16x64xi32> to vector<16x64xf32>
    %eq3A_1912 = vector.broadcast %get3A_1906 : vector<1x64xi32> to vector<16x64xi32>
    %eq3A_1913 = arith.cmpi eq, %eq3A_1912, %iota3A_1907 : vector<16x64xi32>
    %convert_element_type3A_1914 = arith.extui %eq3A_1913 : vector<16x64xi1> to vector<16x64xi32>
    %convert_element_type3A_1915 = arith.sitofp %convert_element_type3A_1914 : vector<16x64xi32> to vector<16x64xf32>
    %iota3A_1916 = tpu.iota {dimensions = array<i32: 0>} : vector<16x16xi32>
    %iota3A_1917 = tpu.iota {dimensions = array<i32: 1>} : vector<16x16xi32>
    %eq3A_1918 = arith.cmpi eq, %iota3A_1916, %iota3A_1917 : vector<16x16xi32>
    %convert_element_type3A_1919 = arith.extui %eq3A_1918 : vector<16x16xi1> to vector<16x16xi32>
    %convert_element_type3A_1920 = arith.sitofp %convert_element_type3A_1919 : vector<16x16xi32> to vector<16x16xf32>
    %dot_general3A_1921 = arith.constant dense<0.000000e+00> : vector<16x16xf32>
    %dot_general3A_1922 = tpu.matmul %convert_element_type3A_1915, %convert_element_type3A_1911, %dot_general3A_1921 {dimension_numbers = #tpu.dot_dimension_numbers<[1], [1], [0], [0], [0, 0, 1, 0], [], []>, transpose_lhs_hint = false} : vector<16x64xf32>, vector<16x64xf32>, vector<16x16xf32> -> vector<16x16xf32>
    %add3A_1923 = arith.addf %dot_general3A_1922, %convert_element_type3A_1920 : vector<16x16xf32>
    %concatenate3A_1924 = tpu.concatenate %add3A_1923, %add3A_1923, %add3A_1923, %add3A_1923, %add3A_1923, %add3A_1923, %add3A_1923, %add3A_1923 in 1 : vector<16x16xf32>, vector<16x16xf32>, vector<16x16xf32>, vector<16x16xf32>, vector<16x16xf32>, vector<16x16xf32>, vector<16x16xf32>, vector<16x16xf32> -> vector<16x128xf32>
    %dot_general3A_1925 = arith.constant dense<0.000000e+00> : vector<2048x128xf32>
    %dot_general3A_1926 = tpu.matmul %convert_element_type3A_3, %concatenate3A_1924, %dot_general3A_1925 {dimension_numbers = #tpu.dot_dimension_numbers<[1], [0], [0], [1], [0, 0, 1, 1], [], []>, transpose_lhs_hint = false} : vector<2048x16xf32>, vector<16x128xf32>, vector<2048x128xf32> -> vector<2048x128xf32>
    %mul3A_1927 = arith.mulf %dot_general3A_1926, %convert_element_type3A_16 : vector<2048x128xf32>
    %get3A_1928 = arith.constant 2 : index
    %get3A_1929 = arith.constant 0 : index
    %get3A_1930 = arith.constant 0 : index
    %get3A_1931 = vector.load %arg9[%get3A_1928, %get3A_1929, %get3A_1930] : memref<3x128x512xf32, #tpu.memory_space<vmem>>, vector<1x128x512xf32>
    %get3A_1932 = vector.shape_cast %get3A_1931 : vector<1x128x512xf32> to vector<128x512xf32>
    %get3A_1933 = arith.constant 2 : index
    %get3A_1934 = arith.constant 0 : index
    %get3A_1935 = arith.constant 0 : index
    %get3A_1936 = vector.load %arg10[%get3A_1933, %get3A_1934, %get3A_1935] : memref<3x4x128xf32, #tpu.memory_space<vmem>>, vector<1x4x128xf32>
    %get3A_1937 = vector.shape_cast %get3A_1936 : vector<1x4x128xf32> to vector<4x128xf32>
    %get3A_1938 = arith.constant 2 : index
    %get3A_1939 = arith.constant 0 : index
    %get3A_1940 = arith.constant 0 : index
    %get3A_1941 = vector.load %arg11[%get3A_1938, %get3A_1939, %get3A_1940] : memref<3x4x128xf32, #tpu.memory_space<vmem>>, vector<1x4x128xf32>
    %get3A_1942 = vector.shape_cast %get3A_1941 : vector<1x4x128xf32> to vector<4x128xf32>
    %get3A_1943 = arith.constant 2 : index
    %get3A_1944 = arith.constant 0 : index
    %get3A_1945 = vector.load %arg12[%get3A_1943, %get3A_1944] : memref<3x512xf32, #tpu.memory_space<vmem>>, vector<1x512xf32>
    %get3A_1946 = vector.shape_cast %get3A_1945 : vector<1x512xf32> to vector<512xf32>
    %dot_general3A_1947 = arith.constant dense<0.000000e+00> : vector<2048x512xf32>
    %dot_general3A_1948 = tpu.matmul %mul3A_1896, %get3A_1932, %dot_general3A_1947 {dimension_numbers = #tpu.dot_dimension_numbers<[1], [0], [0], [1], [0, 0, 1, 1], [], []>, transpose_lhs_hint = false} : vector<2048x128xf32>, vector<128x512xf32>, vector<2048x512xf32> -> vector<2048x512xf32>
    %broadcast_in_dim3A_1949 = arith.constant 1.000000e+00 : f32
    %broadcast_in_dim3A_1950 = vector.broadcast %broadcast_in_dim3A_1949 : f32 to vector<128x128xf32>
    %slice3A_1951 = vector.extract_strided_slice %dot_general3A_1948 {offsets = [0, 0], sizes = [2048, 128], strides = [1, 1]} : vector<2048x512xf32> to vector<2048x128xf32>
    %slice3A_1952 = vector.extract_strided_slice %get3A_1937 {offsets = [0, 0], sizes = [1, 128], strides = [1, 1]} : vector<4x128xf32> to vector<1x128xf32>
    %squeeze3A_1953 = vector.shape_cast %slice3A_1952 : vector<1x128xf32> to vector<128xf32>
    %broadcast_in_dim3A_1954 = vector.shape_cast %squeeze3A_1953 : vector<128xf32> to vector<1x128xf32>
    %broadcast_in_dim3A_1955 = vector.shape_cast %broadcast_in_dim3A_1954 : vector<1x128xf32> to vector<1x128xf32>
    %broadcast_in_dim3A_1956 = vector.broadcast %broadcast_in_dim3A_1955 : vector<1x128xf32> to vector<128x128xf32>
    %slice3A_1957 = vector.extract_strided_slice %get3A_1942 {offsets = [0, 0], sizes = [1, 128], strides = [1, 1]} : vector<4x128xf32> to vector<1x128xf32>
    %squeeze3A_1958 = vector.shape_cast %slice3A_1957 : vector<1x128xf32> to vector<128xf32>
    %broadcast_in_dim3A_1959 = vector.shape_cast %squeeze3A_1958 : vector<128xf32> to vector<1x128xf32>
    %broadcast_in_dim3A_1960 = vector.shape_cast %broadcast_in_dim3A_1959 : vector<1x128xf32> to vector<1x128xf32>
    %broadcast_in_dim3A_1961 = vector.broadcast %broadcast_in_dim3A_1960 : vector<1x128xf32> to vector<128x128xf32>
    %slice3A_1962 = vector.extract_strided_slice %slice3A_1951 {offsets = [0, 0], sizes = [128, 128], strides = [1, 1]} : vector<2048x128xf32> to vector<128x128xf32>
    %dot_general3A_1963 = arith.constant dense<0.000000e+00> : vector<128x128xf32>
    %dot_general3A_1964 = tpu.matmul %broadcast_in_dim3A_1956, %slice3A_1962, %dot_general3A_1963 {dimension_numbers = #tpu.dot_dimension_numbers<[1], [1], [0], [0], [0, 0, 1, 0], [], []>, transpose_lhs_hint = false} : vector<128x128xf32>, vector<128x128xf32>, vector<128x128xf32> -> vector<128x128xf32>
    %slice3A_1965 = vector.extract_strided_slice %slice3A_1951 {offsets = [128, 0], sizes = [128, 128], strides = [1, 1]} : vector<2048x128xf32> to vector<128x128xf32>
    %dot_general3A_1966 = arith.constant dense<0.000000e+00> : vector<128x128xf32>
    %dot_general3A_1967 = tpu.matmul %broadcast_in_dim3A_1956, %slice3A_1965, %dot_general3A_1966 {dimension_numbers = #tpu.dot_dimension_numbers<[1], [1], [0], [0], [0, 0, 1, 0], [], []>, transpose_lhs_hint = false} : vector<128x128xf32>, vector<128x128xf32>, vector<128x128xf32> -> vector<128x128xf32>
    %slice3A_1968 = vector.extract_strided_slice %slice3A_1951 {offsets = [256, 0], sizes = [128, 128], strides = [1, 1]} : vector<2048x128xf32> to vector<128x128xf32>
    %dot_general3A_1969 = arith.constant dense<0.000000e+00> : vector<128x128xf32>
    %dot_general3A_1970 = tpu.matmul %broadcast_in_dim3A_1956, %slice3A_1968, %dot_general3A_1969 {dimension_numbers = #tpu.dot_dimension_numbers<[1], [1], [0], [0], [0, 0, 1, 0], [], []>, transpose_lhs_hint = false} : vector<128x128xf32>, vector<128x128xf32>, vector<128x128xf32> -> vector<128x128xf32>
    %slice3A_1971 = vector.extract_strided_slice %slice3A_1951 {offsets = [384, 0], sizes = [128, 128], strides = [1, 1]} : vector<2048x128xf32> to vector<128x128xf32>
    %dot_general3A_1972 = arith.constant dense<0.000000e+00> : vector<128x128xf32>
    %dot_general3A_1973 = tpu.matmul %broadcast_in_dim3A_1956, %slice3A_1971, %dot_general3A_1972 {dimension_numbers = #tpu.dot_dimension_numbers<[1], [1], [0], [0], [0, 0, 1, 0], [], []>, transpose_lhs_hint = false} : vector<128x128xf32>, vector<128x128xf32>, vector<128x128xf32> -> vector<128x128xf32>
    %slice3A_1974 = vector.extract_strided_slice %slice3A_1951 {offsets = [512, 0], sizes = [128, 128], strides = [1, 1]} : vector<2048x128xf32> to vector<128x128xf32>
    %dot_general3A_1975 = arith.constant dense<0.000000e+00> : vector<128x128xf32>
    %dot_general3A_1976 = tpu.matmul %broadcast_in_dim3A_1956, %slice3A_1974, %dot_general3A_1975 {dimension_numbers = #tpu.dot_dimension_numbers<[1], [1], [0], [0], [0, 0, 1, 0], [], []>, transpose_lhs_hint = false} : vector<128x128xf32>, vector<128x128xf32>, vector<128x128xf32> -> vector<128x128xf32>
    %slice3A_1977 = vector.extract_strided_slice %slice3A_1951 {offsets = [640, 0], sizes = [128, 128], strides = [1, 1]} : vector<2048x128xf32> to vector<128x128xf32>
    %dot_general3A_1978 = arith.constant dense<0.000000e+00> : vector<128x128xf32>
    %dot_general3A_1979 = tpu.matmul %broadcast_in_dim3A_1956, %slice3A_1977, %dot_general3A_1978 {dimension_numbers = #tpu.dot_dimension_numbers<[1], [1], [0], [0], [0, 0, 1, 0], [], []>, transpose_lhs_hint = false} : vector<128x128xf32>, vector<128x128xf32>, vector<128x128xf32> -> vector<128x128xf32>
    %slice3A_1980 = vector.extract_strided_slice %slice3A_1951 {offsets = [768, 0], sizes = [128, 128], strides = [1, 1]} : vector<2048x128xf32> to vector<128x128xf32>
    %dot_general3A_1981 = arith.constant dense<0.000000e+00> : vector<128x128xf32>
    %dot_general3A_1982 = tpu.matmul %broadcast_in_dim3A_1956, %slice3A_1980, %dot_general3A_1981 {dimension_numbers = #tpu.dot_dimension_numbers<[1], [1], [0], [0], [0, 0, 1, 0], [], []>, transpose_lhs_hint = false} : vector<128x128xf32>, vector<128x128xf32>, vector<128x128xf32> -> vector<128x128xf32>
    %slice3A_1983 = vector.extract_strided_slice %slice3A_1951 {offsets = [896, 0], sizes = [128, 128], strides = [1, 1]} : vector<2048x128xf32> to vector<128x128xf32>
    %dot_general3A_1984 = arith.constant dense<0.000000e+00> : vector<128x128xf32>
    %dot_general3A_1985 = tpu.matmul %broadcast_in_dim3A_1956, %slice3A_1983, %dot_general3A_1984 {dimension_numbers = #tpu.dot_dimension_numbers<[1], [1], [0], [0], [0, 0, 1, 0], [], []>, transpose_lhs_hint = false} : vector<128x128xf32>, vector<128x128xf32>, vector<128x128xf32> -> vector<128x128xf32>
    %slice3A_1986 = vector.extract_strided_slice %slice3A_1951 {offsets = [1024, 0], sizes = [128, 128], strides = [1, 1]} : vector<2048x128xf32> to vector<128x128xf32>
    %dot_general3A_1987 = arith.constant dense<0.000000e+00> : vector<128x128xf32>
    %dot_general3A_1988 = tpu.matmul %broadcast_in_dim3A_1956, %slice3A_1986, %dot_general3A_1987 {dimension_numbers = #tpu.dot_dimension_numbers<[1], [1], [0], [0], [0, 0, 1, 0], [], []>, transpose_lhs_hint = false} : vector<128x128xf32>, vector<128x128xf32>, vector<128x128xf32> -> vector<128x128xf32>
    %slice3A_1989 = vector.extract_strided_slice %slice3A_1951 {offsets = [1152, 0], sizes = [128, 128], strides = [1, 1]} : vector<2048x128xf32> to vector<128x128xf32>
    %dot_general3A_1990 = arith.constant dense<0.000000e+00> : vector<128x128xf32>
    %dot_general3A_1991 = tpu.matmul %broadcast_in_dim3A_1956, %slice3A_1989, %dot_general3A_1990 {dimension_numbers = #tpu.dot_dimension_numbers<[1], [1], [0], [0], [0, 0, 1, 0], [], []>, transpose_lhs_hint = false} : vector<128x128xf32>, vector<128x128xf32>, vector<128x128xf32> -> vector<128x128xf32>
    %slice3A_1992 = vector.extract_strided_slice %slice3A_1951 {offsets = [1280, 0], sizes = [128, 128], strides = [1, 1]} : vector<2048x128xf32> to vector<128x128xf32>
    %dot_general3A_1993 = arith.constant dense<0.000000e+00> : vector<128x128xf32>
    %dot_general3A_1994 = tpu.matmul %broadcast_in_dim3A_1956, %slice3A_1992, %dot_general3A_1993 {dimension_numbers = #tpu.dot_dimension_numbers<[1], [1], [0], [0], [0, 0, 1, 0], [], []>, transpose_lhs_hint = false} : vector<128x128xf32>, vector<128x128xf32>, vector<128x128xf32> -> vector<128x128xf32>
    %slice3A_1995 = vector.extract_strided_slice %slice3A_1951 {offsets = [1408, 0], sizes = [128, 128], strides = [1, 1]} : vector<2048x128xf32> to vector<128x128xf32>
    %dot_general3A_1996 = arith.constant dense<0.000000e+00> : vector<128x128xf32>
    %dot_general3A_1997 = tpu.matmul %broadcast_in_dim3A_1956, %slice3A_1995, %dot_general3A_1996 {dimension_numbers = #tpu.dot_dimension_numbers<[1], [1], [0], [0], [0, 0, 1, 0], [], []>, transpose_lhs_hint = false} : vector<128x128xf32>, vector<128x128xf32>, vector<128x128xf32> -> vector<128x128xf32>
    %slice3A_1998 = vector.extract_strided_slice %slice3A_1951 {offsets = [1536, 0], sizes = [128, 128], strides = [1, 1]} : vector<2048x128xf32> to vector<128x128xf32>
    %dot_general3A_1999 = arith.constant dense<0.000000e+00> : vector<128x128xf32>
    %dot_general3A_2000 = tpu.matmul %broadcast_in_dim3A_1956, %slice3A_1998, %dot_general3A_1999 {dimension_numbers = #tpu.dot_dimension_numbers<[1], [1], [0], [0], [0, 0, 1, 0], [], []>, transpose_lhs_hint = false} : vector<128x128xf32>, vector<128x128xf32>, vector<128x128xf32> -> vector<128x128xf32>
    %slice3A_2001 = vector.extract_strided_slice %slice3A_1951 {offsets = [1664, 0], sizes = [128, 128], strides = [1, 1]} : vector<2048x128xf32> to vector<128x128xf32>
    %dot_general3A_2002 = arith.constant dense<0.000000e+00> : vector<128x128xf32>
    %dot_general3A_2003 = tpu.matmul %broadcast_in_dim3A_1956, %slice3A_2001, %dot_general3A_2002 {dimension_numbers = #tpu.dot_dimension_numbers<[1], [1], [0], [0], [0, 0, 1, 0], [], []>, transpose_lhs_hint = false} : vector<128x128xf32>, vector<128x128xf32>, vector<128x128xf32> -> vector<128x128xf32>
    %slice3A_2004 = vector.extract_strided_slice %slice3A_1951 {offsets = [1792, 0], sizes = [128, 128], strides = [1, 1]} : vector<2048x128xf32> to vector<128x128xf32>
    %dot_general3A_2005 = arith.constant dense<0.000000e+00> : vector<128x128xf32>
    %dot_general3A_2006 = tpu.matmul %broadcast_in_dim3A_1956, %slice3A_2004, %dot_general3A_2005 {dimension_numbers = #tpu.dot_dimension_numbers<[1], [1], [0], [0], [0, 0, 1, 0], [], []>, transpose_lhs_hint = false} : vector<128x128xf32>, vector<128x128xf32>, vector<128x128xf32> -> vector<128x128xf32>
    %slice3A_2007 = vector.extract_strided_slice %slice3A_1951 {offsets = [1920, 0], sizes = [128, 128], strides = [1, 1]} : vector<2048x128xf32> to vector<128x128xf32>
    %dot_general3A_2008 = arith.constant dense<0.000000e+00> : vector<128x128xf32>
    %dot_general3A_2009 = tpu.matmul %broadcast_in_dim3A_1956, %slice3A_2007, %dot_general3A_2008 {dimension_numbers = #tpu.dot_dimension_numbers<[1], [1], [0], [0], [0, 0, 1, 0], [], []>, transpose_lhs_hint = false} : vector<128x128xf32>, vector<128x128xf32>, vector<128x128xf32> -> vector<128x128xf32>
    %concatenate3A_2010 = tpu.concatenate %dot_general3A_1964, %dot_general3A_1967, %dot_general3A_1970, %dot_general3A_1973, %dot_general3A_1976, %dot_general3A_1979, %dot_general3A_1982, %dot_general3A_1985, %dot_general3A_1988, %dot_general3A_1991, %dot_general3A_1994, %dot_general3A_1997, %dot_general3A_2000, %dot_general3A_2003, %dot_general3A_2006, %dot_general3A_2009 in 0 : vector<128x128xf32>, vector<128x128xf32>, vector<128x128xf32>, vector<128x128xf32>, vector<128x128xf32>, vector<128x128xf32>, vector<128x128xf32>, vector<128x128xf32>, vector<128x128xf32>, vector<128x128xf32>, vector<128x128xf32>, vector<128x128xf32>, vector<128x128xf32>, vector<128x128xf32>, vector<128x128xf32>, vector<128x128xf32> -> vector<2048x128xf32>
    %dot_general3A_2011 = arith.constant dense<0.000000e+00> : vector<2048x128xf32>
    %dot_general3A_2012 = tpu.matmul %slice3A_1951, %broadcast_in_dim3A_1961, %dot_general3A_2011 {dimension_numbers = #tpu.dot_dimension_numbers<[1], [1], [0], [0], [0, 0, 1, 0], [], []>, transpose_lhs_hint = false} : vector<2048x128xf32>, vector<128x128xf32>, vector<2048x128xf32> -> vector<2048x128xf32>
    %add3A_2013 = arith.addf %concatenate3A_2010, %dot_general3A_2012 : vector<2048x128xf32>
    %gt3A_2014 = arith.constant 0.000000e+00 : f32
    %gt3A_2015 = vector.broadcast %gt3A_2014 : f32 to vector<2048x128xf32>
    %gt3A_2016 = arith.cmpf ogt, %add3A_2013, %gt3A_2015 : vector<2048x128xf32>
    %mul3A_2017 = arith.constant 2.000000e-01 : f32
    %mul3A_2018 = vector.broadcast %mul3A_2017 : f32 to vector<2048x128xf32>
    %mul3A_2019 = arith.mulf %mul3A_2018, %add3A_2013 : vector<2048x128xf32>
    %select_n3A_2020 = arith.select %gt3A_2016, %add3A_2013, %mul3A_2019 : vector<2048x128xi1>, vector<2048x128xf32>
    %min3A_2021 = arith.constant 6.000000e+01 : f32
    %min3A_2022 = vector.broadcast %min3A_2021 : f32 to vector<2048x128xf32>
    %min3A_2023 = arith.minimumf %select_n3A_2020, %min3A_2022 : vector<2048x128xf32>
    %exp3A_2024 = math.exp %min3A_2023 : vector<2048x128xf32>
    %mul3A_2025 = arith.mulf %mul3A_1927, %exp3A_2024 : vector<2048x128xf32>
    %dot_general3A_2026 = arith.constant dense<0.000000e+00> : vector<2048x128xf32>
    %dot_general3A_2027 = tpu.matmul %mul3A_2025, %broadcast_in_dim3A_1950, %dot_general3A_2026 {dimension_numbers = #tpu.dot_dimension_numbers<[1], [0], [0], [1], [0, 0, 1, 1], [], []>, transpose_lhs_hint = false} : vector<2048x128xf32>, vector<128x128xf32>, vector<2048x128xf32> -> vector<2048x128xf32>
    %add3A_2028 = arith.constant 1.000000e-16 : f32
    %add3A_2029 = vector.broadcast %add3A_2028 : f32 to vector<2048x128xf32>
    %add3A_2030 = arith.addf %dot_general3A_2027, %add3A_2029 : vector<2048x128xf32>
    %div3A_2031 = arith.constant 1.000000e+00 : f32
    %div3A_2032 = vector.broadcast %div3A_2031 : f32 to vector<2048x128xf32>
    %div3A_2033 = arith.divf %div3A_2032, %add3A_2030 : vector<2048x128xf32>
    %mul3A_2034 = arith.mulf %mul3A_2025, %div3A_2033 : vector<2048x128xf32>
    %slice3A_2035 = vector.extract_strided_slice %mul3A_2034 {offsets = [0, 0], sizes = [128, 128], strides = [1, 1]} : vector<2048x128xf32> to vector<128x128xf32>
    %slice3A_2036 = vector.extract_strided_slice %slice3A_1951 {offsets = [0, 0], sizes = [128, 128], strides = [1, 1]} : vector<2048x128xf32> to vector<128x128xf32>
    %dot_general3A_2037 = arith.constant dense<0.000000e+00> : vector<128x128xf32>
    %dot_general3A_2038 = tpu.matmul %slice3A_2035, %slice3A_2036, %dot_general3A_2037 {dimension_numbers = #tpu.dot_dimension_numbers<[1], [0], [0], [1], [0, 0, 1, 1], [], []>, transpose_lhs_hint = false} : vector<128x128xf32>, vector<128x128xf32>, vector<128x128xf32> -> vector<128x128xf32>
    %slice3A_2039 = vector.extract_strided_slice %mul3A_2034 {offsets = [128, 0], sizes = [128, 128], strides = [1, 1]} : vector<2048x128xf32> to vector<128x128xf32>
    %slice3A_2040 = vector.extract_strided_slice %slice3A_1951 {offsets = [128, 0], sizes = [128, 128], strides = [1, 1]} : vector<2048x128xf32> to vector<128x128xf32>
    %dot_general3A_2041 = arith.constant dense<0.000000e+00> : vector<128x128xf32>
    %dot_general3A_2042 = tpu.matmul %slice3A_2039, %slice3A_2040, %dot_general3A_2041 {dimension_numbers = #tpu.dot_dimension_numbers<[1], [0], [0], [1], [0, 0, 1, 1], [], []>, transpose_lhs_hint = false} : vector<128x128xf32>, vector<128x128xf32>, vector<128x128xf32> -> vector<128x128xf32>
    %slice3A_2043 = vector.extract_strided_slice %mul3A_2034 {offsets = [256, 0], sizes = [128, 128], strides = [1, 1]} : vector<2048x128xf32> to vector<128x128xf32>
    %slice3A_2044 = vector.extract_strided_slice %slice3A_1951 {offsets = [256, 0], sizes = [128, 128], strides = [1, 1]} : vector<2048x128xf32> to vector<128x128xf32>
    %dot_general3A_2045 = arith.constant dense<0.000000e+00> : vector<128x128xf32>
    %dot_general3A_2046 = tpu.matmul %slice3A_2043, %slice3A_2044, %dot_general3A_2045 {dimension_numbers = #tpu.dot_dimension_numbers<[1], [0], [0], [1], [0, 0, 1, 1], [], []>, transpose_lhs_hint = false} : vector<128x128xf32>, vector<128x128xf32>, vector<128x128xf32> -> vector<128x128xf32>
    %slice3A_2047 = vector.extract_strided_slice %mul3A_2034 {offsets = [384, 0], sizes = [128, 128], strides = [1, 1]} : vector<2048x128xf32> to vector<128x128xf32>
    %slice3A_2048 = vector.extract_strided_slice %slice3A_1951 {offsets = [384, 0], sizes = [128, 128], strides = [1, 1]} : vector<2048x128xf32> to vector<128x128xf32>
    %dot_general3A_2049 = arith.constant dense<0.000000e+00> : vector<128x128xf32>
    %dot_general3A_2050 = tpu.matmul %slice3A_2047, %slice3A_2048, %dot_general3A_2049 {dimension_numbers = #tpu.dot_dimension_numbers<[1], [0], [0], [1], [0, 0, 1, 1], [], []>, transpose_lhs_hint = false} : vector<128x128xf32>, vector<128x128xf32>, vector<128x128xf32> -> vector<128x128xf32>
    %slice3A_2051 = vector.extract_strided_slice %mul3A_2034 {offsets = [512, 0], sizes = [128, 128], strides = [1, 1]} : vector<2048x128xf32> to vector<128x128xf32>
    %slice3A_2052 = vector.extract_strided_slice %slice3A_1951 {offsets = [512, 0], sizes = [128, 128], strides = [1, 1]} : vector<2048x128xf32> to vector<128x128xf32>
    %dot_general3A_2053 = arith.constant dense<0.000000e+00> : vector<128x128xf32>
    %dot_general3A_2054 = tpu.matmul %slice3A_2051, %slice3A_2052, %dot_general3A_2053 {dimension_numbers = #tpu.dot_dimension_numbers<[1], [0], [0], [1], [0, 0, 1, 1], [], []>, transpose_lhs_hint = false} : vector<128x128xf32>, vector<128x128xf32>, vector<128x128xf32> -> vector<128x128xf32>
    %slice3A_2055 = vector.extract_strided_slice %mul3A_2034 {offsets = [640, 0], sizes = [128, 128], strides = [1, 1]} : vector<2048x128xf32> to vector<128x128xf32>
    %slice3A_2056 = vector.extract_strided_slice %slice3A_1951 {offsets = [640, 0], sizes = [128, 128], strides = [1, 1]} : vector<2048x128xf32> to vector<128x128xf32>
    %dot_general3A_2057 = arith.constant dense<0.000000e+00> : vector<128x128xf32>
    %dot_general3A_2058 = tpu.matmul %slice3A_2055, %slice3A_2056, %dot_general3A_2057 {dimension_numbers = #tpu.dot_dimension_numbers<[1], [0], [0], [1], [0, 0, 1, 1], [], []>, transpose_lhs_hint = false} : vector<128x128xf32>, vector<128x128xf32>, vector<128x128xf32> -> vector<128x128xf32>
    %slice3A_2059 = vector.extract_strided_slice %mul3A_2034 {offsets = [768, 0], sizes = [128, 128], strides = [1, 1]} : vector<2048x128xf32> to vector<128x128xf32>
    %slice3A_2060 = vector.extract_strided_slice %slice3A_1951 {offsets = [768, 0], sizes = [128, 128], strides = [1, 1]} : vector<2048x128xf32> to vector<128x128xf32>
    %dot_general3A_2061 = arith.constant dense<0.000000e+00> : vector<128x128xf32>
    %dot_general3A_2062 = tpu.matmul %slice3A_2059, %slice3A_2060, %dot_general3A_2061 {dimension_numbers = #tpu.dot_dimension_numbers<[1], [0], [0], [1], [0, 0, 1, 1], [], []>, transpose_lhs_hint = false} : vector<128x128xf32>, vector<128x128xf32>, vector<128x128xf32> -> vector<128x128xf32>
    %slice3A_2063 = vector.extract_strided_slice %mul3A_2034 {offsets = [896, 0], sizes = [128, 128], strides = [1, 1]} : vector<2048x128xf32> to vector<128x128xf32>
    %slice3A_2064 = vector.extract_strided_slice %slice3A_1951 {offsets = [896, 0], sizes = [128, 128], strides = [1, 1]} : vector<2048x128xf32> to vector<128x128xf32>
    %dot_general3A_2065 = arith.constant dense<0.000000e+00> : vector<128x128xf32>
    %dot_general3A_2066 = tpu.matmul %slice3A_2063, %slice3A_2064, %dot_general3A_2065 {dimension_numbers = #tpu.dot_dimension_numbers<[1], [0], [0], [1], [0, 0, 1, 1], [], []>, transpose_lhs_hint = false} : vector<128x128xf32>, vector<128x128xf32>, vector<128x128xf32> -> vector<128x128xf32>
    %slice3A_2067 = vector.extract_strided_slice %mul3A_2034 {offsets = [1024, 0], sizes = [128, 128], strides = [1, 1]} : vector<2048x128xf32> to vector<128x128xf32>
    %slice3A_2068 = vector.extract_strided_slice %slice3A_1951 {offsets = [1024, 0], sizes = [128, 128], strides = [1, 1]} : vector<2048x128xf32> to vector<128x128xf32>
    %dot_general3A_2069 = arith.constant dense<0.000000e+00> : vector<128x128xf32>
    %dot_general3A_2070 = tpu.matmul %slice3A_2067, %slice3A_2068, %dot_general3A_2069 {dimension_numbers = #tpu.dot_dimension_numbers<[1], [0], [0], [1], [0, 0, 1, 1], [], []>, transpose_lhs_hint = false} : vector<128x128xf32>, vector<128x128xf32>, vector<128x128xf32> -> vector<128x128xf32>
    %slice3A_2071 = vector.extract_strided_slice %mul3A_2034 {offsets = [1152, 0], sizes = [128, 128], strides = [1, 1]} : vector<2048x128xf32> to vector<128x128xf32>
    %slice3A_2072 = vector.extract_strided_slice %slice3A_1951 {offsets = [1152, 0], sizes = [128, 128], strides = [1, 1]} : vector<2048x128xf32> to vector<128x128xf32>
    %dot_general3A_2073 = arith.constant dense<0.000000e+00> : vector<128x128xf32>
    %dot_general3A_2074 = tpu.matmul %slice3A_2071, %slice3A_2072, %dot_general3A_2073 {dimension_numbers = #tpu.dot_dimension_numbers<[1], [0], [0], [1], [0, 0, 1, 1], [], []>, transpose_lhs_hint = false} : vector<128x128xf32>, vector<128x128xf32>, vector<128x128xf32> -> vector<128x128xf32>
    %slice3A_2075 = vector.extract_strided_slice %mul3A_2034 {offsets = [1280, 0], sizes = [128, 128], strides = [1, 1]} : vector<2048x128xf32> to vector<128x128xf32>
    %slice3A_2076 = vector.extract_strided_slice %slice3A_1951 {offsets = [1280, 0], sizes = [128, 128], strides = [1, 1]} : vector<2048x128xf32> to vector<128x128xf32>
    %dot_general3A_2077 = arith.constant dense<0.000000e+00> : vector<128x128xf32>
    %dot_general3A_2078 = tpu.matmul %slice3A_2075, %slice3A_2076, %dot_general3A_2077 {dimension_numbers = #tpu.dot_dimension_numbers<[1], [0], [0], [1], [0, 0, 1, 1], [], []>, transpose_lhs_hint = false} : vector<128x128xf32>, vector<128x128xf32>, vector<128x128xf32> -> vector<128x128xf32>
    %slice3A_2079 = vector.extract_strided_slice %mul3A_2034 {offsets = [1408, 0], sizes = [128, 128], strides = [1, 1]} : vector<2048x128xf32> to vector<128x128xf32>
    %slice3A_2080 = vector.extract_strided_slice %slice3A_1951 {offsets = [1408, 0], sizes = [128, 128], strides = [1, 1]} : vector<2048x128xf32> to vector<128x128xf32>
    %dot_general3A_2081 = arith.constant dense<0.000000e+00> : vector<128x128xf32>
    %dot_general3A_2082 = tpu.matmul %slice3A_2079, %slice3A_2080, %dot_general3A_2081 {dimension_numbers = #tpu.dot_dimension_numbers<[1], [0], [0], [1], [0, 0, 1, 1], [], []>, transpose_lhs_hint = false} : vector<128x128xf32>, vector<128x128xf32>, vector<128x128xf32> -> vector<128x128xf32>
    %slice3A_2083 = vector.extract_strided_slice %mul3A_2034 {offsets = [1536, 0], sizes = [128, 128], strides = [1, 1]} : vector<2048x128xf32> to vector<128x128xf32>
    %slice3A_2084 = vector.extract_strided_slice %slice3A_1951 {offsets = [1536, 0], sizes = [128, 128], strides = [1, 1]} : vector<2048x128xf32> to vector<128x128xf32>
    %dot_general3A_2085 = arith.constant dense<0.000000e+00> : vector<128x128xf32>
    %dot_general3A_2086 = tpu.matmul %slice3A_2083, %slice3A_2084, %dot_general3A_2085 {dimension_numbers = #tpu.dot_dimension_numbers<[1], [0], [0], [1], [0, 0, 1, 1], [], []>, transpose_lhs_hint = false} : vector<128x128xf32>, vector<128x128xf32>, vector<128x128xf32> -> vector<128x128xf32>
    %slice3A_2087 = vector.extract_strided_slice %mul3A_2034 {offsets = [1664, 0], sizes = [128, 128], strides = [1, 1]} : vector<2048x128xf32> to vector<128x128xf32>
    %slice3A_2088 = vector.extract_strided_slice %slice3A_1951 {offsets = [1664, 0], sizes = [128, 128], strides = [1, 1]} : vector<2048x128xf32> to vector<128x128xf32>
    %dot_general3A_2089 = arith.constant dense<0.000000e+00> : vector<128x128xf32>
    %dot_general3A_2090 = tpu.matmul %slice3A_2087, %slice3A_2088, %dot_general3A_2089 {dimension_numbers = #tpu.dot_dimension_numbers<[1], [0], [0], [1], [0, 0, 1, 1], [], []>, transpose_lhs_hint = false} : vector<128x128xf32>, vector<128x128xf32>, vector<128x128xf32> -> vector<128x128xf32>
    %slice3A_2091 = vector.extract_strided_slice %mul3A_2034 {offsets = [1792, 0], sizes = [128, 128], strides = [1, 1]} : vector<2048x128xf32> to vector<128x128xf32>
    %slice3A_2092 = vector.extract_strided_slice %slice3A_1951 {offsets = [1792, 0], sizes = [128, 128], strides = [1, 1]} : vector<2048x128xf32> to vector<128x128xf32>
    %dot_general3A_2093 = arith.constant dense<0.000000e+00> : vector<128x128xf32>
    %dot_general3A_2094 = tpu.matmul %slice3A_2091, %slice3A_2092, %dot_general3A_2093 {dimension_numbers = #tpu.dot_dimension_numbers<[1], [0], [0], [1], [0, 0, 1, 1], [], []>, transpose_lhs_hint = false} : vector<128x128xf32>, vector<128x128xf32>, vector<128x128xf32> -> vector<128x128xf32>
    %slice3A_2095 = vector.extract_strided_slice %mul3A_2034 {offsets = [1920, 0], sizes = [128, 128], strides = [1, 1]} : vector<2048x128xf32> to vector<128x128xf32>
    %slice3A_2096 = vector.extract_strided_slice %slice3A_1951 {offsets = [1920, 0], sizes = [128, 128], strides = [1, 1]} : vector<2048x128xf32> to vector<128x128xf32>
    %dot_general3A_2097 = arith.constant dense<0.000000e+00> : vector<128x128xf32>
    %dot_general3A_2098 = tpu.matmul %slice3A_2095, %slice3A_2096, %dot_general3A_2097 {dimension_numbers = #tpu.dot_dimension_numbers<[1], [0], [0], [1], [0, 0, 1, 1], [], []>, transpose_lhs_hint = false} : vector<128x128xf32>, vector<128x128xf32>, vector<128x128xf32> -> vector<128x128xf32>
    %concatenate3A_2099 = tpu.concatenate %dot_general3A_2038, %dot_general3A_2042, %dot_general3A_2046, %dot_general3A_2050, %dot_general3A_2054, %dot_general3A_2058, %dot_general3A_2062, %dot_general3A_2066, %dot_general3A_2070, %dot_general3A_2074, %dot_general3A_2078, %dot_general3A_2082, %dot_general3A_2086, %dot_general3A_2090, %dot_general3A_2094, %dot_general3A_2098 in 0 : vector<128x128xf32>, vector<128x128xf32>, vector<128x128xf32>, vector<128x128xf32>, vector<128x128xf32>, vector<128x128xf32>, vector<128x128xf32>, vector<128x128xf32>, vector<128x128xf32>, vector<128x128xf32>, vector<128x128xf32>, vector<128x128xf32>, vector<128x128xf32>, vector<128x128xf32>, vector<128x128xf32>, vector<128x128xf32> -> vector<2048x128xf32>
    %slice3A_2100 = vector.extract_strided_slice %dot_general3A_1948 {offsets = [0, 128], sizes = [2048, 128], strides = [1, 1]} : vector<2048x512xf32> to vector<2048x128xf32>
    %slice3A_2101 = vector.extract_strided_slice %get3A_1937 {offsets = [1, 0], sizes = [1, 128], strides = [1, 1]} : vector<4x128xf32> to vector<1x128xf32>
    %squeeze3A_2102 = vector.shape_cast %slice3A_2101 : vector<1x128xf32> to vector<128xf32>
    %broadcast_in_dim3A_2103 = vector.shape_cast %squeeze3A_2102 : vector<128xf32> to vector<1x128xf32>
    %broadcast_in_dim3A_2104 = vector.shape_cast %broadcast_in_dim3A_2103 : vector<1x128xf32> to vector<1x128xf32>
    %broadcast_in_dim3A_2105 = vector.broadcast %broadcast_in_dim3A_2104 : vector<1x128xf32> to vector<128x128xf32>
    %slice3A_2106 = vector.extract_strided_slice %get3A_1942 {offsets = [1, 0], sizes = [1, 128], strides = [1, 1]} : vector<4x128xf32> to vector<1x128xf32>
    %squeeze3A_2107 = vector.shape_cast %slice3A_2106 : vector<1x128xf32> to vector<128xf32>
    %broadcast_in_dim3A_2108 = vector.shape_cast %squeeze3A_2107 : vector<128xf32> to vector<1x128xf32>
    %broadcast_in_dim3A_2109 = vector.shape_cast %broadcast_in_dim3A_2108 : vector<1x128xf32> to vector<1x128xf32>
    %broadcast_in_dim3A_2110 = vector.broadcast %broadcast_in_dim3A_2109 : vector<1x128xf32> to vector<128x128xf32>
    %slice3A_2111 = vector.extract_strided_slice %slice3A_2100 {offsets = [0, 0], sizes = [128, 128], strides = [1, 1]} : vector<2048x128xf32> to vector<128x128xf32>
    %dot_general3A_2112 = arith.constant dense<0.000000e+00> : vector<128x128xf32>
    %dot_general3A_2113 = tpu.matmul %broadcast_in_dim3A_2105, %slice3A_2111, %dot_general3A_2112 {dimension_numbers = #tpu.dot_dimension_numbers<[1], [1], [0], [0], [0, 0, 1, 0], [], []>, transpose_lhs_hint = false} : vector<128x128xf32>, vector<128x128xf32>, vector<128x128xf32> -> vector<128x128xf32>
    %slice3A_2114 = vector.extract_strided_slice %slice3A_2100 {offsets = [128, 0], sizes = [128, 128], strides = [1, 1]} : vector<2048x128xf32> to vector<128x128xf32>
    %dot_general3A_2115 = arith.constant dense<0.000000e+00> : vector<128x128xf32>
    %dot_general3A_2116 = tpu.matmul %broadcast_in_dim3A_2105, %slice3A_2114, %dot_general3A_2115 {dimension_numbers = #tpu.dot_dimension_numbers<[1], [1], [0], [0], [0, 0, 1, 0], [], []>, transpose_lhs_hint = false} : vector<128x128xf32>, vector<128x128xf32>, vector<128x128xf32> -> vector<128x128xf32>
    %slice3A_2117 = vector.extract_strided_slice %slice3A_2100 {offsets = [256, 0], sizes = [128, 128], strides = [1, 1]} : vector<2048x128xf32> to vector<128x128xf32>
    %dot_general3A_2118 = arith.constant dense<0.000000e+00> : vector<128x128xf32>
    %dot_general3A_2119 = tpu.matmul %broadcast_in_dim3A_2105, %slice3A_2117, %dot_general3A_2118 {dimension_numbers = #tpu.dot_dimension_numbers<[1], [1], [0], [0], [0, 0, 1, 0], [], []>, transpose_lhs_hint = false} : vector<128x128xf32>, vector<128x128xf32>, vector<128x128xf32> -> vector<128x128xf32>
    %slice3A_2120 = vector.extract_strided_slice %slice3A_2100 {offsets = [384, 0], sizes = [128, 128], strides = [1, 1]} : vector<2048x128xf32> to vector<128x128xf32>
    %dot_general3A_2121 = arith.constant dense<0.000000e+00> : vector<128x128xf32>
    %dot_general3A_2122 = tpu.matmul %broadcast_in_dim3A_2105, %slice3A_2120, %dot_general3A_2121 {dimension_numbers = #tpu.dot_dimension_numbers<[1], [1], [0], [0], [0, 0, 1, 0], [], []>, transpose_lhs_hint = false} : vector<128x128xf32>, vector<128x128xf32>, vector<128x128xf32> -> vector<128x128xf32>
    %slice3A_2123 = vector.extract_strided_slice %slice3A_2100 {offsets = [512, 0], sizes = [128, 128], strides = [1, 1]} : vector<2048x128xf32> to vector<128x128xf32>
    %dot_general3A_2124 = arith.constant dense<0.000000e+00> : vector<128x128xf32>
    %dot_general3A_2125 = tpu.matmul %broadcast_in_dim3A_2105, %slice3A_2123, %dot_general3A_2124 {dimension_numbers = #tpu.dot_dimension_numbers<[1], [1], [0], [0], [0, 0, 1, 0], [], []>, transpose_lhs_hint = false} : vector<128x128xf32>, vector<128x128xf32>, vector<128x128xf32> -> vector<128x128xf32>
    %slice3A_2126 = vector.extract_strided_slice %slice3A_2100 {offsets = [640, 0], sizes = [128, 128], strides = [1, 1]} : vector<2048x128xf32> to vector<128x128xf32>
    %dot_general3A_2127 = arith.constant dense<0.000000e+00> : vector<128x128xf32>
    %dot_general3A_2128 = tpu.matmul %broadcast_in_dim3A_2105, %slice3A_2126, %dot_general3A_2127 {dimension_numbers = #tpu.dot_dimension_numbers<[1], [1], [0], [0], [0, 0, 1, 0], [], []>, transpose_lhs_hint = false} : vector<128x128xf32>, vector<128x128xf32>, vector<128x128xf32> -> vector<128x128xf32>
    %slice3A_2129 = vector.extract_strided_slice %slice3A_2100 {offsets = [768, 0], sizes = [128, 128], strides = [1, 1]} : vector<2048x128xf32> to vector<128x128xf32>
    %dot_general3A_2130 = arith.constant dense<0.000000e+00> : vector<128x128xf32>
    %dot_general3A_2131 = tpu.matmul %broadcast_in_dim3A_2105, %slice3A_2129, %dot_general3A_2130 {dimension_numbers = #tpu.dot_dimension_numbers<[1], [1], [0], [0], [0, 0, 1, 0], [], []>, transpose_lhs_hint = false} : vector<128x128xf32>, vector<128x128xf32>, vector<128x128xf32> -> vector<128x128xf32>
    %slice3A_2132 = vector.extract_strided_slice %slice3A_2100 {offsets = [896, 0], sizes = [128, 128], strides = [1, 1]} : vector<2048x128xf32> to vector<128x128xf32>
    %dot_general3A_2133 = arith.constant dense<0.000000e+00> : vector<128x128xf32>
    %dot_general3A_2134 = tpu.matmul %broadcast_in_dim3A_2105, %slice3A_2132, %dot_general3A_2133 {dimension_numbers = #tpu.dot_dimension_numbers<[1], [1], [0], [0], [0, 0, 1, 0], [], []>, transpose_lhs_hint = false} : vector<128x128xf32>, vector<128x128xf32>, vector<128x128xf32> -> vector<128x128xf32>
    %slice3A_2135 = vector.extract_strided_slice %slice3A_2100 {offsets = [1024, 0], sizes = [128, 128], strides = [1, 1]} : vector<2048x128xf32> to vector<128x128xf32>
    %dot_general3A_2136 = arith.constant dense<0.000000e+00> : vector<128x128xf32>
    %dot_general3A_2137 = tpu.matmul %broadcast_in_dim3A_2105, %slice3A_2135, %dot_general3A_2136 {dimension_numbers = #tpu.dot_dimension_numbers<[1], [1], [0], [0], [0, 0, 1, 0], [], []>, transpose_lhs_hint = false} : vector<128x128xf32>, vector<128x128xf32>, vector<128x128xf32> -> vector<128x128xf32>
    %slice3A_2138 = vector.extract_strided_slice %slice3A_2100 {offsets = [1152, 0], sizes = [128, 128], strides = [1, 1]} : vector<2048x128xf32> to vector<128x128xf32>
    %dot_general3A_2139 = arith.constant dense<0.000000e+00> : vector<128x128xf32>
    %dot_general3A_2140 = tpu.matmul %broadcast_in_dim3A_2105, %slice3A_2138, %dot_general3A_2139 {dimension_numbers = #tpu.dot_dimension_numbers<[1], [1], [0], [0], [0, 0, 1, 0], [], []>, transpose_lhs_hint = false} : vector<128x128xf32>, vector<128x128xf32>, vector<128x128xf32> -> vector<128x128xf32>
    %slice3A_2141 = vector.extract_strided_slice %slice3A_2100 {offsets = [1280, 0], sizes = [128, 128], strides = [1, 1]} : vector<2048x128xf32> to vector<128x128xf32>
    %dot_general3A_2142 = arith.constant dense<0.000000e+00> : vector<128x128xf32>
    %dot_general3A_2143 = tpu.matmul %broadcast_in_dim3A_2105, %slice3A_2141, %dot_general3A_2142 {dimension_numbers = #tpu.dot_dimension_numbers<[1], [1], [0], [0], [0, 0, 1, 0], [], []>, transpose_lhs_hint = false} : vector<128x128xf32>, vector<128x128xf32>, vector<128x128xf32> -> vector<128x128xf32>
    %slice3A_2144 = vector.extract_strided_slice %slice3A_2100 {offsets = [1408, 0], sizes = [128, 128], strides = [1, 1]} : vector<2048x128xf32> to vector<128x128xf32>
    %dot_general3A_2145 = arith.constant dense<0.000000e+00> : vector<128x128xf32>
    %dot_general3A_2146 = tpu.matmul %broadcast_in_dim3A_2105, %slice3A_2144, %dot_general3A_2145 {dimension_numbers = #tpu.dot_dimension_numbers<[1], [1], [0], [0], [0, 0, 1, 0], [], []>, transpose_lhs_hint = false} : vector<128x128xf32>, vector<128x128xf32>, vector<128x128xf32> -> vector<128x128xf32>
    %slice3A_2147 = vector.extract_strided_slice %slice3A_2100 {offsets = [1536, 0], sizes = [128, 128], strides = [1, 1]} : vector<2048x128xf32> to vector<128x128xf32>
    %dot_general3A_2148 = arith.constant dense<0.000000e+00> : vector<128x128xf32>
    %dot_general3A_2149 = tpu.matmul %broadcast_in_dim3A_2105, %slice3A_2147, %dot_general3A_2148 {dimension_numbers = #tpu.dot_dimension_numbers<[1], [1], [0], [0], [0, 0, 1, 0], [], []>, transpose_lhs_hint = false} : vector<128x128xf32>, vector<128x128xf32>, vector<128x128xf32> -> vector<128x128xf32>
    %slice3A_2150 = vector.extract_strided_slice %slice3A_2100 {offsets = [1664, 0], sizes = [128, 128], strides = [1, 1]} : vector<2048x128xf32> to vector<128x128xf32>
    %dot_general3A_2151 = arith.constant dense<0.000000e+00> : vector<128x128xf32>
    %dot_general3A_2152 = tpu.matmul %broadcast_in_dim3A_2105, %slice3A_2150, %dot_general3A_2151 {dimension_numbers = #tpu.dot_dimension_numbers<[1], [1], [0], [0], [0, 0, 1, 0], [], []>, transpose_lhs_hint = false} : vector<128x128xf32>, vector<128x128xf32>, vector<128x128xf32> -> vector<128x128xf32>
    %slice3A_2153 = vector.extract_strided_slice %slice3A_2100 {offsets = [1792, 0], sizes = [128, 128], strides = [1, 1]} : vector<2048x128xf32> to vector<128x128xf32>
    %dot_general3A_2154 = arith.constant dense<0.000000e+00> : vector<128x128xf32>
    %dot_general3A_2155 = tpu.matmul %broadcast_in_dim3A_2105, %slice3A_2153, %dot_general3A_2154 {dimension_numbers = #tpu.dot_dimension_numbers<[1], [1], [0], [0], [0, 0, 1, 0], [], []>, transpose_lhs_hint = false} : vector<128x128xf32>, vector<128x128xf32>, vector<128x128xf32> -> vector<128x128xf32>
    %slice3A_2156 = vector.extract_strided_slice %slice3A_2100 {offsets = [1920, 0], sizes = [128, 128], strides = [1, 1]} : vector<2048x128xf32> to vector<128x128xf32>
    %dot_general3A_2157 = arith.constant dense<0.000000e+00> : vector<128x128xf32>
    %dot_general3A_2158 = tpu.matmul %broadcast_in_dim3A_2105, %slice3A_2156, %dot_general3A_2157 {dimension_numbers = #tpu.dot_dimension_numbers<[1], [1], [0], [0], [0, 0, 1, 0], [], []>, transpose_lhs_hint = false} : vector<128x128xf32>, vector<128x128xf32>, vector<128x128xf32> -> vector<128x128xf32>
    %concatenate3A_2159 = tpu.concatenate %dot_general3A_2113, %dot_general3A_2116, %dot_general3A_2119, %dot_general3A_2122, %dot_general3A_2125, %dot_general3A_2128, %dot_general3A_2131, %dot_general3A_2134, %dot_general3A_2137, %dot_general3A_2140, %dot_general3A_2143, %dot_general3A_2146, %dot_general3A_2149, %dot_general3A_2152, %dot_general3A_2155, %dot_general3A_2158 in 0 : vector<128x128xf32>, vector<128x128xf32>, vector<128x128xf32>, vector<128x128xf32>, vector<128x128xf32>, vector<128x128xf32>, vector<128x128xf32>, vector<128x128xf32>, vector<128x128xf32>, vector<128x128xf32>, vector<128x128xf32>, vector<128x128xf32>, vector<128x128xf32>, vector<128x128xf32>, vector<128x128xf32>, vector<128x128xf32> -> vector<2048x128xf32>
    %dot_general3A_2160 = arith.constant dense<0.000000e+00> : vector<2048x128xf32>
    %dot_general3A_2161 = tpu.matmul %slice3A_2100, %broadcast_in_dim3A_2110, %dot_general3A_2160 {dimension_numbers = #tpu.dot_dimension_numbers<[1], [1], [0], [0], [0, 0, 1, 0], [], []>, transpose_lhs_hint = false} : vector<2048x128xf32>, vector<128x128xf32>, vector<2048x128xf32> -> vector<2048x128xf32>
    %add3A_2162 = arith.addf %concatenate3A_2159, %dot_general3A_2161 : vector<2048x128xf32>
    %gt3A_2163 = arith.constant 0.000000e+00 : f32
    %gt3A_2164 = vector.broadcast %gt3A_2163 : f32 to vector<2048x128xf32>
    %gt3A_2165 = arith.cmpf ogt, %add3A_2162, %gt3A_2164 : vector<2048x128xf32>
    %mul3A_2166 = arith.constant 2.000000e-01 : f32
    %mul3A_2167 = vector.broadcast %mul3A_2166 : f32 to vector<2048x128xf32>
    %mul3A_2168 = arith.mulf %mul3A_2167, %add3A_2162 : vector<2048x128xf32>
    %select_n3A_2169 = arith.select %gt3A_2165, %add3A_2162, %mul3A_2168 : vector<2048x128xi1>, vector<2048x128xf32>
    %min3A_2170 = arith.constant 6.000000e+01 : f32
    %min3A_2171 = vector.broadcast %min3A_2170 : f32 to vector<2048x128xf32>
    %min3A_2172 = arith.minimumf %select_n3A_2169, %min3A_2171 : vector<2048x128xf32>
    %exp3A_2173 = math.exp %min3A_2172 : vector<2048x128xf32>
    %mul3A_2174 = arith.mulf %mul3A_1927, %exp3A_2173 : vector<2048x128xf32>
    %dot_general3A_2175 = arith.constant dense<0.000000e+00> : vector<2048x128xf32>
    %dot_general3A_2176 = tpu.matmul %mul3A_2174, %broadcast_in_dim3A_1950, %dot_general3A_2175 {dimension_numbers = #tpu.dot_dimension_numbers<[1], [0], [0], [1], [0, 0, 1, 1], [], []>, transpose_lhs_hint = false} : vector<2048x128xf32>, vector<128x128xf32>, vector<2048x128xf32> -> vector<2048x128xf32>
    %add3A_2177 = arith.constant 1.000000e-16 : f32
    %add3A_2178 = vector.broadcast %add3A_2177 : f32 to vector<2048x128xf32>
    %add3A_2179 = arith.addf %dot_general3A_2176, %add3A_2178 : vector<2048x128xf32>
    %div3A_2180 = arith.constant 1.000000e+00 : f32
    %div3A_2181 = vector.broadcast %div3A_2180 : f32 to vector<2048x128xf32>
    %div3A_2182 = arith.divf %div3A_2181, %add3A_2179 : vector<2048x128xf32>
    %mul3A_2183 = arith.mulf %mul3A_2174, %div3A_2182 : vector<2048x128xf32>
    %slice3A_2184 = vector.extract_strided_slice %mul3A_2183 {offsets = [0, 0], sizes = [128, 128], strides = [1, 1]} : vector<2048x128xf32> to vector<128x128xf32>
    %slice3A_2185 = vector.extract_strided_slice %slice3A_2100 {offsets = [0, 0], sizes = [128, 128], strides = [1, 1]} : vector<2048x128xf32> to vector<128x128xf32>
    %dot_general3A_2186 = arith.constant dense<0.000000e+00> : vector<128x128xf32>
    %dot_general3A_2187 = tpu.matmul %slice3A_2184, %slice3A_2185, %dot_general3A_2186 {dimension_numbers = #tpu.dot_dimension_numbers<[1], [0], [0], [1], [0, 0, 1, 1], [], []>, transpose_lhs_hint = false} : vector<128x128xf32>, vector<128x128xf32>, vector<128x128xf32> -> vector<128x128xf32>
    %slice3A_2188 = vector.extract_strided_slice %mul3A_2183 {offsets = [128, 0], sizes = [128, 128], strides = [1, 1]} : vector<2048x128xf32> to vector<128x128xf32>
    %slice3A_2189 = vector.extract_strided_slice %slice3A_2100 {offsets = [128, 0], sizes = [128, 128], strides = [1, 1]} : vector<2048x128xf32> to vector<128x128xf32>
    %dot_general3A_2190 = arith.constant dense<0.000000e+00> : vector<128x128xf32>
    %dot_general3A_2191 = tpu.matmul %slice3A_2188, %slice3A_2189, %dot_general3A_2190 {dimension_numbers = #tpu.dot_dimension_numbers<[1], [0], [0], [1], [0, 0, 1, 1], [], []>, transpose_lhs_hint = false} : vector<128x128xf32>, vector<128x128xf32>, vector<128x128xf32> -> vector<128x128xf32>
    %slice3A_2192 = vector.extract_strided_slice %mul3A_2183 {offsets = [256, 0], sizes = [128, 128], strides = [1, 1]} : vector<2048x128xf32> to vector<128x128xf32>
    %slice3A_2193 = vector.extract_strided_slice %slice3A_2100 {offsets = [256, 0], sizes = [128, 128], strides = [1, 1]} : vector<2048x128xf32> to vector<128x128xf32>
    %dot_general3A_2194 = arith.constant dense<0.000000e+00> : vector<128x128xf32>
    %dot_general3A_2195 = tpu.matmul %slice3A_2192, %slice3A_2193, %dot_general3A_2194 {dimension_numbers = #tpu.dot_dimension_numbers<[1], [0], [0], [1], [0, 0, 1, 1], [], []>, transpose_lhs_hint = false} : vector<128x128xf32>, vector<128x128xf32>, vector<128x128xf32> -> vector<128x128xf32>
    %slice3A_2196 = vector.extract_strided_slice %mul3A_2183 {offsets = [384, 0], sizes = [128, 128], strides = [1, 1]} : vector<2048x128xf32> to vector<128x128xf32>
    %slice3A_2197 = vector.extract_strided_slice %slice3A_2100 {offsets = [384, 0], sizes = [128, 128], strides = [1, 1]} : vector<2048x128xf32> to vector<128x128xf32>
    %dot_general3A_2198 = arith.constant dense<0.000000e+00> : vector<128x128xf32>
    %dot_general3A_2199 = tpu.matmul %slice3A_2196, %slice3A_2197, %dot_general3A_2198 {dimension_numbers = #tpu.dot_dimension_numbers<[1], [0], [0], [1], [0, 0, 1, 1], [], []>, transpose_lhs_hint = false} : vector<128x128xf32>, vector<128x128xf32>, vector<128x128xf32> -> vector<128x128xf32>
    %slice3A_2200 = vector.extract_strided_slice %mul3A_2183 {offsets = [512, 0], sizes = [128, 128], strides = [1, 1]} : vector<2048x128xf32> to vector<128x128xf32>
    %slice3A_2201 = vector.extract_strided_slice %slice3A_2100 {offsets = [512, 0], sizes = [128, 128], strides = [1, 1]} : vector<2048x128xf32> to vector<128x128xf32>
    %dot_general3A_2202 = arith.constant dense<0.000000e+00> : vector<128x128xf32>
    %dot_general3A_2203 = tpu.matmul %slice3A_2200, %slice3A_2201, %dot_general3A_2202 {dimension_numbers = #tpu.dot_dimension_numbers<[1], [0], [0], [1], [0, 0, 1, 1], [], []>, transpose_lhs_hint = false} : vector<128x128xf32>, vector<128x128xf32>, vector<128x128xf32> -> vector<128x128xf32>
    %slice3A_2204 = vector.extract_strided_slice %mul3A_2183 {offsets = [640, 0], sizes = [128, 128], strides = [1, 1]} : vector<2048x128xf32> to vector<128x128xf32>
    %slice3A_2205 = vector.extract_strided_slice %slice3A_2100 {offsets = [640, 0], sizes = [128, 128], strides = [1, 1]} : vector<2048x128xf32> to vector<128x128xf32>
    %dot_general3A_2206 = arith.constant dense<0.000000e+00> : vector<128x128xf32>
    %dot_general3A_2207 = tpu.matmul %slice3A_2204, %slice3A_2205, %dot_general3A_2206 {dimension_numbers = #tpu.dot_dimension_numbers<[1], [0], [0], [1], [0, 0, 1, 1], [], []>, transpose_lhs_hint = false} : vector<128x128xf32>, vector<128x128xf32>, vector<128x128xf32> -> vector<128x128xf32>
    %slice3A_2208 = vector.extract_strided_slice %mul3A_2183 {offsets = [768, 0], sizes = [128, 128], strides = [1, 1]} : vector<2048x128xf32> to vector<128x128xf32>
    %slice3A_2209 = vector.extract_strided_slice %slice3A_2100 {offsets = [768, 0], sizes = [128, 128], strides = [1, 1]} : vector<2048x128xf32> to vector<128x128xf32>
    %dot_general3A_2210 = arith.constant dense<0.000000e+00> : vector<128x128xf32>
    %dot_general3A_2211 = tpu.matmul %slice3A_2208, %slice3A_2209, %dot_general3A_2210 {dimension_numbers = #tpu.dot_dimension_numbers<[1], [0], [0], [1], [0, 0, 1, 1], [], []>, transpose_lhs_hint = false} : vector<128x128xf32>, vector<128x128xf32>, vector<128x128xf32> -> vector<128x128xf32>
    %slice3A_2212 = vector.extract_strided_slice %mul3A_2183 {offsets = [896, 0], sizes = [128, 128], strides = [1, 1]} : vector<2048x128xf32> to vector<128x128xf32>
    %slice3A_2213 = vector.extract_strided_slice %slice3A_2100 {offsets = [896, 0], sizes = [128, 128], strides = [1, 1]} : vector<2048x128xf32> to vector<128x128xf32>
    %dot_general3A_2214 = arith.constant dense<0.000000e+00> : vector<128x128xf32>
    %dot_general3A_2215 = tpu.matmul %slice3A_2212, %slice3A_2213, %dot_general3A_2214 {dimension_numbers = #tpu.dot_dimension_numbers<[1], [0], [0], [1], [0, 0, 1, 1], [], []>, transpose_lhs_hint = false} : vector<128x128xf32>, vector<128x128xf32>, vector<128x128xf32> -> vector<128x128xf32>
    %slice3A_2216 = vector.extract_strided_slice %mul3A_2183 {offsets = [1024, 0], sizes = [128, 128], strides = [1, 1]} : vector<2048x128xf32> to vector<128x128xf32>
    %slice3A_2217 = vector.extract_strided_slice %slice3A_2100 {offsets = [1024, 0], sizes = [128, 128], strides = [1, 1]} : vector<2048x128xf32> to vector<128x128xf32>
    %dot_general3A_2218 = arith.constant dense<0.000000e+00> : vector<128x128xf32>
    %dot_general3A_2219 = tpu.matmul %slice3A_2216, %slice3A_2217, %dot_general3A_2218 {dimension_numbers = #tpu.dot_dimension_numbers<[1], [0], [0], [1], [0, 0, 1, 1], [], []>, transpose_lhs_hint = false} : vector<128x128xf32>, vector<128x128xf32>, vector<128x128xf32> -> vector<128x128xf32>
    %slice3A_2220 = vector.extract_strided_slice %mul3A_2183 {offsets = [1152, 0], sizes = [128, 128], strides = [1, 1]} : vector<2048x128xf32> to vector<128x128xf32>
    %slice3A_2221 = vector.extract_strided_slice %slice3A_2100 {offsets = [1152, 0], sizes = [128, 128], strides = [1, 1]} : vector<2048x128xf32> to vector<128x128xf32>
    %dot_general3A_2222 = arith.constant dense<0.000000e+00> : vector<128x128xf32>
    %dot_general3A_2223 = tpu.matmul %slice3A_2220, %slice3A_2221, %dot_general3A_2222 {dimension_numbers = #tpu.dot_dimension_numbers<[1], [0], [0], [1], [0, 0, 1, 1], [], []>, transpose_lhs_hint = false} : vector<128x128xf32>, vector<128x128xf32>, vector<128x128xf32> -> vector<128x128xf32>
    %slice3A_2224 = vector.extract_strided_slice %mul3A_2183 {offsets = [1280, 0], sizes = [128, 128], strides = [1, 1]} : vector<2048x128xf32> to vector<128x128xf32>
    %slice3A_2225 = vector.extract_strided_slice %slice3A_2100 {offsets = [1280, 0], sizes = [128, 128], strides = [1, 1]} : vector<2048x128xf32> to vector<128x128xf32>
    %dot_general3A_2226 = arith.constant dense<0.000000e+00> : vector<128x128xf32>
    %dot_general3A_2227 = tpu.matmul %slice3A_2224, %slice3A_2225, %dot_general3A_2226 {dimension_numbers = #tpu.dot_dimension_numbers<[1], [0], [0], [1], [0, 0, 1, 1], [], []>, transpose_lhs_hint = false} : vector<128x128xf32>, vector<128x128xf32>, vector<128x128xf32> -> vector<128x128xf32>
    %slice3A_2228 = vector.extract_strided_slice %mul3A_2183 {offsets = [1408, 0], sizes = [128, 128], strides = [1, 1]} : vector<2048x128xf32> to vector<128x128xf32>
    %slice3A_2229 = vector.extract_strided_slice %slice3A_2100 {offsets = [1408, 0], sizes = [128, 128], strides = [1, 1]} : vector<2048x128xf32> to vector<128x128xf32>
    %dot_general3A_2230 = arith.constant dense<0.000000e+00> : vector<128x128xf32>
    %dot_general3A_2231 = tpu.matmul %slice3A_2228, %slice3A_2229, %dot_general3A_2230 {dimension_numbers = #tpu.dot_dimension_numbers<[1], [0], [0], [1], [0, 0, 1, 1], [], []>, transpose_lhs_hint = false} : vector<128x128xf32>, vector<128x128xf32>, vector<128x128xf32> -> vector<128x128xf32>
    %slice3A_2232 = vector.extract_strided_slice %mul3A_2183 {offsets = [1536, 0], sizes = [128, 128], strides = [1, 1]} : vector<2048x128xf32> to vector<128x128xf32>
    %slice3A_2233 = vector.extract_strided_slice %slice3A_2100 {offsets = [1536, 0], sizes = [128, 128], strides = [1, 1]} : vector<2048x128xf32> to vector<128x128xf32>
    %dot_general3A_2234 = arith.constant dense<0.000000e+00> : vector<128x128xf32>
    %dot_general3A_2235 = tpu.matmul %slice3A_2232, %slice3A_2233, %dot_general3A_2234 {dimension_numbers = #tpu.dot_dimension_numbers<[1], [0], [0], [1], [0, 0, 1, 1], [], []>, transpose_lhs_hint = false} : vector<128x128xf32>, vector<128x128xf32>, vector<128x128xf32> -> vector<128x128xf32>
    %slice3A_2236 = vector.extract_strided_slice %mul3A_2183 {offsets = [1664, 0], sizes = [128, 128], strides = [1, 1]} : vector<2048x128xf32> to vector<128x128xf32>
    %slice3A_2237 = vector.extract_strided_slice %slice3A_2100 {offsets = [1664, 0], sizes = [128, 128], strides = [1, 1]} : vector<2048x128xf32> to vector<128x128xf32>
    %dot_general3A_2238 = arith.constant dense<0.000000e+00> : vector<128x128xf32>
    %dot_general3A_2239 = tpu.matmul %slice3A_2236, %slice3A_2237, %dot_general3A_2238 {dimension_numbers = #tpu.dot_dimension_numbers<[1], [0], [0], [1], [0, 0, 1, 1], [], []>, transpose_lhs_hint = false} : vector<128x128xf32>, vector<128x128xf32>, vector<128x128xf32> -> vector<128x128xf32>
    %slice3A_2240 = vector.extract_strided_slice %mul3A_2183 {offsets = [1792, 0], sizes = [128, 128], strides = [1, 1]} : vector<2048x128xf32> to vector<128x128xf32>
    %slice3A_2241 = vector.extract_strided_slice %slice3A_2100 {offsets = [1792, 0], sizes = [128, 128], strides = [1, 1]} : vector<2048x128xf32> to vector<128x128xf32>
    %dot_general3A_2242 = arith.constant dense<0.000000e+00> : vector<128x128xf32>
    %dot_general3A_2243 = tpu.matmul %slice3A_2240, %slice3A_2241, %dot_general3A_2242 {dimension_numbers = #tpu.dot_dimension_numbers<[1], [0], [0], [1], [0, 0, 1, 1], [], []>, transpose_lhs_hint = false} : vector<128x128xf32>, vector<128x128xf32>, vector<128x128xf32> -> vector<128x128xf32>
    %slice3A_2244 = vector.extract_strided_slice %mul3A_2183 {offsets = [1920, 0], sizes = [128, 128], strides = [1, 1]} : vector<2048x128xf32> to vector<128x128xf32>
    %slice3A_2245 = vector.extract_strided_slice %slice3A_2100 {offsets = [1920, 0], sizes = [128, 128], strides = [1, 1]} : vector<2048x128xf32> to vector<128x128xf32>
    %dot_general3A_2246 = arith.constant dense<0.000000e+00> : vector<128x128xf32>
    %dot_general3A_2247 = tpu.matmul %slice3A_2244, %slice3A_2245, %dot_general3A_2246 {dimension_numbers = #tpu.dot_dimension_numbers<[1], [0], [0], [1], [0, 0, 1, 1], [], []>, transpose_lhs_hint = false} : vector<128x128xf32>, vector<128x128xf32>, vector<128x128xf32> -> vector<128x128xf32>
    %concatenate3A_2248 = tpu.concatenate %dot_general3A_2187, %dot_general3A_2191, %dot_general3A_2195, %dot_general3A_2199, %dot_general3A_2203, %dot_general3A_2207, %dot_general3A_2211, %dot_general3A_2215, %dot_general3A_2219, %dot_general3A_2223, %dot_general3A_2227, %dot_general3A_2231, %dot_general3A_2235, %dot_general3A_2239, %dot_general3A_2243, %dot_general3A_2247 in 0 : vector<128x128xf32>, vector<128x128xf32>, vector<128x128xf32>, vector<128x128xf32>, vector<128x128xf32>, vector<128x128xf32>, vector<128x128xf32>, vector<128x128xf32>, vector<128x128xf32>, vector<128x128xf32>, vector<128x128xf32>, vector<128x128xf32>, vector<128x128xf32>, vector<128x128xf32>, vector<128x128xf32>, vector<128x128xf32> -> vector<2048x128xf32>
    %slice3A_2249 = vector.extract_strided_slice %dot_general3A_1948 {offsets = [0, 256], sizes = [2048, 128], strides = [1, 1]} : vector<2048x512xf32> to vector<2048x128xf32>
    %slice3A_2250 = vector.extract_strided_slice %get3A_1937 {offsets = [2, 0], sizes = [1, 128], strides = [1, 1]} : vector<4x128xf32> to vector<1x128xf32>
    %squeeze3A_2251 = vector.shape_cast %slice3A_2250 : vector<1x128xf32> to vector<128xf32>
    %broadcast_in_dim3A_2252 = vector.shape_cast %squeeze3A_2251 : vector<128xf32> to vector<1x128xf32>
    %broadcast_in_dim3A_2253 = vector.shape_cast %broadcast_in_dim3A_2252 : vector<1x128xf32> to vector<1x128xf32>
    %broadcast_in_dim3A_2254 = vector.broadcast %broadcast_in_dim3A_2253 : vector<1x128xf32> to vector<128x128xf32>
    %slice3A_2255 = vector.extract_strided_slice %get3A_1942 {offsets = [2, 0], sizes = [1, 128], strides = [1, 1]} : vector<4x128xf32> to vector<1x128xf32>
    %squeeze3A_2256 = vector.shape_cast %slice3A_2255 : vector<1x128xf32> to vector<128xf32>
    %broadcast_in_dim3A_2257 = vector.shape_cast %squeeze3A_2256 : vector<128xf32> to vector<1x128xf32>
    %broadcast_in_dim3A_2258 = vector.shape_cast %broadcast_in_dim3A_2257 : vector<1x128xf32> to vector<1x128xf32>
    %broadcast_in_dim3A_2259 = vector.broadcast %broadcast_in_dim3A_2258 : vector<1x128xf32> to vector<128x128xf32>
    %slice3A_2260 = vector.extract_strided_slice %slice3A_2249 {offsets = [0, 0], sizes = [128, 128], strides = [1, 1]} : vector<2048x128xf32> to vector<128x128xf32>
    %dot_general3A_2261 = arith.constant dense<0.000000e+00> : vector<128x128xf32>
    %dot_general3A_2262 = tpu.matmul %broadcast_in_dim3A_2254, %slice3A_2260, %dot_general3A_2261 {dimension_numbers = #tpu.dot_dimension_numbers<[1], [1], [0], [0], [0, 0, 1, 0], [], []>, transpose_lhs_hint = false} : vector<128x128xf32>, vector<128x128xf32>, vector<128x128xf32> -> vector<128x128xf32>
    %slice3A_2263 = vector.extract_strided_slice %slice3A_2249 {offsets = [128, 0], sizes = [128, 128], strides = [1, 1]} : vector<2048x128xf32> to vector<128x128xf32>
    %dot_general3A_2264 = arith.constant dense<0.000000e+00> : vector<128x128xf32>
    %dot_general3A_2265 = tpu.matmul %broadcast_in_dim3A_2254, %slice3A_2263, %dot_general3A_2264 {dimension_numbers = #tpu.dot_dimension_numbers<[1], [1], [0], [0], [0, 0, 1, 0], [], []>, transpose_lhs_hint = false} : vector<128x128xf32>, vector<128x128xf32>, vector<128x128xf32> -> vector<128x128xf32>
    %slice3A_2266 = vector.extract_strided_slice %slice3A_2249 {offsets = [256, 0], sizes = [128, 128], strides = [1, 1]} : vector<2048x128xf32> to vector<128x128xf32>
    %dot_general3A_2267 = arith.constant dense<0.000000e+00> : vector<128x128xf32>
    %dot_general3A_2268 = tpu.matmul %broadcast_in_dim3A_2254, %slice3A_2266, %dot_general3A_2267 {dimension_numbers = #tpu.dot_dimension_numbers<[1], [1], [0], [0], [0, 0, 1, 0], [], []>, transpose_lhs_hint = false} : vector<128x128xf32>, vector<128x128xf32>, vector<128x128xf32> -> vector<128x128xf32>
    %slice3A_2269 = vector.extract_strided_slice %slice3A_2249 {offsets = [384, 0], sizes = [128, 128], strides = [1, 1]} : vector<2048x128xf32> to vector<128x128xf32>
    %dot_general3A_2270 = arith.constant dense<0.000000e+00> : vector<128x128xf32>
    %dot_general3A_2271 = tpu.matmul %broadcast_in_dim3A_2254, %slice3A_2269, %dot_general3A_2270 {dimension_numbers = #tpu.dot_dimension_numbers<[1], [1], [0], [0], [0, 0, 1, 0], [], []>, transpose_lhs_hint = false} : vector<128x128xf32>, vector<128x128xf32>, vector<128x128xf32> -> vector<128x128xf32>
    %slice3A_2272 = vector.extract_strided_slice %slice3A_2249 {offsets = [512, 0], sizes = [128, 128], strides = [1, 1]} : vector<2048x128xf32> to vector<128x128xf32>
    %dot_general3A_2273 = arith.constant dense<0.000000e+00> : vector<128x128xf32>
    %dot_general3A_2274 = tpu.matmul %broadcast_in_dim3A_2254, %slice3A_2272, %dot_general3A_2273 {dimension_numbers = #tpu.dot_dimension_numbers<[1], [1], [0], [0], [0, 0, 1, 0], [], []>, transpose_lhs_hint = false} : vector<128x128xf32>, vector<128x128xf32>, vector<128x128xf32> -> vector<128x128xf32>
    %slice3A_2275 = vector.extract_strided_slice %slice3A_2249 {offsets = [640, 0], sizes = [128, 128], strides = [1, 1]} : vector<2048x128xf32> to vector<128x128xf32>
    %dot_general3A_2276 = arith.constant dense<0.000000e+00> : vector<128x128xf32>
    %dot_general3A_2277 = tpu.matmul %broadcast_in_dim3A_2254, %slice3A_2275, %dot_general3A_2276 {dimension_numbers = #tpu.dot_dimension_numbers<[1], [1], [0], [0], [0, 0, 1, 0], [], []>, transpose_lhs_hint = false} : vector<128x128xf32>, vector<128x128xf32>, vector<128x128xf32> -> vector<128x128xf32>
    %slice3A_2278 = vector.extract_strided_slice %slice3A_2249 {offsets = [768, 0], sizes = [128, 128], strides = [1, 1]} : vector<2048x128xf32> to vector<128x128xf32>
    %dot_general3A_2279 = arith.constant dense<0.000000e+00> : vector<128x128xf32>
    %dot_general3A_2280 = tpu.matmul %broadcast_in_dim3A_2254, %slice3A_2278, %dot_general3A_2279 {dimension_numbers = #tpu.dot_dimension_numbers<[1], [1], [0], [0], [0, 0, 1, 0], [], []>, transpose_lhs_hint = false} : vector<128x128xf32>, vector<128x128xf32>, vector<128x128xf32> -> vector<128x128xf32>
    %slice3A_2281 = vector.extract_strided_slice %slice3A_2249 {offsets = [896, 0], sizes = [128, 128], strides = [1, 1]} : vector<2048x128xf32> to vector<128x128xf32>
    %dot_general3A_2282 = arith.constant dense<0.000000e+00> : vector<128x128xf32>
    %dot_general3A_2283 = tpu.matmul %broadcast_in_dim3A_2254, %slice3A_2281, %dot_general3A_2282 {dimension_numbers = #tpu.dot_dimension_numbers<[1], [1], [0], [0], [0, 0, 1, 0], [], []>, transpose_lhs_hint = false} : vector<128x128xf32>, vector<128x128xf32>, vector<128x128xf32> -> vector<128x128xf32>
    %slice3A_2284 = vector.extract_strided_slice %slice3A_2249 {offsets = [1024, 0], sizes = [128, 128], strides = [1, 1]} : vector<2048x128xf32> to vector<128x128xf32>
    %dot_general3A_2285 = arith.constant dense<0.000000e+00> : vector<128x128xf32>
    %dot_general3A_2286 = tpu.matmul %broadcast_in_dim3A_2254, %slice3A_2284, %dot_general3A_2285 {dimension_numbers = #tpu.dot_dimension_numbers<[1], [1], [0], [0], [0, 0, 1, 0], [], []>, transpose_lhs_hint = false} : vector<128x128xf32>, vector<128x128xf32>, vector<128x128xf32> -> vector<128x128xf32>
    %slice3A_2287 = vector.extract_strided_slice %slice3A_2249 {offsets = [1152, 0], sizes = [128, 128], strides = [1, 1]} : vector<2048x128xf32> to vector<128x128xf32>
    %dot_general3A_2288 = arith.constant dense<0.000000e+00> : vector<128x128xf32>
    %dot_general3A_2289 = tpu.matmul %broadcast_in_dim3A_2254, %slice3A_2287, %dot_general3A_2288 {dimension_numbers = #tpu.dot_dimension_numbers<[1], [1], [0], [0], [0, 0, 1, 0], [], []>, transpose_lhs_hint = false} : vector<128x128xf32>, vector<128x128xf32>, vector<128x128xf32> -> vector<128x128xf32>
    %slice3A_2290 = vector.extract_strided_slice %slice3A_2249 {offsets = [1280, 0], sizes = [128, 128], strides = [1, 1]} : vector<2048x128xf32> to vector<128x128xf32>
    %dot_general3A_2291 = arith.constant dense<0.000000e+00> : vector<128x128xf32>
    %dot_general3A_2292 = tpu.matmul %broadcast_in_dim3A_2254, %slice3A_2290, %dot_general3A_2291 {dimension_numbers = #tpu.dot_dimension_numbers<[1], [1], [0], [0], [0, 0, 1, 0], [], []>, transpose_lhs_hint = false} : vector<128x128xf32>, vector<128x128xf32>, vector<128x128xf32> -> vector<128x128xf32>
    %slice3A_2293 = vector.extract_strided_slice %slice3A_2249 {offsets = [1408, 0], sizes = [128, 128], strides = [1, 1]} : vector<2048x128xf32> to vector<128x128xf32>
    %dot_general3A_2294 = arith.constant dense<0.000000e+00> : vector<128x128xf32>
    %dot_general3A_2295 = tpu.matmul %broadcast_in_dim3A_2254, %slice3A_2293, %dot_general3A_2294 {dimension_numbers = #tpu.dot_dimension_numbers<[1], [1], [0], [0], [0, 0, 1, 0], [], []>, transpose_lhs_hint = false} : vector<128x128xf32>, vector<128x128xf32>, vector<128x128xf32> -> vector<128x128xf32>
    %slice3A_2296 = vector.extract_strided_slice %slice3A_2249 {offsets = [1536, 0], sizes = [128, 128], strides = [1, 1]} : vector<2048x128xf32> to vector<128x128xf32>
    %dot_general3A_2297 = arith.constant dense<0.000000e+00> : vector<128x128xf32>
    %dot_general3A_2298 = tpu.matmul %broadcast_in_dim3A_2254, %slice3A_2296, %dot_general3A_2297 {dimension_numbers = #tpu.dot_dimension_numbers<[1], [1], [0], [0], [0, 0, 1, 0], [], []>, transpose_lhs_hint = false} : vector<128x128xf32>, vector<128x128xf32>, vector<128x128xf32> -> vector<128x128xf32>
    %slice3A_2299 = vector.extract_strided_slice %slice3A_2249 {offsets = [1664, 0], sizes = [128, 128], strides = [1, 1]} : vector<2048x128xf32> to vector<128x128xf32>
    %dot_general3A_2300 = arith.constant dense<0.000000e+00> : vector<128x128xf32>
    %dot_general3A_2301 = tpu.matmul %broadcast_in_dim3A_2254, %slice3A_2299, %dot_general3A_2300 {dimension_numbers = #tpu.dot_dimension_numbers<[1], [1], [0], [0], [0, 0, 1, 0], [], []>, transpose_lhs_hint = false} : vector<128x128xf32>, vector<128x128xf32>, vector<128x128xf32> -> vector<128x128xf32>
    %slice3A_2302 = vector.extract_strided_slice %slice3A_2249 {offsets = [1792, 0], sizes = [128, 128], strides = [1, 1]} : vector<2048x128xf32> to vector<128x128xf32>
    %dot_general3A_2303 = arith.constant dense<0.000000e+00> : vector<128x128xf32>
    %dot_general3A_2304 = tpu.matmul %broadcast_in_dim3A_2254, %slice3A_2302, %dot_general3A_2303 {dimension_numbers = #tpu.dot_dimension_numbers<[1], [1], [0], [0], [0, 0, 1, 0], [], []>, transpose_lhs_hint = false} : vector<128x128xf32>, vector<128x128xf32>, vector<128x128xf32> -> vector<128x128xf32>
    %slice3A_2305 = vector.extract_strided_slice %slice3A_2249 {offsets = [1920, 0], sizes = [128, 128], strides = [1, 1]} : vector<2048x128xf32> to vector<128x128xf32>
    %dot_general3A_2306 = arith.constant dense<0.000000e+00> : vector<128x128xf32>
    %dot_general3A_2307 = tpu.matmul %broadcast_in_dim3A_2254, %slice3A_2305, %dot_general3A_2306 {dimension_numbers = #tpu.dot_dimension_numbers<[1], [1], [0], [0], [0, 0, 1, 0], [], []>, transpose_lhs_hint = false} : vector<128x128xf32>, vector<128x128xf32>, vector<128x128xf32> -> vector<128x128xf32>
    %concatenate3A_2308 = tpu.concatenate %dot_general3A_2262, %dot_general3A_2265, %dot_general3A_2268, %dot_general3A_2271, %dot_general3A_2274, %dot_general3A_2277, %dot_general3A_2280, %dot_general3A_2283, %dot_general3A_2286, %dot_general3A_2289, %dot_general3A_2292, %dot_general3A_2295, %dot_general3A_2298, %dot_general3A_2301, %dot_general3A_2304, %dot_general3A_2307 in 0 : vector<128x128xf32>, vector<128x128xf32>, vector<128x128xf32>, vector<128x128xf32>, vector<128x128xf32>, vector<128x128xf32>, vector<128x128xf32>, vector<128x128xf32>, vector<128x128xf32>, vector<128x128xf32>, vector<128x128xf32>, vector<128x128xf32>, vector<128x128xf32>, vector<128x128xf32>, vector<128x128xf32>, vector<128x128xf32> -> vector<2048x128xf32>
    %dot_general3A_2309 = arith.constant dense<0.000000e+00> : vector<2048x128xf32>
    %dot_general3A_2310 = tpu.matmul %slice3A_2249, %broadcast_in_dim3A_2259, %dot_general3A_2309 {dimension_numbers = #tpu.dot_dimension_numbers<[1], [1], [0], [0], [0, 0, 1, 0], [], []>, transpose_lhs_hint = false} : vector<2048x128xf32>, vector<128x128xf32>, vector<2048x128xf32> -> vector<2048x128xf32>
    %add3A_2311 = arith.addf %concatenate3A_2308, %dot_general3A_2310 : vector<2048x128xf32>
    %gt3A_2312 = arith.constant 0.000000e+00 : f32
    %gt3A_2313 = vector.broadcast %gt3A_2312 : f32 to vector<2048x128xf32>
    %gt3A_2314 = arith.cmpf ogt, %add3A_2311, %gt3A_2313 : vector<2048x128xf32>
    %mul3A_2315 = arith.constant 2.000000e-01 : f32
    %mul3A_2316 = vector.broadcast %mul3A_2315 : f32 to vector<2048x128xf32>
    %mul3A_2317 = arith.mulf %mul3A_2316, %add3A_2311 : vector<2048x128xf32>
    %select_n3A_2318 = arith.select %gt3A_2314, %add3A_2311, %mul3A_2317 : vector<2048x128xi1>, vector<2048x128xf32>
    %min3A_2319 = arith.constant 6.000000e+01 : f32
    %min3A_2320 = vector.broadcast %min3A_2319 : f32 to vector<2048x128xf32>
    %min3A_2321 = arith.minimumf %select_n3A_2318, %min3A_2320 : vector<2048x128xf32>
    %exp3A_2322 = math.exp %min3A_2321 : vector<2048x128xf32>
    %mul3A_2323 = arith.mulf %mul3A_1927, %exp3A_2322 : vector<2048x128xf32>
    %dot_general3A_2324 = arith.constant dense<0.000000e+00> : vector<2048x128xf32>
    %dot_general3A_2325 = tpu.matmul %mul3A_2323, %broadcast_in_dim3A_1950, %dot_general3A_2324 {dimension_numbers = #tpu.dot_dimension_numbers<[1], [0], [0], [1], [0, 0, 1, 1], [], []>, transpose_lhs_hint = false} : vector<2048x128xf32>, vector<128x128xf32>, vector<2048x128xf32> -> vector<2048x128xf32>
    %add3A_2326 = arith.constant 1.000000e-16 : f32
    %add3A_2327 = vector.broadcast %add3A_2326 : f32 to vector<2048x128xf32>
    %add3A_2328 = arith.addf %dot_general3A_2325, %add3A_2327 : vector<2048x128xf32>
    %div3A_2329 = arith.constant 1.000000e+00 : f32
    %div3A_2330 = vector.broadcast %div3A_2329 : f32 to vector<2048x128xf32>
    %div3A_2331 = arith.divf %div3A_2330, %add3A_2328 : vector<2048x128xf32>
    %mul3A_2332 = arith.mulf %mul3A_2323, %div3A_2331 : vector<2048x128xf32>
    %slice3A_2333 = vector.extract_strided_slice %mul3A_2332 {offsets = [0, 0], sizes = [128, 128], strides = [1, 1]} : vector<2048x128xf32> to vector<128x128xf32>
    %slice3A_2334 = vector.extract_strided_slice %slice3A_2249 {offsets = [0, 0], sizes = [128, 128], strides = [1, 1]} : vector<2048x128xf32> to vector<128x128xf32>
    %dot_general3A_2335 = arith.constant dense<0.000000e+00> : vector<128x128xf32>
    %dot_general3A_2336 = tpu.matmul %slice3A_2333, %slice3A_2334, %dot_general3A_2335 {dimension_numbers = #tpu.dot_dimension_numbers<[1], [0], [0], [1], [0, 0, 1, 1], [], []>, transpose_lhs_hint = false} : vector<128x128xf32>, vector<128x128xf32>, vector<128x128xf32> -> vector<128x128xf32>
    %slice3A_2337 = vector.extract_strided_slice %mul3A_2332 {offsets = [128, 0], sizes = [128, 128], strides = [1, 1]} : vector<2048x128xf32> to vector<128x128xf32>
    %slice3A_2338 = vector.extract_strided_slice %slice3A_2249 {offsets = [128, 0], sizes = [128, 128], strides = [1, 1]} : vector<2048x128xf32> to vector<128x128xf32>
    %dot_general3A_2339 = arith.constant dense<0.000000e+00> : vector<128x128xf32>
    %dot_general3A_2340 = tpu.matmul %slice3A_2337, %slice3A_2338, %dot_general3A_2339 {dimension_numbers = #tpu.dot_dimension_numbers<[1], [0], [0], [1], [0, 0, 1, 1], [], []>, transpose_lhs_hint = false} : vector<128x128xf32>, vector<128x128xf32>, vector<128x128xf32> -> vector<128x128xf32>
    %slice3A_2341 = vector.extract_strided_slice %mul3A_2332 {offsets = [256, 0], sizes = [128, 128], strides = [1, 1]} : vector<2048x128xf32> to vector<128x128xf32>
    %slice3A_2342 = vector.extract_strided_slice %slice3A_2249 {offsets = [256, 0], sizes = [128, 128], strides = [1, 1]} : vector<2048x128xf32> to vector<128x128xf32>
    %dot_general3A_2343 = arith.constant dense<0.000000e+00> : vector<128x128xf32>
    %dot_general3A_2344 = tpu.matmul %slice3A_2341, %slice3A_2342, %dot_general3A_2343 {dimension_numbers = #tpu.dot_dimension_numbers<[1], [0], [0], [1], [0, 0, 1, 1], [], []>, transpose_lhs_hint = false} : vector<128x128xf32>, vector<128x128xf32>, vector<128x128xf32> -> vector<128x128xf32>
    %slice3A_2345 = vector.extract_strided_slice %mul3A_2332 {offsets = [384, 0], sizes = [128, 128], strides = [1, 1]} : vector<2048x128xf32> to vector<128x128xf32>
    %slice3A_2346 = vector.extract_strided_slice %slice3A_2249 {offsets = [384, 0], sizes = [128, 128], strides = [1, 1]} : vector<2048x128xf32> to vector<128x128xf32>
    %dot_general3A_2347 = arith.constant dense<0.000000e+00> : vector<128x128xf32>
    %dot_general3A_2348 = tpu.matmul %slice3A_2345, %slice3A_2346, %dot_general3A_2347 {dimension_numbers = #tpu.dot_dimension_numbers<[1], [0], [0], [1], [0, 0, 1, 1], [], []>, transpose_lhs_hint = false} : vector<128x128xf32>, vector<128x128xf32>, vector<128x128xf32> -> vector<128x128xf32>
    %slice3A_2349 = vector.extract_strided_slice %mul3A_2332 {offsets = [512, 0], sizes = [128, 128], strides = [1, 1]} : vector<2048x128xf32> to vector<128x128xf32>
    %slice3A_2350 = vector.extract_strided_slice %slice3A_2249 {offsets = [512, 0], sizes = [128, 128], strides = [1, 1]} : vector<2048x128xf32> to vector<128x128xf32>
    %dot_general3A_2351 = arith.constant dense<0.000000e+00> : vector<128x128xf32>
    %dot_general3A_2352 = tpu.matmul %slice3A_2349, %slice3A_2350, %dot_general3A_2351 {dimension_numbers = #tpu.dot_dimension_numbers<[1], [0], [0], [1], [0, 0, 1, 1], [], []>, transpose_lhs_hint = false} : vector<128x128xf32>, vector<128x128xf32>, vector<128x128xf32> -> vector<128x128xf32>
    %slice3A_2353 = vector.extract_strided_slice %mul3A_2332 {offsets = [640, 0], sizes = [128, 128], strides = [1, 1]} : vector<2048x128xf32> to vector<128x128xf32>
    %slice3A_2354 = vector.extract_strided_slice %slice3A_2249 {offsets = [640, 0], sizes = [128, 128], strides = [1, 1]} : vector<2048x128xf32> to vector<128x128xf32>
    %dot_general3A_2355 = arith.constant dense<0.000000e+00> : vector<128x128xf32>
    %dot_general3A_2356 = tpu.matmul %slice3A_2353, %slice3A_2354, %dot_general3A_2355 {dimension_numbers = #tpu.dot_dimension_numbers<[1], [0], [0], [1], [0, 0, 1, 1], [], []>, transpose_lhs_hint = false} : vector<128x128xf32>, vector<128x128xf32>, vector<128x128xf32> -> vector<128x128xf32>
    %slice3A_2357 = vector.extract_strided_slice %mul3A_2332 {offsets = [768, 0], sizes = [128, 128], strides = [1, 1]} : vector<2048x128xf32> to vector<128x128xf32>
    %slice3A_2358 = vector.extract_strided_slice %slice3A_2249 {offsets = [768, 0], sizes = [128, 128], strides = [1, 1]} : vector<2048x128xf32> to vector<128x128xf32>
    %dot_general3A_2359 = arith.constant dense<0.000000e+00> : vector<128x128xf32>
    %dot_general3A_2360 = tpu.matmul %slice3A_2357, %slice3A_2358, %dot_general3A_2359 {dimension_numbers = #tpu.dot_dimension_numbers<[1], [0], [0], [1], [0, 0, 1, 1], [], []>, transpose_lhs_hint = false} : vector<128x128xf32>, vector<128x128xf32>, vector<128x128xf32> -> vector<128x128xf32>
    %slice3A_2361 = vector.extract_strided_slice %mul3A_2332 {offsets = [896, 0], sizes = [128, 128], strides = [1, 1]} : vector<2048x128xf32> to vector<128x128xf32>
    %slice3A_2362 = vector.extract_strided_slice %slice3A_2249 {offsets = [896, 0], sizes = [128, 128], strides = [1, 1]} : vector<2048x128xf32> to vector<128x128xf32>
    %dot_general3A_2363 = arith.constant dense<0.000000e+00> : vector<128x128xf32>
    %dot_general3A_2364 = tpu.matmul %slice3A_2361, %slice3A_2362, %dot_general3A_2363 {dimension_numbers = #tpu.dot_dimension_numbers<[1], [0], [0], [1], [0, 0, 1, 1], [], []>, transpose_lhs_hint = false} : vector<128x128xf32>, vector<128x128xf32>, vector<128x128xf32> -> vector<128x128xf32>
    %slice3A_2365 = vector.extract_strided_slice %mul3A_2332 {offsets = [1024, 0], sizes = [128, 128], strides = [1, 1]} : vector<2048x128xf32> to vector<128x128xf32>
    %slice3A_2366 = vector.extract_strided_slice %slice3A_2249 {offsets = [1024, 0], sizes = [128, 128], strides = [1, 1]} : vector<2048x128xf32> to vector<128x128xf32>
    %dot_general3A_2367 = arith.constant dense<0.000000e+00> : vector<128x128xf32>
    %dot_general3A_2368 = tpu.matmul %slice3A_2365, %slice3A_2366, %dot_general3A_2367 {dimension_numbers = #tpu.dot_dimension_numbers<[1], [0], [0], [1], [0, 0, 1, 1], [], []>, transpose_lhs_hint = false} : vector<128x128xf32>, vector<128x128xf32>, vector<128x128xf32> -> vector<128x128xf32>
    %slice3A_2369 = vector.extract_strided_slice %mul3A_2332 {offsets = [1152, 0], sizes = [128, 128], strides = [1, 1]} : vector<2048x128xf32> to vector<128x128xf32>
    %slice3A_2370 = vector.extract_strided_slice %slice3A_2249 {offsets = [1152, 0], sizes = [128, 128], strides = [1, 1]} : vector<2048x128xf32> to vector<128x128xf32>
    %dot_general3A_2371 = arith.constant dense<0.000000e+00> : vector<128x128xf32>
    %dot_general3A_2372 = tpu.matmul %slice3A_2369, %slice3A_2370, %dot_general3A_2371 {dimension_numbers = #tpu.dot_dimension_numbers<[1], [0], [0], [1], [0, 0, 1, 1], [], []>, transpose_lhs_hint = false} : vector<128x128xf32>, vector<128x128xf32>, vector<128x128xf32> -> vector<128x128xf32>
    %slice3A_2373 = vector.extract_strided_slice %mul3A_2332 {offsets = [1280, 0], sizes = [128, 128], strides = [1, 1]} : vector<2048x128xf32> to vector<128x128xf32>
    %slice3A_2374 = vector.extract_strided_slice %slice3A_2249 {offsets = [1280, 0], sizes = [128, 128], strides = [1, 1]} : vector<2048x128xf32> to vector<128x128xf32>
    %dot_general3A_2375 = arith.constant dense<0.000000e+00> : vector<128x128xf32>
    %dot_general3A_2376 = tpu.matmul %slice3A_2373, %slice3A_2374, %dot_general3A_2375 {dimension_numbers = #tpu.dot_dimension_numbers<[1], [0], [0], [1], [0, 0, 1, 1], [], []>, transpose_lhs_hint = false} : vector<128x128xf32>, vector<128x128xf32>, vector<128x128xf32> -> vector<128x128xf32>
    %slice3A_2377 = vector.extract_strided_slice %mul3A_2332 {offsets = [1408, 0], sizes = [128, 128], strides = [1, 1]} : vector<2048x128xf32> to vector<128x128xf32>
    %slice3A_2378 = vector.extract_strided_slice %slice3A_2249 {offsets = [1408, 0], sizes = [128, 128], strides = [1, 1]} : vector<2048x128xf32> to vector<128x128xf32>
    %dot_general3A_2379 = arith.constant dense<0.000000e+00> : vector<128x128xf32>
    %dot_general3A_2380 = tpu.matmul %slice3A_2377, %slice3A_2378, %dot_general3A_2379 {dimension_numbers = #tpu.dot_dimension_numbers<[1], [0], [0], [1], [0, 0, 1, 1], [], []>, transpose_lhs_hint = false} : vector<128x128xf32>, vector<128x128xf32>, vector<128x128xf32> -> vector<128x128xf32>
    %slice3A_2381 = vector.extract_strided_slice %mul3A_2332 {offsets = [1536, 0], sizes = [128, 128], strides = [1, 1]} : vector<2048x128xf32> to vector<128x128xf32>
    %slice3A_2382 = vector.extract_strided_slice %slice3A_2249 {offsets = [1536, 0], sizes = [128, 128], strides = [1, 1]} : vector<2048x128xf32> to vector<128x128xf32>
    %dot_general3A_2383 = arith.constant dense<0.000000e+00> : vector<128x128xf32>
    %dot_general3A_2384 = tpu.matmul %slice3A_2381, %slice3A_2382, %dot_general3A_2383 {dimension_numbers = #tpu.dot_dimension_numbers<[1], [0], [0], [1], [0, 0, 1, 1], [], []>, transpose_lhs_hint = false} : vector<128x128xf32>, vector<128x128xf32>, vector<128x128xf32> -> vector<128x128xf32>
    %slice3A_2385 = vector.extract_strided_slice %mul3A_2332 {offsets = [1664, 0], sizes = [128, 128], strides = [1, 1]} : vector<2048x128xf32> to vector<128x128xf32>
    %slice3A_2386 = vector.extract_strided_slice %slice3A_2249 {offsets = [1664, 0], sizes = [128, 128], strides = [1, 1]} : vector<2048x128xf32> to vector<128x128xf32>
    %dot_general3A_2387 = arith.constant dense<0.000000e+00> : vector<128x128xf32>
    %dot_general3A_2388 = tpu.matmul %slice3A_2385, %slice3A_2386, %dot_general3A_2387 {dimension_numbers = #tpu.dot_dimension_numbers<[1], [0], [0], [1], [0, 0, 1, 1], [], []>, transpose_lhs_hint = false} : vector<128x128xf32>, vector<128x128xf32>, vector<128x128xf32> -> vector<128x128xf32>
    %slice3A_2389 = vector.extract_strided_slice %mul3A_2332 {offsets = [1792, 0], sizes = [128, 128], strides = [1, 1]} : vector<2048x128xf32> to vector<128x128xf32>
    %slice3A_2390 = vector.extract_strided_slice %slice3A_2249 {offsets = [1792, 0], sizes = [128, 128], strides = [1, 1]} : vector<2048x128xf32> to vector<128x128xf32>
    %dot_general3A_2391 = arith.constant dense<0.000000e+00> : vector<128x128xf32>
    %dot_general3A_2392 = tpu.matmul %slice3A_2389, %slice3A_2390, %dot_general3A_2391 {dimension_numbers = #tpu.dot_dimension_numbers<[1], [0], [0], [1], [0, 0, 1, 1], [], []>, transpose_lhs_hint = false} : vector<128x128xf32>, vector<128x128xf32>, vector<128x128xf32> -> vector<128x128xf32>
    %slice3A_2393 = vector.extract_strided_slice %mul3A_2332 {offsets = [1920, 0], sizes = [128, 128], strides = [1, 1]} : vector<2048x128xf32> to vector<128x128xf32>
    %slice3A_2394 = vector.extract_strided_slice %slice3A_2249 {offsets = [1920, 0], sizes = [128, 128], strides = [1, 1]} : vector<2048x128xf32> to vector<128x128xf32>
    %dot_general3A_2395 = arith.constant dense<0.000000e+00> : vector<128x128xf32>
    %dot_general3A_2396 = tpu.matmul %slice3A_2393, %slice3A_2394, %dot_general3A_2395 {dimension_numbers = #tpu.dot_dimension_numbers<[1], [0], [0], [1], [0, 0, 1, 1], [], []>, transpose_lhs_hint = false} : vector<128x128xf32>, vector<128x128xf32>, vector<128x128xf32> -> vector<128x128xf32>
    %concatenate3A_2397 = tpu.concatenate %dot_general3A_2336, %dot_general3A_2340, %dot_general3A_2344, %dot_general3A_2348, %dot_general3A_2352, %dot_general3A_2356, %dot_general3A_2360, %dot_general3A_2364, %dot_general3A_2368, %dot_general3A_2372, %dot_general3A_2376, %dot_general3A_2380, %dot_general3A_2384, %dot_general3A_2388, %dot_general3A_2392, %dot_general3A_2396 in 0 : vector<128x128xf32>, vector<128x128xf32>, vector<128x128xf32>, vector<128x128xf32>, vector<128x128xf32>, vector<128x128xf32>, vector<128x128xf32>, vector<128x128xf32>, vector<128x128xf32>, vector<128x128xf32>, vector<128x128xf32>, vector<128x128xf32>, vector<128x128xf32>, vector<128x128xf32>, vector<128x128xf32>, vector<128x128xf32> -> vector<2048x128xf32>
    %slice3A_2398 = vector.extract_strided_slice %dot_general3A_1948 {offsets = [0, 384], sizes = [2048, 128], strides = [1, 1]} : vector<2048x512xf32> to vector<2048x128xf32>
    %slice3A_2399 = vector.extract_strided_slice %get3A_1937 {offsets = [3, 0], sizes = [1, 128], strides = [1, 1]} : vector<4x128xf32> to vector<1x128xf32>
    %squeeze3A_2400 = vector.shape_cast %slice3A_2399 : vector<1x128xf32> to vector<128xf32>
    %broadcast_in_dim3A_2401 = vector.shape_cast %squeeze3A_2400 : vector<128xf32> to vector<1x128xf32>
    %broadcast_in_dim3A_2402 = vector.shape_cast %broadcast_in_dim3A_2401 : vector<1x128xf32> to vector<1x128xf32>
    %broadcast_in_dim3A_2403 = vector.broadcast %broadcast_in_dim3A_2402 : vector<1x128xf32> to vector<128x128xf32>
    %slice3A_2404 = vector.extract_strided_slice %get3A_1942 {offsets = [3, 0], sizes = [1, 128], strides = [1, 1]} : vector<4x128xf32> to vector<1x128xf32>
    %squeeze3A_2405 = vector.shape_cast %slice3A_2404 : vector<1x128xf32> to vector<128xf32>
    %broadcast_in_dim3A_2406 = vector.shape_cast %squeeze3A_2405 : vector<128xf32> to vector<1x128xf32>
    %broadcast_in_dim3A_2407 = vector.shape_cast %broadcast_in_dim3A_2406 : vector<1x128xf32> to vector<1x128xf32>
    %broadcast_in_dim3A_2408 = vector.broadcast %broadcast_in_dim3A_2407 : vector<1x128xf32> to vector<128x128xf32>
    %slice3A_2409 = vector.extract_strided_slice %slice3A_2398 {offsets = [0, 0], sizes = [128, 128], strides = [1, 1]} : vector<2048x128xf32> to vector<128x128xf32>
    %dot_general3A_2410 = arith.constant dense<0.000000e+00> : vector<128x128xf32>
    %dot_general3A_2411 = tpu.matmul %broadcast_in_dim3A_2403, %slice3A_2409, %dot_general3A_2410 {dimension_numbers = #tpu.dot_dimension_numbers<[1], [1], [0], [0], [0, 0, 1, 0], [], []>, transpose_lhs_hint = false} : vector<128x128xf32>, vector<128x128xf32>, vector<128x128xf32> -> vector<128x128xf32>
    %slice3A_2412 = vector.extract_strided_slice %slice3A_2398 {offsets = [128, 0], sizes = [128, 128], strides = [1, 1]} : vector<2048x128xf32> to vector<128x128xf32>
    %dot_general3A_2413 = arith.constant dense<0.000000e+00> : vector<128x128xf32>
    %dot_general3A_2414 = tpu.matmul %broadcast_in_dim3A_2403, %slice3A_2412, %dot_general3A_2413 {dimension_numbers = #tpu.dot_dimension_numbers<[1], [1], [0], [0], [0, 0, 1, 0], [], []>, transpose_lhs_hint = false} : vector<128x128xf32>, vector<128x128xf32>, vector<128x128xf32> -> vector<128x128xf32>
    %slice3A_2415 = vector.extract_strided_slice %slice3A_2398 {offsets = [256, 0], sizes = [128, 128], strides = [1, 1]} : vector<2048x128xf32> to vector<128x128xf32>
    %dot_general3A_2416 = arith.constant dense<0.000000e+00> : vector<128x128xf32>
    %dot_general3A_2417 = tpu.matmul %broadcast_in_dim3A_2403, %slice3A_2415, %dot_general3A_2416 {dimension_numbers = #tpu.dot_dimension_numbers<[1], [1], [0], [0], [0, 0, 1, 0], [], []>, transpose_lhs_hint = false} : vector<128x128xf32>, vector<128x128xf32>, vector<128x128xf32> -> vector<128x128xf32>
    %slice3A_2418 = vector.extract_strided_slice %slice3A_2398 {offsets = [384, 0], sizes = [128, 128], strides = [1, 1]} : vector<2048x128xf32> to vector<128x128xf32>
    %dot_general3A_2419 = arith.constant dense<0.000000e+00> : vector<128x128xf32>
    %dot_general3A_2420 = tpu.matmul %broadcast_in_dim3A_2403, %slice3A_2418, %dot_general3A_2419 {dimension_numbers = #tpu.dot_dimension_numbers<[1], [1], [0], [0], [0, 0, 1, 0], [], []>, transpose_lhs_hint = false} : vector<128x128xf32>, vector<128x128xf32>, vector<128x128xf32> -> vector<128x128xf32>
    %slice3A_2421 = vector.extract_strided_slice %slice3A_2398 {offsets = [512, 0], sizes = [128, 128], strides = [1, 1]} : vector<2048x128xf32> to vector<128x128xf32>
    %dot_general3A_2422 = arith.constant dense<0.000000e+00> : vector<128x128xf32>
    %dot_general3A_2423 = tpu.matmul %broadcast_in_dim3A_2403, %slice3A_2421, %dot_general3A_2422 {dimension_numbers = #tpu.dot_dimension_numbers<[1], [1], [0], [0], [0, 0, 1, 0], [], []>, transpose_lhs_hint = false} : vector<128x128xf32>, vector<128x128xf32>, vector<128x128xf32> -> vector<128x128xf32>
    %slice3A_2424 = vector.extract_strided_slice %slice3A_2398 {offsets = [640, 0], sizes = [128, 128], strides = [1, 1]} : vector<2048x128xf32> to vector<128x128xf32>
    %dot_general3A_2425 = arith.constant dense<0.000000e+00> : vector<128x128xf32>
    %dot_general3A_2426 = tpu.matmul %broadcast_in_dim3A_2403, %slice3A_2424, %dot_general3A_2425 {dimension_numbers = #tpu.dot_dimension_numbers<[1], [1], [0], [0], [0, 0, 1, 0], [], []>, transpose_lhs_hint = false} : vector<128x128xf32>, vector<128x128xf32>, vector<128x128xf32> -> vector<128x128xf32>
    %slice3A_2427 = vector.extract_strided_slice %slice3A_2398 {offsets = [768, 0], sizes = [128, 128], strides = [1, 1]} : vector<2048x128xf32> to vector<128x128xf32>
    %dot_general3A_2428 = arith.constant dense<0.000000e+00> : vector<128x128xf32>
    %dot_general3A_2429 = tpu.matmul %broadcast_in_dim3A_2403, %slice3A_2427, %dot_general3A_2428 {dimension_numbers = #tpu.dot_dimension_numbers<[1], [1], [0], [0], [0, 0, 1, 0], [], []>, transpose_lhs_hint = false} : vector<128x128xf32>, vector<128x128xf32>, vector<128x128xf32> -> vector<128x128xf32>
    %slice3A_2430 = vector.extract_strided_slice %slice3A_2398 {offsets = [896, 0], sizes = [128, 128], strides = [1, 1]} : vector<2048x128xf32> to vector<128x128xf32>
    %dot_general3A_2431 = arith.constant dense<0.000000e+00> : vector<128x128xf32>
    %dot_general3A_2432 = tpu.matmul %broadcast_in_dim3A_2403, %slice3A_2430, %dot_general3A_2431 {dimension_numbers = #tpu.dot_dimension_numbers<[1], [1], [0], [0], [0, 0, 1, 0], [], []>, transpose_lhs_hint = false} : vector<128x128xf32>, vector<128x128xf32>, vector<128x128xf32> -> vector<128x128xf32>
    %slice3A_2433 = vector.extract_strided_slice %slice3A_2398 {offsets = [1024, 0], sizes = [128, 128], strides = [1, 1]} : vector<2048x128xf32> to vector<128x128xf32>
    %dot_general3A_2434 = arith.constant dense<0.000000e+00> : vector<128x128xf32>
    %dot_general3A_2435 = tpu.matmul %broadcast_in_dim3A_2403, %slice3A_2433, %dot_general3A_2434 {dimension_numbers = #tpu.dot_dimension_numbers<[1], [1], [0], [0], [0, 0, 1, 0], [], []>, transpose_lhs_hint = false} : vector<128x128xf32>, vector<128x128xf32>, vector<128x128xf32> -> vector<128x128xf32>
    %slice3A_2436 = vector.extract_strided_slice %slice3A_2398 {offsets = [1152, 0], sizes = [128, 128], strides = [1, 1]} : vector<2048x128xf32> to vector<128x128xf32>
    %dot_general3A_2437 = arith.constant dense<0.000000e+00> : vector<128x128xf32>
    %dot_general3A_2438 = tpu.matmul %broadcast_in_dim3A_2403, %slice3A_2436, %dot_general3A_2437 {dimension_numbers = #tpu.dot_dimension_numbers<[1], [1], [0], [0], [0, 0, 1, 0], [], []>, transpose_lhs_hint = false} : vector<128x128xf32>, vector<128x128xf32>, vector<128x128xf32> -> vector<128x128xf32>
    %slice3A_2439 = vector.extract_strided_slice %slice3A_2398 {offsets = [1280, 0], sizes = [128, 128], strides = [1, 1]} : vector<2048x128xf32> to vector<128x128xf32>
    %dot_general3A_2440 = arith.constant dense<0.000000e+00> : vector<128x128xf32>
    %dot_general3A_2441 = tpu.matmul %broadcast_in_dim3A_2403, %slice3A_2439, %dot_general3A_2440 {dimension_numbers = #tpu.dot_dimension_numbers<[1], [1], [0], [0], [0, 0, 1, 0], [], []>, transpose_lhs_hint = false} : vector<128x128xf32>, vector<128x128xf32>, vector<128x128xf32> -> vector<128x128xf32>
    %slice3A_2442 = vector.extract_strided_slice %slice3A_2398 {offsets = [1408, 0], sizes = [128, 128], strides = [1, 1]} : vector<2048x128xf32> to vector<128x128xf32>
    %dot_general3A_2443 = arith.constant dense<0.000000e+00> : vector<128x128xf32>
    %dot_general3A_2444 = tpu.matmul %broadcast_in_dim3A_2403, %slice3A_2442, %dot_general3A_2443 {dimension_numbers = #tpu.dot_dimension_numbers<[1], [1], [0], [0], [0, 0, 1, 0], [], []>, transpose_lhs_hint = false} : vector<128x128xf32>, vector<128x128xf32>, vector<128x128xf32> -> vector<128x128xf32>
    %slice3A_2445 = vector.extract_strided_slice %slice3A_2398 {offsets = [1536, 0], sizes = [128, 128], strides = [1, 1]} : vector<2048x128xf32> to vector<128x128xf32>
    %dot_general3A_2446 = arith.constant dense<0.000000e+00> : vector<128x128xf32>
    %dot_general3A_2447 = tpu.matmul %broadcast_in_dim3A_2403, %slice3A_2445, %dot_general3A_2446 {dimension_numbers = #tpu.dot_dimension_numbers<[1], [1], [0], [0], [0, 0, 1, 0], [], []>, transpose_lhs_hint = false} : vector<128x128xf32>, vector<128x128xf32>, vector<128x128xf32> -> vector<128x128xf32>
    %slice3A_2448 = vector.extract_strided_slice %slice3A_2398 {offsets = [1664, 0], sizes = [128, 128], strides = [1, 1]} : vector<2048x128xf32> to vector<128x128xf32>
    %dot_general3A_2449 = arith.constant dense<0.000000e+00> : vector<128x128xf32>
    %dot_general3A_2450 = tpu.matmul %broadcast_in_dim3A_2403, %slice3A_2448, %dot_general3A_2449 {dimension_numbers = #tpu.dot_dimension_numbers<[1], [1], [0], [0], [0, 0, 1, 0], [], []>, transpose_lhs_hint = false} : vector<128x128xf32>, vector<128x128xf32>, vector<128x128xf32> -> vector<128x128xf32>
    %slice3A_2451 = vector.extract_strided_slice %slice3A_2398 {offsets = [1792, 0], sizes = [128, 128], strides = [1, 1]} : vector<2048x128xf32> to vector<128x128xf32>
    %dot_general3A_2452 = arith.constant dense<0.000000e+00> : vector<128x128xf32>
    %dot_general3A_2453 = tpu.matmul %broadcast_in_dim3A_2403, %slice3A_2451, %dot_general3A_2452 {dimension_numbers = #tpu.dot_dimension_numbers<[1], [1], [0], [0], [0, 0, 1, 0], [], []>, transpose_lhs_hint = false} : vector<128x128xf32>, vector<128x128xf32>, vector<128x128xf32> -> vector<128x128xf32>
    %slice3A_2454 = vector.extract_strided_slice %slice3A_2398 {offsets = [1920, 0], sizes = [128, 128], strides = [1, 1]} : vector<2048x128xf32> to vector<128x128xf32>
    %dot_general3A_2455 = arith.constant dense<0.000000e+00> : vector<128x128xf32>
    %dot_general3A_2456 = tpu.matmul %broadcast_in_dim3A_2403, %slice3A_2454, %dot_general3A_2455 {dimension_numbers = #tpu.dot_dimension_numbers<[1], [1], [0], [0], [0, 0, 1, 0], [], []>, transpose_lhs_hint = false} : vector<128x128xf32>, vector<128x128xf32>, vector<128x128xf32> -> vector<128x128xf32>
    %concatenate3A_2457 = tpu.concatenate %dot_general3A_2411, %dot_general3A_2414, %dot_general3A_2417, %dot_general3A_2420, %dot_general3A_2423, %dot_general3A_2426, %dot_general3A_2429, %dot_general3A_2432, %dot_general3A_2435, %dot_general3A_2438, %dot_general3A_2441, %dot_general3A_2444, %dot_general3A_2447, %dot_general3A_2450, %dot_general3A_2453, %dot_general3A_2456 in 0 : vector<128x128xf32>, vector<128x128xf32>, vector<128x128xf32>, vector<128x128xf32>, vector<128x128xf32>, vector<128x128xf32>, vector<128x128xf32>, vector<128x128xf32>, vector<128x128xf32>, vector<128x128xf32>, vector<128x128xf32>, vector<128x128xf32>, vector<128x128xf32>, vector<128x128xf32>, vector<128x128xf32>, vector<128x128xf32> -> vector<2048x128xf32>
    %dot_general3A_2458 = arith.constant dense<0.000000e+00> : vector<2048x128xf32>
    %dot_general3A_2459 = tpu.matmul %slice3A_2398, %broadcast_in_dim3A_2408, %dot_general3A_2458 {dimension_numbers = #tpu.dot_dimension_numbers<[1], [1], [0], [0], [0, 0, 1, 0], [], []>, transpose_lhs_hint = false} : vector<2048x128xf32>, vector<128x128xf32>, vector<2048x128xf32> -> vector<2048x128xf32>
    %add3A_2460 = arith.addf %concatenate3A_2457, %dot_general3A_2459 : vector<2048x128xf32>
    %gt3A_2461 = arith.constant 0.000000e+00 : f32
    %gt3A_2462 = vector.broadcast %gt3A_2461 : f32 to vector<2048x128xf32>
    %gt3A_2463 = arith.cmpf ogt, %add3A_2460, %gt3A_2462 : vector<2048x128xf32>
    %mul3A_2464 = arith.constant 2.000000e-01 : f32
    %mul3A_2465 = vector.broadcast %mul3A_2464 : f32 to vector<2048x128xf32>
    %mul3A_2466 = arith.mulf %mul3A_2465, %add3A_2460 : vector<2048x128xf32>
    %select_n3A_2467 = arith.select %gt3A_2463, %add3A_2460, %mul3A_2466 : vector<2048x128xi1>, vector<2048x128xf32>
    %min3A_2468 = arith.constant 6.000000e+01 : f32
    %min3A_2469 = vector.broadcast %min3A_2468 : f32 to vector<2048x128xf32>
    %min3A_2470 = arith.minimumf %select_n3A_2467, %min3A_2469 : vector<2048x128xf32>
    %exp3A_2471 = math.exp %min3A_2470 : vector<2048x128xf32>
    %mul3A_2472 = arith.mulf %mul3A_1927, %exp3A_2471 : vector<2048x128xf32>
    %dot_general3A_2473 = arith.constant dense<0.000000e+00> : vector<2048x128xf32>
    %dot_general3A_2474 = tpu.matmul %mul3A_2472, %broadcast_in_dim3A_1950, %dot_general3A_2473 {dimension_numbers = #tpu.dot_dimension_numbers<[1], [0], [0], [1], [0, 0, 1, 1], [], []>, transpose_lhs_hint = false} : vector<2048x128xf32>, vector<128x128xf32>, vector<2048x128xf32> -> vector<2048x128xf32>
    %add3A_2475 = arith.constant 1.000000e-16 : f32
    %add3A_2476 = vector.broadcast %add3A_2475 : f32 to vector<2048x128xf32>
    %add3A_2477 = arith.addf %dot_general3A_2474, %add3A_2476 : vector<2048x128xf32>
    %div3A_2478 = arith.constant 1.000000e+00 : f32
    %div3A_2479 = vector.broadcast %div3A_2478 : f32 to vector<2048x128xf32>
    %div3A_2480 = arith.divf %div3A_2479, %add3A_2477 : vector<2048x128xf32>
    %mul3A_2481 = arith.mulf %mul3A_2472, %div3A_2480 : vector<2048x128xf32>
    %slice3A_2482 = vector.extract_strided_slice %mul3A_2481 {offsets = [0, 0], sizes = [128, 128], strides = [1, 1]} : vector<2048x128xf32> to vector<128x128xf32>
    %slice3A_2483 = vector.extract_strided_slice %slice3A_2398 {offsets = [0, 0], sizes = [128, 128], strides = [1, 1]} : vector<2048x128xf32> to vector<128x128xf32>
    %dot_general3A_2484 = arith.constant dense<0.000000e+00> : vector<128x128xf32>
    %dot_general3A_2485 = tpu.matmul %slice3A_2482, %slice3A_2483, %dot_general3A_2484 {dimension_numbers = #tpu.dot_dimension_numbers<[1], [0], [0], [1], [0, 0, 1, 1], [], []>, transpose_lhs_hint = false} : vector<128x128xf32>, vector<128x128xf32>, vector<128x128xf32> -> vector<128x128xf32>
    %slice3A_2486 = vector.extract_strided_slice %mul3A_2481 {offsets = [128, 0], sizes = [128, 128], strides = [1, 1]} : vector<2048x128xf32> to vector<128x128xf32>
    %slice3A_2487 = vector.extract_strided_slice %slice3A_2398 {offsets = [128, 0], sizes = [128, 128], strides = [1, 1]} : vector<2048x128xf32> to vector<128x128xf32>
    %dot_general3A_2488 = arith.constant dense<0.000000e+00> : vector<128x128xf32>
    %dot_general3A_2489 = tpu.matmul %slice3A_2486, %slice3A_2487, %dot_general3A_2488 {dimension_numbers = #tpu.dot_dimension_numbers<[1], [0], [0], [1], [0, 0, 1, 1], [], []>, transpose_lhs_hint = false} : vector<128x128xf32>, vector<128x128xf32>, vector<128x128xf32> -> vector<128x128xf32>
    %slice3A_2490 = vector.extract_strided_slice %mul3A_2481 {offsets = [256, 0], sizes = [128, 128], strides = [1, 1]} : vector<2048x128xf32> to vector<128x128xf32>
    %slice3A_2491 = vector.extract_strided_slice %slice3A_2398 {offsets = [256, 0], sizes = [128, 128], strides = [1, 1]} : vector<2048x128xf32> to vector<128x128xf32>
    %dot_general3A_2492 = arith.constant dense<0.000000e+00> : vector<128x128xf32>
    %dot_general3A_2493 = tpu.matmul %slice3A_2490, %slice3A_2491, %dot_general3A_2492 {dimension_numbers = #tpu.dot_dimension_numbers<[1], [0], [0], [1], [0, 0, 1, 1], [], []>, transpose_lhs_hint = false} : vector<128x128xf32>, vector<128x128xf32>, vector<128x128xf32> -> vector<128x128xf32>
    %slice3A_2494 = vector.extract_strided_slice %mul3A_2481 {offsets = [384, 0], sizes = [128, 128], strides = [1, 1]} : vector<2048x128xf32> to vector<128x128xf32>
    %slice3A_2495 = vector.extract_strided_slice %slice3A_2398 {offsets = [384, 0], sizes = [128, 128], strides = [1, 1]} : vector<2048x128xf32> to vector<128x128xf32>
    %dot_general3A_2496 = arith.constant dense<0.000000e+00> : vector<128x128xf32>
    %dot_general3A_2497 = tpu.matmul %slice3A_2494, %slice3A_2495, %dot_general3A_2496 {dimension_numbers = #tpu.dot_dimension_numbers<[1], [0], [0], [1], [0, 0, 1, 1], [], []>, transpose_lhs_hint = false} : vector<128x128xf32>, vector<128x128xf32>, vector<128x128xf32> -> vector<128x128xf32>
    %slice3A_2498 = vector.extract_strided_slice %mul3A_2481 {offsets = [512, 0], sizes = [128, 128], strides = [1, 1]} : vector<2048x128xf32> to vector<128x128xf32>
    %slice3A_2499 = vector.extract_strided_slice %slice3A_2398 {offsets = [512, 0], sizes = [128, 128], strides = [1, 1]} : vector<2048x128xf32> to vector<128x128xf32>
    %dot_general3A_2500 = arith.constant dense<0.000000e+00> : vector<128x128xf32>
    %dot_general3A_2501 = tpu.matmul %slice3A_2498, %slice3A_2499, %dot_general3A_2500 {dimension_numbers = #tpu.dot_dimension_numbers<[1], [0], [0], [1], [0, 0, 1, 1], [], []>, transpose_lhs_hint = false} : vector<128x128xf32>, vector<128x128xf32>, vector<128x128xf32> -> vector<128x128xf32>
    %slice3A_2502 = vector.extract_strided_slice %mul3A_2481 {offsets = [640, 0], sizes = [128, 128], strides = [1, 1]} : vector<2048x128xf32> to vector<128x128xf32>
    %slice3A_2503 = vector.extract_strided_slice %slice3A_2398 {offsets = [640, 0], sizes = [128, 128], strides = [1, 1]} : vector<2048x128xf32> to vector<128x128xf32>
    %dot_general3A_2504 = arith.constant dense<0.000000e+00> : vector<128x128xf32>
    %dot_general3A_2505 = tpu.matmul %slice3A_2502, %slice3A_2503, %dot_general3A_2504 {dimension_numbers = #tpu.dot_dimension_numbers<[1], [0], [0], [1], [0, 0, 1, 1], [], []>, transpose_lhs_hint = false} : vector<128x128xf32>, vector<128x128xf32>, vector<128x128xf32> -> vector<128x128xf32>
    %slice3A_2506 = vector.extract_strided_slice %mul3A_2481 {offsets = [768, 0], sizes = [128, 128], strides = [1, 1]} : vector<2048x128xf32> to vector<128x128xf32>
    %slice3A_2507 = vector.extract_strided_slice %slice3A_2398 {offsets = [768, 0], sizes = [128, 128], strides = [1, 1]} : vector<2048x128xf32> to vector<128x128xf32>
    %dot_general3A_2508 = arith.constant dense<0.000000e+00> : vector<128x128xf32>
    %dot_general3A_2509 = tpu.matmul %slice3A_2506, %slice3A_2507, %dot_general3A_2508 {dimension_numbers = #tpu.dot_dimension_numbers<[1], [0], [0], [1], [0, 0, 1, 1], [], []>, transpose_lhs_hint = false} : vector<128x128xf32>, vector<128x128xf32>, vector<128x128xf32> -> vector<128x128xf32>
    %slice3A_2510 = vector.extract_strided_slice %mul3A_2481 {offsets = [896, 0], sizes = [128, 128], strides = [1, 1]} : vector<2048x128xf32> to vector<128x128xf32>
    %slice3A_2511 = vector.extract_strided_slice %slice3A_2398 {offsets = [896, 0], sizes = [128, 128], strides = [1, 1]} : vector<2048x128xf32> to vector<128x128xf32>
    %dot_general3A_2512 = arith.constant dense<0.000000e+00> : vector<128x128xf32>
    %dot_general3A_2513 = tpu.matmul %slice3A_2510, %slice3A_2511, %dot_general3A_2512 {dimension_numbers = #tpu.dot_dimension_numbers<[1], [0], [0], [1], [0, 0, 1, 1], [], []>, transpose_lhs_hint = false} : vector<128x128xf32>, vector<128x128xf32>, vector<128x128xf32> -> vector<128x128xf32>
    %slice3A_2514 = vector.extract_strided_slice %mul3A_2481 {offsets = [1024, 0], sizes = [128, 128], strides = [1, 1]} : vector<2048x128xf32> to vector<128x128xf32>
    %slice3A_2515 = vector.extract_strided_slice %slice3A_2398 {offsets = [1024, 0], sizes = [128, 128], strides = [1, 1]} : vector<2048x128xf32> to vector<128x128xf32>
    %dot_general3A_2516 = arith.constant dense<0.000000e+00> : vector<128x128xf32>
    %dot_general3A_2517 = tpu.matmul %slice3A_2514, %slice3A_2515, %dot_general3A_2516 {dimension_numbers = #tpu.dot_dimension_numbers<[1], [0], [0], [1], [0, 0, 1, 1], [], []>, transpose_lhs_hint = false} : vector<128x128xf32>, vector<128x128xf32>, vector<128x128xf32> -> vector<128x128xf32>
    %slice3A_2518 = vector.extract_strided_slice %mul3A_2481 {offsets = [1152, 0], sizes = [128, 128], strides = [1, 1]} : vector<2048x128xf32> to vector<128x128xf32>
    %slice3A_2519 = vector.extract_strided_slice %slice3A_2398 {offsets = [1152, 0], sizes = [128, 128], strides = [1, 1]} : vector<2048x128xf32> to vector<128x128xf32>
    %dot_general3A_2520 = arith.constant dense<0.000000e+00> : vector<128x128xf32>
    %dot_general3A_2521 = tpu.matmul %slice3A_2518, %slice3A_2519, %dot_general3A_2520 {dimension_numbers = #tpu.dot_dimension_numbers<[1], [0], [0], [1], [0, 0, 1, 1], [], []>, transpose_lhs_hint = false} : vector<128x128xf32>, vector<128x128xf32>, vector<128x128xf32> -> vector<128x128xf32>
    %slice3A_2522 = vector.extract_strided_slice %mul3A_2481 {offsets = [1280, 0], sizes = [128, 128], strides = [1, 1]} : vector<2048x128xf32> to vector<128x128xf32>
    %slice3A_2523 = vector.extract_strided_slice %slice3A_2398 {offsets = [1280, 0], sizes = [128, 128], strides = [1, 1]} : vector<2048x128xf32> to vector<128x128xf32>
    %dot_general3A_2524 = arith.constant dense<0.000000e+00> : vector<128x128xf32>
    %dot_general3A_2525 = tpu.matmul %slice3A_2522, %slice3A_2523, %dot_general3A_2524 {dimension_numbers = #tpu.dot_dimension_numbers<[1], [0], [0], [1], [0, 0, 1, 1], [], []>, transpose_lhs_hint = false} : vector<128x128xf32>, vector<128x128xf32>, vector<128x128xf32> -> vector<128x128xf32>
    %slice3A_2526 = vector.extract_strided_slice %mul3A_2481 {offsets = [1408, 0], sizes = [128, 128], strides = [1, 1]} : vector<2048x128xf32> to vector<128x128xf32>
    %slice3A_2527 = vector.extract_strided_slice %slice3A_2398 {offsets = [1408, 0], sizes = [128, 128], strides = [1, 1]} : vector<2048x128xf32> to vector<128x128xf32>
    %dot_general3A_2528 = arith.constant dense<0.000000e+00> : vector<128x128xf32>
    %dot_general3A_2529 = tpu.matmul %slice3A_2526, %slice3A_2527, %dot_general3A_2528 {dimension_numbers = #tpu.dot_dimension_numbers<[1], [0], [0], [1], [0, 0, 1, 1], [], []>, transpose_lhs_hint = false} : vector<128x128xf32>, vector<128x128xf32>, vector<128x128xf32> -> vector<128x128xf32>
    %slice3A_2530 = vector.extract_strided_slice %mul3A_2481 {offsets = [1536, 0], sizes = [128, 128], strides = [1, 1]} : vector<2048x128xf32> to vector<128x128xf32>
    %slice3A_2531 = vector.extract_strided_slice %slice3A_2398 {offsets = [1536, 0], sizes = [128, 128], strides = [1, 1]} : vector<2048x128xf32> to vector<128x128xf32>
    %dot_general3A_2532 = arith.constant dense<0.000000e+00> : vector<128x128xf32>
    %dot_general3A_2533 = tpu.matmul %slice3A_2530, %slice3A_2531, %dot_general3A_2532 {dimension_numbers = #tpu.dot_dimension_numbers<[1], [0], [0], [1], [0, 0, 1, 1], [], []>, transpose_lhs_hint = false} : vector<128x128xf32>, vector<128x128xf32>, vector<128x128xf32> -> vector<128x128xf32>
    %slice3A_2534 = vector.extract_strided_slice %mul3A_2481 {offsets = [1664, 0], sizes = [128, 128], strides = [1, 1]} : vector<2048x128xf32> to vector<128x128xf32>
    %slice3A_2535 = vector.extract_strided_slice %slice3A_2398 {offsets = [1664, 0], sizes = [128, 128], strides = [1, 1]} : vector<2048x128xf32> to vector<128x128xf32>
    %dot_general3A_2536 = arith.constant dense<0.000000e+00> : vector<128x128xf32>
    %dot_general3A_2537 = tpu.matmul %slice3A_2534, %slice3A_2535, %dot_general3A_2536 {dimension_numbers = #tpu.dot_dimension_numbers<[1], [0], [0], [1], [0, 0, 1, 1], [], []>, transpose_lhs_hint = false} : vector<128x128xf32>, vector<128x128xf32>, vector<128x128xf32> -> vector<128x128xf32>
    %slice3A_2538 = vector.extract_strided_slice %mul3A_2481 {offsets = [1792, 0], sizes = [128, 128], strides = [1, 1]} : vector<2048x128xf32> to vector<128x128xf32>
    %slice3A_2539 = vector.extract_strided_slice %slice3A_2398 {offsets = [1792, 0], sizes = [128, 128], strides = [1, 1]} : vector<2048x128xf32> to vector<128x128xf32>
    %dot_general3A_2540 = arith.constant dense<0.000000e+00> : vector<128x128xf32>
    %dot_general3A_2541 = tpu.matmul %slice3A_2538, %slice3A_2539, %dot_general3A_2540 {dimension_numbers = #tpu.dot_dimension_numbers<[1], [0], [0], [1], [0, 0, 1, 1], [], []>, transpose_lhs_hint = false} : vector<128x128xf32>, vector<128x128xf32>, vector<128x128xf32> -> vector<128x128xf32>
    %slice3A_2542 = vector.extract_strided_slice %mul3A_2481 {offsets = [1920, 0], sizes = [128, 128], strides = [1, 1]} : vector<2048x128xf32> to vector<128x128xf32>
    %slice3A_2543 = vector.extract_strided_slice %slice3A_2398 {offsets = [1920, 0], sizes = [128, 128], strides = [1, 1]} : vector<2048x128xf32> to vector<128x128xf32>
    %dot_general3A_2544 = arith.constant dense<0.000000e+00> : vector<128x128xf32>
    %dot_general3A_2545 = tpu.matmul %slice3A_2542, %slice3A_2543, %dot_general3A_2544 {dimension_numbers = #tpu.dot_dimension_numbers<[1], [0], [0], [1], [0, 0, 1, 1], [], []>, transpose_lhs_hint = false} : vector<128x128xf32>, vector<128x128xf32>, vector<128x128xf32> -> vector<128x128xf32>
    %concatenate3A_2546 = tpu.concatenate %dot_general3A_2485, %dot_general3A_2489, %dot_general3A_2493, %dot_general3A_2497, %dot_general3A_2501, %dot_general3A_2505, %dot_general3A_2509, %dot_general3A_2513, %dot_general3A_2517, %dot_general3A_2521, %dot_general3A_2525, %dot_general3A_2529, %dot_general3A_2533, %dot_general3A_2537, %dot_general3A_2541, %dot_general3A_2545 in 0 : vector<128x128xf32>, vector<128x128xf32>, vector<128x128xf32>, vector<128x128xf32>, vector<128x128xf32>, vector<128x128xf32>, vector<128x128xf32>, vector<128x128xf32>, vector<128x128xf32>, vector<128x128xf32>, vector<128x128xf32>, vector<128x128xf32>, vector<128x128xf32>, vector<128x128xf32>, vector<128x128xf32>, vector<128x128xf32> -> vector<2048x128xf32>
    %concatenate3A_2547 = tpu.concatenate %concatenate3A_2099, %concatenate3A_2248, %concatenate3A_2397, %concatenate3A_2546 in 1 : vector<2048x128xf32>, vector<2048x128xf32>, vector<2048x128xf32>, vector<2048x128xf32> -> vector<2048x512xf32>
    %broadcast_in_dim3A_2548 = vector.shape_cast %get3A_1946 : vector<512xf32> to vector<1x512xf32>
    %add3A_2549 = vector.broadcast %broadcast_in_dim3A_2548 : vector<1x512xf32> to vector<2048x512xf32>
    %add3A_2550 = arith.addf %concatenate3A_2547, %add3A_2549 : vector<2048x512xf32>
    %gt3A_2551 = arith.constant 0.000000e+00 : f32
    %gt3A_2552 = vector.broadcast %gt3A_2551 : f32 to vector<2048x512xf32>
    %gt3A_2553 = arith.cmpf ogt, %add3A_2550, %gt3A_2552 : vector<2048x512xf32>
    %min3A_2554 = arith.constant 0.000000e+00 : f32
    %min3A_2555 = vector.broadcast %min3A_2554 : f32 to vector<2048x512xf32>
    %min3A_2556 = arith.minimumf %add3A_2550, %min3A_2555 : vector<2048x512xf32>
    %exp3A_2557 = math.exp %min3A_2556 : vector<2048x512xf32>
    %sub3A_2558 = arith.constant 1.000000e+00 : f32
    %sub3A_2559 = vector.broadcast %sub3A_2558 : f32 to vector<2048x512xf32>
    %sub3A_2560 = arith.subf %exp3A_2557, %sub3A_2559 : vector<2048x512xf32>
    %select_n3A_2561 = arith.select %gt3A_2553, %add3A_2550, %sub3A_2560 : vector<2048x512xi1>, vector<2048x512xf32>
    %get3A_2562 = arith.constant 2 : index
    %get3A_2563 = arith.constant 0 : index
    %get3A_2564 = arith.constant 0 : index
    %get3A_2565 = vector.load %arg13[%get3A_2562, %get3A_2563, %get3A_2564] : memref<3x512x128xf32, #tpu.memory_space<vmem>>, vector<1x512x128xf32>
    %get3A_2566 = vector.shape_cast %get3A_2565 : vector<1x512x128xf32> to vector<512x128xf32>
    %get3A_2567 = arith.constant 2 : index
    %get3A_2568 = arith.constant 0 : index
    %get3A_2569 = arith.constant 0 : index
    %get3A_2570 = vector.load %arg14[%get3A_2567, %get3A_2568, %get3A_2569] : memref<3x1x128xf32, #tpu.memory_space<vmem>>, vector<1x1x128xf32>
    %get3A_2571 = vector.shape_cast %get3A_2570 : vector<1x1x128xf32> to vector<1x128xf32>
    %get3A_2572 = arith.constant 2 : index
    %get3A_2573 = arith.constant 0 : index
    %get3A_2574 = arith.constant 0 : index
    %get3A_2575 = vector.load %arg15[%get3A_2572, %get3A_2573, %get3A_2574] : memref<3x1x128xf32, #tpu.memory_space<vmem>>, vector<1x1x128xf32>
    %get3A_2576 = vector.shape_cast %get3A_2575 : vector<1x1x128xf32> to vector<1x128xf32>
    %get3A_2577 = arith.constant 2 : index
    %get3A_2578 = arith.constant 0 : index
    %get3A_2579 = vector.load %arg16[%get3A_2577, %get3A_2578] : memref<3x128xf32, #tpu.memory_space<vmem>>, vector<1x128xf32>
    %get3A_2580 = vector.shape_cast %get3A_2579 : vector<1x128xf32> to vector<128xf32>
    %dot_general3A_2581 = arith.constant dense<0.000000e+00> : vector<2048x128xf32>
    %dot_general3A_2582 = tpu.matmul %select_n3A_2561, %get3A_2566, %dot_general3A_2581 {dimension_numbers = #tpu.dot_dimension_numbers<[1], [0], [0], [1], [0, 0, 1, 1], [], []>, transpose_lhs_hint = false} : vector<2048x512xf32>, vector<512x128xf32>, vector<2048x128xf32> -> vector<2048x128xf32>
    %broadcast_in_dim3A_2583 = arith.constant 1.000000e+00 : f32
    %broadcast_in_dim3A_2584 = vector.broadcast %broadcast_in_dim3A_2583 : f32 to vector<128x128xf32>
    %squeeze3A_2585 = vector.shape_cast %get3A_2571 : vector<1x128xf32> to vector<128xf32>
    %broadcast_in_dim3A_2586 = vector.shape_cast %squeeze3A_2585 : vector<128xf32> to vector<1x128xf32>
    %broadcast_in_dim3A_2587 = vector.shape_cast %broadcast_in_dim3A_2586 : vector<1x128xf32> to vector<1x128xf32>
    %broadcast_in_dim3A_2588 = vector.broadcast %broadcast_in_dim3A_2587 : vector<1x128xf32> to vector<128x128xf32>
    %squeeze3A_2589 = vector.shape_cast %get3A_2576 : vector<1x128xf32> to vector<128xf32>
    %broadcast_in_dim3A_2590 = vector.shape_cast %squeeze3A_2589 : vector<128xf32> to vector<1x128xf32>
    %broadcast_in_dim3A_2591 = vector.shape_cast %broadcast_in_dim3A_2590 : vector<1x128xf32> to vector<1x128xf32>
    %broadcast_in_dim3A_2592 = vector.broadcast %broadcast_in_dim3A_2591 : vector<1x128xf32> to vector<128x128xf32>
    %slice3A_2593 = vector.extract_strided_slice %dot_general3A_2582 {offsets = [0, 0], sizes = [128, 128], strides = [1, 1]} : vector<2048x128xf32> to vector<128x128xf32>
    %dot_general3A_2594 = arith.constant dense<0.000000e+00> : vector<128x128xf32>
    %dot_general3A_2595 = tpu.matmul %broadcast_in_dim3A_2588, %slice3A_2593, %dot_general3A_2594 {dimension_numbers = #tpu.dot_dimension_numbers<[1], [1], [0], [0], [0, 0, 1, 0], [], []>, transpose_lhs_hint = false} : vector<128x128xf32>, vector<128x128xf32>, vector<128x128xf32> -> vector<128x128xf32>
    %slice3A_2596 = vector.extract_strided_slice %dot_general3A_2582 {offsets = [128, 0], sizes = [128, 128], strides = [1, 1]} : vector<2048x128xf32> to vector<128x128xf32>
    %dot_general3A_2597 = arith.constant dense<0.000000e+00> : vector<128x128xf32>
    %dot_general3A_2598 = tpu.matmul %broadcast_in_dim3A_2588, %slice3A_2596, %dot_general3A_2597 {dimension_numbers = #tpu.dot_dimension_numbers<[1], [1], [0], [0], [0, 0, 1, 0], [], []>, transpose_lhs_hint = false} : vector<128x128xf32>, vector<128x128xf32>, vector<128x128xf32> -> vector<128x128xf32>
    %slice3A_2599 = vector.extract_strided_slice %dot_general3A_2582 {offsets = [256, 0], sizes = [128, 128], strides = [1, 1]} : vector<2048x128xf32> to vector<128x128xf32>
    %dot_general3A_2600 = arith.constant dense<0.000000e+00> : vector<128x128xf32>
    %dot_general3A_2601 = tpu.matmul %broadcast_in_dim3A_2588, %slice3A_2599, %dot_general3A_2600 {dimension_numbers = #tpu.dot_dimension_numbers<[1], [1], [0], [0], [0, 0, 1, 0], [], []>, transpose_lhs_hint = false} : vector<128x128xf32>, vector<128x128xf32>, vector<128x128xf32> -> vector<128x128xf32>
    %slice3A_2602 = vector.extract_strided_slice %dot_general3A_2582 {offsets = [384, 0], sizes = [128, 128], strides = [1, 1]} : vector<2048x128xf32> to vector<128x128xf32>
    %dot_general3A_2603 = arith.constant dense<0.000000e+00> : vector<128x128xf32>
    %dot_general3A_2604 = tpu.matmul %broadcast_in_dim3A_2588, %slice3A_2602, %dot_general3A_2603 {dimension_numbers = #tpu.dot_dimension_numbers<[1], [1], [0], [0], [0, 0, 1, 0], [], []>, transpose_lhs_hint = false} : vector<128x128xf32>, vector<128x128xf32>, vector<128x128xf32> -> vector<128x128xf32>
    %slice3A_2605 = vector.extract_strided_slice %dot_general3A_2582 {offsets = [512, 0], sizes = [128, 128], strides = [1, 1]} : vector<2048x128xf32> to vector<128x128xf32>
    %dot_general3A_2606 = arith.constant dense<0.000000e+00> : vector<128x128xf32>
    %dot_general3A_2607 = tpu.matmul %broadcast_in_dim3A_2588, %slice3A_2605, %dot_general3A_2606 {dimension_numbers = #tpu.dot_dimension_numbers<[1], [1], [0], [0], [0, 0, 1, 0], [], []>, transpose_lhs_hint = false} : vector<128x128xf32>, vector<128x128xf32>, vector<128x128xf32> -> vector<128x128xf32>
    %slice3A_2608 = vector.extract_strided_slice %dot_general3A_2582 {offsets = [640, 0], sizes = [128, 128], strides = [1, 1]} : vector<2048x128xf32> to vector<128x128xf32>
    %dot_general3A_2609 = arith.constant dense<0.000000e+00> : vector<128x128xf32>
    %dot_general3A_2610 = tpu.matmul %broadcast_in_dim3A_2588, %slice3A_2608, %dot_general3A_2609 {dimension_numbers = #tpu.dot_dimension_numbers<[1], [1], [0], [0], [0, 0, 1, 0], [], []>, transpose_lhs_hint = false} : vector<128x128xf32>, vector<128x128xf32>, vector<128x128xf32> -> vector<128x128xf32>
    %slice3A_2611 = vector.extract_strided_slice %dot_general3A_2582 {offsets = [768, 0], sizes = [128, 128], strides = [1, 1]} : vector<2048x128xf32> to vector<128x128xf32>
    %dot_general3A_2612 = arith.constant dense<0.000000e+00> : vector<128x128xf32>
    %dot_general3A_2613 = tpu.matmul %broadcast_in_dim3A_2588, %slice3A_2611, %dot_general3A_2612 {dimension_numbers = #tpu.dot_dimension_numbers<[1], [1], [0], [0], [0, 0, 1, 0], [], []>, transpose_lhs_hint = false} : vector<128x128xf32>, vector<128x128xf32>, vector<128x128xf32> -> vector<128x128xf32>
    %slice3A_2614 = vector.extract_strided_slice %dot_general3A_2582 {offsets = [896, 0], sizes = [128, 128], strides = [1, 1]} : vector<2048x128xf32> to vector<128x128xf32>
    %dot_general3A_2615 = arith.constant dense<0.000000e+00> : vector<128x128xf32>
    %dot_general3A_2616 = tpu.matmul %broadcast_in_dim3A_2588, %slice3A_2614, %dot_general3A_2615 {dimension_numbers = #tpu.dot_dimension_numbers<[1], [1], [0], [0], [0, 0, 1, 0], [], []>, transpose_lhs_hint = false} : vector<128x128xf32>, vector<128x128xf32>, vector<128x128xf32> -> vector<128x128xf32>
    %slice3A_2617 = vector.extract_strided_slice %dot_general3A_2582 {offsets = [1024, 0], sizes = [128, 128], strides = [1, 1]} : vector<2048x128xf32> to vector<128x128xf32>
    %dot_general3A_2618 = arith.constant dense<0.000000e+00> : vector<128x128xf32>
    %dot_general3A_2619 = tpu.matmul %broadcast_in_dim3A_2588, %slice3A_2617, %dot_general3A_2618 {dimension_numbers = #tpu.dot_dimension_numbers<[1], [1], [0], [0], [0, 0, 1, 0], [], []>, transpose_lhs_hint = false} : vector<128x128xf32>, vector<128x128xf32>, vector<128x128xf32> -> vector<128x128xf32>
    %slice3A_2620 = vector.extract_strided_slice %dot_general3A_2582 {offsets = [1152, 0], sizes = [128, 128], strides = [1, 1]} : vector<2048x128xf32> to vector<128x128xf32>
    %dot_general3A_2621 = arith.constant dense<0.000000e+00> : vector<128x128xf32>
    %dot_general3A_2622 = tpu.matmul %broadcast_in_dim3A_2588, %slice3A_2620, %dot_general3A_2621 {dimension_numbers = #tpu.dot_dimension_numbers<[1], [1], [0], [0], [0, 0, 1, 0], [], []>, transpose_lhs_hint = false} : vector<128x128xf32>, vector<128x128xf32>, vector<128x128xf32> -> vector<128x128xf32>
    %slice3A_2623 = vector.extract_strided_slice %dot_general3A_2582 {offsets = [1280, 0], sizes = [128, 128], strides = [1, 1]} : vector<2048x128xf32> to vector<128x128xf32>
    %dot_general3A_2624 = arith.constant dense<0.000000e+00> : vector<128x128xf32>
    %dot_general3A_2625 = tpu.matmul %broadcast_in_dim3A_2588, %slice3A_2623, %dot_general3A_2624 {dimension_numbers = #tpu.dot_dimension_numbers<[1], [1], [0], [0], [0, 0, 1, 0], [], []>, transpose_lhs_hint = false} : vector<128x128xf32>, vector<128x128xf32>, vector<128x128xf32> -> vector<128x128xf32>
    %slice3A_2626 = vector.extract_strided_slice %dot_general3A_2582 {offsets = [1408, 0], sizes = [128, 128], strides = [1, 1]} : vector<2048x128xf32> to vector<128x128xf32>
    %dot_general3A_2627 = arith.constant dense<0.000000e+00> : vector<128x128xf32>
    %dot_general3A_2628 = tpu.matmul %broadcast_in_dim3A_2588, %slice3A_2626, %dot_general3A_2627 {dimension_numbers = #tpu.dot_dimension_numbers<[1], [1], [0], [0], [0, 0, 1, 0], [], []>, transpose_lhs_hint = false} : vector<128x128xf32>, vector<128x128xf32>, vector<128x128xf32> -> vector<128x128xf32>
    %slice3A_2629 = vector.extract_strided_slice %dot_general3A_2582 {offsets = [1536, 0], sizes = [128, 128], strides = [1, 1]} : vector<2048x128xf32> to vector<128x128xf32>
    %dot_general3A_2630 = arith.constant dense<0.000000e+00> : vector<128x128xf32>
    %dot_general3A_2631 = tpu.matmul %broadcast_in_dim3A_2588, %slice3A_2629, %dot_general3A_2630 {dimension_numbers = #tpu.dot_dimension_numbers<[1], [1], [0], [0], [0, 0, 1, 0], [], []>, transpose_lhs_hint = false} : vector<128x128xf32>, vector<128x128xf32>, vector<128x128xf32> -> vector<128x128xf32>
    %slice3A_2632 = vector.extract_strided_slice %dot_general3A_2582 {offsets = [1664, 0], sizes = [128, 128], strides = [1, 1]} : vector<2048x128xf32> to vector<128x128xf32>
    %dot_general3A_2633 = arith.constant dense<0.000000e+00> : vector<128x128xf32>
    %dot_general3A_2634 = tpu.matmul %broadcast_in_dim3A_2588, %slice3A_2632, %dot_general3A_2633 {dimension_numbers = #tpu.dot_dimension_numbers<[1], [1], [0], [0], [0, 0, 1, 0], [], []>, transpose_lhs_hint = false} : vector<128x128xf32>, vector<128x128xf32>, vector<128x128xf32> -> vector<128x128xf32>
    %slice3A_2635 = vector.extract_strided_slice %dot_general3A_2582 {offsets = [1792, 0], sizes = [128, 128], strides = [1, 1]} : vector<2048x128xf32> to vector<128x128xf32>
    %dot_general3A_2636 = arith.constant dense<0.000000e+00> : vector<128x128xf32>
    %dot_general3A_2637 = tpu.matmul %broadcast_in_dim3A_2588, %slice3A_2635, %dot_general3A_2636 {dimension_numbers = #tpu.dot_dimension_numbers<[1], [1], [0], [0], [0, 0, 1, 0], [], []>, transpose_lhs_hint = false} : vector<128x128xf32>, vector<128x128xf32>, vector<128x128xf32> -> vector<128x128xf32>
    %slice3A_2638 = vector.extract_strided_slice %dot_general3A_2582 {offsets = [1920, 0], sizes = [128, 128], strides = [1, 1]} : vector<2048x128xf32> to vector<128x128xf32>
    %dot_general3A_2639 = arith.constant dense<0.000000e+00> : vector<128x128xf32>
    %dot_general3A_2640 = tpu.matmul %broadcast_in_dim3A_2588, %slice3A_2638, %dot_general3A_2639 {dimension_numbers = #tpu.dot_dimension_numbers<[1], [1], [0], [0], [0, 0, 1, 0], [], []>, transpose_lhs_hint = false} : vector<128x128xf32>, vector<128x128xf32>, vector<128x128xf32> -> vector<128x128xf32>
    %concatenate3A_2641 = tpu.concatenate %dot_general3A_2595, %dot_general3A_2598, %dot_general3A_2601, %dot_general3A_2604, %dot_general3A_2607, %dot_general3A_2610, %dot_general3A_2613, %dot_general3A_2616, %dot_general3A_2619, %dot_general3A_2622, %dot_general3A_2625, %dot_general3A_2628, %dot_general3A_2631, %dot_general3A_2634, %dot_general3A_2637, %dot_general3A_2640 in 0 : vector<128x128xf32>, vector<128x128xf32>, vector<128x128xf32>, vector<128x128xf32>, vector<128x128xf32>, vector<128x128xf32>, vector<128x128xf32>, vector<128x128xf32>, vector<128x128xf32>, vector<128x128xf32>, vector<128x128xf32>, vector<128x128xf32>, vector<128x128xf32>, vector<128x128xf32>, vector<128x128xf32>, vector<128x128xf32> -> vector<2048x128xf32>
    %dot_general3A_2642 = arith.constant dense<0.000000e+00> : vector<2048x128xf32>
    %dot_general3A_2643 = tpu.matmul %dot_general3A_2582, %broadcast_in_dim3A_2592, %dot_general3A_2642 {dimension_numbers = #tpu.dot_dimension_numbers<[1], [1], [0], [0], [0, 0, 1, 0], [], []>, transpose_lhs_hint = false} : vector<2048x128xf32>, vector<128x128xf32>, vector<2048x128xf32> -> vector<2048x128xf32>
    %add3A_2644 = arith.addf %concatenate3A_2641, %dot_general3A_2643 : vector<2048x128xf32>
    %gt3A_2645 = arith.constant 0.000000e+00 : f32
    %gt3A_2646 = vector.broadcast %gt3A_2645 : f32 to vector<2048x128xf32>
    %gt3A_2647 = arith.cmpf ogt, %add3A_2644, %gt3A_2646 : vector<2048x128xf32>
    %mul3A_2648 = arith.constant 2.000000e-01 : f32
    %mul3A_2649 = vector.broadcast %mul3A_2648 : f32 to vector<2048x128xf32>
    %mul3A_2650 = arith.mulf %mul3A_2649, %add3A_2644 : vector<2048x128xf32>
    %select_n3A_2651 = arith.select %gt3A_2647, %add3A_2644, %mul3A_2650 : vector<2048x128xi1>, vector<2048x128xf32>
    %min3A_2652 = arith.constant 6.000000e+01 : f32
    %min3A_2653 = vector.broadcast %min3A_2652 : f32 to vector<2048x128xf32>
    %min3A_2654 = arith.minimumf %select_n3A_2651, %min3A_2653 : vector<2048x128xf32>
    %exp3A_2655 = math.exp %min3A_2654 : vector<2048x128xf32>
    %mul3A_2656 = arith.mulf %mul3A_1927, %exp3A_2655 : vector<2048x128xf32>
    %dot_general3A_2657 = arith.constant dense<0.000000e+00> : vector<2048x128xf32>
    %dot_general3A_2658 = tpu.matmul %mul3A_2656, %broadcast_in_dim3A_2584, %dot_general3A_2657 {dimension_numbers = #tpu.dot_dimension_numbers<[1], [0], [0], [1], [0, 0, 1, 1], [], []>, transpose_lhs_hint = false} : vector<2048x128xf32>, vector<128x128xf32>, vector<2048x128xf32> -> vector<2048x128xf32>
    %add3A_2659 = arith.constant 1.000000e-16 : f32
    %add3A_2660 = vector.broadcast %add3A_2659 : f32 to vector<2048x128xf32>
    %add3A_2661 = arith.addf %dot_general3A_2658, %add3A_2660 : vector<2048x128xf32>
    %div3A_2662 = arith.constant 1.000000e+00 : f32
    %div3A_2663 = vector.broadcast %div3A_2662 : f32 to vector<2048x128xf32>
    %div3A_2664 = arith.divf %div3A_2663, %add3A_2661 : vector<2048x128xf32>
    %mul3A_2665 = arith.mulf %mul3A_2656, %div3A_2664 : vector<2048x128xf32>
    %slice3A_2666 = vector.extract_strided_slice %mul3A_2665 {offsets = [0, 0], sizes = [128, 128], strides = [1, 1]} : vector<2048x128xf32> to vector<128x128xf32>
    %slice3A_2667 = vector.extract_strided_slice %dot_general3A_2582 {offsets = [0, 0], sizes = [128, 128], strides = [1, 1]} : vector<2048x128xf32> to vector<128x128xf32>
    %dot_general3A_2668 = arith.constant dense<0.000000e+00> : vector<128x128xf32>
    %dot_general3A_2669 = tpu.matmul %slice3A_2666, %slice3A_2667, %dot_general3A_2668 {dimension_numbers = #tpu.dot_dimension_numbers<[1], [0], [0], [1], [0, 0, 1, 1], [], []>, transpose_lhs_hint = false} : vector<128x128xf32>, vector<128x128xf32>, vector<128x128xf32> -> vector<128x128xf32>
    %slice3A_2670 = vector.extract_strided_slice %mul3A_2665 {offsets = [128, 0], sizes = [128, 128], strides = [1, 1]} : vector<2048x128xf32> to vector<128x128xf32>
    %slice3A_2671 = vector.extract_strided_slice %dot_general3A_2582 {offsets = [128, 0], sizes = [128, 128], strides = [1, 1]} : vector<2048x128xf32> to vector<128x128xf32>
    %dot_general3A_2672 = arith.constant dense<0.000000e+00> : vector<128x128xf32>
    %dot_general3A_2673 = tpu.matmul %slice3A_2670, %slice3A_2671, %dot_general3A_2672 {dimension_numbers = #tpu.dot_dimension_numbers<[1], [0], [0], [1], [0, 0, 1, 1], [], []>, transpose_lhs_hint = false} : vector<128x128xf32>, vector<128x128xf32>, vector<128x128xf32> -> vector<128x128xf32>
    %slice3A_2674 = vector.extract_strided_slice %mul3A_2665 {offsets = [256, 0], sizes = [128, 128], strides = [1, 1]} : vector<2048x128xf32> to vector<128x128xf32>
    %slice3A_2675 = vector.extract_strided_slice %dot_general3A_2582 {offsets = [256, 0], sizes = [128, 128], strides = [1, 1]} : vector<2048x128xf32> to vector<128x128xf32>
    %dot_general3A_2676 = arith.constant dense<0.000000e+00> : vector<128x128xf32>
    %dot_general3A_2677 = tpu.matmul %slice3A_2674, %slice3A_2675, %dot_general3A_2676 {dimension_numbers = #tpu.dot_dimension_numbers<[1], [0], [0], [1], [0, 0, 1, 1], [], []>, transpose_lhs_hint = false} : vector<128x128xf32>, vector<128x128xf32>, vector<128x128xf32> -> vector<128x128xf32>
    %slice3A_2678 = vector.extract_strided_slice %mul3A_2665 {offsets = [384, 0], sizes = [128, 128], strides = [1, 1]} : vector<2048x128xf32> to vector<128x128xf32>
    %slice3A_2679 = vector.extract_strided_slice %dot_general3A_2582 {offsets = [384, 0], sizes = [128, 128], strides = [1, 1]} : vector<2048x128xf32> to vector<128x128xf32>
    %dot_general3A_2680 = arith.constant dense<0.000000e+00> : vector<128x128xf32>
    %dot_general3A_2681 = tpu.matmul %slice3A_2678, %slice3A_2679, %dot_general3A_2680 {dimension_numbers = #tpu.dot_dimension_numbers<[1], [0], [0], [1], [0, 0, 1, 1], [], []>, transpose_lhs_hint = false} : vector<128x128xf32>, vector<128x128xf32>, vector<128x128xf32> -> vector<128x128xf32>
    %slice3A_2682 = vector.extract_strided_slice %mul3A_2665 {offsets = [512, 0], sizes = [128, 128], strides = [1, 1]} : vector<2048x128xf32> to vector<128x128xf32>
    %slice3A_2683 = vector.extract_strided_slice %dot_general3A_2582 {offsets = [512, 0], sizes = [128, 128], strides = [1, 1]} : vector<2048x128xf32> to vector<128x128xf32>
    %dot_general3A_2684 = arith.constant dense<0.000000e+00> : vector<128x128xf32>
    %dot_general3A_2685 = tpu.matmul %slice3A_2682, %slice3A_2683, %dot_general3A_2684 {dimension_numbers = #tpu.dot_dimension_numbers<[1], [0], [0], [1], [0, 0, 1, 1], [], []>, transpose_lhs_hint = false} : vector<128x128xf32>, vector<128x128xf32>, vector<128x128xf32> -> vector<128x128xf32>
    %slice3A_2686 = vector.extract_strided_slice %mul3A_2665 {offsets = [640, 0], sizes = [128, 128], strides = [1, 1]} : vector<2048x128xf32> to vector<128x128xf32>
    %slice3A_2687 = vector.extract_strided_slice %dot_general3A_2582 {offsets = [640, 0], sizes = [128, 128], strides = [1, 1]} : vector<2048x128xf32> to vector<128x128xf32>
    %dot_general3A_2688 = arith.constant dense<0.000000e+00> : vector<128x128xf32>
    %dot_general3A_2689 = tpu.matmul %slice3A_2686, %slice3A_2687, %dot_general3A_2688 {dimension_numbers = #tpu.dot_dimension_numbers<[1], [0], [0], [1], [0, 0, 1, 1], [], []>, transpose_lhs_hint = false} : vector<128x128xf32>, vector<128x128xf32>, vector<128x128xf32> -> vector<128x128xf32>
    %slice3A_2690 = vector.extract_strided_slice %mul3A_2665 {offsets = [768, 0], sizes = [128, 128], strides = [1, 1]} : vector<2048x128xf32> to vector<128x128xf32>
    %slice3A_2691 = vector.extract_strided_slice %dot_general3A_2582 {offsets = [768, 0], sizes = [128, 128], strides = [1, 1]} : vector<2048x128xf32> to vector<128x128xf32>
    %dot_general3A_2692 = arith.constant dense<0.000000e+00> : vector<128x128xf32>
    %dot_general3A_2693 = tpu.matmul %slice3A_2690, %slice3A_2691, %dot_general3A_2692 {dimension_numbers = #tpu.dot_dimension_numbers<[1], [0], [0], [1], [0, 0, 1, 1], [], []>, transpose_lhs_hint = false} : vector<128x128xf32>, vector<128x128xf32>, vector<128x128xf32> -> vector<128x128xf32>
    %slice3A_2694 = vector.extract_strided_slice %mul3A_2665 {offsets = [896, 0], sizes = [128, 128], strides = [1, 1]} : vector<2048x128xf32> to vector<128x128xf32>
    %slice3A_2695 = vector.extract_strided_slice %dot_general3A_2582 {offsets = [896, 0], sizes = [128, 128], strides = [1, 1]} : vector<2048x128xf32> to vector<128x128xf32>
    %dot_general3A_2696 = arith.constant dense<0.000000e+00> : vector<128x128xf32>
    %dot_general3A_2697 = tpu.matmul %slice3A_2694, %slice3A_2695, %dot_general3A_2696 {dimension_numbers = #tpu.dot_dimension_numbers<[1], [0], [0], [1], [0, 0, 1, 1], [], []>, transpose_lhs_hint = false} : vector<128x128xf32>, vector<128x128xf32>, vector<128x128xf32> -> vector<128x128xf32>
    %slice3A_2698 = vector.extract_strided_slice %mul3A_2665 {offsets = [1024, 0], sizes = [128, 128], strides = [1, 1]} : vector<2048x128xf32> to vector<128x128xf32>
    %slice3A_2699 = vector.extract_strided_slice %dot_general3A_2582 {offsets = [1024, 0], sizes = [128, 128], strides = [1, 1]} : vector<2048x128xf32> to vector<128x128xf32>
    %dot_general3A_2700 = arith.constant dense<0.000000e+00> : vector<128x128xf32>
    %dot_general3A_2701 = tpu.matmul %slice3A_2698, %slice3A_2699, %dot_general3A_2700 {dimension_numbers = #tpu.dot_dimension_numbers<[1], [0], [0], [1], [0, 0, 1, 1], [], []>, transpose_lhs_hint = false} : vector<128x128xf32>, vector<128x128xf32>, vector<128x128xf32> -> vector<128x128xf32>
    %slice3A_2702 = vector.extract_strided_slice %mul3A_2665 {offsets = [1152, 0], sizes = [128, 128], strides = [1, 1]} : vector<2048x128xf32> to vector<128x128xf32>
    %slice3A_2703 = vector.extract_strided_slice %dot_general3A_2582 {offsets = [1152, 0], sizes = [128, 128], strides = [1, 1]} : vector<2048x128xf32> to vector<128x128xf32>
    %dot_general3A_2704 = arith.constant dense<0.000000e+00> : vector<128x128xf32>
    %dot_general3A_2705 = tpu.matmul %slice3A_2702, %slice3A_2703, %dot_general3A_2704 {dimension_numbers = #tpu.dot_dimension_numbers<[1], [0], [0], [1], [0, 0, 1, 1], [], []>, transpose_lhs_hint = false} : vector<128x128xf32>, vector<128x128xf32>, vector<128x128xf32> -> vector<128x128xf32>
    %slice3A_2706 = vector.extract_strided_slice %mul3A_2665 {offsets = [1280, 0], sizes = [128, 128], strides = [1, 1]} : vector<2048x128xf32> to vector<128x128xf32>
    %slice3A_2707 = vector.extract_strided_slice %dot_general3A_2582 {offsets = [1280, 0], sizes = [128, 128], strides = [1, 1]} : vector<2048x128xf32> to vector<128x128xf32>
    %dot_general3A_2708 = arith.constant dense<0.000000e+00> : vector<128x128xf32>
    %dot_general3A_2709 = tpu.matmul %slice3A_2706, %slice3A_2707, %dot_general3A_2708 {dimension_numbers = #tpu.dot_dimension_numbers<[1], [0], [0], [1], [0, 0, 1, 1], [], []>, transpose_lhs_hint = false} : vector<128x128xf32>, vector<128x128xf32>, vector<128x128xf32> -> vector<128x128xf32>
    %slice3A_2710 = vector.extract_strided_slice %mul3A_2665 {offsets = [1408, 0], sizes = [128, 128], strides = [1, 1]} : vector<2048x128xf32> to vector<128x128xf32>
    %slice3A_2711 = vector.extract_strided_slice %dot_general3A_2582 {offsets = [1408, 0], sizes = [128, 128], strides = [1, 1]} : vector<2048x128xf32> to vector<128x128xf32>
    %dot_general3A_2712 = arith.constant dense<0.000000e+00> : vector<128x128xf32>
    %dot_general3A_2713 = tpu.matmul %slice3A_2710, %slice3A_2711, %dot_general3A_2712 {dimension_numbers = #tpu.dot_dimension_numbers<[1], [0], [0], [1], [0, 0, 1, 1], [], []>, transpose_lhs_hint = false} : vector<128x128xf32>, vector<128x128xf32>, vector<128x128xf32> -> vector<128x128xf32>
    %slice3A_2714 = vector.extract_strided_slice %mul3A_2665 {offsets = [1536, 0], sizes = [128, 128], strides = [1, 1]} : vector<2048x128xf32> to vector<128x128xf32>
    %slice3A_2715 = vector.extract_strided_slice %dot_general3A_2582 {offsets = [1536, 0], sizes = [128, 128], strides = [1, 1]} : vector<2048x128xf32> to vector<128x128xf32>
    %dot_general3A_2716 = arith.constant dense<0.000000e+00> : vector<128x128xf32>
    %dot_general3A_2717 = tpu.matmul %slice3A_2714, %slice3A_2715, %dot_general3A_2716 {dimension_numbers = #tpu.dot_dimension_numbers<[1], [0], [0], [1], [0, 0, 1, 1], [], []>, transpose_lhs_hint = false} : vector<128x128xf32>, vector<128x128xf32>, vector<128x128xf32> -> vector<128x128xf32>
    %slice3A_2718 = vector.extract_strided_slice %mul3A_2665 {offsets = [1664, 0], sizes = [128, 128], strides = [1, 1]} : vector<2048x128xf32> to vector<128x128xf32>
    %slice3A_2719 = vector.extract_strided_slice %dot_general3A_2582 {offsets = [1664, 0], sizes = [128, 128], strides = [1, 1]} : vector<2048x128xf32> to vector<128x128xf32>
    %dot_general3A_2720 = arith.constant dense<0.000000e+00> : vector<128x128xf32>
    %dot_general3A_2721 = tpu.matmul %slice3A_2718, %slice3A_2719, %dot_general3A_2720 {dimension_numbers = #tpu.dot_dimension_numbers<[1], [0], [0], [1], [0, 0, 1, 1], [], []>, transpose_lhs_hint = false} : vector<128x128xf32>, vector<128x128xf32>, vector<128x128xf32> -> vector<128x128xf32>
    %slice3A_2722 = vector.extract_strided_slice %mul3A_2665 {offsets = [1792, 0], sizes = [128, 128], strides = [1, 1]} : vector<2048x128xf32> to vector<128x128xf32>
    %slice3A_2723 = vector.extract_strided_slice %dot_general3A_2582 {offsets = [1792, 0], sizes = [128, 128], strides = [1, 1]} : vector<2048x128xf32> to vector<128x128xf32>
    %dot_general3A_2724 = arith.constant dense<0.000000e+00> : vector<128x128xf32>
    %dot_general3A_2725 = tpu.matmul %slice3A_2722, %slice3A_2723, %dot_general3A_2724 {dimension_numbers = #tpu.dot_dimension_numbers<[1], [0], [0], [1], [0, 0, 1, 1], [], []>, transpose_lhs_hint = false} : vector<128x128xf32>, vector<128x128xf32>, vector<128x128xf32> -> vector<128x128xf32>
    %slice3A_2726 = vector.extract_strided_slice %mul3A_2665 {offsets = [1920, 0], sizes = [128, 128], strides = [1, 1]} : vector<2048x128xf32> to vector<128x128xf32>
    %slice3A_2727 = vector.extract_strided_slice %dot_general3A_2582 {offsets = [1920, 0], sizes = [128, 128], strides = [1, 1]} : vector<2048x128xf32> to vector<128x128xf32>
    %dot_general3A_2728 = arith.constant dense<0.000000e+00> : vector<128x128xf32>
    %dot_general3A_2729 = tpu.matmul %slice3A_2726, %slice3A_2727, %dot_general3A_2728 {dimension_numbers = #tpu.dot_dimension_numbers<[1], [0], [0], [1], [0, 0, 1, 1], [], []>, transpose_lhs_hint = false} : vector<128x128xf32>, vector<128x128xf32>, vector<128x128xf32> -> vector<128x128xf32>
    %concatenate3A_2730 = tpu.concatenate %dot_general3A_2669, %dot_general3A_2673, %dot_general3A_2677, %dot_general3A_2681, %dot_general3A_2685, %dot_general3A_2689, %dot_general3A_2693, %dot_general3A_2697, %dot_general3A_2701, %dot_general3A_2705, %dot_general3A_2709, %dot_general3A_2713, %dot_general3A_2717, %dot_general3A_2721, %dot_general3A_2725, %dot_general3A_2729 in 0 : vector<128x128xf32>, vector<128x128xf32>, vector<128x128xf32>, vector<128x128xf32>, vector<128x128xf32>, vector<128x128xf32>, vector<128x128xf32>, vector<128x128xf32>, vector<128x128xf32>, vector<128x128xf32>, vector<128x128xf32>, vector<128x128xf32>, vector<128x128xf32>, vector<128x128xf32>, vector<128x128xf32>, vector<128x128xf32> -> vector<2048x128xf32>
    %broadcast_in_dim3A_2731 = vector.shape_cast %get3A_2580 : vector<128xf32> to vector<1x128xf32>
    %add3A_2732 = vector.broadcast %broadcast_in_dim3A_2731 : vector<1x128xf32> to vector<2048x128xf32>
    %add3A_2733 = arith.addf %concatenate3A_2730, %add3A_2732 : vector<2048x128xf32>
    %reshape3A_2734 = vector.shape_cast %add3A_2733 : vector<2048x128xf32> to vector<128x16x128xf32>
    %reduce_sum3A_2735 = arith.constant dense<0.000000e+00> : vector<128x128xf32>
    %reduce_sum3A_2736 = vector.multi_reduction <add>, %reshape3A_2734, %reduce_sum3A_2735 [1] : vector<128x16x128xf32> to vector<128x128xf32>
    %div3A_2737 = arith.constant 1.600000e+01 : f32
    %div3A_2738 = vector.broadcast %div3A_2737 : f32 to vector<128x128xf32>
    %div3A_2739 = arith.divf %reduce_sum3A_2736, %div3A_2738 : vector<128x128xf32>
    %concatenate3A_2740 = tpu.concatenate %div3A_911, %div3A_1825, %div3A_2739 in 1 : vector<128x128xf32>, vector<128x128xf32>, vector<128x128xf32> -> vector<128x384xf32>
    %get3A_2741 = arith.constant 0 : index
    %get3A_2742 = arith.constant 0 : index
    %get3A_2743 = vector.load %arg17[%get3A_2741, %get3A_2742] : memref<1x384xf32, #tpu.memory_space<vmem>>, vector<1x384xf32>
    %get3A_2744 = arith.constant 0 : index
    %get3A_2745 = arith.constant 0 : index
    %get3A_2746 = vector.load %arg18[%get3A_2744, %get3A_2745] : memref<1x384xf32, #tpu.memory_space<vmem>>, vector<1x384xf32>
    %reduce_sum3A_2747 = arith.constant dense<0.000000e+00> : vector<128xf32>
    %reduce_sum3A_2748 = vector.multi_reduction <add>, %concatenate3A_2740, %reduce_sum3A_2747 [1] : vector<128x384xf32> to vector<128xf32>
    %broadcast_in_dim3A_2749 = vector.shape_cast %reduce_sum3A_2748 : vector<128xf32> to vector<128x1xf32>
    %div3A_2750 = arith.constant 3.840000e+02 : f32
    %div3A_2751 = vector.broadcast %div3A_2750 : f32 to vector<128x1xf32>
    %div3A_2752 = arith.divf %broadcast_in_dim3A_2749, %div3A_2751 : vector<128x1xf32>
    %sub3A_2753 = vector.broadcast %div3A_2752 : vector<128x1xf32> to vector<128x384xf32>
    %sub3A_2754 = arith.subf %concatenate3A_2740, %sub3A_2753 : vector<128x384xf32>
    %integer_pow3A_2755 = arith.mulf %sub3A_2754, %sub3A_2754 : vector<128x384xf32>
    %reduce_sum3A_2756 = arith.constant dense<0.000000e+00> : vector<128xf32>
    %reduce_sum3A_2757 = vector.multi_reduction <add>, %integer_pow3A_2755, %reduce_sum3A_2756 [1] : vector<128x384xf32> to vector<128xf32>
    %broadcast_in_dim3A_2758 = vector.shape_cast %reduce_sum3A_2757 : vector<128xf32> to vector<128x1xf32>
    %div3A_2759 = arith.constant 3.840000e+02 : f32
    %div3A_2760 = vector.broadcast %div3A_2759 : f32 to vector<128x1xf32>
    %div3A_2761 = arith.divf %broadcast_in_dim3A_2758, %div3A_2760 : vector<128x1xf32>
    %sub3A_2762 = vector.broadcast %div3A_2752 : vector<128x1xf32> to vector<128x384xf32>
    %sub3A_2763 = arith.subf %concatenate3A_2740, %sub3A_2762 : vector<128x384xf32>
    %add3A_2764 = arith.constant 9.99999974E-6 : f32
    %add3A_2765 = vector.broadcast %add3A_2764 : f32 to vector<128x1xf32>
    %add3A_2766 = arith.addf %div3A_2761, %add3A_2765 : vector<128x1xf32>
    %sqrt3A_2767 = math.sqrt %add3A_2766 : vector<128x1xf32>
    %div3A_2768 = vector.broadcast %sqrt3A_2767 : vector<128x1xf32> to vector<128x384xf32>
    %div3A_2769 = arith.divf %sub3A_2763, %div3A_2768 : vector<128x384xf32>
    %mul3A_2770 = vector.broadcast %get3A_2743 : vector<1x384xf32> to vector<128x384xf32>
    %mul3A_2771 = arith.mulf %div3A_2769, %mul3A_2770 : vector<128x384xf32>
    %add3A_2772 = vector.broadcast %get3A_2746 : vector<1x384xf32> to vector<128x384xf32>
    %add3A_2773 = arith.addf %mul3A_2771, %add3A_2772 : vector<128x384xf32>
    %get3A_2774 = arith.constant 0 : index
    %get3A_2775 = arith.constant 0 : index
    %get3A_2776 = vector.load %arg19[%get3A_2774, %get3A_2775] : memref<1x64xf32, #tpu.memory_space<vmem>>, vector<1x64xf32>
    %logistic3A_2777 = arith.negf %get3A_2776 : vector<1x64xf32>
    %logistic3A_2778 = math.exp %logistic3A_2777 : vector<1x64xf32>
    %logistic3A_2779 = arith.constant 1.000000e+00 : f32
    %logistic3A_2780 = vector.broadcast %logistic3A_2779 : f32 to vector<1x64xf32>
    %logistic3A_2781 = arith.addf %logistic3A_2780, %logistic3A_2778 : vector<1x64xf32>
    %logistic3A_2782 = arith.divf %logistic3A_2780, %logistic3A_2781 : vector<1x64xf32>
    %get3A_2783 = arith.constant 0 : index
    %get3A_2784 = arith.constant 0 : index
    %get3A_2785 = vector.load %arg3[%get3A_2783, %get3A_2784] : memref<128x64xf32, #tpu.memory_space<vmem>>, vector<128x64xf32>
    %mul3A_2786 = vector.broadcast %logistic3A_2782 : vector<1x64xf32> to vector<128x64xf32>
    %mul3A_2787 = arith.mulf %get3A_2785, %mul3A_2786 : vector<128x64xf32>
    %get3A_2788 = arith.constant 0 : index
    %get3A_2789 = arith.constant 0 : index
    %get3A_2790 = vector.load %arg20[%get3A_2788, %get3A_2789] : memref<1x64xf32, #tpu.memory_space<vmem>>, vector<1x64xf32>
    %get3A_2791 = arith.constant 0 : index
    %get3A_2792 = arith.constant 0 : index
    %get3A_2793 = vector.load %arg21[%get3A_2791, %get3A_2792] : memref<1x64xf32, #tpu.memory_space<vmem>>, vector<1x64xf32>
    %reduce_sum3A_2794 = arith.constant dense<0.000000e+00> : vector<128xf32>
    %reduce_sum3A_2795 = vector.multi_reduction <add>, %mul3A_2787, %reduce_sum3A_2794 [1] : vector<128x64xf32> to vector<128xf32>
    %broadcast_in_dim3A_2796 = vector.shape_cast %reduce_sum3A_2795 : vector<128xf32> to vector<128x1xf32>
    %div3A_2797 = arith.constant 6.400000e+01 : f32
    %div3A_2798 = vector.broadcast %div3A_2797 : f32 to vector<128x1xf32>
    %div3A_2799 = arith.divf %broadcast_in_dim3A_2796, %div3A_2798 : vector<128x1xf32>
    %sub3A_2800 = vector.broadcast %div3A_2799 : vector<128x1xf32> to vector<128x64xf32>
    %sub3A_2801 = arith.subf %mul3A_2787, %sub3A_2800 : vector<128x64xf32>
    %integer_pow3A_2802 = arith.mulf %sub3A_2801, %sub3A_2801 : vector<128x64xf32>
    %reduce_sum3A_2803 = arith.constant dense<0.000000e+00> : vector<128xf32>
    %reduce_sum3A_2804 = vector.multi_reduction <add>, %integer_pow3A_2802, %reduce_sum3A_2803 [1] : vector<128x64xf32> to vector<128xf32>
    %broadcast_in_dim3A_2805 = vector.shape_cast %reduce_sum3A_2804 : vector<128xf32> to vector<128x1xf32>
    %div3A_2806 = arith.constant 6.400000e+01 : f32
    %div3A_2807 = vector.broadcast %div3A_2806 : f32 to vector<128x1xf32>
    %div3A_2808 = arith.divf %broadcast_in_dim3A_2805, %div3A_2807 : vector<128x1xf32>
    %sub3A_2809 = vector.broadcast %div3A_2799 : vector<128x1xf32> to vector<128x64xf32>
    %sub3A_2810 = arith.subf %mul3A_2787, %sub3A_2809 : vector<128x64xf32>
    %add3A_2811 = arith.constant 9.99999974E-6 : f32
    %add3A_2812 = vector.broadcast %add3A_2811 : f32 to vector<128x1xf32>
    %add3A_2813 = arith.addf %div3A_2808, %add3A_2812 : vector<128x1xf32>
    %sqrt3A_2814 = math.sqrt %add3A_2813 : vector<128x1xf32>
    %div3A_2815 = vector.broadcast %sqrt3A_2814 : vector<128x1xf32> to vector<128x64xf32>
    %div3A_2816 = arith.divf %sub3A_2810, %div3A_2815 : vector<128x64xf32>
    %mul3A_2817 = vector.broadcast %get3A_2790 : vector<1x64xf32> to vector<128x64xf32>
    %mul3A_2818 = arith.mulf %div3A_2816, %mul3A_2817 : vector<128x64xf32>
    %add3A_2819 = vector.broadcast %get3A_2793 : vector<1x64xf32> to vector<128x64xf32>
    %add3A_2820 = arith.addf %mul3A_2818, %add3A_2819 : vector<128x64xf32>
    %get3A_2821 = arith.constant 0 : index
    %get3A_2822 = arith.constant 0 : index
    %get3A_2823 = vector.load %arg22[%get3A_2821, %get3A_2822] : memref<64x64xf32, #tpu.memory_space<vmem>>, vector<64x64xf32>
    %dot_general3A_2824 = arith.constant dense<0.000000e+00> : vector<128x64xf32>
    %dot_general3A_2825 = tpu.matmul %add3A_2820, %get3A_2823, %dot_general3A_2824 {dimension_numbers = #tpu.dot_dimension_numbers<[1], [0], [0], [1], [0, 0, 1, 1], [], []>, transpose_lhs_hint = false} : vector<128x64xf32>, vector<64x64xf32>, vector<128x64xf32> -> vector<128x64xf32>
    %get3A_2826 = arith.constant 0 : index
    %get3A_2827 = arith.constant 0 : index
    %get3A_2828 = vector.load %arg23[%get3A_2826, %get3A_2827] : memref<1x64xf32, #tpu.memory_space<vmem>>, vector<1x64xf32>
    %add3A_2829 = vector.broadcast %get3A_2828 : vector<1x64xf32> to vector<128x64xf32>
    %add3A_2830 = arith.addf %dot_general3A_2825, %add3A_2829 : vector<128x64xf32>
    %gt3A_2831 = arith.constant 0.000000e+00 : f32
    %gt3A_2832 = vector.broadcast %gt3A_2831 : f32 to vector<128x64xf32>
    %gt3A_2833 = arith.cmpf ogt, %add3A_2830, %gt3A_2832 : vector<128x64xf32>
    %mul3A_2834 = arith.constant 0.00999999977 : f32
    %mul3A_2835 = vector.broadcast %mul3A_2834 : f32 to vector<128x64xf32>
    %mul3A_2836 = arith.mulf %mul3A_2835, %add3A_2830 : vector<128x64xf32>
    %select_n3A_2837 = arith.select %gt3A_2833, %add3A_2830, %mul3A_2836 : vector<128x64xi1>, vector<128x64xf32>
    %get3A_2838 = arith.constant 0 : index
    %get3A_2839 = arith.constant 0 : index
    %get3A_2840 = vector.load %arg24[%get3A_2838, %get3A_2839] : memref<64x64xf32, #tpu.memory_space<vmem>>, vector<64x64xf32>
    %dot_general3A_2841 = arith.constant dense<0.000000e+00> : vector<128x64xf32>
    %dot_general3A_2842 = tpu.matmul %select_n3A_2837, %get3A_2840, %dot_general3A_2841 {dimension_numbers = #tpu.dot_dimension_numbers<[1], [0], [0], [1], [0, 0, 1, 1], [], []>, transpose_lhs_hint = false} : vector<128x64xf32>, vector<64x64xf32>, vector<128x64xf32> -> vector<128x64xf32>
    %get3A_2843 = arith.constant 0 : index
    %get3A_2844 = arith.constant 0 : index
    %get3A_2845 = vector.load %arg25[%get3A_2843, %get3A_2844] : memref<1x64xf32, #tpu.memory_space<vmem>>, vector<1x64xf32>
    %add3A_2846 = vector.broadcast %get3A_2845 : vector<1x64xf32> to vector<128x64xf32>
    %add3A_2847 = arith.addf %dot_general3A_2842, %add3A_2846 : vector<128x64xf32>
    %get3A_2848 = arith.constant 0 : index
    %get3A_2849 = arith.constant 0 : index
    %get3A_2850 = vector.load %arg26[%get3A_2848, %get3A_2849] : memref<1x64xf32, #tpu.memory_space<vmem>>, vector<1x64xf32>
    %get3A_2851 = arith.constant 0 : index
    %get3A_2852 = arith.constant 0 : index
    %get3A_2853 = vector.load %arg27[%get3A_2851, %get3A_2852] : memref<1x64xf32, #tpu.memory_space<vmem>>, vector<1x64xf32>
    %reduce_sum3A_2854 = arith.constant dense<0.000000e+00> : vector<128xf32>
    %reduce_sum3A_2855 = vector.multi_reduction <add>, %add3A_2847, %reduce_sum3A_2854 [1] : vector<128x64xf32> to vector<128xf32>
    %broadcast_in_dim3A_2856 = vector.shape_cast %reduce_sum3A_2855 : vector<128xf32> to vector<128x1xf32>
    %div3A_2857 = arith.constant 6.400000e+01 : f32
    %div3A_2858 = vector.broadcast %div3A_2857 : f32 to vector<128x1xf32>
    %div3A_2859 = arith.divf %broadcast_in_dim3A_2856, %div3A_2858 : vector<128x1xf32>
    %sub3A_2860 = vector.broadcast %div3A_2859 : vector<128x1xf32> to vector<128x64xf32>
    %sub3A_2861 = arith.subf %add3A_2847, %sub3A_2860 : vector<128x64xf32>
    %integer_pow3A_2862 = arith.mulf %sub3A_2861, %sub3A_2861 : vector<128x64xf32>
    %reduce_sum3A_2863 = arith.constant dense<0.000000e+00> : vector<128xf32>
    %reduce_sum3A_2864 = vector.multi_reduction <add>, %integer_pow3A_2862, %reduce_sum3A_2863 [1] : vector<128x64xf32> to vector<128xf32>
    %broadcast_in_dim3A_2865 = vector.shape_cast %reduce_sum3A_2864 : vector<128xf32> to vector<128x1xf32>
    %div3A_2866 = arith.constant 6.400000e+01 : f32
    %div3A_2867 = vector.broadcast %div3A_2866 : f32 to vector<128x1xf32>
    %div3A_2868 = arith.divf %broadcast_in_dim3A_2865, %div3A_2867 : vector<128x1xf32>
    %sub3A_2869 = vector.broadcast %div3A_2859 : vector<128x1xf32> to vector<128x64xf32>
    %sub3A_2870 = arith.subf %add3A_2847, %sub3A_2869 : vector<128x64xf32>
    %add3A_2871 = arith.constant 9.99999974E-6 : f32
    %add3A_2872 = vector.broadcast %add3A_2871 : f32 to vector<128x1xf32>
    %add3A_2873 = arith.addf %div3A_2868, %add3A_2872 : vector<128x1xf32>
    %sqrt3A_2874 = math.sqrt %add3A_2873 : vector<128x1xf32>
    %div3A_2875 = vector.broadcast %sqrt3A_2874 : vector<128x1xf32> to vector<128x64xf32>
    %div3A_2876 = arith.divf %sub3A_2870, %div3A_2875 : vector<128x64xf32>
    %mul3A_2877 = vector.broadcast %get3A_2850 : vector<1x64xf32> to vector<128x64xf32>
    %mul3A_2878 = arith.mulf %div3A_2876, %mul3A_2877 : vector<128x64xf32>
    %add3A_2879 = vector.broadcast %get3A_2853 : vector<1x64xf32> to vector<128x64xf32>
    %add3A_2880 = arith.addf %mul3A_2878, %add3A_2879 : vector<128x64xf32>
    %concatenate3A_2881 = tpu.concatenate %add3A_2773, %add3A_2880 in 1 : vector<128x384xf32>, vector<128x64xf32> -> vector<128x448xf32>
    %get3A_2882 = arith.constant 0 : index
    %get3A_2883 = arith.constant 0 : index
    %get3A_2884 = vector.load %arg28[%get3A_2882, %get3A_2883] : memref<448x256xf32, #tpu.memory_space<vmem>>, vector<448x256xf32>
    %dot_general3A_2885 = arith.constant dense<0.000000e+00> : vector<128x256xf32>
    %dot_general3A_2886 = tpu.matmul %concatenate3A_2881, %get3A_2884, %dot_general3A_2885 {dimension_numbers = #tpu.dot_dimension_numbers<[1], [0], [0], [1], [0, 0, 1, 1], [], []>, transpose_lhs_hint = false} : vector<128x448xf32>, vector<448x256xf32>, vector<128x256xf32> -> vector<128x256xf32>
    %get3A_2887 = arith.constant 0 : index
    %get3A_2888 = arith.constant 0 : index
    %get3A_2889 = vector.load %arg29[%get3A_2887, %get3A_2888] : memref<1x256xf32, #tpu.memory_space<vmem>>, vector<1x256xf32>
    %add3A_2890 = vector.broadcast %get3A_2889 : vector<1x256xf32> to vector<128x256xf32>
    %add3A_2891 = arith.addf %dot_general3A_2886, %add3A_2890 : vector<128x256xf32>
    %gt3A_2892 = arith.constant 0.000000e+00 : f32
    %gt3A_2893 = vector.broadcast %gt3A_2892 : f32 to vector<128x256xf32>
    %gt3A_2894 = arith.cmpf ogt, %add3A_2891, %gt3A_2893 : vector<128x256xf32>
    %mul3A_2895 = arith.constant 0.00999999977 : f32
    %mul3A_2896 = vector.broadcast %mul3A_2895 : f32 to vector<128x256xf32>
    %mul3A_2897 = arith.mulf %mul3A_2896, %add3A_2891 : vector<128x256xf32>
    %select_n3A_2898 = arith.select %gt3A_2894, %add3A_2891, %mul3A_2897 : vector<128x256xi1>, vector<128x256xf32>
    %get3A_2899 = arith.constant 0 : index
    %get3A_2900 = arith.constant 0 : index
    %get3A_2901 = vector.load %arg30[%get3A_2899, %get3A_2900] : memref<256x16xf32, #tpu.memory_space<vmem>>, vector<256x16xf32>
    %dot_general3A_2902 = arith.constant dense<0.000000e+00> : vector<128x16xf32>
    %dot_general3A_2903 = tpu.matmul %select_n3A_2898, %get3A_2901, %dot_general3A_2902 {dimension_numbers = #tpu.dot_dimension_numbers<[1], [0], [0], [1], [0, 0, 1, 1], [], []>, transpose_lhs_hint = false} : vector<128x256xf32>, vector<256x16xf32>, vector<128x16xf32> -> vector<128x16xf32>
    %get3A_2904 = arith.constant 0 : index
    %get3A_2905 = arith.constant 0 : index
    %get3A_2906 = vector.load %arg31[%get3A_2904, %get3A_2905] : memref<1x16xf32, #tpu.memory_space<vmem>>, vector<1x16xf32>
    %add3A_2907 = vector.broadcast %get3A_2906 : vector<1x16xf32> to vector<128x16xf32>
    %add3A_2908 = arith.addf %dot_general3A_2903, %add3A_2907 : vector<128x16xf32>
    %swap3A = arith.constant 0 : index
    %swap3A_2909 = arith.constant 0 : index
    %swap3A_2910 = vector.load %arg32[%swap3A, %swap3A_2909] : memref<128x16xf32, #tpu.memory_space<vmem>>, vector<128x16xf32>
    tpu.vector_store %arg32[%swap3A, %swap3A_2909], %add3A_2908 {strides = array<i32>} : memref<128x16xf32, #tpu.memory_space<vmem>>, vector<128x16xf32>,
    return
  }
  func.func @transform_0(%arg0: i32) -> (i32, i32, i32) {
    %c0_i32 = arith.constant 0 : i32
    %c0_i32_0 = arith.constant 0 : i32
    %c0_i32_1 = arith.constant 0 : i32
    return %c0_i32, %arg0, %c0_i32_0 : i32, i32, i32
  }
  func.func @transform_1(%arg0: i32) -> (i32, i32, i32) {
    %c0_i32 = arith.constant 0 : i32
    %c0_i32_0 = arith.constant 0 : i32
    %c0_i32_1 = arith.constant 0 : i32
    %c0_i32_2 = arith.constant 0 : i32
    return %c0_i32, %c0_i32_0, %c0_i32_1 : i32, i32, i32
  }
  func.func @transform_2(%arg0: i32) -> (i32, i32) {
    %c0_i32 = arith.constant 0 : i32
    %c0_i32_0 = arith.constant 0 : i32
    return %arg0, %c0_i32 : i32, i32
  }
  func.func @transform_3(%arg0: i32) -> (i32, i32, i32) {
    %c0_i32 = arith.constant 0 : i32
    %c0_i32_0 = arith.constant 0 : i32
    %c0_i32_1 = arith.constant 0 : i32
    %c0_i32_2 = arith.constant 0 : i32
    return %c0_i32, %c0_i32_0, %c0_i32_1 : i32, i32, i32
  }
  func.func @transform_4(%arg0: i32) -> (i32, i32) {
    %c0_i32 = arith.constant 0 : i32
    %c0_i32_0 = arith.constant 0 : i32
    %c0_i32_1 = arith.constant 0 : i32
    return %c0_i32, %c0_i32_0 : i32, i32
  }
  func.func @transform_5(%arg0: i32) -> (i32, i32) {
    %c0_i32 = arith.constant 0 : i32
    %c0_i32_0 = arith.constant 0 : i32
    %c0_i32_1 = arith.constant 0 : i32
    return %c0_i32, %c0_i32_0 : i32, i32
  }
  func.func @transform_6(%arg0: i32) -> (i32, i32) {
    %c0_i32 = arith.constant 0 : i32
    %c0_i32_0 = arith.constant 0 : i32
    %c0_i32_1 = arith.constant 0 : i32
    return %c0_i32, %c0_i32_0 : i32, i32
  }
  func.func @transform_7(%arg0: i32) -> (i32, i32, i32) {
    %c0_i32 = arith.constant 0 : i32
    %c0_i32_0 = arith.constant 0 : i32
    %c0_i32_1 = arith.constant 0 : i32
    %c0_i32_2 = arith.constant 0 : i32
    return %c0_i32, %c0_i32_0, %c0_i32_1 : i32, i32, i32
  }
  func.func @transform_8(%arg0: i32) -> (i32, i32, i32) {
    %c0_i32 = arith.constant 0 : i32
    %c0_i32_0 = arith.constant 0 : i32
    %c0_i32_1 = arith.constant 0 : i32
    %c0_i32_2 = arith.constant 0 : i32
    return %c0_i32, %c0_i32_0, %c0_i32_1 : i32, i32, i32
  }
  func.func @transform_9(%arg0: i32) -> (i32, i32, i32) {
    %c0_i32 = arith.constant 0 : i32
    %c0_i32_0 = arith.constant 0 : i32
    %c0_i32_1 = arith.constant 0 : i32
    %c0_i32_2 = arith.constant 0 : i32
    return %c0_i32, %c0_i32_0, %c0_i32_1 : i32, i32, i32
  }
  func.func @transform_10(%arg0: i32) -> (i32, i32, i32) {
    %c0_i32 = arith.constant 0 : i32
    %c0_i32_0 = arith.constant 0 : i32
    %c0_i32_1 = arith.constant 0 : i32
    %c0_i32_2 = arith.constant 0 : i32
    return %c0_i32, %c0_i32_0, %c0_i32_1 : i32, i32, i32
  }
  func.func @transform_11(%arg0: i32) -> (i32, i32) {
    %c0_i32 = arith.constant 0 : i32
    %c0_i32_0 = arith.constant 0 : i32
    %c0_i32_1 = arith.constant 0 : i32
    return %c0_i32, %c0_i32_0 : i32, i32
  }
  func.func @transform_12(%arg0: i32) -> (i32, i32, i32) {
    %c0_i32 = arith.constant 0 : i32
    %c0_i32_0 = arith.constant 0 : i32
    %c0_i32_1 = arith.constant 0 : i32
    %c0_i32_2 = arith.constant 0 : i32
    return %c0_i32, %c0_i32_0, %c0_i32_1 : i32, i32, i32
  }
  func.func @transform_13(%arg0: i32) -> (i32, i32, i32) {
    %c0_i32 = arith.constant 0 : i32
    %c0_i32_0 = arith.constant 0 : i32
    %c0_i32_1 = arith.constant 0 : i32
    %c0_i32_2 = arith.constant 0 : i32
    return %c0_i32, %c0_i32_0, %c0_i32_1 : i32, i32, i32
  }
  func.func @transform_14(%arg0: i32) -> (i32, i32, i32) {
    %c0_i32 = arith.constant 0 : i32
    %c0_i32_0 = arith.constant 0 : i32
    %c0_i32_1 = arith.constant 0 : i32
    %c0_i32_2 = arith.constant 0 : i32
    return %c0_i32, %c0_i32_0, %c0_i32_1 : i32, i32, i32
  }
  func.func @transform_15(%arg0: i32) -> (i32, i32) {
    %c0_i32 = arith.constant 0 : i32
    %c0_i32_0 = arith.constant 0 : i32
    %c0_i32_1 = arith.constant 0 : i32
    return %c0_i32, %c0_i32_0 : i32, i32
  }
  func.func @transform_16(%arg0: i32) -> (i32, i32) {
    %c0_i32 = arith.constant 0 : i32
    %c0_i32_0 = arith.constant 0 : i32
    %c0_i32_1 = arith.constant 0 : i32
    return %c0_i32, %c0_i32_0 : i32, i32
  }
  func.func @transform_17(%arg0: i32) -> (i32, i32) {
    %c0_i32 = arith.constant 0 : i32
    %c0_i32_0 = arith.constant 0 : i32
    %c0_i32_1 = arith.constant 0 : i32
    return %c0_i32, %c0_i32_0 : i32, i32
  }
  func.func @transform_18(%arg0: i32) -> (i32, i32) {
    %c0_i32 = arith.constant 0 : i32
    %c0_i32_0 = arith.constant 0 : i32
    %c0_i32_1 = arith.constant 0 : i32
    return %c0_i32, %c0_i32_0 : i32, i32
  }
  func.func @transform_19(%arg0: i32) -> (i32, i32) {
    %c0_i32 = arith.constant 0 : i32
    %c0_i32_0 = arith.constant 0 : i32
    %c0_i32_1 = arith.constant 0 : i32
    return %c0_i32, %c0_i32_0 : i32, i32
  }
  func.func @transform_20(%arg0: i32) -> (i32, i32) {
    %c0_i32 = arith.constant 0 : i32
    %c0_i32_0 = arith.constant 0 : i32
    %c0_i32_1 = arith.constant 0 : i32
    return %c0_i32, %c0_i32_0 : i32, i32
  }
  func.func @transform_21(%arg0: i32) -> (i32, i32) {
    %c0_i32 = arith.constant 0 : i32
    %c0_i32_0 = arith.constant 0 : i32
    %c0_i32_1 = arith.constant 0 : i32
    return %c0_i32, %c0_i32_0 : i32, i32
  }
  func.func @transform_22(%arg0: i32) -> (i32, i32) {
    %c0_i32 = arith.constant 0 : i32
    %c0_i32_0 = arith.constant 0 : i32
    %c0_i32_1 = arith.constant 0 : i32
    return %c0_i32, %c0_i32_0 : i32, i32
  }
  func.func @transform_23(%arg0: i32) -> (i32, i32) {
    %c0_i32 = arith.constant 0 : i32
    %c0_i32_0 = arith.constant 0 : i32
    %c0_i32_1 = arith.constant 0 : i32
    return %c0_i32, %c0_i32_0 : i32, i32
  }
  func.func @transform_24(%arg0: i32) -> (i32, i32) {
    %c0_i32 = arith.constant 0 : i32
    %c0_i32_0 = arith.constant 0 : i32
    %c0_i32_1 = arith.constant 0 : i32
    return %c0_i32, %c0_i32_0 : i32, i32
  }
  func.func @transform_25(%arg0: i32) -> (i32, i32) {
    %c0_i32 = arith.constant 0 : i32
    %c0_i32_0 = arith.constant 0 : i32
    %c0_i32_1 = arith.constant 0 : i32
    return %c0_i32, %c0_i32_0 : i32, i32
  }
  func.func @transform_26(%arg0: i32) -> (i32, i32) {
    %c0_i32 = arith.constant 0 : i32
    %c0_i32_0 = arith.constant 0 : i32
    %c0_i32_1 = arith.constant 0 : i32
    return %c0_i32, %c0_i32_0 : i32, i32
  }
  func.func @transform_27(%arg0: i32) -> (i32, i32) {
    %c0_i32 = arith.constant 0 : i32
    %c0_i32_0 = arith.constant 0 : i32
    %c0_i32_1 = arith.constant 0 : i32
    return %c0_i32, %c0_i32_0 : i32, i32
  }
  func.func @transform_28(%arg0: i32) -> (i32, i32) {
    %c0_i32 = arith.constant 0 : i32
    %c0_i32_0 = arith.constant 0 : i32
    %c0_i32_1 = arith.constant 0 : i32
    return %c0_i32, %c0_i32_0 : i32, i32
  }
  func.func @transform_29(%arg0: i32) -> (i32, i32) {
    %c0_i32 = arith.constant 0 : i32
    %c0_i32_0 = arith.constant 0 : i32
    %c0_i32_1 = arith.constant 0 : i32
    return %c0_i32, %c0_i32_0 : i32, i32
  }
  func.func @transform_30(%arg0: i32) -> (i32, i32) {
    %c0_i32 = arith.constant 0 : i32
    %c0_i32_0 = arith.constant 0 : i32
    %c0_i32_1 = arith.constant 0 : i32
    return %c0_i32, %c0_i32_0 : i32, i32
  }
  func.func @transform_31(%arg0: i32) -> (i32, i32) {
    %c0_i32 = arith.constant 0 : i32
    %c0_i32_0 = arith.constant 0 : i32
    return %arg0, %c0_i32 : i32, i32
  }
}

</mosaic_0001>

<sc_bundles>
// kernel: kernel.4.cloned.1.call-start
scs
__scs_entry_jumppad:
0x0: {  	(pc) =	sbr.rel $0x88, $3  }
0x1: {  	(tag) =	ssettag $0x0;
	lr =	simm.s32 $0x1  }
0x2: {  	[smem:$0x3F81] =	sst lr;
	_ =	strace $0xD0000000  }
0x3: {  	_ = 	snop  }
0x4: {  	_ = 	snop  }
0x5: {  	_ = 	snop  }
0x6: {  	_ = 	snop  }
0x7: {  	_ = 	snop  }
__scs_overlays_trampoline_lowered:
0x8: {  	[smem:$0x3F90] =	sst s0  }
0x9: {  	[smem:$0x3F91] =	sst s1  }
0xa: {  	[smem:$0x3F92] =	sst s2  }
0xb: {  	[smem:$0x3F93] =	sst s3  }
0xc: {  	[smem:$0x3F94] =	sst s4  }
0xd: {  	[smem:$0x3F95] =	sst s5  }
0xe: {  	[smem:$0x3F96] =	sst s6  }
0xf: {  	[smem:$0x3F97] =	sst s7  }
0x10: {  	[smem:$0x3F98] =	sst s8  }
0x11: {  	[smem:$0x3F99] =	sst s9;
	s0 =	simm.s32 @!p0 $0x0  }
0x12: {  	s1 =	sld [smem:$0x3F7F];
	s0 =	simm.s32 @p0 $0x1  }
0x13: {  	[smem:$0x3F9A] =	sst s0;
	s0 =	simm.s32 @!p1 $0x0  }
0x14: {  	s2 =	sld [smem:$0x3F7E];
	s0 =	simm.s32 @p1 $0x1  }
0x15: {  	[smem:$0x3F9B] =	sst s0;
	s0 =	simm.s32 @!p2 $0x0  }
0x16: {  	s3 =	sld [smem:$0x3FDB];
	s0 =	simm.s32 @p2 $0x1  }
0x17: {  	s4 =	simm.s32 $0x1BF5;
	[smem:$0x3F9D] =	sst s0  }
0x18: {  	s0 =	sld [smem:$0x3F80];
	_ =	swait.ge [sflag:s4], $0x0  }
0x19: {  	s7 =	sld [smem:$0x3F81]  }
0x1a: {  	s8 =	sadd.s32 $0xFFFFE003, lr  }
0x1b: {  	s9 =	sadd.s32 $0xFFFFFEF7, lr;
	s5 =	simm.s32 $0xFFFFFFFF;
	p2 =	slt.u32 s8, $0xFFFFF086  }
0x1c: {  	p1 =	slt.u32 s9, $0xF7A;
	s5 =	simm.s32 @!p2 $0x0  }
0x1d: {  	s5 =	simm.s32 @p1 $0x1;
	p0 =	seq.s32 s7, s2  }
0x1e: {  	s7 =	smul.u32 @!p0 $0xF7A, s2;
	p2 =	seq.s32 @!p0 s5, $0x0  }
0x1f: {  	s9 =	smul.u32 $0xF7A, s1;
	s8 =	simm.s32 @!p0 $0x1BF5;
	p2 =	por !p2, p0  }
0x20: {  	[sflag:s8] =	ssyncset.s32 @!p0 $0xFFFFF086;
	s6 =	sadd.s32 @!p0 s3, s7;
	s7 =	simm.s32 @!p0 $0x108  }
0x21: {  	s3 =	sadd.s32 s3, s9;
	s6 =	sadd.s32 @!p0 $0x88, s6;
	s7 =	simm.s32 @p2 $0x1082  }
0x22: {  	[simem:s7], [sflag:s8] =	dma.local @!p0 [hbm:s6], $0xF7A  }
0x23: {  	s9 =	sor.u32 $0xD0000000, s2;
	s6 =	simm.s32 $0x108;
	_ =	swait.ge @!p0 [sflag:s8], $0x0  }
0x24: {  	s3 =	sadd.s32 $0x88, s3;
	s6 =	simm.s32 @!p1 $0x1082;
	[sflag:s4] =	ssyncset.s32 $0xFFFFF086  }
0x25: {  	[simem:s6], [sflag:s4] =	dma.local [hbm:s3], $0xF7A  }
0x26: {  	[smem:$0x3F81] =	sst s1;
	(tag) =	ssettag s2;
	_ =	strace s9  }
0x27: {  	s1 =	sld [smem:$0x3F91]  }
0x28: {  	s2 =	sld [smem:$0x3F92]  }
0x29: {  	s4 =	sld [smem:$0x3F94]  }
0x2a: {  	p0 =	seq.s32 s5, $0x0;
	s5 =	sld [smem:$0x3F95]  }
0x2b: {  	s6 =	sld [smem:$0x3F96]  }
0x2c: {  	s7 =	sld [smem:$0x3F97]  }
0x2d: {  	s3 =	simm.s32 $0x108;
	s8 =	sld [smem:$0x3F98]  }
0x2e: {  	s3 =	simm.s32 @!p0 $0x1082;
	s9 =	sld [smem:$0x3F99]  }
0x2f: {  	lr =	sadd.s32 s0, s3;
	s0 =	sld [smem:$0x3F90]  }
0x30: {  	s3 =	sld [smem:$0x3F93]  }
0x31: {  	[smem:$0x3F9C] =	sst s10  }
0x32: {  	s10 =	sld [smem:$0x3F9A];
	_ =	sdelay $0x3  }
0x33: {  	p0 =	seq.s32 s10, $0x1;
	s10 =	sld [smem:$0x3F9C];
	_ =	sdelay $0x3  }
0x34: {  	[smem:$0x3F9C] =	sst s10  }
0x35: {  	s10 =	sld [smem:$0x3F9B];
	_ =	sdelay $0x3  }
0x36: {  	p1 =	seq.s32 s10, $0x1;
	s10 =	sld [smem:$0x3F9C];
	_ =	sdelay $0x3  }
0x37: {  	[smem:$0x3F9C] =	sst s10  }
0x38: {  	s10 =	sld [smem:$0x3F9D]  }
0x39: {  	_ = 	snop;
	(pc) =	sbr.ind lr, $3  }
0x3a: {  	_ = 	snop  }
0x3b: {  	_ = 	snop  }
0x3c: {  	p2 =	seq.s32 s10, $0x1;
	s10 =	sld [smem:$0x3F9C]  }
0x3d: {  	_ =	shalt  }
0x3e: {  	_ =	shalt  }
0x3f: {  	_ =	shalt  }
0x40: {  	_ =	shalt  }
0x41: {  	_ =	shalt  }
0x42: {  	_ =	shalt  }
0x43: {  	_ =	shalt  }
0x44: {  	_ =	shalt  }
0x45: {  	_ =	shalt  }
0x46: {  	_ =	shalt  }
0x47: {  	_ =	shalt  }
0x48: {  	_ =	shalt  }
0x49: {  	_ =	shalt  }
0x4a: {  	_ =	shalt  }
0x4b: {  	_ =	shalt  }
0x4c: {  	_ =	shalt  }
0x4d: {  	_ =	shalt  }
0x4e: {  	_ =	shalt  }
0x4f: {  	_ =	shalt  }
0x50: {  	_ =	shalt  }
0x51: {  	_ =	shalt  }
0x52: {  	_ =	shalt  }
0x53: {  	_ =	shalt  }
0x54: {  	_ =	shalt  }
0x55: {  	_ =	shalt  }
0x56: {  	_ =	shalt  }
0x57: {  	_ =	shalt  }
0x58: {  	_ =	shalt  }
0x59: {  	_ =	shalt  }
0x5a: {  	_ =	shalt  }
0x5b: {  	_ =	shalt  }
0x5c: {  	_ =	shalt  }
0x5d: {  	_ =	shalt  }
0x5e: {  	_ =	shalt  }
0x5f: {  	_ =	shalt  }
0x60: {  	_ =	shalt  }
0x61: {  	_ =	shalt  }
0x62: {  	_ =	shalt  }
0x63: {  	_ =	shalt  }
0x64: {  	_ =	shalt  }
0x65: {  	_ =	shalt  }
0x66: {  	_ =	shalt  }
0x67: {  	_ =	shalt  }
0x68: {  	_ =	shalt  }
0x69: {  	_ =	shalt  }
0x6a: {  	_ =	shalt  }
0x6b: {  	_ =	shalt  }
0x6c: {  	_ =	shalt  }
0x6d: {  	_ =	shalt  }
0x6e: {  	_ =	shalt  }
0x6f: {  	_ =	shalt  }
0x70: {  	_ =	shalt  }
0x71: {  	_ =	shalt  }
0x72: {  	_ =	shalt  }
0x73: {  	_ =	shalt  }
0x74: {  	_ =	shalt  }
0x75: {  	_ =	shalt  }
0x76: {  	_ =	shalt  }
0x77: {  	_ =	shalt  }
0x78: {  	_ =	shalt  }
0x79: {  	_ =	shalt  }
0x7a: {  	_ =	shalt  }
0x7b: {  	_ =	shalt  }
0x7c: {  	_ =	shalt  }
0x7d: {  	_ =	shalt  }
0x7e: {  	_ =	shalt  }
0x7f: {  	_ =	shalt  }
0x80: {  	_ =	shalt  }
0x81: {  	_ =	shalt  }
0x82: {  	_ =	shalt  }
0x83: {  	_ =	shalt  }
0x84: {  	_ =	shalt  }
0x85: {  	_ =	shalt  }
0x86: {  	_ =	shalt  }
0x87: {  	_ =	shalt  }
.Lfunc_end0:
.L_simem_size_0:
called_computation_lowered:
.L_overlay_start_0:
0x88: {  	s2 =	sld [smem:$0x3FD9]  }
0x89: {  	s3 =	sld [smem:$0x3FFE];
	_ =	sdelay $0x1  }
0x8a: {  	s1 =	srdreg.scid  }
0x8b: {  	s0 =	sand.u32 $0x1, s1  }
0x8c: {  	s16 =	sshll.u32 s0, $0xA;
	s2 =	sadd.s32 s3, s2  }
0x8d: {  	s2 =	sadd.s32 s2, s16  }
0x8e: {  	[smem:$0x3FA8] =	sst s2  }
0x8f: {  	_ = 	snop  }
0x90: {  	(tm) =	ssettm $0x1  }
0x91: {  	s17 =	sld [smem:$0x3FFB];
	_ =	sdelay $0x3  }
0x92: {  	_ =	strace s17  }
0x93: {  	s2 =	sld [smem:$0x3FFC];
	_ =	sdelay $0x3  }
0x94: {  	_ =	strace s2  }
0x95: {  	s2 =	sld [smem:$0x3FFD];
	_ =	sdelay $0x3  }
0x96: {  	_ =	strace s2  }
0x97: {  	_ =	strace $0x8FFFFFFF  }
0x98: {  	s18 =	sld [smem:$0x3FDB];
	_ =	sdelay $0x1  }
0x99: {  	s19 =	simm.s32 $_scs_section_size  }
0x9a: {  	s4 =	simm.s32 $_size__tile_overlayer_lowered;
	s5 =	simm.s32 $_tile_overlayer_lowered  }
0x9b: {  	s22 =	simm.s32 $0x1BFF;
	s21 =	sshll.u32 s5, $0x1;
	s2 =	sadd.s32 s19, s18  }
0x9c: {  	s6 =	simm.s32 $0x0;
	s20 =	sshll.u32 s4, $0x1;
	s4 =	sadd.s32 s21, s2  }
0x9d: {  	[timem:s6], [sflag:s22] =	dma.local [hbm:s4], s20  }
0x9e: {  	_ =	swait.ge [sflag:s22], s20  }
0x9f: {  	s3 =	ssub.s32 $0x0, s20;
	[sflag:s22] =	ssyncset.done $0x0  }
0xa0: {  	[sflag:s22] =	ssyncadd.s32 s3;
	_ =	sdelay $0x1  }
0xa1: {  	s23 =	simm.s32 $0x1B8B  }
0xa2: {  	_ =	swait.ge [sflag:s23], $0x1  }
0xa3: {  	[sflag:s23] =	ssyncset.done $0x0  }
0xa4: {  	s25 =	simm.s32 $0x1B8E;
	s24 =	sld [smem:$0x3FFE];
	[sflag:s23] =	ssyncadd.s32 $0xFFFFFFFF  }
0xa5: {  	s26 =	simm.s32 $execute0_lowered;
	[smem:$0x3FD2] =	sst s25  }
0xa6: {  	s4 =	sshll.u32 s26, $0x1;
	_ =	strace $0x80000046;
	[dreg:$0x1] =	wrdreg $0xFFFFFFFF  }
0xa7: {  	s28 =	simm.s32 $_size_execute0_lowered;
	s2 =	sadd.s32 s2, s4;
	[dreg:$0x0] =	wrdreg $0x0  }
0xa8: {  	s4 =	sshll.u32 s28, $0x1;
	[dreg:$0x2] =	wrdreg s2  }
0xa9: {  	[dreg:$0x3] =	wrdreg s4  }
0xaa: {  	[dreg:$0x4] =	wrdreg $0xC0  }
0xab: {  	_ =	task [dreg:s6], $0x5FFFF  }
0xac: {  	[dreg:$0x1] =	wrdreg $0xFFFFFFFF  }
0xad: {  	[dreg:$0x0] =	wrdreg $0x60  }
0xae: {  	[dreg:$0x2] =	wrdreg s24  }
0xaf: {  	[dreg:$0x3] =	wrdreg $0x9  }
0xb0: {  	_ =	task.clear_ibuf [dreg:s6], $0x4FFFF;
	_ =	strace $0x90000046  }
0xb1: {  	s29 =	simm.s32 $0x9;
	_ =	strace $0x80000048  }
0xb2: {  	_ =	swait.ge [sflag:s29], $0x1  }
0xb3: {  	[sflag:s29] =	ssyncadd.s32 $0xFFFFFFFF  }
0xb4: {  	_ =	strace $0x90000048  }
0xb5: {  	_ =	sfence  }
0xb6: {  	s30 =	sld [smem:$0x0];
	_ =	sdelay $0x2  }
0xb7: {  	s31 =	sshll.u32 s1, $0xD;
	s1 =	sshrl.u32 s1, $0x2  }
0xb8: {  	s3 =	sand.u32 $0x4000, s31;
	s1 =	sadd.s32 s1, s30  }
0xb9: {  	s0 =	sor.u32 s3, s0;
	s1 =	sshll.u32 s1, $0x11  }
0xba: {  	s0 =	sor.u32 s1, s0  }
0xbb: {  	s0 =	sadd.s32 $0x8F2B, s0  }
0xbc: {  	[sflag:s0] =	ssyncadd.remote.s32 $0x1  }
0xbd: {  	_ =	sfence.sel $0xFFFF  }
0xbe: {  	[dreg:$0x0] =	wrdreg $0xFFFFFFFF;
	(pc) =	sbr.abs _section_cstart, $3  }
0xbf: {  	[dreg:$0x1] =	wrdreg $0xFFFFFFFF  }
0xc0: {  	_ =	task.clear_ibuf [dreg:s6], $0x2FFFF;
	_ =	strace $0x9FFFFFFF  }
0xc1: {  	(tm) =	ssettm $0x7FFFFFFF  }
tec
execute0_lowered:
.L_overlay_start_1:
0x0: {  	(tag) =	ssettag $0x1  }
0x1: {  	s1 =	srdreg.scid  }
0x2: {  	s0 =	stileid.u32;
	s4 =	rddreg [dreg:$0x0];
	s2 =	simm.s32 $0x0  }
0x3: {  	s9 =	simm.s32 $0x1800;
	s10 =	simm.s32 $0x5800;
	s11 =	simm.s32 $0x9800  }
0x4: {  	s12 =	simm.s32 $0x1;
	s13 =	simm.s32 $0xD800;
	s14 =	simm.s32 $0x11800  }
0x5: {  	s15 =	simm.s32 $0x15800;
	s16 =	simm.s32 $0x2;
	s17 =	simm.s32 $0x3  }
0x6: {  	s18 =	simm.s32 $0x4;
	s19 =	simm.s32 $0x0;
	s3 =	sand.u32 $0x1, s1  }
0x7: {  	s30 =	sshll.u32 s0, $0x1;
	s1 =	rddreg [dreg:$0x1];
	s6 =	smul.u32 $0x30000, s0  }
0x8: {  	[smem:$0x7FF] =	sst s2;
	s5 =	sor.u32 s3, s30;
	s8 =	smul.u32 $0x18000, s3  }
0x9: {  	_ =	strace $0x80000047;
	s7 =	ssub.s32 $0x2, s3;
	s5 =	smul.u32 $0x1800, s5  }
0xa: {  	s3 =	sadd.s32 $0xA200, s4;
	s6 =	sadd.s32 s6, s4;
	s31 =	sshrl.u32 s7, $0x1  }
0xb: {  	s7 =	ssub.s32 s7, s31;
	s6 =	sadd.s32 s8, s6;
	s5 =	sshrl.u32 s5, $0x3  }
0xc: {  	s8 =	simm.s32 $0x80;
	s6 =	sadd.s32 $0x17600, s6;
	s5 =	sadd.s32 s5, s4  }
0xd: {  	s4 =	sadd.s32 $0x4200, s5;
	s5 =	smax.u32 s7, $0x1;
	s7 =	simm.s32 $0x5  }
.LBB2_1:
0xe: {  	[tilespmem:s2], [sflag:$0x5] =	stream.linear.gather [hbm4b:s4+s2], $0x1800, $0x38;
	[tilespmem:$0x19800] =	vst v63  }
0xf: {  	_ =	swait.ge [sflag:s7], $0x1800  }
0x10: {  	[sflag:s7] =	ssyncset.done $0x0  }
0x11: {  	s20 =	simm.s32 $0x0;
	[sflag:s7] =	ssyncadd.s32 $0xFFFFE800  }
0x12: {  	[tilespmem:s9], [sflag:$0x1] =	stream.indirect.gather [hbm4b:s3+s8], $0x80, s20, s8, $0xb8;
	[tilespmem:$0x19800] =	vst v63  }
0x13: {  	s25 =	simm.s32 $0x80  }
0x14: {  	[tilespmem:s10], [sflag:$0x1] =	stream.indirect.gather [hbm4b:s3+s8], $0x80, s25, s8, $0xb8;
	[tilespmem:$0x19800] =	vst v63  }
0x15: {  	s26 =	simm.s32 $0x100  }
0x16: {  	[tilespmem:s11], [sflag:$0x1] =	stream.indirect.gather [hbm4b:s3+s8], $0x80, s26, s8, $0xb8;
	[tilespmem:$0x19800] =	vst v63  }
0x17: {  	_ =	swait.ge [sflag:s12], $0x4000  }
0x18: {  	[sflag:s12] =	ssyncset.done $0x0  }
0x19: {  	[sflag:s12] =	ssyncadd.s32 $0xFFFFC000  }
0x1a: {  	_ =	swait.ge [sflag:s12], $0x4000  }
0x1b: {  	[sflag:s12] =	ssyncset.done $0x0  }
0x1c: {  	[sflag:s12] =	ssyncadd.s32 $0xFFFFC000  }
0x1d: {  	_ =	swait.ge [sflag:s12], $0x4000  }
0x1e: {  	[sflag:s12] =	ssyncset.done $0x0  }
0x1f: {  	s28 =	sadd.s32 $0xFFFFE800, s6;
	[sflag:s12] =	ssyncadd.s32 $0xFFFFC000  }
0x20: {  	[hbm4b:s28+s2] =	stream.linear.scatter [tilespmem:s9], [sflag:$0x3], $0xC000, $0x38;
	[tilespmem:$0x19800] =	vst v63  }
0x21: {  	s29 =	simm.s32 $0x180  }
0x22: {  	[tilespmem:s13], [sflag:$0x2] =	stream.indirect.gather [hbm4b:s3+s8], $0x80, s29, s8, $0xb8;
	[tilespmem:$0x19800] =	vst v63  }
0x23: {  	s30 =	simm.s32 $0x200  }
0x24: {  	[tilespmem:s14], [sflag:$0x2] =	stream.indirect.gather [hbm4b:s3+s8], $0x80, s30, s8, $0xb8;
	[tilespmem:$0x19800] =	vst v63  }
0x25: {  	s31 =	simm.s32 $0x280  }
0x26: {  	[tilespmem:s15], [sflag:$0x2] =	stream.indirect.gather [hbm4b:s3+s8], $0x80, s31, s8, $0xb8;
	[tilespmem:$0x19800] =	vst v63  }
0x27: {  	_ =	swait.ge [sflag:s16], $0x4000  }
0x28: {  	[sflag:s16] =	ssyncset.done $0x0  }
0x29: {  	[sflag:s16] =	ssyncadd.s32 $0xFFFFC000  }
0x2a: {  	_ =	swait.ge [sflag:s16], $0x4000  }
0x2b: {  	[sflag:s16] =	ssyncset.done $0x0  }
0x2c: {  	[sflag:s16] =	ssyncadd.s32 $0xFFFFC000  }
0x2d: {  	_ =	swait.ge [sflag:s16], $0x4000  }
0x2e: {  	[sflag:s16] =	ssyncset.done $0x0  }
0x2f: {  	[sflag:s16] =	ssyncadd.s32 $0xFFFFC000  }
0x30: {  	[hbm4b:s6+s2] =	stream.linear.scatter [tilespmem:s13], [sflag:$0x4], $0xC000, $0x38;
	[tilespmem:$0x19800] =	vst v63  }
0x31: {  	_ =	swait.ge [sflag:s17], $0xC000  }
0x32: {  	[sflag:s17] =	ssyncset.done $0x0  }
0x33: {  	[sflag:s17] =	ssyncadd.s32 $0xFFFF4000  }
0x34: {  	s21 =	simm.s32 $0xC00;
	_ =	swait.ge [sflag:s18], $0xC000  }
0x35: {  	s23 =	simm.s32 $0x1800;
	s20 =	sadd.s32 $0x3000, s6;
	[sflag:s18] =	ssyncset.done $0x0  }
.LBB2_2:
0x36: {  	s24 =	sshra.s32 s21, $0x2  }
0x37: {  	[sflag:s18] =	ssyncadd.s32 $0xFFFF4000;
	s21 =	smov.u32 s23;
	s22 =	sadd.s32 $0xC00, s23  }
0x38: {  	[tilespmem:s9], [sflag:$0x1] =	stream.indirect.gather [hbm4b:s3+s8], $0x80, s24, s8, $0xb8;
	[tilespmem:$0x19800] =	vst v63  }
0x39: {  	p0 =	sne.s32 s23, $0x5400;
	s23 =	sadd.s32 $0x80, s24  }
0x3a: {  	[tilespmem:s10], [sflag:$0x1] =	stream.indirect.gather [hbm4b:s3+s8], $0x80, s23, s8, $0xb8;
	[tilespmem:$0x19800] =	vst v63  }
0x3b: {  	s23 =	sadd.s32 $0x100, s24  }
0x3c: {  	[tilespmem:s11], [sflag:$0x1] =	stream.indirect.gather [hbm4b:s3+s8], $0x80, s23, s8, $0xb8;
	[tilespmem:$0x19800] =	vst v63  }
0x3d: {  	_ =	swait.ge [sflag:s12], $0x4000  }
0x3e: {  	[sflag:s12] =	ssyncset.done $0x0  }
0x3f: {  	[sflag:s12] =	ssyncadd.s32 $0xFFFFC000  }
0x40: {  	_ =	swait.ge [sflag:s12], $0x4000  }
0x41: {  	[sflag:s12] =	ssyncset.done $0x0  }
0x42: {  	[sflag:s12] =	ssyncadd.s32 $0xFFFFC000  }
0x43: {  	_ =	swait.ge [sflag:s12], $0x4000  }
0x44: {  	[sflag:s12] =	ssyncset.done $0x0  }
0x45: {  	s23 =	sadd.s32 $0xFFFFE800, s20;
	[sflag:s12] =	ssyncadd.s32 $0xFFFFC000  }
0x46: {  	[hbm4b:s23+s2] =	stream.linear.scatter [tilespmem:s9], [sflag:$0x3], $0xC000, $0x38;
	[tilespmem:$0x19800] =	vst v63  }
0x47: {  	s23 =	sadd.s32 $0x180, s24  }
0x48: {  	[tilespmem:s13], [sflag:$0x2] =	stream.indirect.gather [hbm4b:s3+s8], $0x80, s23, s8, $0xb8;
	[tilespmem:$0x19800] =	vst v63  }
0x49: {  	s23 =	sadd.s32 $0x200, s24  }
0x4a: {  	[tilespmem:s14], [sflag:$0x2] =	stream.indirect.gather [hbm4b:s3+s8], $0x80, s23, s8, $0xb8;
	[tilespmem:$0x19800] =	vst v63  }
0x4b: {  	s23 =	sadd.s32 $0x280, s24  }
0x4c: {  	[tilespmem:s15], [sflag:$0x2] =	stream.indirect.gather [hbm4b:s3+s8], $0x80, s23, s8, $0xb8;
	[tilespmem:$0x19800] =	vst v63  }
0x4d: {  	_ =	swait.ge [sflag:s16], $0x4000  }
0x4e: {  	[sflag:s16] =	ssyncset.done $0x0  }
0x4f: {  	[sflag:s16] =	ssyncadd.s32 $0xFFFFC000  }
0x50: {  	_ =	swait.ge [sflag:s16], $0x4000  }
0x51: {  	[sflag:s16] =	ssyncset.done $0x0  }
0x52: {  	[sflag:s16] =	ssyncadd.s32 $0xFFFFC000  }
0x53: {  	_ =	swait.ge [sflag:s16], $0x4000  }
0x54: {  	[sflag:s16] =	ssyncset.done $0x0  }
0x55: {  	[sflag:s16] =	ssyncadd.s32 $0xFFFFC000  }
0x56: {  	[hbm4b:s20+s2] =	stream.linear.scatter [tilespmem:s13], [sflag:$0x4], $0xC000, $0x38;
	[tilespmem:$0x19800] =	vst v63  }
.Ltmp0:
0x57: {  	_ =	swait.ge [sflag:s17], $0xC000;
	(pc) =	sbr.rel @p0 .LBB2_2-.Ltmp0, $4  }
0x58: {  	[sflag:s17] =	ssyncset.done $0x0  }
0x59: {  	[sflag:s17] =	ssyncadd.s32 $0xFFFF4000  }
0x5a: {  	_ =	swait.ge [sflag:s18], $0xC000  }
0x5b: {  	s23 =	smov.u32 s22;
	s20 =	sadd.s32 $0x3000, s20;
	[sflag:s18] =	ssyncset.done $0x0  }
0x5c: {  	s21 =	sshra.s32 s21, $0x2;
	[sflag:s18] =	ssyncadd.s32 $0xFFFF4000  }
0x5d: {  	[tilespmem:s9], [sflag:$0x1] =	stream.indirect.gather [hbm4b:s3+s8], $0x80, s21, s8, $0xb8;
	[tilespmem:$0x19800] =	vst v63  }
0x5e: {  	s22 =	sadd.s32 $0x80, s21  }
0x5f: {  	[tilespmem:s10], [sflag:$0x1] =	stream.indirect.gather [hbm4b:s3+s8], $0x80, s22, s8, $0xb8;
	[tilespmem:$0x19800] =	vst v63  }
0x60: {  	s28 =	sadd.s32 $0x100, s21  }
0x61: {  	[tilespmem:s11], [sflag:$0x1] =	stream.indirect.gather [hbm4b:s3+s8], $0x80, s28, s8, $0xb8;
	[tilespmem:$0x19800] =	vst v63  }
0x62: {  	_ =	swait.ge [sflag:s12], $0x4000  }
0x63: {  	[sflag:s12] =	ssyncset.done $0x0  }
0x64: {  	[sflag:s12] =	ssyncadd.s32 $0xFFFFC000  }
0x65: {  	_ =	swait.ge [sflag:s12], $0x4000  }
0x66: {  	[sflag:s12] =	ssyncset.done $0x0  }
0x67: {  	[sflag:s12] =	ssyncadd.s32 $0xFFFFC000  }
0x68: {  	_ =	swait.ge [sflag:s12], $0x4000  }
0x69: {  	[sflag:s12] =	ssyncset.done $0x0  }
0x6a: {  	s29 =	sadd.s32 $0xFFFFE800, s20;
	[sflag:s12] =	ssyncadd.s32 $0xFFFFC000  }
0x6b: {  	[hbm4b:s29+s2] =	stream.linear.scatter [tilespmem:s9], [sflag:$0x3], $0xC000, $0x38;
	[tilespmem:$0x19800] =	vst v63  }
0x6c: {  	s30 =	sadd.s32 $0x180, s21  }
0x6d: {  	[tilespmem:s13], [sflag:$0x2] =	stream.indirect.gather [hbm4b:s3+s8], $0x80, s30, s8, $0xb8;
	[tilespmem:$0x19800] =	vst v63  }
0x6e: {  	s31 =	sadd.s32 $0x200, s21  }
0x6f: {  	[tilespmem:s14], [sflag:$0x2] =	stream.indirect.gather [hbm4b:s3+s8], $0x80, s31, s8, $0xb8;
	[tilespmem:$0x19800] =	vst v63  }
0x70: {  	s21 =	sadd.s32 $0x280, s21  }
0x71: {  	[tilespmem:s15], [sflag:$0x2] =	stream.indirect.gather [hbm4b:s3+s8], $0x80, s21, s8, $0xb8;
	[tilespmem:$0x19800] =	vst v63  }
0x72: {  	_ =	swait.ge [sflag:s16], $0x4000  }
0x73: {  	[sflag:s16] =	ssyncset.done $0x0  }
0x74: {  	[sflag:s16] =	ssyncadd.s32 $0xFFFFC000  }
0x75: {  	_ =	swait.ge [sflag:s16], $0x4000  }
0x76: {  	[sflag:s16] =	ssyncset.done $0x0  }
0x77: {  	[sflag:s16] =	ssyncadd.s32 $0xFFFFC000  }
0x78: {  	_ =	swait.ge [sflag:s16], $0x4000  }
0x79: {  	[sflag:s16] =	ssyncset.done $0x0  }
0x7a: {  	s19 =	sadd.s32 $0x1, s19;
	[sflag:s16] =	ssyncadd.s32 $0xFFFFC000  }
0x7b: {  	[hbm4b:s20+s2] =	stream.linear.scatter [tilespmem:s13], [sflag:$0x4], $0xC000, $0x38;
	[tilespmem:$0x19800] =	vst v63  }
0x7c: {  	p0 =	sne.s32 s19, s5;
	_ =	swait.ge [sflag:s17], $0xC000  }
.Ltmp1:
0x7d: {  	[sflag:s17] =	ssyncset.done $0x0;
	(pc) =	sbr.rel @p0 .LBB2_1-.Ltmp1, $4  }
0x7e: {  	[sflag:s17] =	ssyncadd.s32 $0xFFFF4000  }
0x7f: {  	_ =	swait.ge [sflag:s18], $0xC000  }
0x80: {  	[sflag:s18] =	ssyncset.done $0x0  }
0x81: {  	[sflag:s18] =	ssyncadd.s32 $0xFFFF4000  }
0x82: {  	_ =	sfence.sel $0x180000  }
0x83: {  	[bflag:$0x0] =	sbarrier.arrive $0xFFFF  }
0x84: {  	p0 =	sne.s32 s0, $0x0;
	_ =	strace $0x90000047  }
0x85: {  	s0 =	sadd.s32 @!p0 $0x100000, s1;
	[bflag:$0x2] =	sbarrier.arrive $0xFFFF  }
0x86: {  	[sflag:s0] =	ssyncadd.tile.s32 @!p0 $0x1;
	_ =	shalt  }
.Lfunc_end2:
_tile_overlayer_lowered:
.L_overlay_start_2:
0x87: {  	(tag) =	ssettag $0x2  }
0x88: {  	s0 =	rddreg [dreg:$0x0];
	s2 =	stileid.u32  }
0x89: {  	s1 =	rddreg [dreg:$0x1];
	p0 =	sne.s32 s2, $0x0  }
0x8a: {  	s3 =	rddreg [dreg:$0x2];
	[bflag:$0x3] =	sbarrier.arrive $0xFFFF;
	s2 =	simm.s32 @!p0 $0x1C05  }
0x8b: {  	[timem:s3], [sflag:s2] =	dma.local @!p0 [hbm:s0], s1  }
0x8c: {  	s0 =	simm.s32 @!p0 $0x5  }
0x8d: {  	_ =	swait.ge @!p0 [sflag:s0], s1  }
0x8e: {  	s1 =	ssub.s32 @!p0 $0x0, s1;
	[sflag:s0] =	ssyncset.done @!p0 $0x0  }
0x8f: {  	[sflag:s0] =	ssyncadd.s32 @!p0 s1  }
0x90: {  	[bflag:$0x3] =	sbarrier.arrive $0xFFFF  }
0x91: {  	_ =	shalt  }

</sc_bundles>
